<compile_context>
chip_gen: v7x
topology: tpu7x:2x2x1
jax: 0.10.2.dev20260603
libtpu: 0.0.44.dev20260713+nightly
codegen_flags: <defaults>
</compile_context>

<pallas_src>
import jax
import jax.numpy as jnp
from jax import lax
from jax.experimental import pallas as pl
from jax.experimental.pallas import tpu as pltpu
from jax.experimental.pallas import tpu_sc as plsc

EPS = 1e-5
P = 64
NS_OUT = 128
NC, NSUB = 2, 16
NW = NC * NSUB
CH = 128


def _sampler_call(Lf, Wf):
    R = Lf.shape[0] // P
    rpw = R // NW
    nch = rpw // CH

    mesh = plsc.VectorSubcoreMesh(
        core_axis_name="c", subcore_axis_name="s",
        num_cores=NC, num_subcores=NSUB)

    def body(len_hbm, w_hbm, out_hbm, LbA, WbA, ObA, LbB, WbB, ObB,
             cdfb, midsb, histb, isemA, isemB, osemA, osemB):
        wid = lax.axis_index("s") * NC + lax.axis_index("c")
        base = wid * rpw

        iota = lax.iota(jnp.int32, 16)
        iof = iota.astype(jnp.float32)
        u = [iof * (1.0 / 63.0) + (16.0 * c / 63.0) for c in range(4)]
        ones_i = jnp.ones((16,), jnp.int32)
        zeros_i = jnp.zeros((16,), jnp.int32)
        ones_f = jnp.ones((16,), jnp.float32)
        full62 = jnp.full((16,), 62, jnp.int32)
        full63 = jnp.full((16,), 63, jnp.int32)
        mask3 = iota < 15

        def make_ray_body(Lb, Wb, Ob):
          def ray_body(r):
            rb = r * P
            rbv = jnp.full((16,), rb, jnp.int32)
            l = [Lb[pl.ds(rb + 16 * c, 16)] for c in range(4)]
            lsh = [Lb[pl.ds(rb + 16 * c + 1, 16)] for c in range(3)]
            lsh.append(plsc.load_gather(
                Lb, [rbv + jnp.minimum(iota + 49, 63)]))
            for c in range(4):
                midsb[pl.ds(rb + 16 * c, 16)] = 0.5 * (l[c] + lsh[c])
            cs = []
            for c in range(4):
                w = Wb[pl.ds(rb + 16 * c, 16)] + EPS
                cc = plsc.cumsum(w)
                cdfb[pl.ds(rb + 16 * c, 16)] = cc
                cs.append(cc)
            s0 = plsc.load_gather(cdfb, [rbv])
            g15 = plsc.load_gather(cdfb, [rbv + 15])
            g31 = plsc.load_gather(cdfb, [rbv + 31])
            g47 = plsc.load_gather(cdfb, [rbv + 47])
            g62 = plsc.load_gather(cdfb, [rbv + 62])
            off = [None, g15, g15 + g31, g15 + g31 + g47]
            invv = ones_f / ((off[3] + g62) - s0)
            pos = []
            for c in range(4):
                if c == 0:
                    cdf_c = (cs[c] - s0) * invv
                else:
                    cdf_c = (cs[c] + (off[c] - s0)) * invv
                cdfb[pl.ds(rb + 16 * c, 16)] = cdf_c
                p = cdf_c * 63.0
                ti = p.astype(jnp.int32)
                tf = ti.astype(jnp.float32)
                po = ti + jnp.where(tf < p, ones_i, zeros_i)
                po = jnp.minimum(po, full63)
                pos.append(po)
            for c in range(4):
                histb[pl.ds(rb + 16 * c, 16)] = zeros_i
            for c in range(4):
                plsc.addupdate_scatter(
                    histb, [rbv + pos[c]], ones_i,
                    mask=None if c < 3 else mask3)
            ics = []
            for c in range(4):
                ic = plsc.cumsum(histb[pl.ds(rb + 16 * c, 16)])
                histb[pl.ds(rb + 16 * c, 16)] = ic
                ics.append(ic)
            h15 = plsc.load_gather(histb, [rbv + 15])
            h31 = plsc.load_gather(histb, [rbv + 31])
            h47 = plsc.load_gather(histb, [rbv + 47])
            ioff = [None, h15, h15 + h31, h15 + h31 + h47]
            samples = []
            for c in range(4):
                ind = ics[c] if c == 0 else ics[c] + ioff[c]
                below = rbv + (ind - ones_i)
                above = rbv + jnp.minimum(ind, full62)
                g0 = plsc.load_gather(cdfb, [below])
                g1 = plsc.load_gather(cdfb, [above])
                m0 = plsc.load_gather(midsb, [below])
                m1 = plsc.load_gather(midsb, [above])
                den = g1 - g0
                den = jnp.where(den < EPS, ones_f, den)
                t = (u[c] - g0) / den
                samples.append(m0 + t * (m1 - m0))
            v = l + [lax.rev(samples[3], (0,)), lax.rev(samples[2], (0,)),
                     lax.rev(samples[1], (0,)), lax.rev(samples[0], (0,))]
            for i in range(4):
                a, b = v[i], v[i + 4]
                v[i], v[i + 4] = jnp.minimum(a, b), jnp.maximum(a, b)
            for h in (0, 4):
                for i in (0, 1):
                    a, b = v[h + i], v[h + i + 2]
                    v[h + i], v[h + i + 2] = jnp.minimum(a, b), jnp.maximum(a, b)
            for i in (0, 2, 4, 6):
                a, b = v[i], v[i + 1]
                v[i], v[i + 1] = jnp.minimum(a, b), jnp.maximum(a, b)
            for i in range(8):
                Ob[r, pl.ds(16 * i, 16)] = jnp.sort(v[i])
          return ray_body

        compute_A = make_ray_body(LbA, WbA, ObA)
        compute_B = make_ray_body(LbB, WbB, ObB)
        npair = nch // 2

        def in_slices(row0):
            return (len_hbm.at[pl.ds(row0 * P, CH * P)],
                    w_hbm.at[pl.ds(row0 * P, CH * P)])

        def out_slice(row0):
            return out_hbm.at[pl.ds(row0, CH)]

        ls0, ws0 = in_slices(base)
        pltpu.async_copy(ls0, LbA, isemA)
        pltpu.async_copy(ws0, WbA, isemA)

        def pair_body(j, carry):
            row_a = base + (2 * j) * CH
            row_b = row_a + CH
            lsb, wsb = in_slices(row_b)
            pltpu.async_copy(lsb, LbB, isemB)
            pltpu.async_copy(wsb, WbB, isemB)
            lsa, wsa = in_slices(row_a)
            pltpu.make_async_copy(lsa, LbA, isemA).wait()
            pltpu.make_async_copy(wsa, WbA, isemA).wait()
            @pl.when(j > 0)
            def _():
                pltpu.make_async_copy(ObA, out_slice(row_a - 2 * CH),
                                      osemA).wait()
            plsc.parallel_loop(0, CH, unroll=2)(compute_A)
            pltpu.async_copy(ObA, out_slice(row_a), osemA)
            @pl.when(j < npair - 1)
            def _():
                lsn, wsn = in_slices(row_a + 2 * CH)
                pltpu.async_copy(lsn, LbA, isemA)
                pltpu.async_copy(wsn, WbA, isemA)
            pltpu.make_async_copy(lsb, LbB, isemB).wait()
            pltpu.make_async_copy(wsb, WbB, isemB).wait()
            @pl.when(j > 0)
            def _():
                pltpu.make_async_copy(ObB, out_slice(row_b - 2 * CH),
                                      osemB).wait()
            plsc.parallel_loop(0, CH, unroll=2)(compute_B)
            pltpu.async_copy(ObB, out_slice(row_b), osemB)
            return carry

        lax.fori_loop(0, npair, pair_body, 0)
        last_a = base + (nch - 2) * CH
        pltpu.make_async_copy(ObA, out_slice(last_a), osemA).wait()
        pltpu.make_async_copy(ObB, out_slice(last_a + CH), osemB).wait()

    f = pl.kernel(
        body,
        out_type=jax.ShapeDtypeStruct((R, NS_OUT), jnp.float32),
        mesh=mesh,
        compiler_params=pltpu.CompilerParams(needs_layout_passes=False),
        scratch_types=[
            pltpu.VMEM((CH * P,), jnp.float32),
            pltpu.VMEM((CH * P,), jnp.float32),
            pltpu.VMEM((CH, NS_OUT), jnp.float32),
            pltpu.VMEM((CH * P,), jnp.float32),
            pltpu.VMEM((CH * P,), jnp.float32),
            pltpu.VMEM((CH, NS_OUT), jnp.float32),
            pltpu.VMEM((CH * P,), jnp.float32),
            pltpu.VMEM((CH * P,), jnp.float32),
            pltpu.VMEM((CH * P,), jnp.int32),
            pltpu.SemaphoreType.DMA,
            pltpu.SemaphoreType.DMA,
            pltpu.SemaphoreType.DMA,
            pltpu.SemaphoreType.DMA,
        ],
    )
    return f(Lf, Wf)


def kernel(origins, directions, lengths, ray_weights, xys):
    B, R, _ = lengths.shape
    z = _sampler_call(lengths.reshape(R * P), ray_weights.reshape(R * P))
    return (origins, directions, z.reshape(B, R, NS_OUT), xys)

# --- scband reference (transcript-rebuilt; emitter-appended) ---
"""Pipeline reference for scband-probabilistic-raysampler-25280177504808 (READ-ONLY COPY).

The authoritative reference and input builder live on the scoring server;
editing this copy changes nothing except your own understanding.
"""

import jax, jax.numpy as jnp
import numpy as np

N_PTS_PER_RAY = 64
EPS = 1e-5

def sample_pdf(bins, weights, n_samples):
    # bins: (R, P-1), weights: (R, P-2); deterministic (det=True) since
    # stratified=False and stratified_test=False.
    weights = weights + EPS
    pdf = weights / jnp.sum(weights, axis=-1, keepdims=True)
    cdf = jnp.cumsum(pdf, axis=-1)
    cdf = jnp.concatenate([jnp.zeros_like(cdf[..., :1]), cdf], axis=-1)  # (R, P-1)
    u = jnp.linspace(0.0, 1.0, n_samples, dtype=bins.dtype)
    u = jnp.broadcast_to(u, cdf.shape[:-1] + (n_samples,))
    inds = jax.vmap(lambda c, uu: jnp.searchsorted(c, uu, side='right'))(cdf, u)
    below = jnp.clip(inds - 1, 0, cdf.shape[-1] - 1)
    above = jnp.clip(inds, 0, cdf.shape[-1] - 1)
    cdf_g0 = jnp.take_along_axis(cdf, below, axis=-1)
    cdf_g1 = jnp.take_along_axis(cdf, above, axis=-1)
    bins_g0 = jnp.take_along_axis(bins, below, axis=-1)
    bins_g1 = jnp.take_along_axis(bins, above, axis=-1)
    denom = cdf_g1 - cdf_g0
    denom = jnp.where(denom < EPS, jnp.ones_like(denom), denom)
    t = (u - cdf_g0) / denom
    samples = bins_g0 + t * (bins_g1 - bins_g0)
    return samples

def setup_inputs(seed: int = 0):
    key = jax.random.key(seed)
    k1, k2, k3, k4, k5 = jax.random.split(key, 5)
    B, R, P = 1, 65536, 64
    origins = jax.random.normal(k1, (B, R, 3), dtype=jnp.float32)
    directions = jax.random.normal(k2, (B, R, 3), dtype=jnp.float32)
    # ray lengths must be sorted ascending along the sample dim (depth values)
    lengths = jnp.sort(jax.random.uniform(k3, (B, R, P), dtype=jnp.float32, minval=2.0, maxval=6.0), axis=-1)
    ray_weights = jax.random.uniform(k4, (B, R, P), dtype=jnp.float32)
    xys = jax.random.normal(k5, (B, R, 2), dtype=jnp.float32)
    return {"origins": origins, "directions": directions, "lengths": lengths, "ray_weights": ray_weights, "xys": xys}

def reference(origins, directions, lengths, ray_weights, xys):
    z_vals = lengths
    batch_size = z_vals.shape[0]
    z_vals_mid = 0.5 * (z_vals[..., 1:] + z_vals[..., :-1])
    # torch.no_grad() around sampling -> stop_gradient
    z_samples = jax.lax.stop_gradient(
        sample_pdf(
            z_vals_mid.reshape(-1, z_vals_mid.shape[-1]),
            ray_weights.reshape(-1, ray_weights.shape[-1])[..., 1:-1],
            N_PTS_PER_RAY,
        )
    ).reshape(batch_size, z_vals.shape[1], N_PTS_PER_RAY)
    # add_input_samples=True
    z_vals = jnp.concatenate([z_vals, z_samples], axis=-1)
    z_vals = jnp.sort(z_vals, axis=-1)
    # RayBundle(origins, directions, lengths, xys)
    return (origins, directions, z_vals, xys)

if __name__ == "__main__":
    import jax
    _d = setup_inputs()
    print(jax.jit(kernel)(*tuple(_d.values())))

</pallas_src>

<mosaic_0001>
#map = affine_map<(d0, d1) -> (0)>
#map1 = affine_map<(d0, d1) -> (0, 0)>
module attributes {stable_mosaic.version = 14 : i64} {
  func.func @body(%arg0: i32, %arg1: i32, %arg2: memref<4194304xf32, #tpu.memory_space<hbm>>, %arg3: memref<4194304xf32, #tpu.memory_space<hbm>>, %arg4: memref<65536x128xf32, #tpu.memory_space<hbm>>, %arg5: memref<8192xf32, #tpu.memory_space<vmem>>, %arg6: memref<8192xf32, #tpu.memory_space<vmem>>, %arg7: memref<128x128xf32, #tpu.memory_space<vmem>>, %arg8: memref<8192xf32, #tpu.memory_space<vmem>>, %arg9: memref<8192xf32, #tpu.memory_space<vmem>>, %arg10: memref<128x128xf32, #tpu.memory_space<vmem>>, %arg11: memref<8192xf32, #tpu.memory_space<vmem>>, %arg12: memref<8192xf32, #tpu.memory_space<vmem>>, %arg13: memref<8192xi32, #tpu.memory_space<vmem>>, %arg14: memref<!tpu.dma_semaphore, #tpu.memory_space<semaphore_mem>>, %arg15: memref<!tpu.dma_semaphore, #tpu.memory_space<semaphore_mem>>, %arg16: memref<!tpu.dma_semaphore, #tpu.memory_space<semaphore_mem>>, %arg17: memref<!tpu.dma_semaphore, #tpu.memory_space<semaphore_mem>>) attributes {dimension_semantics = [#tpu.dimension_semantics<core_parallel>, #tpu.dimension_semantics<subcore_parallel>], iteration_bounds = array<i64: 2, 16>, scalar_prefetch = 0 : i64, scratch_operands = 13 : i64, tpu.core_type = #tpu.core_type<sc_vector_subcore>, window_params = [{transform_indices = #map}, {transform_indices = #map}, {transform_indices = #map1}]} {
    %mul3A = arith.constant 2 : i32
    %mul3A_0 = arith.muli %arg1, %mul3A : i32
    %add3A = arith.addi %mul3A_0, %arg0 : i32
    %mul3A_1 = arith.constant 2048 : i32
    %mul3A_2 = arith.muli %add3A, %mul3A_1 : i32
    %iota3A = tpu.iota {dimensions = array<i32: 0>} : vector<16xi32>
    %convert_element_type3A = arith.sitofp %iota3A : vector<16xi32> to vector<16xf32>
    %mul3A_3 = arith.constant 0.0158730168 : f32
    %mul3A_4 = vector.broadcast %mul3A_3 : f32 to vector<16xf32>
    %mul3A_5 = arith.mulf %convert_element_type3A, %mul3A_4 : vector<16xf32>
    %add3A_6 = arith.constant 0.000000e+00 : f32
    %add3A_7 = vector.broadcast %add3A_6 : f32 to vector<16xf32>
    %add3A_8 = arith.addf %mul3A_5, %add3A_7 : vector<16xf32>
    %mul3A_9 = arith.constant 0.0158730168 : f32
    %mul3A_10 = vector.broadcast %mul3A_9 : f32 to vector<16xf32>
    %mul3A_11 = arith.mulf %convert_element_type3A, %mul3A_10 : vector<16xf32>
    %add3A_12 = arith.constant 0.253968269 : f32
    %add3A_13 = vector.broadcast %add3A_12 : f32 to vector<16xf32>
    %add3A_14 = arith.addf %mul3A_11, %add3A_13 : vector<16xf32>
    %mul3A_15 = arith.constant 0.0158730168 : f32
    %mul3A_16 = vector.broadcast %mul3A_15 : f32 to vector<16xf32>
    %mul3A_17 = arith.mulf %convert_element_type3A, %mul3A_16 : vector<16xf32>
    %add3A_18 = arith.constant 0.507936537 : f32
    %add3A_19 = vector.broadcast %add3A_18 : f32 to vector<16xf32>
    %add3A_20 = arith.addf %mul3A_17, %add3A_19 : vector<16xf32>
    %mul3A_21 = arith.constant 0.0158730168 : f32
    %mul3A_22 = vector.broadcast %mul3A_21 : f32 to vector<16xf32>
    %mul3A_23 = arith.mulf %convert_element_type3A, %mul3A_22 : vector<16xf32>
    %add3A_24 = arith.constant 0.761904776 : f32
    %add3A_25 = vector.broadcast %add3A_24 : f32 to vector<16xf32>
    %add3A_26 = arith.addf %mul3A_23, %add3A_25 : vector<16xf32>
    %broadcast_in_dim3A = arith.constant 1 : i32
    %broadcast_in_dim3A_27 = vector.broadcast %broadcast_in_dim3A : i32 to vector<16xi32>
    %broadcast_in_dim3A_28 = arith.constant 0 : i32
    %broadcast_in_dim3A_29 = vector.broadcast %broadcast_in_dim3A_28 : i32 to vector<16xi32>
    %broadcast_in_dim3A_30 = arith.constant 1.000000e+00 : f32
    %broadcast_in_dim3A_31 = vector.broadcast %broadcast_in_dim3A_30 : f32 to vector<16xf32>
    %broadcast_in_dim3A_32 = arith.constant 62 : i32
    %broadcast_in_dim3A_33 = vector.broadcast %broadcast_in_dim3A_32 : i32 to vector<16xi32>
    %broadcast_in_dim3A_34 = arith.constant 63 : i32
    %broadcast_in_dim3A_35 = vector.broadcast %broadcast_in_dim3A_34 : i32 to vector<16xi32>
    %lt3A = arith.constant 15 : i32
    %lt3A_36 = vector.broadcast %lt3A : i32 to vector<16xi32>
    %lt3A_37 = arith.cmpi slt, %iota3A, %lt3A_36 : vector<16xi32>
    %mul3A_38 = arith.constant 64 : i32
    %mul3A_39 = arith.muli %mul3A_2, %mul3A_38 : i32
    %mul3A_40 = arith.constant 64 : i32
    %mul3A_41 = arith.muli %mul3A_2, %mul3A_40 : i32
    %dma_start3A = tpu.memref_slice %arg2[%mul3A_39] : memref<4194304xf32, #tpu.memory_space<hbm>> -> memref<8192xf32, #tpu.memory_space<hbm>>
    %dma_start3A_42 = tpu.memref_slice %arg2[%mul3A_39] : memref<4194304xf32, #tpu.memory_space<hbm>> -> memref<8192xf32, #tpu.memory_space<hbm>>
    tpu.enqueue_dma source(%dma_start3A_42 : memref<8192xf32, #tpu.memory_space<hbm>>) target(%arg5 : memref<8192xf32, #tpu.memory_space<vmem>>) target_semaphore(%arg14 : memref<!tpu.dma_semaphore, #tpu.memory_space<semaphore_mem>>)
    %dma_start3A_43 = tpu.memref_slice %arg3[%mul3A_41] : memref<4194304xf32, #tpu.memory_space<hbm>> -> memref<8192xf32, #tpu.memory_space<hbm>>
    %dma_start3A_44 = tpu.memref_slice %arg3[%mul3A_41] : memref<4194304xf32, #tpu.memory_space<hbm>> -> memref<8192xf32, #tpu.memory_space<hbm>>
    tpu.enqueue_dma source(%dma_start3A_44 : memref<8192xf32, #tpu.memory_space<hbm>>) target(%arg6 : memref<8192xf32, #tpu.memory_space<vmem>>) target_semaphore(%arg14 : memref<!tpu.dma_semaphore, #tpu.memory_space<semaphore_mem>>)
    %scan3A = arith.constant 0 : i32
    %scan3A_45 = arith.constant 0 : i32
    %scan3A_46 = arith.constant 8 : i32
    %scan3A_47 = arith.addi %scan3A_45, %scan3A_46 : i32
    %scan3A_48 = arith.constant 1 : i32
    scf.for %scan3A_61 = %scan3A_45 to %scan3A_47 step %scan3A_48  : i32 {
      %mul3A_62 = arith.constant 2 : i32
      %mul3A_63 = arith.muli %mul3A_62, %scan3A_61 : i32
      %mul3A_64 = arith.constant 128 : i32
      %mul3A_65 = arith.muli %mul3A_63, %mul3A_64 : i32
      %add3A_66 = arith.addi %mul3A_2, %mul3A_65 : i32
      %add3A_67 = arith.constant 128 : i32
      %add3A_68 = arith.addi %add3A_66, %add3A_67 : i32
      %mul3A_69 = arith.constant 64 : i32
      %mul3A_70 = arith.muli %add3A_68, %mul3A_69 : i32
      %mul3A_71 = arith.constant 64 : i32
      %mul3A_72 = arith.muli %add3A_68, %mul3A_71 : i32
      %dma_start3A_73 = tpu.memref_slice %arg2[%mul3A_70] : memref<4194304xf32, #tpu.memory_space<hbm>> -> memref<8192xf32, #tpu.memory_space<hbm>>
      %dma_start3A_74 = tpu.memref_slice %arg2[%mul3A_70] : memref<4194304xf32, #tpu.memory_space<hbm>> -> memref<8192xf32, #tpu.memory_space<hbm>>
      tpu.enqueue_dma source(%dma_start3A_74 : memref<8192xf32, #tpu.memory_space<hbm>>) target(%arg8 : memref<8192xf32, #tpu.memory_space<vmem>>) target_semaphore(%arg15 : memref<!tpu.dma_semaphore, #tpu.memory_space<semaphore_mem>>)
      %dma_start3A_75 = tpu.memref_slice %arg3[%mul3A_72] : memref<4194304xf32, #tpu.memory_space<hbm>> -> memref<8192xf32, #tpu.memory_space<hbm>>
      %dma_start3A_76 = tpu.memref_slice %arg3[%mul3A_72] : memref<4194304xf32, #tpu.memory_space<hbm>> -> memref<8192xf32, #tpu.memory_space<hbm>>
      tpu.enqueue_dma source(%dma_start3A_76 : memref<8192xf32, #tpu.memory_space<hbm>>) target(%arg9 : memref<8192xf32, #tpu.memory_space<vmem>>) target_semaphore(%arg15 : memref<!tpu.dma_semaphore, #tpu.memory_space<semaphore_mem>>)
      %mul3A_77 = arith.constant 64 : i32
      %mul3A_78 = arith.muli %add3A_66, %mul3A_77 : i32
      %mul3A_79 = arith.constant 64 : i32
      %mul3A_80 = arith.muli %add3A_66, %mul3A_79 : i32
      %dma_wait3A_81 = tpu.memref_slice %arg2[%mul3A_78] : memref<4194304xf32, #tpu.memory_space<hbm>> -> memref<8192xf32, #tpu.memory_space<hbm>>
      %dma_wait3A_82 = tpu.memref_slice %arg2[%mul3A_78] : memref<4194304xf32, #tpu.memory_space<hbm>> -> memref<8192xf32, #tpu.memory_space<hbm>>
      tpu.wait_dma2 semaphore(%arg14 : memref<!tpu.dma_semaphore, #tpu.memory_space<semaphore_mem>>) src(%dma_wait3A_82 : memref<8192xf32, #tpu.memory_space<hbm>>) dst(%arg5 : memref<8192xf32, #tpu.memory_space<vmem>>)
      %dma_wait3A_83 = tpu.memref_slice %arg3[%mul3A_80] : memref<4194304xf32, #tpu.memory_space<hbm>> -> memref<8192xf32, #tpu.memory_space<hbm>>
      %dma_wait3A_84 = tpu.memref_slice %arg3[%mul3A_80] : memref<4194304xf32, #tpu.memory_space<hbm>> -> memref<8192xf32, #tpu.memory_space<hbm>>
      tpu.wait_dma2 semaphore(%arg14 : memref<!tpu.dma_semaphore, #tpu.memory_space<semaphore_mem>>) src(%dma_wait3A_84 : memref<8192xf32, #tpu.memory_space<hbm>>) dst(%arg6 : memref<8192xf32, #tpu.memory_space<vmem>>)
      %gt3A = arith.constant 0 : i32
      %gt3A_85 = arith.cmpi sgt, %scan3A_61, %gt3A : i32
      %convert_element_type3A_86 = arith.extui %gt3A_85 : i1 to i32
      %cond3A = arith.constant 0 : i32
      %cond3A_87 = arith.cmpi ne, %convert_element_type3A_86, %cond3A : i32
      scf.if %cond3A_87 {
        %sub3A = arith.constant 256 : i32
        %sub3A_115 = arith.subi %add3A_66, %sub3A : i32
        %dma_wait3A_116 = arith.constant 0 : i32
        %dma_wait3A_117 = tpu.memref_slice %arg4[%sub3A_115, %dma_wait3A_116] : memref<65536x128xf32, #tpu.memory_space<hbm>> -> memref<128x128xf32, #tpu.memory_space<hbm>>
        %dma_wait3A_118 = arith.constant 0 : i32
        %dma_wait3A_119 = tpu.memref_slice %arg4[%sub3A_115, %dma_wait3A_118] : memref<65536x128xf32, #tpu.memory_space<hbm>> -> memref<128x128xf32, #tpu.memory_space<hbm>>
        tpu.wait_dma2 semaphore(%arg16 : memref<!tpu.dma_semaphore, #tpu.memory_space<semaphore_mem>>) src(%arg7 : memref<128x128xf32, #tpu.memory_space<vmem>>) dst(%dma_wait3A_119 : memref<128x128xf32, #tpu.memory_space<hbm>>)
      } else {
      }
      %parallel_loop3A = arith.constant 0 : i32
      %parallel_loop3A_88 = arith.constant 128 : i32
      %parallel_loop3A_89 = arith.constant 1 : i32
      scf.for %parallel_loop3A_115 = %parallel_loop3A to %parallel_loop3A_88 step %parallel_loop3A_89  : i32 {
        %parallel_loop3A_116 = arith.constant 64 : i32
        %parallel_loop3A_117 = arith.muli %parallel_loop3A_115, %parallel_loop3A_116 : i32
        %parallel_loop3A_118 = vector.broadcast %parallel_loop3A_117 : i32 to vector<16xi32>
        %parallel_loop3A_119 = arith.constant 0 : i32
        %parallel_loop3A_120 = arith.addi %parallel_loop3A_117, %parallel_loop3A_119 : i32
        %parallel_loop3A_121 = arith.index_cast %parallel_loop3A_120 : i32 to index
        %parallel_loop3A_122 = tpu.vector_load %arg5[%parallel_loop3A_121] {strides = array<i32>} : memref<8192xf32, #tpu.memory_space<vmem>>, vector<16xf32>,
        %parallel_loop3A_123 = arith.constant 16 : i32
        %parallel_loop3A_124 = arith.addi %parallel_loop3A_117, %parallel_loop3A_123 : i32
        %parallel_loop3A_125 = arith.index_cast %parallel_loop3A_124 : i32 to index
        %parallel_loop3A_126 = tpu.vector_load %arg5[%parallel_loop3A_125] {strides = array<i32>} : memref<8192xf32, #tpu.memory_space<vmem>>, vector<16xf32>,
        %parallel_loop3A_127 = arith.constant 32 : i32
        %parallel_loop3A_128 = arith.addi %parallel_loop3A_117, %parallel_loop3A_127 : i32
        %parallel_loop3A_129 = arith.index_cast %parallel_loop3A_128 : i32 to index
        %parallel_loop3A_130 = tpu.vector_load %arg5[%parallel_loop3A_129] {strides = array<i32>} : memref<8192xf32, #tpu.memory_space<vmem>>, vector<16xf32>,
        %parallel_loop3A_131 = arith.constant 48 : i32
        %parallel_loop3A_132 = arith.addi %parallel_loop3A_117, %parallel_loop3A_131 : i32
        %parallel_loop3A_133 = arith.index_cast %parallel_loop3A_132 : i32 to index
        %parallel_loop3A_134 = tpu.vector_load %arg5[%parallel_loop3A_133] {strides = array<i32>} : memref<8192xf32, #tpu.memory_space<vmem>>, vector<16xf32>,
        %parallel_loop3A_135 = arith.constant 0 : i32
        %parallel_loop3A_136 = arith.addi %parallel_loop3A_117, %parallel_loop3A_135 : i32
        %parallel_loop3A_137 = arith.constant 1 : i32
        %parallel_loop3A_138 = arith.addi %parallel_loop3A_136, %parallel_loop3A_137 : i32
        %parallel_loop3A_139 = arith.index_cast %parallel_loop3A_138 : i32 to index
        %parallel_loop3A_140 = tpu.vector_load %arg5[%parallel_loop3A_139] {strides = array<i32>} : memref<8192xf32, #tpu.memory_space<vmem>>, vector<16xf32>,
        %parallel_loop3A_141 = arith.constant 16 : i32
        %parallel_loop3A_142 = arith.addi %parallel_loop3A_117, %parallel_loop3A_141 : i32
        %parallel_loop3A_143 = arith.constant 1 : i32
        %parallel_loop3A_144 = arith.addi %parallel_loop3A_142, %parallel_loop3A_143 : i32
        %parallel_loop3A_145 = arith.index_cast %parallel_loop3A_144 : i32 to index
        %parallel_loop3A_146 = tpu.vector_load %arg5[%parallel_loop3A_145] {strides = array<i32>} : memref<8192xf32, #tpu.memory_space<vmem>>, vector<16xf32>,
        %parallel_loop3A_147 = arith.constant 32 : i32
        %parallel_loop3A_148 = arith.addi %parallel_loop3A_117, %parallel_loop3A_147 : i32
        %parallel_loop3A_149 = arith.constant 1 : i32
        %parallel_loop3A_150 = arith.addi %parallel_loop3A_148, %parallel_loop3A_149 : i32
        %parallel_loop3A_151 = arith.index_cast %parallel_loop3A_150 : i32 to index
        %parallel_loop3A_152 = tpu.vector_load %arg5[%parallel_loop3A_151] {strides = array<i32>} : memref<8192xf32, #tpu.memory_space<vmem>>, vector<16xf32>,
        %parallel_loop3A_153 = arith.constant 49 : i32
        %parallel_loop3A_154 = vector.broadcast %parallel_loop3A_153 : i32 to vector<16xi32>
        %parallel_loop3A_155 = arith.addi %iota3A, %parallel_loop3A_154 : vector<16xi32>
        %parallel_loop3A_156 = arith.constant 63 : i32
        %parallel_loop3A_157 = vector.broadcast %parallel_loop3A_156 : i32 to vector<16xi32>
        %parallel_loop3A_158 = arith.minsi %parallel_loop3A_155, %parallel_loop3A_157 : vector<16xi32>
        %parallel_loop3A_159 = arith.addi %parallel_loop3A_118, %parallel_loop3A_158 : vector<16xi32>
        %parallel_loop3A_160 = tpu.vector_load_idx %arg5[%parallel_loop3A_159] : memref<8192xf32, #tpu.memory_space<vmem>>[vector<16xi32>], vector<16xf32>,
        %parallel_loop3A_161 = arith.addf %parallel_loop3A_122, %parallel_loop3A_140 : vector<16xf32>
        %parallel_loop3A_162 = arith.constant 5.000000e-01 : f32
        %parallel_loop3A_163 = vector.broadcast %parallel_loop3A_162 : f32 to vector<16xf32>
        %parallel_loop3A_164 = arith.mulf %parallel_loop3A_163, %parallel_loop3A_161 : vector<16xf32>
        %parallel_loop3A_165 = arith.constant 0 : i32
        %parallel_loop3A_166 = arith.addi %parallel_loop3A_117, %parallel_loop3A_165 : i32
        %parallel_loop3A_167 = arith.index_cast %parallel_loop3A_166 : i32 to index
        %parallel_loop3A_168 = tpu.vector_load %arg12[%parallel_loop3A_167] {strides = array<i32>} : memref<8192xf32, #tpu.memory_space<vmem>>, vector<16xf32>,
        tpu.vector_store %arg12[%parallel_loop3A_167], %parallel_loop3A_164 {strides = array<i32>} : memref<8192xf32, #tpu.memory_space<vmem>>, vector<16xf32>,
        %parallel_loop3A_169 = arith.addf %parallel_loop3A_126, %parallel_loop3A_146 : vector<16xf32>
        %parallel_loop3A_170 = arith.constant 5.000000e-01 : f32
        %parallel_loop3A_171 = vector.broadcast %parallel_loop3A_170 : f32 to vector<16xf32>
        %parallel_loop3A_172 = arith.mulf %parallel_loop3A_171, %parallel_loop3A_169 : vector<16xf32>
        %parallel_loop3A_173 = arith.constant 16 : i32
        %parallel_loop3A_174 = arith.addi %parallel_loop3A_117, %parallel_loop3A_173 : i32
        %parallel_loop3A_175 = arith.index_cast %parallel_loop3A_174 : i32 to index
        %parallel_loop3A_176 = tpu.vector_load %arg12[%parallel_loop3A_175] {strides = array<i32>} : memref<8192xf32, #tpu.memory_space<vmem>>, vector<16xf32>,
        tpu.vector_store %arg12[%parallel_loop3A_175], %parallel_loop3A_172 {strides = array<i32>} : memref<8192xf32, #tpu.memory_space<vmem>>, vector<16xf32>,
        %parallel_loop3A_177 = arith.addf %parallel_loop3A_130, %parallel_loop3A_152 : vector<16xf32>
        %parallel_loop3A_178 = arith.constant 5.000000e-01 : f32
        %parallel_loop3A_179 = vector.broadcast %parallel_loop3A_178 : f32 to vector<16xf32>
        %parallel_loop3A_180 = arith.mulf %parallel_loop3A_179, %parallel_loop3A_177 : vector<16xf32>
        %parallel_loop3A_181 = arith.constant 32 : i32
        %parallel_loop3A_182 = arith.addi %parallel_loop3A_117, %parallel_loop3A_181 : i32
        %parallel_loop3A_183 = arith.index_cast %parallel_loop3A_182 : i32 to index
        %parallel_loop3A_184 = tpu.vector_load %arg12[%parallel_loop3A_183] {strides = array<i32>} : memref<8192xf32, #tpu.memory_space<vmem>>, vector<16xf32>,
        tpu.vector_store %arg12[%parallel_loop3A_183], %parallel_loop3A_180 {strides = array<i32>} : memref<8192xf32, #tpu.memory_space<vmem>>, vector<16xf32>,
        %parallel_loop3A_185 = arith.addf %parallel_loop3A_134, %parallel_loop3A_160 : vector<16xf32>
        %parallel_loop3A_186 = arith.constant 5.000000e-01 : f32
        %parallel_loop3A_187 = vector.broadcast %parallel_loop3A_186 : f32 to vector<16xf32>
        %parallel_loop3A_188 = arith.mulf %parallel_loop3A_187, %parallel_loop3A_185 : vector<16xf32>
        %parallel_loop3A_189 = arith.constant 48 : i32
        %parallel_loop3A_190 = arith.addi %parallel_loop3A_117, %parallel_loop3A_189 : i32
        %parallel_loop3A_191 = arith.index_cast %parallel_loop3A_190 : i32 to index
        %parallel_loop3A_192 = tpu.vector_load %arg12[%parallel_loop3A_191] {strides = array<i32>} : memref<8192xf32, #tpu.memory_space<vmem>>, vector<16xf32>,
        tpu.vector_store %arg12[%parallel_loop3A_191], %parallel_loop3A_188 {strides = array<i32>} : memref<8192xf32, #tpu.memory_space<vmem>>, vector<16xf32>,
        %parallel_loop3A_193 = arith.constant 0 : i32
        %parallel_loop3A_194 = arith.addi %parallel_loop3A_117, %parallel_loop3A_193 : i32
        %parallel_loop3A_195 = arith.index_cast %parallel_loop3A_194 : i32 to index
        %parallel_loop3A_196 = tpu.vector_load %arg6[%parallel_loop3A_195] {strides = array<i32>} : memref<8192xf32, #tpu.memory_space<vmem>>, vector<16xf32>,
        %parallel_loop3A_197 = arith.constant 9.99999974E-6 : f32
        %parallel_loop3A_198 = vector.broadcast %parallel_loop3A_197 : f32 to vector<16xf32>
        %parallel_loop3A_199 = arith.addf %parallel_loop3A_196, %parallel_loop3A_198 : vector<16xf32>
        %parallel_loop3A_200 = arith.constant true
        %parallel_loop3A_201 = vector.broadcast %parallel_loop3A_200 : i1 to vector<16xi1>
        %parallel_loop3A_202 = tpu.scan <sum>, %parallel_loop3A_199 masked %parallel_loop3A_201 : vector<16xf32>, vector<16xi1> -> vector<16xf32>
        %parallel_loop3A_203 = arith.constant 0 : i32
        %parallel_loop3A_204 = arith.addi %parallel_loop3A_117, %parallel_loop3A_203 : i32
        %parallel_loop3A_205 = arith.index_cast %parallel_loop3A_204 : i32 to index
        %parallel_loop3A_206 = tpu.vector_load %arg11[%parallel_loop3A_205] {strides = array<i32>} : memref<8192xf32, #tpu.memory_space<vmem>>, vector<16xf32>,
        tpu.vector_store %arg11[%parallel_loop3A_205], %parallel_loop3A_202 {strides = array<i32>} : memref<8192xf32, #tpu.memory_space<vmem>>, vector<16xf32>,
        %parallel_loop3A_207 = arith.constant 16 : i32
        %parallel_loop3A_208 = arith.addi %parallel_loop3A_117, %parallel_loop3A_207 : i32
        %parallel_loop3A_209 = arith.index_cast %parallel_loop3A_208 : i32 to index
        %parallel_loop3A_210 = tpu.vector_load %arg6[%parallel_loop3A_209] {strides = array<i32>} : memref<8192xf32, #tpu.memory_space<vmem>>, vector<16xf32>,
        %parallel_loop3A_211 = arith.constant 9.99999974E-6 : f32
        %parallel_loop3A_212 = vector.broadcast %parallel_loop3A_211 : f32 to vector<16xf32>
        %parallel_loop3A_213 = arith.addf %parallel_loop3A_210, %parallel_loop3A_212 : vector<16xf32>
        %parallel_loop3A_214 = arith.constant true
        %parallel_loop3A_215 = vector.broadcast %parallel_loop3A_214 : i1 to vector<16xi1>
        %parallel_loop3A_216 = tpu.scan <sum>, %parallel_loop3A_213 masked %parallel_loop3A_215 : vector<16xf32>, vector<16xi1> -> vector<16xf32>
        %parallel_loop3A_217 = arith.constant 16 : i32
        %parallel_loop3A_218 = arith.addi %parallel_loop3A_117, %parallel_loop3A_217 : i32
        %parallel_loop3A_219 = arith.index_cast %parallel_loop3A_218 : i32 to index
        %parallel_loop3A_220 = tpu.vector_load %arg11[%parallel_loop3A_219] {strides = array<i32>} : memref<8192xf32, #tpu.memory_space<vmem>>, vector<16xf32>,
        tpu.vector_store %arg11[%parallel_loop3A_219], %parallel_loop3A_216 {strides = array<i32>} : memref<8192xf32, #tpu.memory_space<vmem>>, vector<16xf32>,
        %parallel_loop3A_221 = arith.constant 32 : i32
        %parallel_loop3A_222 = arith.addi %parallel_loop3A_117, %parallel_loop3A_221 : i32
        %parallel_loop3A_223 = arith.index_cast %parallel_loop3A_222 : i32 to index
        %parallel_loop3A_224 = tpu.vector_load %arg6[%parallel_loop3A_223] {strides = array<i32>} : memref<8192xf32, #tpu.memory_space<vmem>>, vector<16xf32>,
        %parallel_loop3A_225 = arith.constant 9.99999974E-6 : f32
        %parallel_loop3A_226 = vector.broadcast %parallel_loop3A_225 : f32 to vector<16xf32>
        %parallel_loop3A_227 = arith.addf %parallel_loop3A_224, %parallel_loop3A_226 : vector<16xf32>
        %parallel_loop3A_228 = arith.constant true
        %parallel_loop3A_229 = vector.broadcast %parallel_loop3A_228 : i1 to vector<16xi1>
        %parallel_loop3A_230 = tpu.scan <sum>, %parallel_loop3A_227 masked %parallel_loop3A_229 : vector<16xf32>, vector<16xi1> -> vector<16xf32>
        %parallel_loop3A_231 = arith.constant 32 : i32
        %parallel_loop3A_232 = arith.addi %parallel_loop3A_117, %parallel_loop3A_231 : i32
        %parallel_loop3A_233 = arith.index_cast %parallel_loop3A_232 : i32 to index
        %parallel_loop3A_234 = tpu.vector_load %arg11[%parallel_loop3A_233] {strides = array<i32>} : memref<8192xf32, #tpu.memory_space<vmem>>, vector<16xf32>,
        tpu.vector_store %arg11[%parallel_loop3A_233], %parallel_loop3A_230 {strides = array<i32>} : memref<8192xf32, #tpu.memory_space<vmem>>, vector<16xf32>,
        %parallel_loop3A_235 = arith.constant 48 : i32
        %parallel_loop3A_236 = arith.addi %parallel_loop3A_117, %parallel_loop3A_235 : i32
        %parallel_loop3A_237 = arith.index_cast %parallel_loop3A_236 : i32 to index
        %parallel_loop3A_238 = tpu.vector_load %arg6[%parallel_loop3A_237] {strides = array<i32>} : memref<8192xf32, #tpu.memory_space<vmem>>, vector<16xf32>,
        %parallel_loop3A_239 = arith.constant 9.99999974E-6 : f32
        %parallel_loop3A_240 = vector.broadcast %parallel_loop3A_239 : f32 to vector<16xf32>
        %parallel_loop3A_241 = arith.addf %parallel_loop3A_238, %parallel_loop3A_240 : vector<16xf32>
        %parallel_loop3A_242 = arith.constant true
        %parallel_loop3A_243 = vector.broadcast %parallel_loop3A_242 : i1 to vector<16xi1>
        %parallel_loop3A_244 = tpu.scan <sum>, %parallel_loop3A_241 masked %parallel_loop3A_243 : vector<16xf32>, vector<16xi1> -> vector<16xf32>
        %parallel_loop3A_245 = arith.constant 48 : i32
        %parallel_loop3A_246 = arith.addi %parallel_loop3A_117, %parallel_loop3A_245 : i32
        %parallel_loop3A_247 = arith.index_cast %parallel_loop3A_246 : i32 to index
        %parallel_loop3A_248 = tpu.vector_load %arg11[%parallel_loop3A_247] {strides = array<i32>} : memref<8192xf32, #tpu.memory_space<vmem>>, vector<16xf32>,
        tpu.vector_store %arg11[%parallel_loop3A_247], %parallel_loop3A_244 {strides = array<i32>} : memref<8192xf32, #tpu.memory_space<vmem>>, vector<16xf32>,
        %parallel_loop3A_249 = tpu.vector_load_idx %arg11[%parallel_loop3A_118] : memref<8192xf32, #tpu.memory_space<vmem>>[vector<16xi32>], vector<16xf32>,
        %parallel_loop3A_250 = arith.constant 15 : i32
        %parallel_loop3A_251 = vector.broadcast %parallel_loop3A_250 : i32 to vector<16xi32>
        %parallel_loop3A_252 = arith.addi %parallel_loop3A_118, %parallel_loop3A_251 : vector<16xi32>
        %parallel_loop3A_253 = tpu.vector_load_idx %arg11[%parallel_loop3A_252] : memref<8192xf32, #tpu.memory_space<vmem>>[vector<16xi32>], vector<16xf32>,
        %parallel_loop3A_254 = arith.constant 31 : i32
        %parallel_loop3A_255 = vector.broadcast %parallel_loop3A_254 : i32 to vector<16xi32>
        %parallel_loop3A_256 = arith.addi %parallel_loop3A_118, %parallel_loop3A_255 : vector<16xi32>
        %parallel_loop3A_257 = tpu.vector_load_idx %arg11[%parallel_loop3A_256] : memref<8192xf32, #tpu.memory_space<vmem>>[vector<16xi32>], vector<16xf32>,
        %parallel_loop3A_258 = arith.constant 47 : i32
        %parallel_loop3A_259 = vector.broadcast %parallel_loop3A_258 : i32 to vector<16xi32>
        %parallel_loop3A_260 = arith.addi %parallel_loop3A_118, %parallel_loop3A_259 : vector<16xi32>
        %parallel_loop3A_261 = tpu.vector_load_idx %arg11[%parallel_loop3A_260] : memref<8192xf32, #tpu.memory_space<vmem>>[vector<16xi32>], vector<16xf32>,
        %parallel_loop3A_262 = arith.constant 62 : i32
        %parallel_loop3A_263 = vector.broadcast %parallel_loop3A_262 : i32 to vector<16xi32>
        %parallel_loop3A_264 = arith.addi %parallel_loop3A_118, %parallel_loop3A_263 : vector<16xi32>
        %parallel_loop3A_265 = tpu.vector_load_idx %arg11[%parallel_loop3A_264] : memref<8192xf32, #tpu.memory_space<vmem>>[vector<16xi32>], vector<16xf32>,
        %parallel_loop3A_266 = arith.addf %parallel_loop3A_253, %parallel_loop3A_257 : vector<16xf32>
        %parallel_loop3A_267 = arith.addf %parallel_loop3A_253, %parallel_loop3A_257 : vector<16xf32>
        %parallel_loop3A_268 = arith.addf %parallel_loop3A_267, %parallel_loop3A_261 : vector<16xf32>
        %parallel_loop3A_269 = arith.addf %parallel_loop3A_268, %parallel_loop3A_265 : vector<16xf32>
        %parallel_loop3A_270 = arith.subf %parallel_loop3A_269, %parallel_loop3A_249 : vector<16xf32>
        %parallel_loop3A_271 = arith.divf %broadcast_in_dim3A_31, %parallel_loop3A_270 : vector<16xf32>
        %parallel_loop3A_272 = arith.subf %parallel_loop3A_202, %parallel_loop3A_249 : vector<16xf32>
        %parallel_loop3A_273 = arith.mulf %parallel_loop3A_272, %parallel_loop3A_271 : vector<16xf32>
        %parallel_loop3A_274 = arith.constant 0 : i32
        %parallel_loop3A_275 = arith.addi %parallel_loop3A_117, %parallel_loop3A_274 : i32
        %parallel_loop3A_276 = arith.index_cast %parallel_loop3A_275 : i32 to index
        %parallel_loop3A_277 = tpu.vector_load %arg11[%parallel_loop3A_276] {strides = array<i32>} : memref<8192xf32, #tpu.memory_space<vmem>>, vector<16xf32>,
        tpu.vector_store %arg11[%parallel_loop3A_276], %parallel_loop3A_273 {strides = array<i32>} : memref<8192xf32, #tpu.memory_space<vmem>>, vector<16xf32>,
        %parallel_loop3A_278 = arith.constant 6.300000e+01 : f32
        %parallel_loop3A_279 = vector.broadcast %parallel_loop3A_278 : f32 to vector<16xf32>
        %parallel_loop3A_280 = arith.mulf %parallel_loop3A_273, %parallel_loop3A_279 : vector<16xf32>
        %parallel_loop3A_281 = arith.fptosi %parallel_loop3A_280 : vector<16xf32> to vector<16xi32>
        %parallel_loop3A_282 = arith.sitofp %parallel_loop3A_281 : vector<16xi32> to vector<16xf32>
        %parallel_loop3A_283 = arith.cmpf olt, %parallel_loop3A_282, %parallel_loop3A_280 : vector<16xf32>
        %parallel_loop3A_284 = arith.select %parallel_loop3A_283, %broadcast_in_dim3A_27, %broadcast_in_dim3A_29 : vector<16xi1>, vector<16xi32>
        %parallel_loop3A_285 = arith.addi %parallel_loop3A_281, %parallel_loop3A_284 : vector<16xi32>
        %parallel_loop3A_286 = arith.minsi %parallel_loop3A_285, %broadcast_in_dim3A_35 : vector<16xi32>
        %parallel_loop3A_287 = arith.subf %parallel_loop3A_253, %parallel_loop3A_249 : vector<16xf32>
        %parallel_loop3A_288 = arith.addf %parallel_loop3A_216, %parallel_loop3A_287 : vector<16xf32>
        %parallel_loop3A_289 = arith.mulf %parallel_loop3A_288, %parallel_loop3A_271 : vector<16xf32>
        %parallel_loop3A_290 = arith.constant 16 : i32
        %parallel_loop3A_291 = arith.addi %parallel_loop3A_117, %parallel_loop3A_290 : i32
        %parallel_loop3A_292 = arith.index_cast %parallel_loop3A_291 : i32 to index
        %parallel_loop3A_293 = tpu.vector_load %arg11[%parallel_loop3A_292] {strides = array<i32>} : memref<8192xf32, #tpu.memory_space<vmem>>, vector<16xf32>,
        tpu.vector_store %arg11[%parallel_loop3A_292], %parallel_loop3A_289 {strides = array<i32>} : memref<8192xf32, #tpu.memory_space<vmem>>, vector<16xf32>,
        %parallel_loop3A_294 = arith.constant 6.300000e+01 : f32
        %parallel_loop3A_295 = vector.broadcast %parallel_loop3A_294 : f32 to vector<16xf32>
        %parallel_loop3A_296 = arith.mulf %parallel_loop3A_289, %parallel_loop3A_295 : vector<16xf32>
        %parallel_loop3A_297 = arith.fptosi %parallel_loop3A_296 : vector<16xf32> to vector<16xi32>
        %parallel_loop3A_298 = arith.sitofp %parallel_loop3A_297 : vector<16xi32> to vector<16xf32>
        %parallel_loop3A_299 = arith.cmpf olt, %parallel_loop3A_298, %parallel_loop3A_296 : vector<16xf32>
        %parallel_loop3A_300 = arith.select %parallel_loop3A_299, %broadcast_in_dim3A_27, %broadcast_in_dim3A_29 : vector<16xi1>, vector<16xi32>
        %parallel_loop3A_301 = arith.addi %parallel_loop3A_297, %parallel_loop3A_300 : vector<16xi32>
        %parallel_loop3A_302 = arith.minsi %parallel_loop3A_301, %broadcast_in_dim3A_35 : vector<16xi32>
        %parallel_loop3A_303 = arith.subf %parallel_loop3A_266, %parallel_loop3A_249 : vector<16xf32>
        %parallel_loop3A_304 = arith.addf %parallel_loop3A_230, %parallel_loop3A_303 : vector<16xf32>
        %parallel_loop3A_305 = arith.mulf %parallel_loop3A_304, %parallel_loop3A_271 : vector<16xf32>
        %parallel_loop3A_306 = arith.constant 32 : i32
        %parallel_loop3A_307 = arith.addi %parallel_loop3A_117, %parallel_loop3A_306 : i32
        %parallel_loop3A_308 = arith.index_cast %parallel_loop3A_307 : i32 to index
        %parallel_loop3A_309 = tpu.vector_load %arg11[%parallel_loop3A_308] {strides = array<i32>} : memref<8192xf32, #tpu.memory_space<vmem>>, vector<16xf32>,
        tpu.vector_store %arg11[%parallel_loop3A_308], %parallel_loop3A_305 {strides = array<i32>} : memref<8192xf32, #tpu.memory_space<vmem>>, vector<16xf32>,
        %parallel_loop3A_310 = arith.constant 6.300000e+01 : f32
        %parallel_loop3A_311 = vector.broadcast %parallel_loop3A_310 : f32 to vector<16xf32>
        %parallel_loop3A_312 = arith.mulf %parallel_loop3A_305, %parallel_loop3A_311 : vector<16xf32>
        %parallel_loop3A_313 = arith.fptosi %parallel_loop3A_312 : vector<16xf32> to vector<16xi32>
        %parallel_loop3A_314 = arith.sitofp %parallel_loop3A_313 : vector<16xi32> to vector<16xf32>
        %parallel_loop3A_315 = arith.cmpf olt, %parallel_loop3A_314, %parallel_loop3A_312 : vector<16xf32>
        %parallel_loop3A_316 = arith.select %parallel_loop3A_315, %broadcast_in_dim3A_27, %broadcast_in_dim3A_29 : vector<16xi1>, vector<16xi32>
        %parallel_loop3A_317 = arith.addi %parallel_loop3A_313, %parallel_loop3A_316 : vector<16xi32>
        %parallel_loop3A_318 = arith.minsi %parallel_loop3A_317, %broadcast_in_dim3A_35 : vector<16xi32>
        %parallel_loop3A_319 = arith.subf %parallel_loop3A_268, %parallel_loop3A_249 : vector<16xf32>
        %parallel_loop3A_320 = arith.addf %parallel_loop3A_244, %parallel_loop3A_319 : vector<16xf32>
        %parallel_loop3A_321 = arith.mulf %parallel_loop3A_320, %parallel_loop3A_271 : vector<16xf32>
        %parallel_loop3A_322 = arith.constant 48 : i32
        %parallel_loop3A_323 = arith.addi %parallel_loop3A_117, %parallel_loop3A_322 : i32
        %parallel_loop3A_324 = arith.index_cast %parallel_loop3A_323 : i32 to index
        %parallel_loop3A_325 = tpu.vector_load %arg11[%parallel_loop3A_324] {strides = array<i32>} : memref<8192xf32, #tpu.memory_space<vmem>>, vector<16xf32>,
        tpu.vector_store %arg11[%parallel_loop3A_324], %parallel_loop3A_321 {strides = array<i32>} : memref<8192xf32, #tpu.memory_space<vmem>>, vector<16xf32>,
        %parallel_loop3A_326 = arith.constant 6.300000e+01 : f32
        %parallel_loop3A_327 = vector.broadcast %parallel_loop3A_326 : f32 to vector<16xf32>
        %parallel_loop3A_328 = arith.mulf %parallel_loop3A_321, %parallel_loop3A_327 : vector<16xf32>
        %parallel_loop3A_329 = arith.fptosi %parallel_loop3A_328 : vector<16xf32> to vector<16xi32>
        %parallel_loop3A_330 = arith.sitofp %parallel_loop3A_329 : vector<16xi32> to vector<16xf32>
        %parallel_loop3A_331 = arith.cmpf olt, %parallel_loop3A_330, %parallel_loop3A_328 : vector<16xf32>
        %parallel_loop3A_332 = arith.select %parallel_loop3A_331, %broadcast_in_dim3A_27, %broadcast_in_dim3A_29 : vector<16xi1>, vector<16xi32>
        %parallel_loop3A_333 = arith.addi %parallel_loop3A_329, %parallel_loop3A_332 : vector<16xi32>
        %parallel_loop3A_334 = arith.minsi %parallel_loop3A_333, %broadcast_in_dim3A_35 : vector<16xi32>
        %parallel_loop3A_335 = arith.constant 0 : i32
        %parallel_loop3A_336 = arith.addi %parallel_loop3A_117, %parallel_loop3A_335 : i32
        %parallel_loop3A_337 = arith.index_cast %parallel_loop3A_336 : i32 to index
        %parallel_loop3A_338 = tpu.vector_load %arg13[%parallel_loop3A_337] {strides = array<i32>} : memref<8192xi32, #tpu.memory_space<vmem>>, vector<16xi32>,
        tpu.vector_store %arg13[%parallel_loop3A_337], %broadcast_in_dim3A_29 {strides = array<i32>} : memref<8192xi32, #tpu.memory_space<vmem>>, vector<16xi32>,
        %parallel_loop3A_339 = arith.constant 16 : i32
        %parallel_loop3A_340 = arith.addi %parallel_loop3A_117, %parallel_loop3A_339 : i32
        %parallel_loop3A_341 = arith.index_cast %parallel_loop3A_340 : i32 to index
        %parallel_loop3A_342 = tpu.vector_load %arg13[%parallel_loop3A_341] {strides = array<i32>} : memref<8192xi32, #tpu.memory_space<vmem>>, vector<16xi32>,
        tpu.vector_store %arg13[%parallel_loop3A_341], %broadcast_in_dim3A_29 {strides = array<i32>} : memref<8192xi32, #tpu.memory_space<vmem>>, vector<16xi32>,
        %parallel_loop3A_343 = arith.constant 32 : i32
        %parallel_loop3A_344 = arith.addi %parallel_loop3A_117, %parallel_loop3A_343 : i32
        %parallel_loop3A_345 = arith.index_cast %parallel_loop3A_344 : i32 to index
        %parallel_loop3A_346 = tpu.vector_load %arg13[%parallel_loop3A_345] {strides = array<i32>} : memref<8192xi32, #tpu.memory_space<vmem>>, vector<16xi32>,
        tpu.vector_store %arg13[%parallel_loop3A_345], %broadcast_in_dim3A_29 {strides = array<i32>} : memref<8192xi32, #tpu.memory_space<vmem>>, vector<16xi32>,
        %parallel_loop3A_347 = arith.constant 48 : i32
        %parallel_loop3A_348 = arith.addi %parallel_loop3A_117, %parallel_loop3A_347 : i32
        %parallel_loop3A_349 = arith.index_cast %parallel_loop3A_348 : i32 to index
        %parallel_loop3A_350 = tpu.vector_load %arg13[%parallel_loop3A_349] {strides = array<i32>} : memref<8192xi32, #tpu.memory_space<vmem>>, vector<16xi32>,
        tpu.vector_store %arg13[%parallel_loop3A_349], %broadcast_in_dim3A_29 {strides = array<i32>} : memref<8192xi32, #tpu.memory_space<vmem>>, vector<16xi32>,
        %parallel_loop3A_351 = arith.addi %parallel_loop3A_118, %parallel_loop3A_286 : vector<16xi32>
        tpu.vector_store_idx %arg13[%parallel_loop3A_351], %broadcast_in_dim3A_27 {add = true} : memref<8192xi32, #tpu.memory_space<vmem>>[vector<16xi32>], vector<16xi32>,
        %parallel_loop3A_352 = arith.addi %parallel_loop3A_118, %parallel_loop3A_302 : vector<16xi32>
        tpu.vector_store_idx %arg13[%parallel_loop3A_352], %broadcast_in_dim3A_27 {add = true} : memref<8192xi32, #tpu.memory_space<vmem>>[vector<16xi32>], vector<16xi32>,
        %parallel_loop3A_353 = arith.addi %parallel_loop3A_118, %parallel_loop3A_318 : vector<16xi32>
        tpu.vector_store_idx %arg13[%parallel_loop3A_353], %broadcast_in_dim3A_27 {add = true} : memref<8192xi32, #tpu.memory_space<vmem>>[vector<16xi32>], vector<16xi32>,
        %parallel_loop3A_354 = arith.addi %parallel_loop3A_118, %parallel_loop3A_334 : vector<16xi32>
        tpu.vector_store_idx %arg13[%parallel_loop3A_354], %broadcast_in_dim3A_27 masked %lt3A_37 {add = true} : memref<8192xi32, #tpu.memory_space<vmem>>[vector<16xi32>], vector<16xi32>, vector<16xi1>
        %parallel_loop3A_355 = arith.constant 0 : i32
        %parallel_loop3A_356 = arith.addi %parallel_loop3A_117, %parallel_loop3A_355 : i32
        %parallel_loop3A_357 = arith.index_cast %parallel_loop3A_356 : i32 to index
        %parallel_loop3A_358 = tpu.vector_load %arg13[%parallel_loop3A_357] {strides = array<i32>} : memref<8192xi32, #tpu.memory_space<vmem>>, vector<16xi32>,
        %parallel_loop3A_359 = arith.constant true
        %parallel_loop3A_360 = vector.broadcast %parallel_loop3A_359 : i1 to vector<16xi1>
        %parallel_loop3A_361 = tpu.scan <sum>, %parallel_loop3A_358 masked %parallel_loop3A_360 : vector<16xi32>, vector<16xi1> -> vector<16xi32>
        %parallel_loop3A_362 = arith.constant 0 : i32
        %parallel_loop3A_363 = arith.addi %parallel_loop3A_117, %parallel_loop3A_362 : i32
        %parallel_loop3A_364 = arith.index_cast %parallel_loop3A_363 : i32 to index
        %parallel_loop3A_365 = tpu.vector_load %arg13[%parallel_loop3A_364] {strides = array<i32>} : memref<8192xi32, #tpu.memory_space<vmem>>, vector<16xi32>,
        tpu.vector_store %arg13[%parallel_loop3A_364], %parallel_loop3A_361 {strides = array<i32>} : memref<8192xi32, #tpu.memory_space<vmem>>, vector<16xi32>,
        %parallel_loop3A_366 = arith.constant 16 : i32
        %parallel_loop3A_367 = arith.addi %parallel_loop3A_117, %parallel_loop3A_366 : i32
        %parallel_loop3A_368 = arith.index_cast %parallel_loop3A_367 : i32 to index
        %parallel_loop3A_369 = tpu.vector_load %arg13[%parallel_loop3A_368] {strides = array<i32>} : memref<8192xi32, #tpu.memory_space<vmem>>, vector<16xi32>,
        %parallel_loop3A_370 = arith.constant true
        %parallel_loop3A_371 = vector.broadcast %parallel_loop3A_370 : i1 to vector<16xi1>
        %parallel_loop3A_372 = tpu.scan <sum>, %parallel_loop3A_369 masked %parallel_loop3A_371 : vector<16xi32>, vector<16xi1> -> vector<16xi32>
        %parallel_loop3A_373 = arith.constant 16 : i32
        %parallel_loop3A_374 = arith.addi %parallel_loop3A_117, %parallel_loop3A_373 : i32
        %parallel_loop3A_375 = arith.index_cast %parallel_loop3A_374 : i32 to index
        %parallel_loop3A_376 = tpu.vector_load %arg13[%parallel_loop3A_375] {strides = array<i32>} : memref<8192xi32, #tpu.memory_space<vmem>>, vector<16xi32>,
        tpu.vector_store %arg13[%parallel_loop3A_375], %parallel_loop3A_372 {strides = array<i32>} : memref<8192xi32, #tpu.memory_space<vmem>>, vector<16xi32>,
        %parallel_loop3A_377 = arith.constant 32 : i32
        %parallel_loop3A_378 = arith.addi %parallel_loop3A_117, %parallel_loop3A_377 : i32
        %parallel_loop3A_379 = arith.index_cast %parallel_loop3A_378 : i32 to index
        %parallel_loop3A_380 = tpu.vector_load %arg13[%parallel_loop3A_379] {strides = array<i32>} : memref<8192xi32, #tpu.memory_space<vmem>>, vector<16xi32>,
        %parallel_loop3A_381 = arith.constant true
        %parallel_loop3A_382 = vector.broadcast %parallel_loop3A_381 : i1 to vector<16xi1>
        %parallel_loop3A_383 = tpu.scan <sum>, %parallel_loop3A_380 masked %parallel_loop3A_382 : vector<16xi32>, vector<16xi1> -> vector<16xi32>
        %parallel_loop3A_384 = arith.constant 32 : i32
        %parallel_loop3A_385 = arith.addi %parallel_loop3A_117, %parallel_loop3A_384 : i32
        %parallel_loop3A_386 = arith.index_cast %parallel_loop3A_385 : i32 to index
        %parallel_loop3A_387 = tpu.vector_load %arg13[%parallel_loop3A_386] {strides = array<i32>} : memref<8192xi32, #tpu.memory_space<vmem>>, vector<16xi32>,
        tpu.vector_store %arg13[%parallel_loop3A_386], %parallel_loop3A_383 {strides = array<i32>} : memref<8192xi32, #tpu.memory_space<vmem>>, vector<16xi32>,
        %parallel_loop3A_388 = arith.constant 48 : i32
        %parallel_loop3A_389 = arith.addi %parallel_loop3A_117, %parallel_loop3A_388 : i32
        %parallel_loop3A_390 = arith.index_cast %parallel_loop3A_389 : i32 to index
        %parallel_loop3A_391 = tpu.vector_load %arg13[%parallel_loop3A_390] {strides = array<i32>} : memref<8192xi32, #tpu.memory_space<vmem>>, vector<16xi32>,
        %parallel_loop3A_392 = arith.constant true
        %parallel_loop3A_393 = vector.broadcast %parallel_loop3A_392 : i1 to vector<16xi1>
        %parallel_loop3A_394 = tpu.scan <sum>, %parallel_loop3A_391 masked %parallel_loop3A_393 : vector<16xi32>, vector<16xi1> -> vector<16xi32>
        %parallel_loop3A_395 = arith.constant 48 : i32
        %parallel_loop3A_396 = arith.addi %parallel_loop3A_117, %parallel_loop3A_395 : i32
        %parallel_loop3A_397 = arith.index_cast %parallel_loop3A_396 : i32 to index
        %parallel_loop3A_398 = tpu.vector_load %arg13[%parallel_loop3A_397] {strides = array<i32>} : memref<8192xi32, #tpu.memory_space<vmem>>, vector<16xi32>,
        tpu.vector_store %arg13[%parallel_loop3A_397], %parallel_loop3A_394 {strides = array<i32>} : memref<8192xi32, #tpu.memory_space<vmem>>, vector<16xi32>,
        %parallel_loop3A_399 = arith.constant 15 : i32
        %parallel_loop3A_400 = vector.broadcast %parallel_loop3A_399 : i32 to vector<16xi32>
        %parallel_loop3A_401 = arith.addi %parallel_loop3A_118, %parallel_loop3A_400 : vector<16xi32>
        %parallel_loop3A_402 = tpu.vector_load_idx %arg13[%parallel_loop3A_401] : memref<8192xi32, #tpu.memory_space<vmem>>[vector<16xi32>], vector<16xi32>,
        %parallel_loop3A_403 = arith.constant 31 : i32
        %parallel_loop3A_404 = vector.broadcast %parallel_loop3A_403 : i32 to vector<16xi32>
        %parallel_loop3A_405 = arith.addi %parallel_loop3A_118, %parallel_loop3A_404 : vector<16xi32>
        %parallel_loop3A_406 = tpu.vector_load_idx %arg13[%parallel_loop3A_405] : memref<8192xi32, #tpu.memory_space<vmem>>[vector<16xi32>], vector<16xi32>,
        %parallel_loop3A_407 = arith.constant 47 : i32
        %parallel_loop3A_408 = vector.broadcast %parallel_loop3A_407 : i32 to vector<16xi32>
        %parallel_loop3A_409 = arith.addi %parallel_loop3A_118, %parallel_loop3A_408 : vector<16xi32>
        %parallel_loop3A_410 = tpu.vector_load_idx %arg13[%parallel_loop3A_409] : memref<8192xi32, #tpu.memory_space<vmem>>[vector<16xi32>], vector<16xi32>,
        %parallel_loop3A_411 = arith.addi %parallel_loop3A_402, %parallel_loop3A_406 : vector<16xi32>
        %parallel_loop3A_412 = arith.addi %parallel_loop3A_402, %parallel_loop3A_406 : vector<16xi32>
        %parallel_loop3A_413 = arith.addi %parallel_loop3A_412, %parallel_loop3A_410 : vector<16xi32>
        %parallel_loop3A_414 = arith.subi %parallel_loop3A_361, %broadcast_in_dim3A_27 : vector<16xi32>
        %parallel_loop3A_415 = arith.addi %parallel_loop3A_118, %parallel_loop3A_414 : vector<16xi32>
        %parallel_loop3A_416 = arith.minsi %parallel_loop3A_361, %broadcast_in_dim3A_33 : vector<16xi32>
        %parallel_loop3A_417 = arith.addi %parallel_loop3A_118, %parallel_loop3A_416 : vector<16xi32>
        %parallel_loop3A_418 = tpu.vector_load_idx %arg11[%parallel_loop3A_415] : memref<8192xf32, #tpu.memory_space<vmem>>[vector<16xi32>], vector<16xf32>,
        %parallel_loop3A_419 = tpu.vector_load_idx %arg11[%parallel_loop3A_417] : memref<8192xf32, #tpu.memory_space<vmem>>[vector<16xi32>], vector<16xf32>,
        %parallel_loop3A_420 = tpu.vector_load_idx %arg12[%parallel_loop3A_415] : memref<8192xf32, #tpu.memory_space<vmem>>[vector<16xi32>], vector<16xf32>,
        %parallel_loop3A_421 = tpu.vector_load_idx %arg12[%parallel_loop3A_417] : memref<8192xf32, #tpu.memory_space<vmem>>[vector<16xi32>], vector<16xf32>,
        %parallel_loop3A_422 = arith.subf %parallel_loop3A_419, %parallel_loop3A_418 : vector<16xf32>
        %parallel_loop3A_423 = arith.constant 9.99999974E-6 : f32
        %parallel_loop3A_424 = vector.broadcast %parallel_loop3A_423 : f32 to vector<16xf32>
        %parallel_loop3A_425 = arith.cmpf olt, %parallel_loop3A_422, %parallel_loop3A_424 : vector<16xf32>
        %parallel_loop3A_426 = arith.select %parallel_loop3A_425, %broadcast_in_dim3A_31, %parallel_loop3A_422 : vector<16xi1>, vector<16xf32>
        %parallel_loop3A_427 = arith.subf %add3A_8, %parallel_loop3A_418 : vector<16xf32>
        %parallel_loop3A_428 = arith.divf %parallel_loop3A_427, %parallel_loop3A_426 : vector<16xf32>
        %parallel_loop3A_429 = arith.subf %parallel_loop3A_421, %parallel_loop3A_420 : vector<16xf32>
        %parallel_loop3A_430 = arith.mulf %parallel_loop3A_428, %parallel_loop3A_429 : vector<16xf32>
        %parallel_loop3A_431 = arith.addf %parallel_loop3A_420, %parallel_loop3A_430 : vector<16xf32>
        %parallel_loop3A_432 = arith.addi %parallel_loop3A_372, %parallel_loop3A_402 : vector<16xi32>
        %parallel_loop3A_433 = arith.subi %parallel_loop3A_432, %broadcast_in_dim3A_27 : vector<16xi32>
        %parallel_loop3A_434 = arith.addi %parallel_loop3A_118, %parallel_loop3A_433 : vector<16xi32>
        %parallel_loop3A_435 = arith.minsi %parallel_loop3A_432, %broadcast_in_dim3A_33 : vector<16xi32>
        %parallel_loop3A_436 = arith.addi %parallel_loop3A_118, %parallel_loop3A_435 : vector<16xi32>
        %parallel_loop3A_437 = tpu.vector_load_idx %arg11[%parallel_loop3A_434] : memref<8192xf32, #tpu.memory_space<vmem>>[vector<16xi32>], vector<16xf32>,
        %parallel_loop3A_438 = tpu.vector_load_idx %arg11[%parallel_loop3A_436] : memref<8192xf32, #tpu.memory_space<vmem>>[vector<16xi32>], vector<16xf32>,
        %parallel_loop3A_439 = tpu.vector_load_idx %arg12[%parallel_loop3A_434] : memref<8192xf32, #tpu.memory_space<vmem>>[vector<16xi32>], vector<16xf32>,
        %parallel_loop3A_440 = tpu.vector_load_idx %arg12[%parallel_loop3A_436] : memref<8192xf32, #tpu.memory_space<vmem>>[vector<16xi32>], vector<16xf32>,
        %parallel_loop3A_441 = arith.subf %parallel_loop3A_438, %parallel_loop3A_437 : vector<16xf32>
        %parallel_loop3A_442 = arith.constant 9.99999974E-6 : f32
        %parallel_loop3A_443 = vector.broadcast %parallel_loop3A_442 : f32 to vector<16xf32>
        %parallel_loop3A_444 = arith.cmpf olt, %parallel_loop3A_441, %parallel_loop3A_443 : vector<16xf32>
        %parallel_loop3A_445 = arith.select %parallel_loop3A_444, %broadcast_in_dim3A_31, %parallel_loop3A_441 : vector<16xi1>, vector<16xf32>
        %parallel_loop3A_446 = arith.subf %add3A_14, %parallel_loop3A_437 : vector<16xf32>
        %parallel_loop3A_447 = arith.divf %parallel_loop3A_446, %parallel_loop3A_445 : vector<16xf32>
        %parallel_loop3A_448 = arith.subf %parallel_loop3A_440, %parallel_loop3A_439 : vector<16xf32>
        %parallel_loop3A_449 = arith.mulf %parallel_loop3A_447, %parallel_loop3A_448 : vector<16xf32>
        %parallel_loop3A_450 = arith.addf %parallel_loop3A_439, %parallel_loop3A_449 : vector<16xf32>
        %parallel_loop3A_451 = arith.addi %parallel_loop3A_383, %parallel_loop3A_411 : vector<16xi32>
        %parallel_loop3A_452 = arith.subi %parallel_loop3A_451, %broadcast_in_dim3A_27 : vector<16xi32>
        %parallel_loop3A_453 = arith.addi %parallel_loop3A_118, %parallel_loop3A_452 : vector<16xi32>
        %parallel_loop3A_454 = arith.minsi %parallel_loop3A_451, %broadcast_in_dim3A_33 : vector<16xi32>
        %parallel_loop3A_455 = arith.addi %parallel_loop3A_118, %parallel_loop3A_454 : vector<16xi32>
        %parallel_loop3A_456 = tpu.vector_load_idx %arg11[%parallel_loop3A_453] : memref<8192xf32, #tpu.memory_space<vmem>>[vector<16xi32>], vector<16xf32>,
        %parallel_loop3A_457 = tpu.vector_load_idx %arg11[%parallel_loop3A_455] : memref<8192xf32, #tpu.memory_space<vmem>>[vector<16xi32>], vector<16xf32>,
        %parallel_loop3A_458 = tpu.vector_load_idx %arg12[%parallel_loop3A_453] : memref<8192xf32, #tpu.memory_space<vmem>>[vector<16xi32>], vector<16xf32>,
        %parallel_loop3A_459 = tpu.vector_load_idx %arg12[%parallel_loop3A_455] : memref<8192xf32, #tpu.memory_space<vmem>>[vector<16xi32>], vector<16xf32>,
        %parallel_loop3A_460 = arith.subf %parallel_loop3A_457, %parallel_loop3A_456 : vector<16xf32>
        %parallel_loop3A_461 = arith.constant 9.99999974E-6 : f32
        %parallel_loop3A_462 = vector.broadcast %parallel_loop3A_461 : f32 to vector<16xf32>
        %parallel_loop3A_463 = arith.cmpf olt, %parallel_loop3A_460, %parallel_loop3A_462 : vector<16xf32>
        %parallel_loop3A_464 = arith.select %parallel_loop3A_463, %broadcast_in_dim3A_31, %parallel_loop3A_460 : vector<16xi1>, vector<16xf32>
        %parallel_loop3A_465 = arith.subf %add3A_20, %parallel_loop3A_456 : vector<16xf32>
        %parallel_loop3A_466 = arith.divf %parallel_loop3A_465, %parallel_loop3A_464 : vector<16xf32>
        %parallel_loop3A_467 = arith.subf %parallel_loop3A_459, %parallel_loop3A_458 : vector<16xf32>
        %parallel_loop3A_468 = arith.mulf %parallel_loop3A_466, %parallel_loop3A_467 : vector<16xf32>
        %parallel_loop3A_469 = arith.addf %parallel_loop3A_458, %parallel_loop3A_468 : vector<16xf32>
        %parallel_loop3A_470 = arith.addi %parallel_loop3A_394, %parallel_loop3A_413 : vector<16xi32>
        %parallel_loop3A_471 = arith.subi %parallel_loop3A_470, %broadcast_in_dim3A_27 : vector<16xi32>
        %parallel_loop3A_472 = arith.addi %parallel_loop3A_118, %parallel_loop3A_471 : vector<16xi32>
        %parallel_loop3A_473 = arith.minsi %parallel_loop3A_470, %broadcast_in_dim3A_33 : vector<16xi32>
        %parallel_loop3A_474 = arith.addi %parallel_loop3A_118, %parallel_loop3A_473 : vector<16xi32>
        %parallel_loop3A_475 = tpu.vector_load_idx %arg11[%parallel_loop3A_472] : memref<8192xf32, #tpu.memory_space<vmem>>[vector<16xi32>], vector<16xf32>,
        %parallel_loop3A_476 = tpu.vector_load_idx %arg11[%parallel_loop3A_474] : memref<8192xf32, #tpu.memory_space<vmem>>[vector<16xi32>], vector<16xf32>,
        %parallel_loop3A_477 = tpu.vector_load_idx %arg12[%parallel_loop3A_472] : memref<8192xf32, #tpu.memory_space<vmem>>[vector<16xi32>], vector<16xf32>,
        %parallel_loop3A_478 = tpu.vector_load_idx %arg12[%parallel_loop3A_474] : memref<8192xf32, #tpu.memory_space<vmem>>[vector<16xi32>], vector<16xf32>,
        %parallel_loop3A_479 = arith.subf %parallel_loop3A_476, %parallel_loop3A_475 : vector<16xf32>
        %parallel_loop3A_480 = arith.constant 9.99999974E-6 : f32
        %parallel_loop3A_481 = vector.broadcast %parallel_loop3A_480 : f32 to vector<16xf32>
        %parallel_loop3A_482 = arith.cmpf olt, %parallel_loop3A_479, %parallel_loop3A_481 : vector<16xf32>
        %parallel_loop3A_483 = arith.select %parallel_loop3A_482, %broadcast_in_dim3A_31, %parallel_loop3A_479 : vector<16xi1>, vector<16xf32>
        %parallel_loop3A_484 = arith.subf %add3A_26, %parallel_loop3A_475 : vector<16xf32>
        %parallel_loop3A_485 = arith.divf %parallel_loop3A_484, %parallel_loop3A_483 : vector<16xf32>
        %parallel_loop3A_486 = arith.subf %parallel_loop3A_478, %parallel_loop3A_477 : vector<16xf32>
        %parallel_loop3A_487 = arith.mulf %parallel_loop3A_485, %parallel_loop3A_486 : vector<16xf32>
        %parallel_loop3A_488 = arith.addf %parallel_loop3A_477, %parallel_loop3A_487 : vector<16xf32>
        %parallel_loop3A_489 = arith.constant 15 : i32
        %parallel_loop3A_490 = vector.broadcast %parallel_loop3A_489 : i32 to vector<16xi32>
        %parallel_loop3A_491 = tpu.iota {dimensions = array<i32: 0>} : vector<16xi32>
        %parallel_loop3A_492 = arith.subi %parallel_loop3A_490, %parallel_loop3A_491 : vector<16xi32>
        %parallel_loop3A_493 = tpu.dynamic_gather %parallel_loop3A_488[%parallel_loop3A_492] in [0] : vector<16xf32>, vector<16xi32> -> vector<16xf32>
        %parallel_loop3A_494 = arith.constant 15 : i32
        %parallel_loop3A_495 = vector.broadcast %parallel_loop3A_494 : i32 to vector<16xi32>
        %parallel_loop3A_496 = tpu.iota {dimensions = array<i32: 0>} : vector<16xi32>
        %parallel_loop3A_497 = arith.subi %parallel_loop3A_495, %parallel_loop3A_496 : vector<16xi32>
        %parallel_loop3A_498 = tpu.dynamic_gather %parallel_loop3A_469[%parallel_loop3A_497] in [0] : vector<16xf32>, vector<16xi32> -> vector<16xf32>
        %parallel_loop3A_499 = arith.constant 15 : i32
        %parallel_loop3A_500 = vector.broadcast %parallel_loop3A_499 : i32 to vector<16xi32>
        %parallel_loop3A_501 = tpu.iota {dimensions = array<i32: 0>} : vector<16xi32>
        %parallel_loop3A_502 = arith.subi %parallel_loop3A_500, %parallel_loop3A_501 : vector<16xi32>
        %parallel_loop3A_503 = tpu.dynamic_gather %parallel_loop3A_450[%parallel_loop3A_502] in [0] : vector<16xf32>, vector<16xi32> -> vector<16xf32>
        %parallel_loop3A_504 = arith.constant 15 : i32
        %parallel_loop3A_505 = vector.broadcast %parallel_loop3A_504 : i32 to vector<16xi32>
        %parallel_loop3A_506 = tpu.iota {dimensions = array<i32: 0>} : vector<16xi32>
        %parallel_loop3A_507 = arith.subi %parallel_loop3A_505, %parallel_loop3A_506 : vector<16xi32>
        %parallel_loop3A_508 = tpu.dynamic_gather %parallel_loop3A_431[%parallel_loop3A_507] in [0] : vector<16xf32>, vector<16xi32> -> vector<16xf32>
        %parallel_loop3A_509 = arith.minimumf %parallel_loop3A_122, %parallel_loop3A_493 : vector<16xf32>
        %parallel_loop3A_510 = arith.maximumf %parallel_loop3A_122, %parallel_loop3A_493 : vector<16xf32>
        %parallel_loop3A_511 = arith.minimumf %parallel_loop3A_126, %parallel_loop3A_498 : vector<16xf32>
        %parallel_loop3A_512 = arith.maximumf %parallel_loop3A_126, %parallel_loop3A_498 : vector<16xf32>
        %parallel_loop3A_513 = arith.minimumf %parallel_loop3A_130, %parallel_loop3A_503 : vector<16xf32>
        %parallel_loop3A_514 = arith.maximumf %parallel_loop3A_130, %parallel_loop3A_503 : vector<16xf32>
        %parallel_loop3A_515 = arith.minimumf %parallel_loop3A_134, %parallel_loop3A_508 : vector<16xf32>
        %parallel_loop3A_516 = arith.maximumf %parallel_loop3A_134, %parallel_loop3A_508 : vector<16xf32>
        %parallel_loop3A_517 = arith.minimumf %parallel_loop3A_509, %parallel_loop3A_513 : vector<16xf32>
        %parallel_loop3A_518 = arith.maximumf %parallel_loop3A_509, %parallel_loop3A_513 : vector<16xf32>
        %parallel_loop3A_519 = arith.minimumf %parallel_loop3A_511, %parallel_loop3A_515 : vector<16xf32>
        %parallel_loop3A_520 = arith.maximumf %parallel_loop3A_511, %parallel_loop3A_515 : vector<16xf32>
        %parallel_loop3A_521 = arith.minimumf %parallel_loop3A_510, %parallel_loop3A_514 : vector<16xf32>
        %parallel_loop3A_522 = arith.maximumf %parallel_loop3A_510, %parallel_loop3A_514 : vector<16xf32>
        %parallel_loop3A_523 = arith.minimumf %parallel_loop3A_512, %parallel_loop3A_516 : vector<16xf32>
        %parallel_loop3A_524 = arith.maximumf %parallel_loop3A_512, %parallel_loop3A_516 : vector<16xf32>
        %parallel_loop3A_525 = arith.minimumf %parallel_loop3A_517, %parallel_loop3A_519 : vector<16xf32>
        %parallel_loop3A_526 = arith.maximumf %parallel_loop3A_517, %parallel_loop3A_519 : vector<16xf32>
        %parallel_loop3A_527 = arith.minimumf %parallel_loop3A_518, %parallel_loop3A_520 : vector<16xf32>
        %parallel_loop3A_528 = arith.maximumf %parallel_loop3A_518, %parallel_loop3A_520 : vector<16xf32>
        %parallel_loop3A_529 = arith.minimumf %parallel_loop3A_521, %parallel_loop3A_523 : vector<16xf32>
        %parallel_loop3A_530 = arith.maximumf %parallel_loop3A_521, %parallel_loop3A_523 : vector<16xf32>
        %parallel_loop3A_531 = arith.minimumf %parallel_loop3A_522, %parallel_loop3A_524 : vector<16xf32>
        %parallel_loop3A_532 = arith.maximumf %parallel_loop3A_522, %parallel_loop3A_524 : vector<16xf32>
        %parallel_loop3A_533 = arith.constant dense<true> : vector<16xi1>
        %parallel_loop3A_534, %parallel_loop3A_535, %parallel_loop3A_536 = tpu.sort %parallel_loop3A_525, %parallel_loop3A_525 masked %parallel_loop3A_533 : (vector<16xf32>, vector<16xf32>, vector<16xi1>) -> (vector<16xi1>, vector<16xf32>, vector<16xf32>)
        %parallel_loop3A_537 = arith.index_cast %parallel_loop3A_115 : i32 to index
        %parallel_loop3A_538 = arith.constant 0 : index
        %parallel_loop3A_539 = tpu.vector_load %arg7[%parallel_loop3A_537, %parallel_loop3A_538] {strides = array<i32>} : memref<128x128xf32, #tpu.memory_space<vmem>>, vector<16xf32>,
        tpu.vector_store %arg7[%parallel_loop3A_537, %parallel_loop3A_538], %parallel_loop3A_535 {strides = array<i32>} : memref<128x128xf32, #tpu.memory_space<vmem>>, vector<16xf32>,
        %parallel_loop3A_540 = arith.constant dense<true> : vector<16xi1>
        %parallel_loop3A_541, %parallel_loop3A_542, %parallel_loop3A_543 = tpu.sort %parallel_loop3A_526, %parallel_loop3A_526 masked %parallel_loop3A_540 : (vector<16xf32>, vector<16xf32>, vector<16xi1>) -> (vector<16xi1>, vector<16xf32>, vector<16xf32>)
        %parallel_loop3A_544 = arith.index_cast %parallel_loop3A_115 : i32 to index
        %parallel_loop3A_545 = arith.constant 16 : index
        %parallel_loop3A_546 = tpu.vector_load %arg7[%parallel_loop3A_544, %parallel_loop3A_545] {strides = array<i32>} : memref<128x128xf32, #tpu.memory_space<vmem>>, vector<16xf32>,
        tpu.vector_store %arg7[%parallel_loop3A_544, %parallel_loop3A_545], %parallel_loop3A_542 {strides = array<i32>} : memref<128x128xf32, #tpu.memory_space<vmem>>, vector<16xf32>,
        %parallel_loop3A_547 = arith.constant dense<true> : vector<16xi1>
        %parallel_loop3A_548, %parallel_loop3A_549, %parallel_loop3A_550 = tpu.sort %parallel_loop3A_527, %parallel_loop3A_527 masked %parallel_loop3A_547 : (vector<16xf32>, vector<16xf32>, vector<16xi1>) -> (vector<16xi1>, vector<16xf32>, vector<16xf32>)
        %parallel_loop3A_551 = arith.index_cast %parallel_loop3A_115 : i32 to index
        %parallel_loop3A_552 = arith.constant 32 : index
        %parallel_loop3A_553 = tpu.vector_load %arg7[%parallel_loop3A_551, %parallel_loop3A_552] {strides = array<i32>} : memref<128x128xf32, #tpu.memory_space<vmem>>, vector<16xf32>,
        tpu.vector_store %arg7[%parallel_loop3A_551, %parallel_loop3A_552], %parallel_loop3A_549 {strides = array<i32>} : memref<128x128xf32, #tpu.memory_space<vmem>>, vector<16xf32>,
        %parallel_loop3A_554 = arith.constant dense<true> : vector<16xi1>
        %parallel_loop3A_555, %parallel_loop3A_556, %parallel_loop3A_557 = tpu.sort %parallel_loop3A_528, %parallel_loop3A_528 masked %parallel_loop3A_554 : (vector<16xf32>, vector<16xf32>, vector<16xi1>) -> (vector<16xi1>, vector<16xf32>, vector<16xf32>)
        %parallel_loop3A_558 = arith.index_cast %parallel_loop3A_115 : i32 to index
        %parallel_loop3A_559 = arith.constant 48 : index
        %parallel_loop3A_560 = tpu.vector_load %arg7[%parallel_loop3A_558, %parallel_loop3A_559] {strides = array<i32>} : memref<128x128xf32, #tpu.memory_space<vmem>>, vector<16xf32>,
        tpu.vector_store %arg7[%parallel_loop3A_558, %parallel_loop3A_559], %parallel_loop3A_556 {strides = array<i32>} : memref<128x128xf32, #tpu.memory_space<vmem>>, vector<16xf32>,
        %parallel_loop3A_561 = arith.constant dense<true> : vector<16xi1>
        %parallel_loop3A_562, %parallel_loop3A_563, %parallel_loop3A_564 = tpu.sort %parallel_loop3A_529, %parallel_loop3A_529 masked %parallel_loop3A_561 : (vector<16xf32>, vector<16xf32>, vector<16xi1>) -> (vector<16xi1>, vector<16xf32>, vector<16xf32>)
        %parallel_loop3A_565 = arith.index_cast %parallel_loop3A_115 : i32 to index
        %parallel_loop3A_566 = arith.constant 64 : index
        %parallel_loop3A_567 = tpu.vector_load %arg7[%parallel_loop3A_565, %parallel_loop3A_566] {strides = array<i32>} : memref<128x128xf32, #tpu.memory_space<vmem>>, vector<16xf32>,
        tpu.vector_store %arg7[%parallel_loop3A_565, %parallel_loop3A_566], %parallel_loop3A_563 {strides = array<i32>} : memref<128x128xf32, #tpu.memory_space<vmem>>, vector<16xf32>,
        %parallel_loop3A_568 = arith.constant dense<true> : vector<16xi1>
        %parallel_loop3A_569, %parallel_loop3A_570, %parallel_loop3A_571 = tpu.sort %parallel_loop3A_530, %parallel_loop3A_530 masked %parallel_loop3A_568 : (vector<16xf32>, vector<16xf32>, vector<16xi1>) -> (vector<16xi1>, vector<16xf32>, vector<16xf32>)
        %parallel_loop3A_572 = arith.index_cast %parallel_loop3A_115 : i32 to index
        %parallel_loop3A_573 = arith.constant 80 : index
        %parallel_loop3A_574 = tpu.vector_load %arg7[%parallel_loop3A_572, %parallel_loop3A_573] {strides = array<i32>} : memref<128x128xf32, #tpu.memory_space<vmem>>, vector<16xf32>,
        tpu.vector_store %arg7[%parallel_loop3A_572, %parallel_loop3A_573], %parallel_loop3A_570 {strides = array<i32>} : memref<128x128xf32, #tpu.memory_space<vmem>>, vector<16xf32>,
        %parallel_loop3A_575 = arith.constant dense<true> : vector<16xi1>
        %parallel_loop3A_576, %parallel_loop3A_577, %parallel_loop3A_578 = tpu.sort %parallel_loop3A_531, %parallel_loop3A_531 masked %parallel_loop3A_575 : (vector<16xf32>, vector<16xf32>, vector<16xi1>) -> (vector<16xi1>, vector<16xf32>, vector<16xf32>)
        %parallel_loop3A_579 = arith.index_cast %parallel_loop3A_115 : i32 to index
        %parallel_loop3A_580 = arith.constant 96 : index
        %parallel_loop3A_581 = tpu.vector_load %arg7[%parallel_loop3A_579, %parallel_loop3A_580] {strides = array<i32>} : memref<128x128xf32, #tpu.memory_space<vmem>>, vector<16xf32>,
        tpu.vector_store %arg7[%parallel_loop3A_579, %parallel_loop3A_580], %parallel_loop3A_577 {strides = array<i32>} : memref<128x128xf32, #tpu.memory_space<vmem>>, vector<16xf32>,
        %parallel_loop3A_582 = arith.constant dense<true> : vector<16xi1>
        %parallel_loop3A_583, %parallel_loop3A_584, %parallel_loop3A_585 = tpu.sort %parallel_loop3A_532, %parallel_loop3A_532 masked %parallel_loop3A_582 : (vector<16xf32>, vector<16xf32>, vector<16xi1>) -> (vector<16xi1>, vector<16xf32>, vector<16xf32>)
        %parallel_loop3A_586 = arith.index_cast %parallel_loop3A_115 : i32 to index
        %parallel_loop3A_587 = arith.constant 112 : index
        %parallel_loop3A_588 = tpu.vector_load %arg7[%parallel_loop3A_586, %parallel_loop3A_587] {strides = array<i32>} : memref<128x128xf32, #tpu.memory_space<vmem>>, vector<16xf32>,
        tpu.vector_store %arg7[%parallel_loop3A_586, %parallel_loop3A_587], %parallel_loop3A_584 {strides = array<i32>} : memref<128x128xf32, #tpu.memory_space<vmem>>, vector<16xf32>,
      } {sc.loop_unroll_factor = 2 : i64, sc.parallel_access}
      %dma_start3A_90 = arith.constant 0 : i32
      %dma_start3A_91 = tpu.memref_slice %arg4[%add3A_66, %dma_start3A_90] : memref<65536x128xf32, #tpu.memory_space<hbm>> -> memref<128x128xf32, #tpu.memory_space<hbm>>
      %dma_start3A_92 = arith.constant 0 : i32
      %dma_start3A_93 = tpu.memref_slice %arg4[%add3A_66, %dma_start3A_92] : memref<65536x128xf32, #tpu.memory_space<hbm>> -> memref<128x128xf32, #tpu.memory_space<hbm>>
      tpu.enqueue_dma source(%arg7 : memref<128x128xf32, #tpu.memory_space<vmem>>) target(%dma_start3A_93 : memref<128x128xf32, #tpu.memory_space<hbm>>) target_semaphore(%arg16 : memref<!tpu.dma_semaphore, #tpu.memory_space<semaphore_mem>>)
      %lt3A_94 = arith.constant 7 : i32
      %lt3A_95 = arith.cmpi slt, %scan3A_61, %lt3A_94 : i32
      %convert_element_type3A_96 = arith.extui %lt3A_95 : i1 to i32
      %cond3A_97 = arith.constant 0 : i32
      %cond3A_98 = arith.cmpi ne, %convert_element_type3A_96, %cond3A_97 : i32
      scf.if %cond3A_98 {
        %add3A_115 = arith.constant 256 : i32
        %add3A_116 = arith.addi %add3A_66, %add3A_115 : i32
        %mul3A_117 = arith.constant 64 : i32
        %mul3A_118 = arith.muli %add3A_116, %mul3A_117 : i32
        %mul3A_119 = arith.constant 64 : i32
        %mul3A_120 = arith.muli %add3A_116, %mul3A_119 : i32
        %dma_start3A_121 = tpu.memref_slice %arg2[%mul3A_118] : memref<4194304xf32, #tpu.memory_space<hbm>> -> memref<8192xf32, #tpu.memory_space<hbm>>
        %dma_start3A_122 = tpu.memref_slice %arg2[%mul3A_118] : memref<4194304xf32, #tpu.memory_space<hbm>> -> memref<8192xf32, #tpu.memory_space<hbm>>
        tpu.enqueue_dma source(%dma_start3A_122 : memref<8192xf32, #tpu.memory_space<hbm>>) target(%arg5 : memref<8192xf32, #tpu.memory_space<vmem>>) target_semaphore(%arg14 : memref<!tpu.dma_semaphore, #tpu.memory_space<semaphore_mem>>)
        %dma_start3A_123 = tpu.memref_slice %arg3[%mul3A_120] : memref<4194304xf32, #tpu.memory_space<hbm>> -> memref<8192xf32, #tpu.memory_space<hbm>>
        %dma_start3A_124 = tpu.memref_slice %arg3[%mul3A_120] : memref<4194304xf32, #tpu.memory_space<hbm>> -> memref<8192xf32, #tpu.memory_space<hbm>>
        tpu.enqueue_dma source(%dma_start3A_124 : memref<8192xf32, #tpu.memory_space<hbm>>) target(%arg6 : memref<8192xf32, #tpu.memory_space<vmem>>) target_semaphore(%arg14 : memref<!tpu.dma_semaphore, #tpu.memory_space<semaphore_mem>>)
      } else {
      }
      %dma_wait3A_99 = tpu.memref_slice %arg2[%mul3A_70] : memref<4194304xf32, #tpu.memory_space<hbm>> -> memref<8192xf32, #tpu.memory_space<hbm>>
      %dma_wait3A_100 = tpu.memref_slice %arg2[%mul3A_70] : memref<4194304xf32, #tpu.memory_space<hbm>> -> memref<8192xf32, #tpu.memory_space<hbm>>
      tpu.wait_dma2 semaphore(%arg15 : memref<!tpu.dma_semaphore, #tpu.memory_space<semaphore_mem>>) src(%dma_wait3A_100 : memref<8192xf32, #tpu.memory_space<hbm>>) dst(%arg8 : memref<8192xf32, #tpu.memory_space<vmem>>)
      %dma_wait3A_101 = tpu.memref_slice %arg3[%mul3A_72] : memref<4194304xf32, #tpu.memory_space<hbm>> -> memref<8192xf32, #tpu.memory_space<hbm>>
      %dma_wait3A_102 = tpu.memref_slice %arg3[%mul3A_72] : memref<4194304xf32, #tpu.memory_space<hbm>> -> memref<8192xf32, #tpu.memory_space<hbm>>
      tpu.wait_dma2 semaphore(%arg15 : memref<!tpu.dma_semaphore, #tpu.memory_space<semaphore_mem>>) src(%dma_wait3A_102 : memref<8192xf32, #tpu.memory_space<hbm>>) dst(%arg9 : memref<8192xf32, #tpu.memory_space<vmem>>)
      %gt3A_103 = arith.constant 0 : i32
      %gt3A_104 = arith.cmpi sgt, %scan3A_61, %gt3A_103 : i32
      %convert_element_type3A_105 = arith.extui %gt3A_104 : i1 to i32
      %cond3A_106 = arith.constant 0 : i32
      %cond3A_107 = arith.cmpi ne, %convert_element_type3A_105, %cond3A_106 : i32
      scf.if %cond3A_107 {
        %sub3A = arith.constant 256 : i32
        %sub3A_115 = arith.subi %add3A_68, %sub3A : i32
        %dma_wait3A_116 = arith.constant 0 : i32
        %dma_wait3A_117 = tpu.memref_slice %arg4[%sub3A_115, %dma_wait3A_116] : memref<65536x128xf32, #tpu.memory_space<hbm>> -> memref<128x128xf32, #tpu.memory_space<hbm>>
        %dma_wait3A_118 = arith.constant 0 : i32
        %dma_wait3A_119 = tpu.memref_slice %arg4[%sub3A_115, %dma_wait3A_118] : memref<65536x128xf32, #tpu.memory_space<hbm>> -> memref<128x128xf32, #tpu.memory_space<hbm>>
        tpu.wait_dma2 semaphore(%arg17 : memref<!tpu.dma_semaphore, #tpu.memory_space<semaphore_mem>>) src(%arg10 : memref<128x128xf32, #tpu.memory_space<vmem>>) dst(%dma_wait3A_119 : memref<128x128xf32, #tpu.memory_space<hbm>>)
      } else {
      }
      %parallel_loop3A_108 = arith.constant 0 : i32
      %parallel_loop3A_109 = arith.constant 128 : i32
      %parallel_loop3A_110 = arith.constant 1 : i32
      scf.for %parallel_loop3A_115 = %parallel_loop3A_108 to %parallel_loop3A_109 step %parallel_loop3A_110  : i32 {
        %parallel_loop3A_116 = arith.constant 64 : i32
        %parallel_loop3A_117 = arith.muli %parallel_loop3A_115, %parallel_loop3A_116 : i32
        %parallel_loop3A_118 = vector.broadcast %parallel_loop3A_117 : i32 to vector<16xi32>
        %parallel_loop3A_119 = arith.constant 0 : i32
        %parallel_loop3A_120 = arith.addi %parallel_loop3A_117, %parallel_loop3A_119 : i32
        %parallel_loop3A_121 = arith.index_cast %parallel_loop3A_120 : i32 to index
        %parallel_loop3A_122 = tpu.vector_load %arg8[%parallel_loop3A_121] {strides = array<i32>} : memref<8192xf32, #tpu.memory_space<vmem>>, vector<16xf32>,
        %parallel_loop3A_123 = arith.constant 16 : i32
        %parallel_loop3A_124 = arith.addi %parallel_loop3A_117, %parallel_loop3A_123 : i32
        %parallel_loop3A_125 = arith.index_cast %parallel_loop3A_124 : i32 to index
        %parallel_loop3A_126 = tpu.vector_load %arg8[%parallel_loop3A_125] {strides = array<i32>} : memref<8192xf32, #tpu.memory_space<vmem>>, vector<16xf32>,
        %parallel_loop3A_127 = arith.constant 32 : i32
        %parallel_loop3A_128 = arith.addi %parallel_loop3A_117, %parallel_loop3A_127 : i32
        %parallel_loop3A_129 = arith.index_cast %parallel_loop3A_128 : i32 to index
        %parallel_loop3A_130 = tpu.vector_load %arg8[%parallel_loop3A_129] {strides = array<i32>} : memref<8192xf32, #tpu.memory_space<vmem>>, vector<16xf32>,
        %parallel_loop3A_131 = arith.constant 48 : i32
        %parallel_loop3A_132 = arith.addi %parallel_loop3A_117, %parallel_loop3A_131 : i32
        %parallel_loop3A_133 = arith.index_cast %parallel_loop3A_132 : i32 to index
        %parallel_loop3A_134 = tpu.vector_load %arg8[%parallel_loop3A_133] {strides = array<i32>} : memref<8192xf32, #tpu.memory_space<vmem>>, vector<16xf32>,
        %parallel_loop3A_135 = arith.constant 0 : i32
        %parallel_loop3A_136 = arith.addi %parallel_loop3A_117, %parallel_loop3A_135 : i32
        %parallel_loop3A_137 = arith.constant 1 : i32
        %parallel_loop3A_138 = arith.addi %parallel_loop3A_136, %parallel_loop3A_137 : i32
        %parallel_loop3A_139 = arith.index_cast %parallel_loop3A_138 : i32 to index
        %parallel_loop3A_140 = tpu.vector_load %arg8[%parallel_loop3A_139] {strides = array<i32>} : memref<8192xf32, #tpu.memory_space<vmem>>, vector<16xf32>,
        %parallel_loop3A_141 = arith.constant 16 : i32
        %parallel_loop3A_142 = arith.addi %parallel_loop3A_117, %parallel_loop3A_141 : i32
        %parallel_loop3A_143 = arith.constant 1 : i32
        %parallel_loop3A_144 = arith.addi %parallel_loop3A_142, %parallel_loop3A_143 : i32
        %parallel_loop3A_145 = arith.index_cast %parallel_loop3A_144 : i32 to index
        %parallel_loop3A_146 = tpu.vector_load %arg8[%parallel_loop3A_145] {strides = array<i32>} : memref<8192xf32, #tpu.memory_space<vmem>>, vector<16xf32>,
        %parallel_loop3A_147 = arith.constant 32 : i32
        %parallel_loop3A_148 = arith.addi %parallel_loop3A_117, %parallel_loop3A_147 : i32
        %parallel_loop3A_149 = arith.constant 1 : i32
        %parallel_loop3A_150 = arith.addi %parallel_loop3A_148, %parallel_loop3A_149 : i32
        %parallel_loop3A_151 = arith.index_cast %parallel_loop3A_150 : i32 to index
        %parallel_loop3A_152 = tpu.vector_load %arg8[%parallel_loop3A_151] {strides = array<i32>} : memref<8192xf32, #tpu.memory_space<vmem>>, vector<16xf32>,
        %parallel_loop3A_153 = arith.constant 49 : i32
        %parallel_loop3A_154 = vector.broadcast %parallel_loop3A_153 : i32 to vector<16xi32>
        %parallel_loop3A_155 = arith.addi %iota3A, %parallel_loop3A_154 : vector<16xi32>
        %parallel_loop3A_156 = arith.constant 63 : i32
        %parallel_loop3A_157 = vector.broadcast %parallel_loop3A_156 : i32 to vector<16xi32>
        %parallel_loop3A_158 = arith.minsi %parallel_loop3A_155, %parallel_loop3A_157 : vector<16xi32>
        %parallel_loop3A_159 = arith.addi %parallel_loop3A_118, %parallel_loop3A_158 : vector<16xi32>
        %parallel_loop3A_160 = tpu.vector_load_idx %arg8[%parallel_loop3A_159] : memref<8192xf32, #tpu.memory_space<vmem>>[vector<16xi32>], vector<16xf32>,
        %parallel_loop3A_161 = arith.addf %parallel_loop3A_122, %parallel_loop3A_140 : vector<16xf32>
        %parallel_loop3A_162 = arith.constant 5.000000e-01 : f32
        %parallel_loop3A_163 = vector.broadcast %parallel_loop3A_162 : f32 to vector<16xf32>
        %parallel_loop3A_164 = arith.mulf %parallel_loop3A_163, %parallel_loop3A_161 : vector<16xf32>
        %parallel_loop3A_165 = arith.constant 0 : i32
        %parallel_loop3A_166 = arith.addi %parallel_loop3A_117, %parallel_loop3A_165 : i32
        %parallel_loop3A_167 = arith.index_cast %parallel_loop3A_166 : i32 to index
        %parallel_loop3A_168 = tpu.vector_load %arg12[%parallel_loop3A_167] {strides = array<i32>} : memref<8192xf32, #tpu.memory_space<vmem>>, vector<16xf32>,
        tpu.vector_store %arg12[%parallel_loop3A_167], %parallel_loop3A_164 {strides = array<i32>} : memref<8192xf32, #tpu.memory_space<vmem>>, vector<16xf32>,
        %parallel_loop3A_169 = arith.addf %parallel_loop3A_126, %parallel_loop3A_146 : vector<16xf32>
        %parallel_loop3A_170 = arith.constant 5.000000e-01 : f32
        %parallel_loop3A_171 = vector.broadcast %parallel_loop3A_170 : f32 to vector<16xf32>
        %parallel_loop3A_172 = arith.mulf %parallel_loop3A_171, %parallel_loop3A_169 : vector<16xf32>
        %parallel_loop3A_173 = arith.constant 16 : i32
        %parallel_loop3A_174 = arith.addi %parallel_loop3A_117, %parallel_loop3A_173 : i32
        %parallel_loop3A_175 = arith.index_cast %parallel_loop3A_174 : i32 to index
        %parallel_loop3A_176 = tpu.vector_load %arg12[%parallel_loop3A_175] {strides = array<i32>} : memref<8192xf32, #tpu.memory_space<vmem>>, vector<16xf32>,
        tpu.vector_store %arg12[%parallel_loop3A_175], %parallel_loop3A_172 {strides = array<i32>} : memref<8192xf32, #tpu.memory_space<vmem>>, vector<16xf32>,
        %parallel_loop3A_177 = arith.addf %parallel_loop3A_130, %parallel_loop3A_152 : vector<16xf32>
        %parallel_loop3A_178 = arith.constant 5.000000e-01 : f32
        %parallel_loop3A_179 = vector.broadcast %parallel_loop3A_178 : f32 to vector<16xf32>
        %parallel_loop3A_180 = arith.mulf %parallel_loop3A_179, %parallel_loop3A_177 : vector<16xf32>
        %parallel_loop3A_181 = arith.constant 32 : i32
        %parallel_loop3A_182 = arith.addi %parallel_loop3A_117, %parallel_loop3A_181 : i32
        %parallel_loop3A_183 = arith.index_cast %parallel_loop3A_182 : i32 to index
        %parallel_loop3A_184 = tpu.vector_load %arg12[%parallel_loop3A_183] {strides = array<i32>} : memref<8192xf32, #tpu.memory_space<vmem>>, vector<16xf32>,
        tpu.vector_store %arg12[%parallel_loop3A_183], %parallel_loop3A_180 {strides = array<i32>} : memref<8192xf32, #tpu.memory_space<vmem>>, vector<16xf32>,
        %parallel_loop3A_185 = arith.addf %parallel_loop3A_134, %parallel_loop3A_160 : vector<16xf32>
        %parallel_loop3A_186 = arith.constant 5.000000e-01 : f32
        %parallel_loop3A_187 = vector.broadcast %parallel_loop3A_186 : f32 to vector<16xf32>
        %parallel_loop3A_188 = arith.mulf %parallel_loop3A_187, %parallel_loop3A_185 : vector<16xf32>
        %parallel_loop3A_189 = arith.constant 48 : i32
        %parallel_loop3A_190 = arith.addi %parallel_loop3A_117, %parallel_loop3A_189 : i32
        %parallel_loop3A_191 = arith.index_cast %parallel_loop3A_190 : i32 to index
        %parallel_loop3A_192 = tpu.vector_load %arg12[%parallel_loop3A_191] {strides = array<i32>} : memref<8192xf32, #tpu.memory_space<vmem>>, vector<16xf32>,
        tpu.vector_store %arg12[%parallel_loop3A_191], %parallel_loop3A_188 {strides = array<i32>} : memref<8192xf32, #tpu.memory_space<vmem>>, vector<16xf32>,
        %parallel_loop3A_193 = arith.constant 0 : i32
        %parallel_loop3A_194 = arith.addi %parallel_loop3A_117, %parallel_loop3A_193 : i32
        %parallel_loop3A_195 = arith.index_cast %parallel_loop3A_194 : i32 to index
        %parallel_loop3A_196 = tpu.vector_load %arg9[%parallel_loop3A_195] {strides = array<i32>} : memref<8192xf32, #tpu.memory_space<vmem>>, vector<16xf32>,
        %parallel_loop3A_197 = arith.constant 9.99999974E-6 : f32
        %parallel_loop3A_198 = vector.broadcast %parallel_loop3A_197 : f32 to vector<16xf32>
        %parallel_loop3A_199 = arith.addf %parallel_loop3A_196, %parallel_loop3A_198 : vector<16xf32>
        %parallel_loop3A_200 = arith.constant true
        %parallel_loop3A_201 = vector.broadcast %parallel_loop3A_200 : i1 to vector<16xi1>
        %parallel_loop3A_202 = tpu.scan <sum>, %parallel_loop3A_199 masked %parallel_loop3A_201 : vector<16xf32>, vector<16xi1> -> vector<16xf32>
        %parallel_loop3A_203 = arith.constant 0 : i32
        %parallel_loop3A_204 = arith.addi %parallel_loop3A_117, %parallel_loop3A_203 : i32
        %parallel_loop3A_205 = arith.index_cast %parallel_loop3A_204 : i32 to index
        %parallel_loop3A_206 = tpu.vector_load %arg11[%parallel_loop3A_205] {strides = array<i32>} : memref<8192xf32, #tpu.memory_space<vmem>>, vector<16xf32>,
        tpu.vector_store %arg11[%parallel_loop3A_205], %parallel_loop3A_202 {strides = array<i32>} : memref<8192xf32, #tpu.memory_space<vmem>>, vector<16xf32>,
        %parallel_loop3A_207 = arith.constant 16 : i32
        %parallel_loop3A_208 = arith.addi %parallel_loop3A_117, %parallel_loop3A_207 : i32
        %parallel_loop3A_209 = arith.index_cast %parallel_loop3A_208 : i32 to index
        %parallel_loop3A_210 = tpu.vector_load %arg9[%parallel_loop3A_209] {strides = array<i32>} : memref<8192xf32, #tpu.memory_space<vmem>>, vector<16xf32>,
        %parallel_loop3A_211 = arith.constant 9.99999974E-6 : f32
        %parallel_loop3A_212 = vector.broadcast %parallel_loop3A_211 : f32 to vector<16xf32>
        %parallel_loop3A_213 = arith.addf %parallel_loop3A_210, %parallel_loop3A_212 : vector<16xf32>
        %parallel_loop3A_214 = arith.constant true
        %parallel_loop3A_215 = vector.broadcast %parallel_loop3A_214 : i1 to vector<16xi1>
        %parallel_loop3A_216 = tpu.scan <sum>, %parallel_loop3A_213 masked %parallel_loop3A_215 : vector<16xf32>, vector<16xi1> -> vector<16xf32>
        %parallel_loop3A_217 = arith.constant 16 : i32
        %parallel_loop3A_218 = arith.addi %parallel_loop3A_117, %parallel_loop3A_217 : i32
        %parallel_loop3A_219 = arith.index_cast %parallel_loop3A_218 : i32 to index
        %parallel_loop3A_220 = tpu.vector_load %arg11[%parallel_loop3A_219] {strides = array<i32>} : memref<8192xf32, #tpu.memory_space<vmem>>, vector<16xf32>,
        tpu.vector_store %arg11[%parallel_loop3A_219], %parallel_loop3A_216 {strides = array<i32>} : memref<8192xf32, #tpu.memory_space<vmem>>, vector<16xf32>,
        %parallel_loop3A_221 = arith.constant 32 : i32
        %parallel_loop3A_222 = arith.addi %parallel_loop3A_117, %parallel_loop3A_221 : i32
        %parallel_loop3A_223 = arith.index_cast %parallel_loop3A_222 : i32 to index
        %parallel_loop3A_224 = tpu.vector_load %arg9[%parallel_loop3A_223] {strides = array<i32>} : memref<8192xf32, #tpu.memory_space<vmem>>, vector<16xf32>,
        %parallel_loop3A_225 = arith.constant 9.99999974E-6 : f32
        %parallel_loop3A_226 = vector.broadcast %parallel_loop3A_225 : f32 to vector<16xf32>
        %parallel_loop3A_227 = arith.addf %parallel_loop3A_224, %parallel_loop3A_226 : vector<16xf32>
        %parallel_loop3A_228 = arith.constant true
        %parallel_loop3A_229 = vector.broadcast %parallel_loop3A_228 : i1 to vector<16xi1>
        %parallel_loop3A_230 = tpu.scan <sum>, %parallel_loop3A_227 masked %parallel_loop3A_229 : vector<16xf32>, vector<16xi1> -> vector<16xf32>
        %parallel_loop3A_231 = arith.constant 32 : i32
        %parallel_loop3A_232 = arith.addi %parallel_loop3A_117, %parallel_loop3A_231 : i32
        %parallel_loop3A_233 = arith.index_cast %parallel_loop3A_232 : i32 to index
        %parallel_loop3A_234 = tpu.vector_load %arg11[%parallel_loop3A_233] {strides = array<i32>} : memref<8192xf32, #tpu.memory_space<vmem>>, vector<16xf32>,
        tpu.vector_store %arg11[%parallel_loop3A_233], %parallel_loop3A_230 {strides = array<i32>} : memref<8192xf32, #tpu.memory_space<vmem>>, vector<16xf32>,
        %parallel_loop3A_235 = arith.constant 48 : i32
        %parallel_loop3A_236 = arith.addi %parallel_loop3A_117, %parallel_loop3A_235 : i32
        %parallel_loop3A_237 = arith.index_cast %parallel_loop3A_236 : i32 to index
        %parallel_loop3A_238 = tpu.vector_load %arg9[%parallel_loop3A_237] {strides = array<i32>} : memref<8192xf32, #tpu.memory_space<vmem>>, vector<16xf32>,
        %parallel_loop3A_239 = arith.constant 9.99999974E-6 : f32
        %parallel_loop3A_240 = vector.broadcast %parallel_loop3A_239 : f32 to vector<16xf32>
        %parallel_loop3A_241 = arith.addf %parallel_loop3A_238, %parallel_loop3A_240 : vector<16xf32>
        %parallel_loop3A_242 = arith.constant true
        %parallel_loop3A_243 = vector.broadcast %parallel_loop3A_242 : i1 to vector<16xi1>
        %parallel_loop3A_244 = tpu.scan <sum>, %parallel_loop3A_241 masked %parallel_loop3A_243 : vector<16xf32>, vector<16xi1> -> vector<16xf32>
        %parallel_loop3A_245 = arith.constant 48 : i32
        %parallel_loop3A_246 = arith.addi %parallel_loop3A_117, %parallel_loop3A_245 : i32
        %parallel_loop3A_247 = arith.index_cast %parallel_loop3A_246 : i32 to index
        %parallel_loop3A_248 = tpu.vector_load %arg11[%parallel_loop3A_247] {strides = array<i32>} : memref<8192xf32, #tpu.memory_space<vmem>>, vector<16xf32>,
        tpu.vector_store %arg11[%parallel_loop3A_247], %parallel_loop3A_244 {strides = array<i32>} : memref<8192xf32, #tpu.memory_space<vmem>>, vector<16xf32>,
        %parallel_loop3A_249 = tpu.vector_load_idx %arg11[%parallel_loop3A_118] : memref<8192xf32, #tpu.memory_space<vmem>>[vector<16xi32>], vector<16xf32>,
        %parallel_loop3A_250 = arith.constant 15 : i32
        %parallel_loop3A_251 = vector.broadcast %parallel_loop3A_250 : i32 to vector<16xi32>
        %parallel_loop3A_252 = arith.addi %parallel_loop3A_118, %parallel_loop3A_251 : vector<16xi32>
        %parallel_loop3A_253 = tpu.vector_load_idx %arg11[%parallel_loop3A_252] : memref<8192xf32, #tpu.memory_space<vmem>>[vector<16xi32>], vector<16xf32>,
        %parallel_loop3A_254 = arith.constant 31 : i32
        %parallel_loop3A_255 = vector.broadcast %parallel_loop3A_254 : i32 to vector<16xi32>
        %parallel_loop3A_256 = arith.addi %parallel_loop3A_118, %parallel_loop3A_255 : vector<16xi32>
        %parallel_loop3A_257 = tpu.vector_load_idx %arg11[%parallel_loop3A_256] : memref<8192xf32, #tpu.memory_space<vmem>>[vector<16xi32>], vector<16xf32>,
        %parallel_loop3A_258 = arith.constant 47 : i32
        %parallel_loop3A_259 = vector.broadcast %parallel_loop3A_258 : i32 to vector<16xi32>
        %parallel_loop3A_260 = arith.addi %parallel_loop3A_118, %parallel_loop3A_259 : vector<16xi32>
        %parallel_loop3A_261 = tpu.vector_load_idx %arg11[%parallel_loop3A_260] : memref<8192xf32, #tpu.memory_space<vmem>>[vector<16xi32>], vector<16xf32>,
        %parallel_loop3A_262 = arith.constant 62 : i32
        %parallel_loop3A_263 = vector.broadcast %parallel_loop3A_262 : i32 to vector<16xi32>
        %parallel_loop3A_264 = arith.addi %parallel_loop3A_118, %parallel_loop3A_263 : vector<16xi32>
        %parallel_loop3A_265 = tpu.vector_load_idx %arg11[%parallel_loop3A_264] : memref<8192xf32, #tpu.memory_space<vmem>>[vector<16xi32>], vector<16xf32>,
        %parallel_loop3A_266 = arith.addf %parallel_loop3A_253, %parallel_loop3A_257 : vector<16xf32>
        %parallel_loop3A_267 = arith.addf %parallel_loop3A_253, %parallel_loop3A_257 : vector<16xf32>
        %parallel_loop3A_268 = arith.addf %parallel_loop3A_267, %parallel_loop3A_261 : vector<16xf32>
        %parallel_loop3A_269 = arith.addf %parallel_loop3A_268, %parallel_loop3A_265 : vector<16xf32>
        %parallel_loop3A_270 = arith.subf %parallel_loop3A_269, %parallel_loop3A_249 : vector<16xf32>
        %parallel_loop3A_271 = arith.divf %broadcast_in_dim3A_31, %parallel_loop3A_270 : vector<16xf32>
        %parallel_loop3A_272 = arith.subf %parallel_loop3A_202, %parallel_loop3A_249 : vector<16xf32>
        %parallel_loop3A_273 = arith.mulf %parallel_loop3A_272, %parallel_loop3A_271 : vector<16xf32>
        %parallel_loop3A_274 = arith.constant 0 : i32
        %parallel_loop3A_275 = arith.addi %parallel_loop3A_117, %parallel_loop3A_274 : i32
        %parallel_loop3A_276 = arith.index_cast %parallel_loop3A_275 : i32 to index
        %parallel_loop3A_277 = tpu.vector_load %arg11[%parallel_loop3A_276] {strides = array<i32>} : memref<8192xf32, #tpu.memory_space<vmem>>, vector<16xf32>,
        tpu.vector_store %arg11[%parallel_loop3A_276], %parallel_loop3A_273 {strides = array<i32>} : memref<8192xf32, #tpu.memory_space<vmem>>, vector<16xf32>,
        %parallel_loop3A_278 = arith.constant 6.300000e+01 : f32
        %parallel_loop3A_279 = vector.broadcast %parallel_loop3A_278 : f32 to vector<16xf32>
        %parallel_loop3A_280 = arith.mulf %parallel_loop3A_273, %parallel_loop3A_279 : vector<16xf32>
        %parallel_loop3A_281 = arith.fptosi %parallel_loop3A_280 : vector<16xf32> to vector<16xi32>
        %parallel_loop3A_282 = arith.sitofp %parallel_loop3A_281 : vector<16xi32> to vector<16xf32>
        %parallel_loop3A_283 = arith.cmpf olt, %parallel_loop3A_282, %parallel_loop3A_280 : vector<16xf32>
        %parallel_loop3A_284 = arith.select %parallel_loop3A_283, %broadcast_in_dim3A_27, %broadcast_in_dim3A_29 : vector<16xi1>, vector<16xi32>
        %parallel_loop3A_285 = arith.addi %parallel_loop3A_281, %parallel_loop3A_284 : vector<16xi32>
        %parallel_loop3A_286 = arith.minsi %parallel_loop3A_285, %broadcast_in_dim3A_35 : vector<16xi32>
        %parallel_loop3A_287 = arith.subf %parallel_loop3A_253, %parallel_loop3A_249 : vector<16xf32>
        %parallel_loop3A_288 = arith.addf %parallel_loop3A_216, %parallel_loop3A_287 : vector<16xf32>
        %parallel_loop3A_289 = arith.mulf %parallel_loop3A_288, %parallel_loop3A_271 : vector<16xf32>
        %parallel_loop3A_290 = arith.constant 16 : i32
        %parallel_loop3A_291 = arith.addi %parallel_loop3A_117, %parallel_loop3A_290 : i32
        %parallel_loop3A_292 = arith.index_cast %parallel_loop3A_291 : i32 to index
        %parallel_loop3A_293 = tpu.vector_load %arg11[%parallel_loop3A_292] {strides = array<i32>} : memref<8192xf32, #tpu.memory_space<vmem>>, vector<16xf32>,
        tpu.vector_store %arg11[%parallel_loop3A_292], %parallel_loop3A_289 {strides = array<i32>} : memref<8192xf32, #tpu.memory_space<vmem>>, vector<16xf32>,
        %parallel_loop3A_294 = arith.constant 6.300000e+01 : f32
        %parallel_loop3A_295 = vector.broadcast %parallel_loop3A_294 : f32 to vector<16xf32>
        %parallel_loop3A_296 = arith.mulf %parallel_loop3A_289, %parallel_loop3A_295 : vector<16xf32>
        %parallel_loop3A_297 = arith.fptosi %parallel_loop3A_296 : vector<16xf32> to vector<16xi32>
        %parallel_loop3A_298 = arith.sitofp %parallel_loop3A_297 : vector<16xi32> to vector<16xf32>
        %parallel_loop3A_299 = arith.cmpf olt, %parallel_loop3A_298, %parallel_loop3A_296 : vector<16xf32>
        %parallel_loop3A_300 = arith.select %parallel_loop3A_299, %broadcast_in_dim3A_27, %broadcast_in_dim3A_29 : vector<16xi1>, vector<16xi32>
        %parallel_loop3A_301 = arith.addi %parallel_loop3A_297, %parallel_loop3A_300 : vector<16xi32>
        %parallel_loop3A_302 = arith.minsi %parallel_loop3A_301, %broadcast_in_dim3A_35 : vector<16xi32>
        %parallel_loop3A_303 = arith.subf %parallel_loop3A_266, %parallel_loop3A_249 : vector<16xf32>
        %parallel_loop3A_304 = arith.addf %parallel_loop3A_230, %parallel_loop3A_303 : vector<16xf32>
        %parallel_loop3A_305 = arith.mulf %parallel_loop3A_304, %parallel_loop3A_271 : vector<16xf32>
        %parallel_loop3A_306 = arith.constant 32 : i32
        %parallel_loop3A_307 = arith.addi %parallel_loop3A_117, %parallel_loop3A_306 : i32
        %parallel_loop3A_308 = arith.index_cast %parallel_loop3A_307 : i32 to index
        %parallel_loop3A_309 = tpu.vector_load %arg11[%parallel_loop3A_308] {strides = array<i32>} : memref<8192xf32, #tpu.memory_space<vmem>>, vector<16xf32>,
        tpu.vector_store %arg11[%parallel_loop3A_308], %parallel_loop3A_305 {strides = array<i32>} : memref<8192xf32, #tpu.memory_space<vmem>>, vector<16xf32>,
        %parallel_loop3A_310 = arith.constant 6.300000e+01 : f32
        %parallel_loop3A_311 = vector.broadcast %parallel_loop3A_310 : f32 to vector<16xf32>
        %parallel_loop3A_312 = arith.mulf %parallel_loop3A_305, %parallel_loop3A_311 : vector<16xf32>
        %parallel_loop3A_313 = arith.fptosi %parallel_loop3A_312 : vector<16xf32> to vector<16xi32>
        %parallel_loop3A_314 = arith.sitofp %parallel_loop3A_313 : vector<16xi32> to vector<16xf32>
        %parallel_loop3A_315 = arith.cmpf olt, %parallel_loop3A_314, %parallel_loop3A_312 : vector<16xf32>
        %parallel_loop3A_316 = arith.select %parallel_loop3A_315, %broadcast_in_dim3A_27, %broadcast_in_dim3A_29 : vector<16xi1>, vector<16xi32>
        %parallel_loop3A_317 = arith.addi %parallel_loop3A_313, %parallel_loop3A_316 : vector<16xi32>
        %parallel_loop3A_318 = arith.minsi %parallel_loop3A_317, %broadcast_in_dim3A_35 : vector<16xi32>
        %parallel_loop3A_319 = arith.subf %parallel_loop3A_268, %parallel_loop3A_249 : vector<16xf32>
        %parallel_loop3A_320 = arith.addf %parallel_loop3A_244, %parallel_loop3A_319 : vector<16xf32>
        %parallel_loop3A_321 = arith.mulf %parallel_loop3A_320, %parallel_loop3A_271 : vector<16xf32>
        %parallel_loop3A_322 = arith.constant 48 : i32
        %parallel_loop3A_323 = arith.addi %parallel_loop3A_117, %parallel_loop3A_322 : i32
        %parallel_loop3A_324 = arith.index_cast %parallel_loop3A_323 : i32 to index
        %parallel_loop3A_325 = tpu.vector_load %arg11[%parallel_loop3A_324] {strides = array<i32>} : memref<8192xf32, #tpu.memory_space<vmem>>, vector<16xf32>,
        tpu.vector_store %arg11[%parallel_loop3A_324], %parallel_loop3A_321 {strides = array<i32>} : memref<8192xf32, #tpu.memory_space<vmem>>, vector<16xf32>,
        %parallel_loop3A_326 = arith.constant 6.300000e+01 : f32
        %parallel_loop3A_327 = vector.broadcast %parallel_loop3A_326 : f32 to vector<16xf32>
        %parallel_loop3A_328 = arith.mulf %parallel_loop3A_321, %parallel_loop3A_327 : vector<16xf32>
        %parallel_loop3A_329 = arith.fptosi %parallel_loop3A_328 : vector<16xf32> to vector<16xi32>
        %parallel_loop3A_330 = arith.sitofp %parallel_loop3A_329 : vector<16xi32> to vector<16xf32>
        %parallel_loop3A_331 = arith.cmpf olt, %parallel_loop3A_330, %parallel_loop3A_328 : vector<16xf32>
        %parallel_loop3A_332 = arith.select %parallel_loop3A_331, %broadcast_in_dim3A_27, %broadcast_in_dim3A_29 : vector<16xi1>, vector<16xi32>
        %parallel_loop3A_333 = arith.addi %parallel_loop3A_329, %parallel_loop3A_332 : vector<16xi32>
        %parallel_loop3A_334 = arith.minsi %parallel_loop3A_333, %broadcast_in_dim3A_35 : vector<16xi32>
        %parallel_loop3A_335 = arith.constant 0 : i32
        %parallel_loop3A_336 = arith.addi %parallel_loop3A_117, %parallel_loop3A_335 : i32
        %parallel_loop3A_337 = arith.index_cast %parallel_loop3A_336 : i32 to index
        %parallel_loop3A_338 = tpu.vector_load %arg13[%parallel_loop3A_337] {strides = array<i32>} : memref<8192xi32, #tpu.memory_space<vmem>>, vector<16xi32>,
        tpu.vector_store %arg13[%parallel_loop3A_337], %broadcast_in_dim3A_29 {strides = array<i32>} : memref<8192xi32, #tpu.memory_space<vmem>>, vector<16xi32>,
        %parallel_loop3A_339 = arith.constant 16 : i32
        %parallel_loop3A_340 = arith.addi %parallel_loop3A_117, %parallel_loop3A_339 : i32
        %parallel_loop3A_341 = arith.index_cast %parallel_loop3A_340 : i32 to index
        %parallel_loop3A_342 = tpu.vector_load %arg13[%parallel_loop3A_341] {strides = array<i32>} : memref<8192xi32, #tpu.memory_space<vmem>>, vector<16xi32>,
        tpu.vector_store %arg13[%parallel_loop3A_341], %broadcast_in_dim3A_29 {strides = array<i32>} : memref<8192xi32, #tpu.memory_space<vmem>>, vector<16xi32>,
        %parallel_loop3A_343 = arith.constant 32 : i32
        %parallel_loop3A_344 = arith.addi %parallel_loop3A_117, %parallel_loop3A_343 : i32
        %parallel_loop3A_345 = arith.index_cast %parallel_loop3A_344 : i32 to index
        %parallel_loop3A_346 = tpu.vector_load %arg13[%parallel_loop3A_345] {strides = array<i32>} : memref<8192xi32, #tpu.memory_space<vmem>>, vector<16xi32>,
        tpu.vector_store %arg13[%parallel_loop3A_345], %broadcast_in_dim3A_29 {strides = array<i32>} : memref<8192xi32, #tpu.memory_space<vmem>>, vector<16xi32>,
        %parallel_loop3A_347 = arith.constant 48 : i32
        %parallel_loop3A_348 = arith.addi %parallel_loop3A_117, %parallel_loop3A_347 : i32
        %parallel_loop3A_349 = arith.index_cast %parallel_loop3A_348 : i32 to index
        %parallel_loop3A_350 = tpu.vector_load %arg13[%parallel_loop3A_349] {strides = array<i32>} : memref<8192xi32, #tpu.memory_space<vmem>>, vector<16xi32>,
        tpu.vector_store %arg13[%parallel_loop3A_349], %broadcast_in_dim3A_29 {strides = array<i32>} : memref<8192xi32, #tpu.memory_space<vmem>>, vector<16xi32>,
        %parallel_loop3A_351 = arith.addi %parallel_loop3A_118, %parallel_loop3A_286 : vector<16xi32>
        tpu.vector_store_idx %arg13[%parallel_loop3A_351], %broadcast_in_dim3A_27 {add = true} : memref<8192xi32, #tpu.memory_space<vmem>>[vector<16xi32>], vector<16xi32>,
        %parallel_loop3A_352 = arith.addi %parallel_loop3A_118, %parallel_loop3A_302 : vector<16xi32>
        tpu.vector_store_idx %arg13[%parallel_loop3A_352], %broadcast_in_dim3A_27 {add = true} : memref<8192xi32, #tpu.memory_space<vmem>>[vector<16xi32>], vector<16xi32>,
        %parallel_loop3A_353 = arith.addi %parallel_loop3A_118, %parallel_loop3A_318 : vector<16xi32>
        tpu.vector_store_idx %arg13[%parallel_loop3A_353], %broadcast_in_dim3A_27 {add = true} : memref<8192xi32, #tpu.memory_space<vmem>>[vector<16xi32>], vector<16xi32>,
        %parallel_loop3A_354 = arith.addi %parallel_loop3A_118, %parallel_loop3A_334 : vector<16xi32>
        tpu.vector_store_idx %arg13[%parallel_loop3A_354], %broadcast_in_dim3A_27 masked %lt3A_37 {add = true} : memref<8192xi32, #tpu.memory_space<vmem>>[vector<16xi32>], vector<16xi32>, vector<16xi1>
        %parallel_loop3A_355 = arith.constant 0 : i32
        %parallel_loop3A_356 = arith.addi %parallel_loop3A_117, %parallel_loop3A_355 : i32
        %parallel_loop3A_357 = arith.index_cast %parallel_loop3A_356 : i32 to index
        %parallel_loop3A_358 = tpu.vector_load %arg13[%parallel_loop3A_357] {strides = array<i32>} : memref<8192xi32, #tpu.memory_space<vmem>>, vector<16xi32>,
        %parallel_loop3A_359 = arith.constant true
        %parallel_loop3A_360 = vector.broadcast %parallel_loop3A_359 : i1 to vector<16xi1>
        %parallel_loop3A_361 = tpu.scan <sum>, %parallel_loop3A_358 masked %parallel_loop3A_360 : vector<16xi32>, vector<16xi1> -> vector<16xi32>
        %parallel_loop3A_362 = arith.constant 0 : i32
        %parallel_loop3A_363 = arith.addi %parallel_loop3A_117, %parallel_loop3A_362 : i32
        %parallel_loop3A_364 = arith.index_cast %parallel_loop3A_363 : i32 to index
        %parallel_loop3A_365 = tpu.vector_load %arg13[%parallel_loop3A_364] {strides = array<i32>} : memref<8192xi32, #tpu.memory_space<vmem>>, vector<16xi32>,
        tpu.vector_store %arg13[%parallel_loop3A_364], %parallel_loop3A_361 {strides = array<i32>} : memref<8192xi32, #tpu.memory_space<vmem>>, vector<16xi32>,
        %parallel_loop3A_366 = arith.constant 16 : i32
        %parallel_loop3A_367 = arith.addi %parallel_loop3A_117, %parallel_loop3A_366 : i32
        %parallel_loop3A_368 = arith.index_cast %parallel_loop3A_367 : i32 to index
        %parallel_loop3A_369 = tpu.vector_load %arg13[%parallel_loop3A_368] {strides = array<i32>} : memref<8192xi32, #tpu.memory_space<vmem>>, vector<16xi32>,
        %parallel_loop3A_370 = arith.constant true
        %parallel_loop3A_371 = vector.broadcast %parallel_loop3A_370 : i1 to vector<16xi1>
        %parallel_loop3A_372 = tpu.scan <sum>, %parallel_loop3A_369 masked %parallel_loop3A_371 : vector<16xi32>, vector<16xi1> -> vector<16xi32>
        %parallel_loop3A_373 = arith.constant 16 : i32
        %parallel_loop3A_374 = arith.addi %parallel_loop3A_117, %parallel_loop3A_373 : i32
        %parallel_loop3A_375 = arith.index_cast %parallel_loop3A_374 : i32 to index
        %parallel_loop3A_376 = tpu.vector_load %arg13[%parallel_loop3A_375] {strides = array<i32>} : memref<8192xi32, #tpu.memory_space<vmem>>, vector<16xi32>,
        tpu.vector_store %arg13[%parallel_loop3A_375], %parallel_loop3A_372 {strides = array<i32>} : memref<8192xi32, #tpu.memory_space<vmem>>, vector<16xi32>,
        %parallel_loop3A_377 = arith.constant 32 : i32
        %parallel_loop3A_378 = arith.addi %parallel_loop3A_117, %parallel_loop3A_377 : i32
        %parallel_loop3A_379 = arith.index_cast %parallel_loop3A_378 : i32 to index
        %parallel_loop3A_380 = tpu.vector_load %arg13[%parallel_loop3A_379] {strides = array<i32>} : memref<8192xi32, #tpu.memory_space<vmem>>, vector<16xi32>,
        %parallel_loop3A_381 = arith.constant true
        %parallel_loop3A_382 = vector.broadcast %parallel_loop3A_381 : i1 to vector<16xi1>
        %parallel_loop3A_383 = tpu.scan <sum>, %parallel_loop3A_380 masked %parallel_loop3A_382 : vector<16xi32>, vector<16xi1> -> vector<16xi32>
        %parallel_loop3A_384 = arith.constant 32 : i32
        %parallel_loop3A_385 = arith.addi %parallel_loop3A_117, %parallel_loop3A_384 : i32
        %parallel_loop3A_386 = arith.index_cast %parallel_loop3A_385 : i32 to index
        %parallel_loop3A_387 = tpu.vector_load %arg13[%parallel_loop3A_386] {strides = array<i32>} : memref<8192xi32, #tpu.memory_space<vmem>>, vector<16xi32>,
        tpu.vector_store %arg13[%parallel_loop3A_386], %parallel_loop3A_383 {strides = array<i32>} : memref<8192xi32, #tpu.memory_space<vmem>>, vector<16xi32>,
        %parallel_loop3A_388 = arith.constant 48 : i32
        %parallel_loop3A_389 = arith.addi %parallel_loop3A_117, %parallel_loop3A_388 : i32
        %parallel_loop3A_390 = arith.index_cast %parallel_loop3A_389 : i32 to index
        %parallel_loop3A_391 = tpu.vector_load %arg13[%parallel_loop3A_390] {strides = array<i32>} : memref<8192xi32, #tpu.memory_space<vmem>>, vector<16xi32>,
        %parallel_loop3A_392 = arith.constant true
        %parallel_loop3A_393 = vector.broadcast %parallel_loop3A_392 : i1 to vector<16xi1>
        %parallel_loop3A_394 = tpu.scan <sum>, %parallel_loop3A_391 masked %parallel_loop3A_393 : vector<16xi32>, vector<16xi1> -> vector<16xi32>
        %parallel_loop3A_395 = arith.constant 48 : i32
        %parallel_loop3A_396 = arith.addi %parallel_loop3A_117, %parallel_loop3A_395 : i32
        %parallel_loop3A_397 = arith.index_cast %parallel_loop3A_396 : i32 to index
        %parallel_loop3A_398 = tpu.vector_load %arg13[%parallel_loop3A_397] {strides = array<i32>} : memref<8192xi32, #tpu.memory_space<vmem>>, vector<16xi32>,
        tpu.vector_store %arg13[%parallel_loop3A_397], %parallel_loop3A_394 {strides = array<i32>} : memref<8192xi32, #tpu.memory_space<vmem>>, vector<16xi32>,
        %parallel_loop3A_399 = arith.constant 15 : i32
        %parallel_loop3A_400 = vector.broadcast %parallel_loop3A_399 : i32 to vector<16xi32>
        %parallel_loop3A_401 = arith.addi %parallel_loop3A_118, %parallel_loop3A_400 : vector<16xi32>
        %parallel_loop3A_402 = tpu.vector_load_idx %arg13[%parallel_loop3A_401] : memref<8192xi32, #tpu.memory_space<vmem>>[vector<16xi32>], vector<16xi32>,
        %parallel_loop3A_403 = arith.constant 31 : i32
        %parallel_loop3A_404 = vector.broadcast %parallel_loop3A_403 : i32 to vector<16xi32>
        %parallel_loop3A_405 = arith.addi %parallel_loop3A_118, %parallel_loop3A_404 : vector<16xi32>
        %parallel_loop3A_406 = tpu.vector_load_idx %arg13[%parallel_loop3A_405] : memref<8192xi32, #tpu.memory_space<vmem>>[vector<16xi32>], vector<16xi32>,
        %parallel_loop3A_407 = arith.constant 47 : i32
        %parallel_loop3A_408 = vector.broadcast %parallel_loop3A_407 : i32 to vector<16xi32>
        %parallel_loop3A_409 = arith.addi %parallel_loop3A_118, %parallel_loop3A_408 : vector<16xi32>
        %parallel_loop3A_410 = tpu.vector_load_idx %arg13[%parallel_loop3A_409] : memref<8192xi32, #tpu.memory_space<vmem>>[vector<16xi32>], vector<16xi32>,
        %parallel_loop3A_411 = arith.addi %parallel_loop3A_402, %parallel_loop3A_406 : vector<16xi32>
        %parallel_loop3A_412 = arith.addi %parallel_loop3A_402, %parallel_loop3A_406 : vector<16xi32>
        %parallel_loop3A_413 = arith.addi %parallel_loop3A_412, %parallel_loop3A_410 : vector<16xi32>
        %parallel_loop3A_414 = arith.subi %parallel_loop3A_361, %broadcast_in_dim3A_27 : vector<16xi32>
        %parallel_loop3A_415 = arith.addi %parallel_loop3A_118, %parallel_loop3A_414 : vector<16xi32>
        %parallel_loop3A_416 = arith.minsi %parallel_loop3A_361, %broadcast_in_dim3A_33 : vector<16xi32>
        %parallel_loop3A_417 = arith.addi %parallel_loop3A_118, %parallel_loop3A_416 : vector<16xi32>
        %parallel_loop3A_418 = tpu.vector_load_idx %arg11[%parallel_loop3A_415] : memref<8192xf32, #tpu.memory_space<vmem>>[vector<16xi32>], vector<16xf32>,
        %parallel_loop3A_419 = tpu.vector_load_idx %arg11[%parallel_loop3A_417] : memref<8192xf32, #tpu.memory_space<vmem>>[vector<16xi32>], vector<16xf32>,
        %parallel_loop3A_420 = tpu.vector_load_idx %arg12[%parallel_loop3A_415] : memref<8192xf32, #tpu.memory_space<vmem>>[vector<16xi32>], vector<16xf32>,
        %parallel_loop3A_421 = tpu.vector_load_idx %arg12[%parallel_loop3A_417] : memref<8192xf32, #tpu.memory_space<vmem>>[vector<16xi32>], vector<16xf32>,
        %parallel_loop3A_422 = arith.subf %parallel_loop3A_419, %parallel_loop3A_418 : vector<16xf32>
        %parallel_loop3A_423 = arith.constant 9.99999974E-6 : f32
        %parallel_loop3A_424 = vector.broadcast %parallel_loop3A_423 : f32 to vector<16xf32>
        %parallel_loop3A_425 = arith.cmpf olt, %parallel_loop3A_422, %parallel_loop3A_424 : vector<16xf32>
        %parallel_loop3A_426 = arith.select %parallel_loop3A_425, %broadcast_in_dim3A_31, %parallel_loop3A_422 : vector<16xi1>, vector<16xf32>
        %parallel_loop3A_427 = arith.subf %add3A_8, %parallel_loop3A_418 : vector<16xf32>
        %parallel_loop3A_428 = arith.divf %parallel_loop3A_427, %parallel_loop3A_426 : vector<16xf32>
        %parallel_loop3A_429 = arith.subf %parallel_loop3A_421, %parallel_loop3A_420 : vector<16xf32>
        %parallel_loop3A_430 = arith.mulf %parallel_loop3A_428, %parallel_loop3A_429 : vector<16xf32>
        %parallel_loop3A_431 = arith.addf %parallel_loop3A_420, %parallel_loop3A_430 : vector<16xf32>
        %parallel_loop3A_432 = arith.addi %parallel_loop3A_372, %parallel_loop3A_402 : vector<16xi32>
        %parallel_loop3A_433 = arith.subi %parallel_loop3A_432, %broadcast_in_dim3A_27 : vector<16xi32>
        %parallel_loop3A_434 = arith.addi %parallel_loop3A_118, %parallel_loop3A_433 : vector<16xi32>
        %parallel_loop3A_435 = arith.minsi %parallel_loop3A_432, %broadcast_in_dim3A_33 : vector<16xi32>
        %parallel_loop3A_436 = arith.addi %parallel_loop3A_118, %parallel_loop3A_435 : vector<16xi32>
        %parallel_loop3A_437 = tpu.vector_load_idx %arg11[%parallel_loop3A_434] : memref<8192xf32, #tpu.memory_space<vmem>>[vector<16xi32>], vector<16xf32>,
        %parallel_loop3A_438 = tpu.vector_load_idx %arg11[%parallel_loop3A_436] : memref<8192xf32, #tpu.memory_space<vmem>>[vector<16xi32>], vector<16xf32>,
        %parallel_loop3A_439 = tpu.vector_load_idx %arg12[%parallel_loop3A_434] : memref<8192xf32, #tpu.memory_space<vmem>>[vector<16xi32>], vector<16xf32>,
        %parallel_loop3A_440 = tpu.vector_load_idx %arg12[%parallel_loop3A_436] : memref<8192xf32, #tpu.memory_space<vmem>>[vector<16xi32>], vector<16xf32>,
        %parallel_loop3A_441 = arith.subf %parallel_loop3A_438, %parallel_loop3A_437 : vector<16xf32>
        %parallel_loop3A_442 = arith.constant 9.99999974E-6 : f32
        %parallel_loop3A_443 = vector.broadcast %parallel_loop3A_442 : f32 to vector<16xf32>
        %parallel_loop3A_444 = arith.cmpf olt, %parallel_loop3A_441, %parallel_loop3A_443 : vector<16xf32>
        %parallel_loop3A_445 = arith.select %parallel_loop3A_444, %broadcast_in_dim3A_31, %parallel_loop3A_441 : vector<16xi1>, vector<16xf32>
        %parallel_loop3A_446 = arith.subf %add3A_14, %parallel_loop3A_437 : vector<16xf32>
        %parallel_loop3A_447 = arith.divf %parallel_loop3A_446, %parallel_loop3A_445 : vector<16xf32>
        %parallel_loop3A_448 = arith.subf %parallel_loop3A_440, %parallel_loop3A_439 : vector<16xf32>
        %parallel_loop3A_449 = arith.mulf %parallel_loop3A_447, %parallel_loop3A_448 : vector<16xf32>
        %parallel_loop3A_450 = arith.addf %parallel_loop3A_439, %parallel_loop3A_449 : vector<16xf32>
        %parallel_loop3A_451 = arith.addi %parallel_loop3A_383, %parallel_loop3A_411 : vector<16xi32>
        %parallel_loop3A_452 = arith.subi %parallel_loop3A_451, %broadcast_in_dim3A_27 : vector<16xi32>
        %parallel_loop3A_453 = arith.addi %parallel_loop3A_118, %parallel_loop3A_452 : vector<16xi32>
        %parallel_loop3A_454 = arith.minsi %parallel_loop3A_451, %broadcast_in_dim3A_33 : vector<16xi32>
        %parallel_loop3A_455 = arith.addi %parallel_loop3A_118, %parallel_loop3A_454 : vector<16xi32>
        %parallel_loop3A_456 = tpu.vector_load_idx %arg11[%parallel_loop3A_453] : memref<8192xf32, #tpu.memory_space<vmem>>[vector<16xi32>], vector<16xf32>,
        %parallel_loop3A_457 = tpu.vector_load_idx %arg11[%parallel_loop3A_455] : memref<8192xf32, #tpu.memory_space<vmem>>[vector<16xi32>], vector<16xf32>,
        %parallel_loop3A_458 = tpu.vector_load_idx %arg12[%parallel_loop3A_453] : memref<8192xf32, #tpu.memory_space<vmem>>[vector<16xi32>], vector<16xf32>,
        %parallel_loop3A_459 = tpu.vector_load_idx %arg12[%parallel_loop3A_455] : memref<8192xf32, #tpu.memory_space<vmem>>[vector<16xi32>], vector<16xf32>,
        %parallel_loop3A_460 = arith.subf %parallel_loop3A_457, %parallel_loop3A_456 : vector<16xf32>
        %parallel_loop3A_461 = arith.constant 9.99999974E-6 : f32
        %parallel_loop3A_462 = vector.broadcast %parallel_loop3A_461 : f32 to vector<16xf32>
        %parallel_loop3A_463 = arith.cmpf olt, %parallel_loop3A_460, %parallel_loop3A_462 : vector<16xf32>
        %parallel_loop3A_464 = arith.select %parallel_loop3A_463, %broadcast_in_dim3A_31, %parallel_loop3A_460 : vector<16xi1>, vector<16xf32>
        %parallel_loop3A_465 = arith.subf %add3A_20, %parallel_loop3A_456 : vector<16xf32>
        %parallel_loop3A_466 = arith.divf %parallel_loop3A_465, %parallel_loop3A_464 : vector<16xf32>
        %parallel_loop3A_467 = arith.subf %parallel_loop3A_459, %parallel_loop3A_458 : vector<16xf32>
        %parallel_loop3A_468 = arith.mulf %parallel_loop3A_466, %parallel_loop3A_467 : vector<16xf32>
        %parallel_loop3A_469 = arith.addf %parallel_loop3A_458, %parallel_loop3A_468 : vector<16xf32>
        %parallel_loop3A_470 = arith.addi %parallel_loop3A_394, %parallel_loop3A_413 : vector<16xi32>
        %parallel_loop3A_471 = arith.subi %parallel_loop3A_470, %broadcast_in_dim3A_27 : vector<16xi32>
        %parallel_loop3A_472 = arith.addi %parallel_loop3A_118, %parallel_loop3A_471 : vector<16xi32>
        %parallel_loop3A_473 = arith.minsi %parallel_loop3A_470, %broadcast_in_dim3A_33 : vector<16xi32>
        %parallel_loop3A_474 = arith.addi %parallel_loop3A_118, %parallel_loop3A_473 : vector<16xi32>
        %parallel_loop3A_475 = tpu.vector_load_idx %arg11[%parallel_loop3A_472] : memref<8192xf32, #tpu.memory_space<vmem>>[vector<16xi32>], vector<16xf32>,
        %parallel_loop3A_476 = tpu.vector_load_idx %arg11[%parallel_loop3A_474] : memref<8192xf32, #tpu.memory_space<vmem>>[vector<16xi32>], vector<16xf32>,
        %parallel_loop3A_477 = tpu.vector_load_idx %arg12[%parallel_loop3A_472] : memref<8192xf32, #tpu.memory_space<vmem>>[vector<16xi32>], vector<16xf32>,
        %parallel_loop3A_478 = tpu.vector_load_idx %arg12[%parallel_loop3A_474] : memref<8192xf32, #tpu.memory_space<vmem>>[vector<16xi32>], vector<16xf32>,
        %parallel_loop3A_479 = arith.subf %parallel_loop3A_476, %parallel_loop3A_475 : vector<16xf32>
        %parallel_loop3A_480 = arith.constant 9.99999974E-6 : f32
        %parallel_loop3A_481 = vector.broadcast %parallel_loop3A_480 : f32 to vector<16xf32>
        %parallel_loop3A_482 = arith.cmpf olt, %parallel_loop3A_479, %parallel_loop3A_481 : vector<16xf32>
        %parallel_loop3A_483 = arith.select %parallel_loop3A_482, %broadcast_in_dim3A_31, %parallel_loop3A_479 : vector<16xi1>, vector<16xf32>
        %parallel_loop3A_484 = arith.subf %add3A_26, %parallel_loop3A_475 : vector<16xf32>
        %parallel_loop3A_485 = arith.divf %parallel_loop3A_484, %parallel_loop3A_483 : vector<16xf32>
        %parallel_loop3A_486 = arith.subf %parallel_loop3A_478, %parallel_loop3A_477 : vector<16xf32>
        %parallel_loop3A_487 = arith.mulf %parallel_loop3A_485, %parallel_loop3A_486 : vector<16xf32>
        %parallel_loop3A_488 = arith.addf %parallel_loop3A_477, %parallel_loop3A_487 : vector<16xf32>
        %parallel_loop3A_489 = arith.constant 15 : i32
        %parallel_loop3A_490 = vector.broadcast %parallel_loop3A_489 : i32 to vector<16xi32>
        %parallel_loop3A_491 = tpu.iota {dimensions = array<i32: 0>} : vector<16xi32>
        %parallel_loop3A_492 = arith.subi %parallel_loop3A_490, %parallel_loop3A_491 : vector<16xi32>
        %parallel_loop3A_493 = tpu.dynamic_gather %parallel_loop3A_488[%parallel_loop3A_492] in [0] : vector<16xf32>, vector<16xi32> -> vector<16xf32>
        %parallel_loop3A_494 = arith.constant 15 : i32
        %parallel_loop3A_495 = vector.broadcast %parallel_loop3A_494 : i32 to vector<16xi32>
        %parallel_loop3A_496 = tpu.iota {dimensions = array<i32: 0>} : vector<16xi32>
        %parallel_loop3A_497 = arith.subi %parallel_loop3A_495, %parallel_loop3A_496 : vector<16xi32>
        %parallel_loop3A_498 = tpu.dynamic_gather %parallel_loop3A_469[%parallel_loop3A_497] in [0] : vector<16xf32>, vector<16xi32> -> vector<16xf32>
        %parallel_loop3A_499 = arith.constant 15 : i32
        %parallel_loop3A_500 = vector.broadcast %parallel_loop3A_499 : i32 to vector<16xi32>
        %parallel_loop3A_501 = tpu.iota {dimensions = array<i32: 0>} : vector<16xi32>
        %parallel_loop3A_502 = arith.subi %parallel_loop3A_500, %parallel_loop3A_501 : vector<16xi32>
        %parallel_loop3A_503 = tpu.dynamic_gather %parallel_loop3A_450[%parallel_loop3A_502] in [0] : vector<16xf32>, vector<16xi32> -> vector<16xf32>
        %parallel_loop3A_504 = arith.constant 15 : i32
        %parallel_loop3A_505 = vector.broadcast %parallel_loop3A_504 : i32 to vector<16xi32>
        %parallel_loop3A_506 = tpu.iota {dimensions = array<i32: 0>} : vector<16xi32>
        %parallel_loop3A_507 = arith.subi %parallel_loop3A_505, %parallel_loop3A_506 : vector<16xi32>
        %parallel_loop3A_508 = tpu.dynamic_gather %parallel_loop3A_431[%parallel_loop3A_507] in [0] : vector<16xf32>, vector<16xi32> -> vector<16xf32>
        %parallel_loop3A_509 = arith.minimumf %parallel_loop3A_122, %parallel_loop3A_493 : vector<16xf32>
        %parallel_loop3A_510 = arith.maximumf %parallel_loop3A_122, %parallel_loop3A_493 : vector<16xf32>
        %parallel_loop3A_511 = arith.minimumf %parallel_loop3A_126, %parallel_loop3A_498 : vector<16xf32>
        %parallel_loop3A_512 = arith.maximumf %parallel_loop3A_126, %parallel_loop3A_498 : vector<16xf32>
        %parallel_loop3A_513 = arith.minimumf %parallel_loop3A_130, %parallel_loop3A_503 : vector<16xf32>
        %parallel_loop3A_514 = arith.maximumf %parallel_loop3A_130, %parallel_loop3A_503 : vector<16xf32>
        %parallel_loop3A_515 = arith.minimumf %parallel_loop3A_134, %parallel_loop3A_508 : vector<16xf32>
        %parallel_loop3A_516 = arith.maximumf %parallel_loop3A_134, %parallel_loop3A_508 : vector<16xf32>
        %parallel_loop3A_517 = arith.minimumf %parallel_loop3A_509, %parallel_loop3A_513 : vector<16xf32>
        %parallel_loop3A_518 = arith.maximumf %parallel_loop3A_509, %parallel_loop3A_513 : vector<16xf32>
        %parallel_loop3A_519 = arith.minimumf %parallel_loop3A_511, %parallel_loop3A_515 : vector<16xf32>
        %parallel_loop3A_520 = arith.maximumf %parallel_loop3A_511, %parallel_loop3A_515 : vector<16xf32>
        %parallel_loop3A_521 = arith.minimumf %parallel_loop3A_510, %parallel_loop3A_514 : vector<16xf32>
        %parallel_loop3A_522 = arith.maximumf %parallel_loop3A_510, %parallel_loop3A_514 : vector<16xf32>
        %parallel_loop3A_523 = arith.minimumf %parallel_loop3A_512, %parallel_loop3A_516 : vector<16xf32>
        %parallel_loop3A_524 = arith.maximumf %parallel_loop3A_512, %parallel_loop3A_516 : vector<16xf32>
        %parallel_loop3A_525 = arith.minimumf %parallel_loop3A_517, %parallel_loop3A_519 : vector<16xf32>
        %parallel_loop3A_526 = arith.maximumf %parallel_loop3A_517, %parallel_loop3A_519 : vector<16xf32>
        %parallel_loop3A_527 = arith.minimumf %parallel_loop3A_518, %parallel_loop3A_520 : vector<16xf32>
        %parallel_loop3A_528 = arith.maximumf %parallel_loop3A_518, %parallel_loop3A_520 : vector<16xf32>
        %parallel_loop3A_529 = arith.minimumf %parallel_loop3A_521, %parallel_loop3A_523 : vector<16xf32>
        %parallel_loop3A_530 = arith.maximumf %parallel_loop3A_521, %parallel_loop3A_523 : vector<16xf32>
        %parallel_loop3A_531 = arith.minimumf %parallel_loop3A_522, %parallel_loop3A_524 : vector<16xf32>
        %parallel_loop3A_532 = arith.maximumf %parallel_loop3A_522, %parallel_loop3A_524 : vector<16xf32>
        %parallel_loop3A_533 = arith.constant dense<true> : vector<16xi1>
        %parallel_loop3A_534, %parallel_loop3A_535, %parallel_loop3A_536 = tpu.sort %parallel_loop3A_525, %parallel_loop3A_525 masked %parallel_loop3A_533 : (vector<16xf32>, vector<16xf32>, vector<16xi1>) -> (vector<16xi1>, vector<16xf32>, vector<16xf32>)
        %parallel_loop3A_537 = arith.index_cast %parallel_loop3A_115 : i32 to index
        %parallel_loop3A_538 = arith.constant 0 : index
        %parallel_loop3A_539 = tpu.vector_load %arg10[%parallel_loop3A_537, %parallel_loop3A_538] {strides = array<i32>} : memref<128x128xf32, #tpu.memory_space<vmem>>, vector<16xf32>,
        tpu.vector_store %arg10[%parallel_loop3A_537, %parallel_loop3A_538], %parallel_loop3A_535 {strides = array<i32>} : memref<128x128xf32, #tpu.memory_space<vmem>>, vector<16xf32>,
        %parallel_loop3A_540 = arith.constant dense<true> : vector<16xi1>
        %parallel_loop3A_541, %parallel_loop3A_542, %parallel_loop3A_543 = tpu.sort %parallel_loop3A_526, %parallel_loop3A_526 masked %parallel_loop3A_540 : (vector<16xf32>, vector<16xf32>, vector<16xi1>) -> (vector<16xi1>, vector<16xf32>, vector<16xf32>)
        %parallel_loop3A_544 = arith.index_cast %parallel_loop3A_115 : i32 to index
        %parallel_loop3A_545 = arith.constant 16 : index
        %parallel_loop3A_546 = tpu.vector_load %arg10[%parallel_loop3A_544, %parallel_loop3A_545] {strides = array<i32>} : memref<128x128xf32, #tpu.memory_space<vmem>>, vector<16xf32>,
        tpu.vector_store %arg10[%parallel_loop3A_544, %parallel_loop3A_545], %parallel_loop3A_542 {strides = array<i32>} : memref<128x128xf32, #tpu.memory_space<vmem>>, vector<16xf32>,
        %parallel_loop3A_547 = arith.constant dense<true> : vector<16xi1>
        %parallel_loop3A_548, %parallel_loop3A_549, %parallel_loop3A_550 = tpu.sort %parallel_loop3A_527, %parallel_loop3A_527 masked %parallel_loop3A_547 : (vector<16xf32>, vector<16xf32>, vector<16xi1>) -> (vector<16xi1>, vector<16xf32>, vector<16xf32>)
        %parallel_loop3A_551 = arith.index_cast %parallel_loop3A_115 : i32 to index
        %parallel_loop3A_552 = arith.constant 32 : index
        %parallel_loop3A_553 = tpu.vector_load %arg10[%parallel_loop3A_551, %parallel_loop3A_552] {strides = array<i32>} : memref<128x128xf32, #tpu.memory_space<vmem>>, vector<16xf32>,
        tpu.vector_store %arg10[%parallel_loop3A_551, %parallel_loop3A_552], %parallel_loop3A_549 {strides = array<i32>} : memref<128x128xf32, #tpu.memory_space<vmem>>, vector<16xf32>,
        %parallel_loop3A_554 = arith.constant dense<true> : vector<16xi1>
        %parallel_loop3A_555, %parallel_loop3A_556, %parallel_loop3A_557 = tpu.sort %parallel_loop3A_528, %parallel_loop3A_528 masked %parallel_loop3A_554 : (vector<16xf32>, vector<16xf32>, vector<16xi1>) -> (vector<16xi1>, vector<16xf32>, vector<16xf32>)
        %parallel_loop3A_558 = arith.index_cast %parallel_loop3A_115 : i32 to index
        %parallel_loop3A_559 = arith.constant 48 : index
        %parallel_loop3A_560 = tpu.vector_load %arg10[%parallel_loop3A_558, %parallel_loop3A_559] {strides = array<i32>} : memref<128x128xf32, #tpu.memory_space<vmem>>, vector<16xf32>,
        tpu.vector_store %arg10[%parallel_loop3A_558, %parallel_loop3A_559], %parallel_loop3A_556 {strides = array<i32>} : memref<128x128xf32, #tpu.memory_space<vmem>>, vector<16xf32>,
        %parallel_loop3A_561 = arith.constant dense<true> : vector<16xi1>
        %parallel_loop3A_562, %parallel_loop3A_563, %parallel_loop3A_564 = tpu.sort %parallel_loop3A_529, %parallel_loop3A_529 masked %parallel_loop3A_561 : (vector<16xf32>, vector<16xf32>, vector<16xi1>) -> (vector<16xi1>, vector<16xf32>, vector<16xf32>)
        %parallel_loop3A_565 = arith.index_cast %parallel_loop3A_115 : i32 to index
        %parallel_loop3A_566 = arith.constant 64 : index
        %parallel_loop3A_567 = tpu.vector_load %arg10[%parallel_loop3A_565, %parallel_loop3A_566] {strides = array<i32>} : memref<128x128xf32, #tpu.memory_space<vmem>>, vector<16xf32>,
        tpu.vector_store %arg10[%parallel_loop3A_565, %parallel_loop3A_566], %parallel_loop3A_563 {strides = array<i32>} : memref<128x128xf32, #tpu.memory_space<vmem>>, vector<16xf32>,
        %parallel_loop3A_568 = arith.constant dense<true> : vector<16xi1>
        %parallel_loop3A_569, %parallel_loop3A_570, %parallel_loop3A_571 = tpu.sort %parallel_loop3A_530, %parallel_loop3A_530 masked %parallel_loop3A_568 : (vector<16xf32>, vector<16xf32>, vector<16xi1>) -> (vector<16xi1>, vector<16xf32>, vector<16xf32>)
        %parallel_loop3A_572 = arith.index_cast %parallel_loop3A_115 : i32 to index
        %parallel_loop3A_573 = arith.constant 80 : index
        %parallel_loop3A_574 = tpu.vector_load %arg10[%parallel_loop3A_572, %parallel_loop3A_573] {strides = array<i32>} : memref<128x128xf32, #tpu.memory_space<vmem>>, vector<16xf32>,
        tpu.vector_store %arg10[%parallel_loop3A_572, %parallel_loop3A_573], %parallel_loop3A_570 {strides = array<i32>} : memref<128x128xf32, #tpu.memory_space<vmem>>, vector<16xf32>,
        %parallel_loop3A_575 = arith.constant dense<true> : vector<16xi1>
        %parallel_loop3A_576, %parallel_loop3A_577, %parallel_loop3A_578 = tpu.sort %parallel_loop3A_531, %parallel_loop3A_531 masked %parallel_loop3A_575 : (vector<16xf32>, vector<16xf32>, vector<16xi1>) -> (vector<16xi1>, vector<16xf32>, vector<16xf32>)
        %parallel_loop3A_579 = arith.index_cast %parallel_loop3A_115 : i32 to index
        %parallel_loop3A_580 = arith.constant 96 : index
        %parallel_loop3A_581 = tpu.vector_load %arg10[%parallel_loop3A_579, %parallel_loop3A_580] {strides = array<i32>} : memref<128x128xf32, #tpu.memory_space<vmem>>, vector<16xf32>,
        tpu.vector_store %arg10[%parallel_loop3A_579, %parallel_loop3A_580], %parallel_loop3A_577 {strides = array<i32>} : memref<128x128xf32, #tpu.memory_space<vmem>>, vector<16xf32>,
        %parallel_loop3A_582 = arith.constant dense<true> : vector<16xi1>
        %parallel_loop3A_583, %parallel_loop3A_584, %parallel_loop3A_585 = tpu.sort %parallel_loop3A_532, %parallel_loop3A_532 masked %parallel_loop3A_582 : (vector<16xf32>, vector<16xf32>, vector<16xi1>) -> (vector<16xi1>, vector<16xf32>, vector<16xf32>)
        %parallel_loop3A_586 = arith.index_cast %parallel_loop3A_115 : i32 to index
        %parallel_loop3A_587 = arith.constant 112 : index
        %parallel_loop3A_588 = tpu.vector_load %arg10[%parallel_loop3A_586, %parallel_loop3A_587] {strides = array<i32>} : memref<128x128xf32, #tpu.memory_space<vmem>>, vector<16xf32>,
        tpu.vector_store %arg10[%parallel_loop3A_586, %parallel_loop3A_587], %parallel_loop3A_584 {strides = array<i32>} : memref<128x128xf32, #tpu.memory_space<vmem>>, vector<16xf32>,
      } {sc.loop_unroll_factor = 2 : i64, sc.parallel_access}
      %dma_start3A_111 = arith.constant 0 : i32
      %dma_start3A_112 = tpu.memref_slice %arg4[%add3A_68, %dma_start3A_111] : memref<65536x128xf32, #tpu.memory_space<hbm>> -> memref<128x128xf32, #tpu.memory_space<hbm>>
      %dma_start3A_113 = arith.constant 0 : i32
      %dma_start3A_114 = tpu.memref_slice %arg4[%add3A_68, %dma_start3A_113] : memref<65536x128xf32, #tpu.memory_space<hbm>> -> memref<128x128xf32, #tpu.memory_space<hbm>>
      tpu.enqueue_dma source(%arg10 : memref<128x128xf32, #tpu.memory_space<vmem>>) target(%dma_start3A_114 : memref<128x128xf32, #tpu.memory_space<hbm>>) target_semaphore(%arg17 : memref<!tpu.dma_semaphore, #tpu.memory_space<semaphore_mem>>)
    }
    %scan3A_49 = arith.constant 8 : i32
    %add3A_50 = arith.constant 1792 : i32
    %add3A_51 = arith.addi %mul3A_2, %add3A_50 : i32
    %dma_wait3A = arith.constant 0 : i32
    %dma_wait3A_52 = tpu.memref_slice %arg4[%add3A_51, %dma_wait3A] : memref<65536x128xf32, #tpu.memory_space<hbm>> -> memref<128x128xf32, #tpu.memory_space<hbm>>
    %dma_wait3A_53 = arith.constant 0 : i32
    %dma_wait3A_54 = tpu.memref_slice %arg4[%add3A_51, %dma_wait3A_53] : memref<65536x128xf32, #tpu.memory_space<hbm>> -> memref<128x128xf32, #tpu.memory_space<hbm>>
    tpu.wait_dma2 semaphore(%arg16 : memref<!tpu.dma_semaphore, #tpu.memory_space<semaphore_mem>>) src(%arg7 : memref<128x128xf32, #tpu.memory_space<vmem>>) dst(%dma_wait3A_54 : memref<128x128xf32, #tpu.memory_space<hbm>>)
    %add3A_55 = arith.constant 128 : i32
    %add3A_56 = arith.addi %add3A_51, %add3A_55 : i32
    %dma_wait3A_57 = arith.constant 0 : i32
    %dma_wait3A_58 = tpu.memref_slice %arg4[%add3A_56, %dma_wait3A_57] : memref<65536x128xf32, #tpu.memory_space<hbm>> -> memref<128x128xf32, #tpu.memory_space<hbm>>
    %dma_wait3A_59 = arith.constant 0 : i32
    %dma_wait3A_60 = tpu.memref_slice %arg4[%add3A_56, %dma_wait3A_59] : memref<65536x128xf32, #tpu.memory_space<hbm>> -> memref<128x128xf32, #tpu.memory_space<hbm>>
    tpu.wait_dma2 semaphore(%arg17 : memref<!tpu.dma_semaphore, #tpu.memory_space<semaphore_mem>>) src(%arg10 : memref<128x128xf32, #tpu.memory_space<vmem>>) dst(%dma_wait3A_60 : memref<128x128xf32, #tpu.memory_space<hbm>>)
    return
  }
}

</mosaic_0001>

<sc_bundles>
// kernel: kernel.3.cloned.1.call-start
scs
__scs_entry_jumppad:
0x0: {  	(pc) =	sbr.rel $0x88, $3  }
0x1: {  	(tag) =	ssettag $0x0;
	lr =	simm.s32 $0x1  }
0x2: {  	[smem:$0x3F9C] =	sst lr;
	_ =	strace $0xD0000000  }
0x3: {  	_ = 	snop  }
0x4: {  	_ = 	snop  }
0x5: {  	_ = 	snop  }
0x6: {  	_ = 	snop  }
0x7: {  	_ = 	snop  }
__scs_overlays_trampoline_lowered:
0x8: {  	[smem:$0x3FAB] =	sst s0  }
0x9: {  	[smem:$0x3FAC] =	sst s1  }
0xa: {  	[smem:$0x3FAD] =	sst s2  }
0xb: {  	[smem:$0x3FAE] =	sst s3  }
0xc: {  	[smem:$0x3FAF] =	sst s4  }
0xd: {  	[smem:$0x3FB0] =	sst s5  }
0xe: {  	[smem:$0x3FB1] =	sst s6  }
0xf: {  	[smem:$0x3FB2] =	sst s7  }
0x10: {  	[smem:$0x3FB3] =	sst s8  }
0x11: {  	[smem:$0x3FB4] =	sst s9;
	s0 =	simm.s32 @!p0 $0x0  }
0x12: {  	s1 =	sld [smem:$0x3F9A];
	s0 =	simm.s32 @p0 $0x1  }
0x13: {  	[smem:$0x3FB5] =	sst s0;
	s0 =	simm.s32 @!p1 $0x0  }
0x14: {  	s2 =	sld [smem:$0x3F99];
	s0 =	simm.s32 @p1 $0x1  }
0x15: {  	[smem:$0x3FB6] =	sst s0;
	s0 =	simm.s32 @!p2 $0x0  }
0x16: {  	s3 =	sld [smem:$0x3FDB];
	s0 =	simm.s32 @p2 $0x1  }
0x17: {  	s4 =	simm.s32 $0x1BF5;
	[smem:$0x3FB8] =	sst s0  }
0x18: {  	s0 =	sld [smem:$0x3F9B];
	_ =	swait.ge [sflag:s4], $0x0  }
0x19: {  	s7 =	sld [smem:$0x3F9C]  }
0x1a: {  	s8 =	sadd.s32 $0xFFFFE003, lr  }
0x1b: {  	s9 =	sadd.s32 $0xFFFFFEF7, lr;
	s5 =	simm.s32 $0xFFFFFFFF;
	p2 =	slt.u32 s8, $0xFFFFF086  }
0x1c: {  	p1 =	slt.u32 s9, $0xF7A;
	s5 =	simm.s32 @!p2 $0x0  }
0x1d: {  	s5 =	simm.s32 @p1 $0x1;
	p0 =	seq.s32 s7, s2  }
0x1e: {  	s7 =	smul.u32 @!p0 $0xF7A, s2;
	p2 =	seq.s32 @!p0 s5, $0x0  }
0x1f: {  	s9 =	smul.u32 $0xF7A, s1;
	s8 =	simm.s32 @!p0 $0x1BF5;
	p2 =	por !p2, p0  }
0x20: {  	[sflag:s8] =	ssyncset.s32 @!p0 $0xFFFFF086;
	s6 =	sadd.s32 @!p0 s3, s7;
	s7 =	simm.s32 @!p0 $0x108  }
0x21: {  	s3 =	sadd.s32 s3, s9;
	s6 =	sadd.s32 @!p0 $0x88, s6;
	s7 =	simm.s32 @p2 $0x1082  }
0x22: {  	[simem:s7], [sflag:s8] =	dma.local @!p0 [hbm:s6], $0xF7A  }
0x23: {  	s9 =	sor.u32 $0xD0000000, s2;
	s6 =	simm.s32 $0x108;
	_ =	swait.ge @!p0 [sflag:s8], $0x0  }
0x24: {  	s3 =	sadd.s32 $0x88, s3;
	s6 =	simm.s32 @!p1 $0x1082;
	[sflag:s4] =	ssyncset.s32 $0xFFFFF086  }
0x25: {  	[simem:s6], [sflag:s4] =	dma.local [hbm:s3], $0xF7A  }
0x26: {  	[smem:$0x3F9C] =	sst s1;
	(tag) =	ssettag s2;
	_ =	strace s9  }
0x27: {  	s1 =	sld [smem:$0x3FAC]  }
0x28: {  	s2 =	sld [smem:$0x3FAD]  }
0x29: {  	s4 =	sld [smem:$0x3FAF]  }
0x2a: {  	p0 =	seq.s32 s5, $0x0;
	s5 =	sld [smem:$0x3FB0]  }
0x2b: {  	s6 =	sld [smem:$0x3FB1]  }
0x2c: {  	s7 =	sld [smem:$0x3FB2]  }
0x2d: {  	s3 =	simm.s32 $0x108;
	s8 =	sld [smem:$0x3FB3]  }
0x2e: {  	s3 =	simm.s32 @!p0 $0x1082;
	s9 =	sld [smem:$0x3FB4]  }
0x2f: {  	lr =	sadd.s32 s0, s3;
	s0 =	sld [smem:$0x3FAB]  }
0x30: {  	s3 =	sld [smem:$0x3FAE]  }
0x31: {  	[smem:$0x3FB7] =	sst s10  }
0x32: {  	s10 =	sld [smem:$0x3FB5];
	_ =	sdelay $0x3  }
0x33: {  	p0 =	seq.s32 s10, $0x1;
	s10 =	sld [smem:$0x3FB7];
	_ =	sdelay $0x3  }
0x34: {  	[smem:$0x3FB7] =	sst s10  }
0x35: {  	s10 =	sld [smem:$0x3FB6];
	_ =	sdelay $0x3  }
0x36: {  	p1 =	seq.s32 s10, $0x1;
	s10 =	sld [smem:$0x3FB7];
	_ =	sdelay $0x3  }
0x37: {  	[smem:$0x3FB7] =	sst s10  }
0x38: {  	s10 =	sld [smem:$0x3FB8]  }
0x39: {  	_ = 	snop;
	(pc) =	sbr.ind lr, $3  }
0x3a: {  	_ = 	snop  }
0x3b: {  	_ = 	snop  }
0x3c: {  	p2 =	seq.s32 s10, $0x1;
	s10 =	sld [smem:$0x3FB7]  }
0x3d: {  	_ =	shalt  }
0x3e: {  	_ =	shalt  }
0x3f: {  	_ =	shalt  }
0x40: {  	_ =	shalt  }
0x41: {  	_ =	shalt  }
0x42: {  	_ =	shalt  }
0x43: {  	_ =	shalt  }
0x44: {  	_ =	shalt  }
0x45: {  	_ =	shalt  }
0x46: {  	_ =	shalt  }
0x47: {  	_ =	shalt  }
0x48: {  	_ =	shalt  }
0x49: {  	_ =	shalt  }
0x4a: {  	_ =	shalt  }
0x4b: {  	_ =	shalt  }
0x4c: {  	_ =	shalt  }
0x4d: {  	_ =	shalt  }
0x4e: {  	_ =	shalt  }
0x4f: {  	_ =	shalt  }
0x50: {  	_ =	shalt  }
0x51: {  	_ =	shalt  }
0x52: {  	_ =	shalt  }
0x53: {  	_ =	shalt  }
0x54: {  	_ =	shalt  }
0x55: {  	_ =	shalt  }
0x56: {  	_ =	shalt  }
0x57: {  	_ =	shalt  }
0x58: {  	_ =	shalt  }
0x59: {  	_ =	shalt  }
0x5a: {  	_ =	shalt  }
0x5b: {  	_ =	shalt  }
0x5c: {  	_ =	shalt  }
0x5d: {  	_ =	shalt  }
0x5e: {  	_ =	shalt  }
0x5f: {  	_ =	shalt  }
0x60: {  	_ =	shalt  }
0x61: {  	_ =	shalt  }
0x62: {  	_ =	shalt  }
0x63: {  	_ =	shalt  }
0x64: {  	_ =	shalt  }
0x65: {  	_ =	shalt  }
0x66: {  	_ =	shalt  }
0x67: {  	_ =	shalt  }
0x68: {  	_ =	shalt  }
0x69: {  	_ =	shalt  }
0x6a: {  	_ =	shalt  }
0x6b: {  	_ =	shalt  }
0x6c: {  	_ =	shalt  }
0x6d: {  	_ =	shalt  }
0x6e: {  	_ =	shalt  }
0x6f: {  	_ =	shalt  }
0x70: {  	_ =	shalt  }
0x71: {  	_ =	shalt  }
0x72: {  	_ =	shalt  }
0x73: {  	_ =	shalt  }
0x74: {  	_ =	shalt  }
0x75: {  	_ =	shalt  }
0x76: {  	_ =	shalt  }
0x77: {  	_ =	shalt  }
0x78: {  	_ =	shalt  }
0x79: {  	_ =	shalt  }
0x7a: {  	_ =	shalt  }
0x7b: {  	_ =	shalt  }
0x7c: {  	_ =	shalt  }
0x7d: {  	_ =	shalt  }
0x7e: {  	_ =	shalt  }
0x7f: {  	_ =	shalt  }
0x80: {  	_ =	shalt  }
0x81: {  	_ =	shalt  }
0x82: {  	_ =	shalt  }
0x83: {  	_ =	shalt  }
0x84: {  	_ =	shalt  }
0x85: {  	_ =	shalt  }
0x86: {  	_ =	shalt  }
0x87: {  	_ =	shalt  }
.Lfunc_end0:
.L_simem_size_0:
called_computation_lowered:
.L_overlay_start_0:
0x88: {  	s2 =	sld [smem:$0x3FD9]  }
0x89: {  	s3 =	sld [smem:$0x3FFE];
	_ =	sdelay $0x1  }
0x8a: {  	s1 =	srdreg.scid  }
0x8b: {  	s0 =	sand.u32 $0x1, s1  }
0x8c: {  	s14 =	sshll.u32 s0, $0xA;
	s2 =	sadd.s32 s3, s2  }
0x8d: {  	s2 =	sadd.s32 s2, s14  }
0x8e: {  	[smem:$0x3FC3] =	sst s2  }
0x8f: {  	_ = 	snop  }
0x90: {  	s2 =	sld [smem:$0x3FD0];
	_ =	sdelay $0x2  }
0x91: {  	s15 =	simm.s32 $0xA;
	s4 =	simm.s32 $0x10  }
0x92: {  	[smem:s4], [sflag:s15] =	dma.local [hbm:s2], $0x1  }
0x93: {  	_ =	swait.eq [sflag:s15], $0x1  }
0x94: {  	[sflag:s15] =	ssyncset.done $0x0  }
0x95: {  	[sflag:s15] =	ssyncadd.s32 $0xFFFFFFFF  }
0x96: {  	s16 =	sld [smem:$0x12];
	(tm) =	ssettm $0x1  }
0x97: {  	s17 =	sld [smem:$0x3FFB];
	_ =	sdelay $0x3  }
0x98: {  	_ =	strace s17  }
0x99: {  	s3 =	sld [smem:$0x3FFC];
	_ =	sdelay $0x3  }
0x9a: {  	_ =	strace s3  }
0x9b: {  	s3 =	sld [smem:$0x3FFD];
	_ =	sdelay $0x3  }
0x9c: {  	_ =	strace s3  }
0x9d: {  	_ =	strace $0x8FFFFFFF  }
0x9e: {  	s18 =	sld [smem:$0x3FDB];
	_ =	sdelay $0x1  }
0x9f: {  	s19 =	simm.s32 $_scs_section_size  }
0xa0: {  	s5 =	simm.s32 $_size__tile_overlayer_lowered;
	s6 =	simm.s32 $_tile_overlayer_lowered  }
0xa1: {  	s22 =	simm.s32 $0x1BFF;
	s21 =	sshll.u32 s6, $0x1;
	s3 =	sadd.s32 s19, s18  }
0xa2: {  	s7 =	simm.s32 $0x0;
	s20 =	sshll.u32 s5, $0x1;
	s5 =	sadd.s32 s21, s3  }
0xa3: {  	[timem:s7], [sflag:s22] =	dma.local [hbm:s5], s20  }
0xa4: {  	_ =	swait.ge [sflag:s22], s20  }
0xa5: {  	s4 =	ssub.s32 $0x0, s20;
	[sflag:s22] =	ssyncset.done $0x0  }
0xa6: {  	[sflag:s22] =	ssyncadd.s32 s4;
	_ =	sdelay $0x1  }
0xa7: {  	s23 =	simm.s32 $0x1B8B  }
0xa8: {  	_ =	swait.ge [sflag:s23], $0x1  }
0xa9: {  	[sflag:s23] =	ssyncset.done $0x0  }
0xaa: {  	s25 =	simm.s32 $0x1B8E;
	s24 =	sld [smem:$0x3FFE];
	[sflag:s23] =	ssyncadd.s32 $0xFFFFFFFF  }
0xab: {  	s26 =	simm.s32 $execute0_lowered;
	[smem:$0x3FD2] =	sst s25  }
0xac: {  	s5 =	sshll.u32 s26, $0x1;
	_ =	strace $0x80000046;
	[dreg:$0x1] =	wrdreg $0xFFFFFFFF  }
0xad: {  	s28 =	simm.s32 $_size_execute0_lowered;
	s3 =	sadd.s32 s3, s5;
	[dreg:$0x0] =	wrdreg $0x0  }
0xae: {  	s5 =	sshll.u32 s28, $0x1;
	[dreg:$0x2] =	wrdreg s3  }
0xaf: {  	[dreg:$0x3] =	wrdreg s5  }
0xb0: {  	[dreg:$0x4] =	wrdreg $0xC0  }
0xb1: {  	_ =	task [dreg:s7], $0x5FFFF  }
0xb2: {  	[dreg:$0x1] =	wrdreg $0xFFFFFFFF  }
0xb3: {  	[dreg:$0x0] =	wrdreg $0x60  }
0xb4: {  	[dreg:$0x2] =	wrdreg s24  }
0xb5: {  	[dreg:$0x3] =	wrdreg s16  }
0xb6: {  	[dreg:$0x4] =	wrdreg $0x9  }
0xb7: {  	_ =	task.clear_ibuf [dreg:s7], $0x5FFFF;
	_ =	strace $0x90000046  }
0xb8: {  	s29 =	simm.s32 $0x9;
	_ =	strace $0x80000048  }
0xb9: {  	_ =	swait.ge [sflag:s29], $0x1  }
0xba: {  	[sflag:s29] =	ssyncadd.s32 $0xFFFFFFFF  }
0xbb: {  	_ =	strace $0x90000048  }
0xbc: {  	_ =	sfence  }
0xbd: {  	s30 =	sld [smem:$0x0];
	_ =	sdelay $0x2  }
0xbe: {  	s31 =	sshll.u32 s1, $0xD;
	s1 =	sshrl.u32 s1, $0x2  }
0xbf: {  	s3 =	sand.u32 $0x4000, s31;
	s1 =	sadd.s32 s1, s30  }
0xc0: {  	s0 =	sor.u32 s3, s0;
	s1 =	sshll.u32 s1, $0x11  }
0xc1: {  	s0 =	sor.u32 s1, s0  }
0xc2: {  	s0 =	sadd.s32 $0x8F2B, s0  }
0xc3: {  	[sflag:s0] =	ssyncadd.remote.s32 $0x1  }
0xc4: {  	_ =	sfence.sel $0xFFFF  }
0xc5: {  	[dreg:$0x0] =	wrdreg $0xFFFFFFFF;
	(pc) =	sbr.abs _section_cstart, $3  }
0xc6: {  	[dreg:$0x1] =	wrdreg $0xFFFFFFFF  }
0xc7: {  	_ =	task.clear_ibuf [dreg:s7], $0x2FFFF;
	_ =	strace $0x9FFFFFFF  }
0xc8: {  	(tm) =	ssettm $0x7FFFFFFF  }
0xc9: {  	_ =	shalt  }
tec
execute0_lowered:
.L_overlay_start_1:
0x0: {  	(tag) =	ssettag $0x1  }
0x1: {  	v0 =	vimm.s32 $0x3C3B3A39;
	v1 =	vimm.s32 $0x3F3F3E3D;
	v2 =	vimm.f32 $2.380952540e-01  }
0x2: {  	vm8 =	vcmask $0x300;
	vm9 =	vcmask $0x704;
	vm0 =	vcmask $0x1F10  }
0x3: {  	vm10 =	vcmask $0xB08;
	v3 =	vimm.s32 $0x34333231;
	vm11 =	vcmask $0xF0C  }
0x4: {  	vm12 =	vcmask $0x1310;
	v4 =	vimm.s32 $0x38373635;
	v2 =	vsel vm8, $0x0, v2  }
0x5: {  	vm13 =	vcmask $0x1714;
	vm14 =	vcmask $0x1B18;
	v2 =	vsel vm9, $0x3C820821, v2  }
0x6: {  	vm7 =	vcmask $0x1F1C;
	vm5 =	vcmask $0x2320;
	v2 =	vsel vm10, $0x3D020821, v2  }
0x7: {  	vm15 =	vcmask $0x2724;
	vm6 =	vcmask $0x2B28;
	v2 =	vsel vm11, $0x3D430C32, v2  }
0x8: {  	v0 =	vunpack.c.0.s8.s32 v0;
	v1 =	vunpack.c.0.s8.s32 v1;
	v2 =	vsel vm12, $0x3D820821, v2  }
0x9: {  	v3 =	vunpack.c.0.s8.s32 v3;
	v4 =	vunpack.c.0.s8.s32 v4;
	v2 =	vsel vm13, $0x3DA28A29, v2  }
0xa: {  	vm4 =	vcmask $0x2F2C;
	v0 =	vsel vm0, v1, v0;
	v1 =	vsel vm14, $0x3DC30C32, v2  }
0xb: {  	vm1 =	vcmask $0x3330;
	v2 =	vsel vm0, v4, v3;
	v1 =	vsel vm7, $0x3DE38E3A, v1  }
0xc: {  	vm2 =	vcmask $0x3734;
	v17 =	vcombine.low v2, v0;
	v0 =	vsel vm5, $0x3E020821, v1  }
0xd: {  	vm3 =	vcmask $0x3B38;
	v5 =	vimm.s32 $0x7F7F7E7D;
	v0 =	vsel vm15, $0x3E124925, v0  }
0xe: {  	v6 =	vlaneseq.u32;
	v5 =	vunpack.c.0.s8.s32 v5;
	v0 =	vsel vm6, $0x3E228A29, v0  }
0xf: {  	v6 =	vmul.u32 $0xFFFFFFFF, v6;
	v2 =	vimm.f32 $4.920635220e-01;
	v0 =	vsel vm4, $0x3E32CB2D, v0  }
0x10: {  	v3 =	vimm.f32 $7.460317610e-01;
	v2 =	vsel vm8, $0x3E820821, v2;
	v0 =	vsel vm1, $0x3E430C32, v0  }
0x11: {  	v4 =	vimm.s32 $0x7C7B7A79;
	v2 =	vsel vm9, $0x3E8A28A3, v2;
	v0 =	vsel vm2, $0x3E534D36, v0  }
0x12: {  	s0 =	rddreg [dreg:$0x0];
	s2 =	simm.s32 $0x0;
	v3 =	vsel vm8, $0x3F020821, v3;
	v2 =	vsel vm10, $0x3E924925, v2;
	v1 =	vsel vm3, $0x3E638E3A, v0  }
0x13: {  	[smem:$0x7FF] =	sst s2;
	s4 =	sadd.s32 $0x1A00, s0;
	v0 =	vsel vm11, $0x3E9A69A7, v2;
	v2 =	vsel vm9, $0x3F061862, v3;
	v3 =	vimm.f32 $1.000000000e+00  }
0x14: {  	s5 =	sadd.s32 $0x81A00, s0;
	_ =	strace $0x80000047;
	v49 =	vadd.s32 $0xF, v6;
	v4 =	vunpack.c.0.s8.s32 v4;
	v3 =	vsel vm8, $0x3F430C31, v3  }
0x15: {  	v0 =	vsel vm12, $0x3EA28A29, v0;
	v2 =	vsel vm10, $0x3F0A28A3, v2;
	v3 =	vsel vm9, $0x3F471C72, v3  }
0x16: {  	v0 =	vsel vm13, $0x3EAAAAAB, v0;
	v2 =	vsel vm11, $0x3F0E38E4, v2;
	v3 =	vsel vm10, $0x3F4B2CB3, v3  }
0x17: {  	v0 =	vsel vm14, $0x3EB2CB2E, v0;
	v2 =	vsel vm12, $0x3F124925, v2;
	v3 =	vsel vm11, $0x3F4F3CF4, v3  }
0x18: {  	v0 =	vsel vm7, $0x3EBAEBB0, v0;
	v2 =	vsel vm13, $0x3F165966, v2;
	v3 =	vsel vm12, $0x3F534D35, v3  }
0x19: {  	v0 =	vsel vm5, $0x3EC30C32, v0;
	v2 =	vsel vm14, $0x3F1A69A7, v2;
	v3 =	vsel vm13, $0x3F575D76, v3  }
0x1a: {  	v0 =	vsel vm15, $0x3ECB2CB4, v0;
	v2 =	vsel vm7, $0x3F1E79E8, v2;
	v3 =	vsel vm14, $0x3F5B6DB7, v3  }
0x1b: {  	v0 =	vsel vm6, $0x3ED34D36, v0;
	v2 =	vsel vm5, $0x3F228A29, v2;
	v3 =	vsel vm7, $0x3F5F7DF8, v3  }
0x1c: {  	v0 =	vsel vm4, $0x3EDB6DB8, v0;
	v2 =	vsel vm15, $0x3F269A6A, v2;
	v3 =	vsel vm5, $0x3F638E39, v3  }
0x1d: {  	v0 =	vsel vm1, $0x3EE38E3A, v0;
	v2 =	vsel vm6, $0x3F2AAAAB, v2;
	v3 =	vsel vm15, $0x3F679E7A, v3  }
0x1e: {  	s28 =	srdreg.scid;
	s1 =	stileid.u32;
	v0 =	vsel vm2, $0x3EEBAEBC, v0;
	v2 =	vsel vm4, $0x3F2EBAEC, v2;
	v3 =	vsel vm6, $0x3F6BAEBB, v3  }
0x1f: {  	s0 =	sand.u32 $0x1, s28;
	s1 =	sshll.u32 s1, $0x1;
	v31 =	vsel vm3, $0x3EF3CF3E, v0;
	v0 =	vsel vm1, $0x3F32CB2E, v2;
	v2 =	vsel vm4, $0x3F6FBEFC, v3  }
0x20: {  	s11 =	simm.s32 $0x8000;
	s3 =	ssub.s32 $0x2, s0;
	s0 =	sor.u32 s0, s1;
	[tilespmem:$0x1FFB0] =	vst v49;
	v3 =	vsel vm0, v5, v4;
	v4 =	vimm.s32 $0x74737271;
	v5 =	vimm.s32 $0x78777675  }
0x21: {  	s13 =	simm.s32 $0x10000;
	[dreg:$0x3] =	wrdreg s4;
	s6 =	sshll.u32 s0, $0xB;
	[tilespmem:$0x1FFF0] =	vst v17;
	v4 =	vunpack.c.0.s8.s32 v4;
	v5 =	vunpack.c.0.s8.s32 v5  }
0x22: {  	[dreg:$0x4] =	wrdreg s5;
	s0 =	sshll.u32 s0, $0xE;
	[tilespmem:$0x1FFE0] =	vst v1;
	v0 =	vsel vm2, $0x3F36DB6E, v0;
	v2 =	vsel vm1, $0x3F73CF3E, v2  }
0x23: {  	s29 =	sshrl.u32 s3, $0x1;
	[dreg:$0x5] =	wrdreg s6;
	s30 =	sadd.s32 s4, s0;
	[tilespmem:$0x1FFD0] =	vst v31;
	v30 =	vsel vm3, $0x3F3AEBB0, v0;
	v0 =	vsel vm2, $0x3F77DF7E, v2;
	v2 =	vsel vm0, v5, v4  }
0x24: {  	s1 =	ssub.s32 s3, s29;
	s0 =	sadd.s32 s5, s0;
	[dreg:$0x6] =	wrdreg s30;
	[tilespmem:$0x1FF90] =	vst v30;
	v46 =	vsel vm3, $0x3F7BEFC0, v0;
	v63 =	vcombine.low v2, v3  }
0x25: {  	s15 =	simm.s32 $0x14000;
	[dreg:$0x7] =	wrdreg s0;
	s31 =	smax.u32 s1, $0x1;
	[tilespmem:$0x1FFA0] =	vst v46  }
0x26: {  	v52 =	vimm.s32 $0x0;
	v7 =	vimm.s32 $0x1;
	s16 =	simm.s32 $0x12000;
	s3 =	simm.s32 $0x0;
	[dreg:$0x8] =	wrdreg s31;
	[tilespmem:$0x1FFC0] =	vst v63  }
.LBB2_1:
0x27: {  	[dreg:$0x9] =	wrdreg s3  }
0x28: {  	s0 =	rddreg [dreg:$0x6]  }
0x29: {  	[tilespmem:s2], [sflag:$0x1] =	stream.linear.gather [hbm4b:s0+s2], $0x2000, $0x38;
	[tilespmem:$0x16000] =	vst v63  }
0x2a: {  	s31 =	rddreg [dreg:$0x7];
	s1 =	simm.s32 $0x2000;
	s23 =	simm.s32 $0x0  }
0x2b: {  	[tilespmem:s1], [sflag:$0x1] =	stream.linear.gather [hbm4b:s31+s2], $0x2000, $0x38;
	[tilespmem:$0x16000] =	vst v63  }
.LBB2_2:
0x2c: {  	s0 =	sshll.u32 s23, $0x8;
	s1 =	rddreg [dreg:$0x5]  }
0x2d: {  	s25 =	sadd.s32 s1, s0  }
0x2e: {  	s24 =	sor.u32 $0x80, s25  }
0x2f: {  	s8 =	sshll.u32 s24, $0x3  }
0x30: {  	s9 =	rddreg [dreg:$0x3];
	s0 =	sand.u32 $0x1FFFFC00, s8  }
0x31: {  	s10 =	rddreg [dreg:$0x4];
	s1 =	sadd.s32 s9, s0  }
0x32: {  	[tilespmem:s11], [sflag:$0x2] =	stream.linear.gather [hbm4b:s1+s2], $0x2000, $0x38;
	[tilespmem:$0x16000] =	vst v63  }
0x33: {  	s12 =	simm.s32 $0xA000;
	s14 =	simm.s32 $0x1;
	s0 =	sadd.s32 s10, s0  }
0x34: {  	[tilespmem:s12], [sflag:$0x2] =	stream.linear.gather [hbm4b:s0+s2], $0x2000, $0x38;
	[tilespmem:$0x16000] =	vst v63  }
0x35: {  	_ =	swait.ge [sflag:s14], $0x2000  }
0x36: {  	[sflag:s14] =	ssyncset.done $0x0  }
0x37: {  	[sflag:s14] =	ssyncadd.s32 $0xFFFFE000  }
0x38: {  	_ =	swait.ge [sflag:s14], $0x2000  }
0x39: {  	p0 =	seq.s32 s23, $0x0;
	[sflag:s14] =	ssyncset.done $0x0  }
0x3a: {  	s0 =	simm.s32 @!p0 $0x3;
	[sflag:s14] =	ssyncadd.s32 $0xFFFFE000  }
0x3b: {  	_ =	swait.ge @!p0 [sflag:s0], $0x4000  }
0x3c: {  	[sflag:s0] =	ssyncset.done @!p0 $0x0  }
0x3d: {  	s4 =	simm.s32 $0x20;
	s1 =	simm.s32 $0x40;
	[sflag:s0] =	ssyncadd.s32 @!p0 $0xFFFFC000  }
0x3e: {  	s5 =	sor.u32 $0x50, s1;
	v26 =	vld [tilespmem:s4+$0x20]  }
0x3f: {  	s3 =	simm.s32 $0x0;
	v0 =	vor.u32 s1, v63;
	s0 =	sor.u32 $0x60, s1;
	v22 =	vld [tilespmem:s5+$0x0]  }
0x40: {  	v2 =	vor.u32 s3, v17;
	s6 =	sor.u32 $0x41, s1;
	v25 =	vld [tilespmem:s0+$0x0]  }
0x41: {  	s17 =	sor.u32 $0x51, s1;
	v3 =	vld [tilespmem:s6+$0x0]  }
0x42: {  	s18 =	sor.u32 $0x61, s1;
	v4 =	vld [tilespmem:s17+$0x0]  }
0x43: {  	v5 =	vld [tilespmem:s18+$0x0]  }
0x44: {  	v0 =	vld.idx.msk [tilespmem:v0+s2+$0x0], $0xffff  }
0x45: {  	v2 =	vld.idx.msk [tilespmem:v2+s2+$0x0], $0xffff  }
0x46: {  	s20 =	sor.u32 $0x70, s1;
	v24 =	vld [tilespmem:s4+$0x10]  }
0x47: {  	v27 =	vld [tilespmem:s20+$0x0]  }
0x48: {  	v21 =	vld [tilespmem:s4+$0xFFFFFFE0]  }
0x49: {  	v20 =	vld [tilespmem:s4+$0xFFFFFFF0]  }
0x4a: {  	v19 =	vld [tilespmem:s4+$0x0];
	v3 =	vadd.f32 v3, v26  }
0x4b: {  	v9 =	vld [tilespmem:s4+$0x1];
	v2 =	vadd.f32 v2, v24  }
0x4c: {  	v6 =	vld [tilespmem:s4+$0xFFFFFFE1];
	v4 =	vadd.f32 v4, v22;
	v3 =	vmul.f32 $5.000000000e-01, v3  }
0x4d: {  	s19 =	simm.s32 $0x12020;
	v8 =	vld [tilespmem:s4+$0xFFFFFFF1];
	v5 =	vadd.f32 v5, v25;
	v2 =	vmul.f32 $5.000000000e-01, v2  }
0x4e: {  	v0 =	vadd.f32 v0, v27;
	v4 =	vmul.f32 $5.000000000e-01, v4;
	[tilespmem:s19+$0x20] =	vst v3  }
0x4f: {  	v3 =	vmul.f32 $5.000000000e-01, v5;
	[tilespmem:s19+$0x10] =	vst v2  }
0x50: {  	v0 =	vmul.f32 $5.000000000e-01, v0;
	v5 =	vadd.f32 v9, v19;
	[tilespmem:s5+$0x12000] =	vst v4  }
0x51: {  	[tilespmem:s0+$0x12000] =	vst v3;
	v3 =	vadd.f32 v6, v21  }
0x52: {  	v2 =	vmul.f32 $5.000000000e-01, v5;
	[tilespmem:s20+$0x12000] =	vst v0;
	v0 =	vadd.f32 v8, v20  }
0x53: {  	v3 =	vmul.f32 $5.000000000e-01, v3  }
0x54: {  	s21 =	simm.s32 $0x2020;
	[tilespmem:s19+$0x0] =	vst v2;
	v0 =	vmul.f32 $5.000000000e-01, v0  }
0x55: {  	v4 =	vld [tilespmem:s21+$0x20];
	[tilespmem:s19+$0xFFFFFFE0] =	vst v3  }
0x56: {  	[tilespmem:s19+$0xFFFFFFF0] =	vst v0  }
0x57: {  	v2 =	vld [tilespmem:s21+$0xFFFFFFE0];
	_ =	sdelay $0x2  }
0x58: {  	v0 =	vadd.f32 $9.999999740e-06, v4;
	_ =	sdelay $0x1  }
0x59: {  	(xrf2) =	vadd.scan.msk.f32 $0xffff, v0;
	v0 =	vadd.f32 $9.999999740e-06, v2;
	_ =	sdelay $0x1  }
0x5a: {  	(xrf2) =	vadd.scan.msk.f32 $0xffff, v0;
	_ =	sdelay $0x7  }
0x5b: {  	s17 =	simm.s32 $0x10020;
	v5, _, _ =	vpop (xrf2)  }
0x5c: {  	[tilespmem:s17+$0x20] =	vst v5  }
0x5d: {  	v2 =	vld [tilespmem:s5+$0x2000];
	v0, _, _ =	vpop (xrf2)  }
0x5e: {  	[tilespmem:s17+$0xFFFFFFE0] =	vst v0  }
0x5f: {  	v3 =	vld [tilespmem:s21+$0xFFFFFFF0];
	_ =	sdelay $0x2  }
0x60: {  	v2 =	vadd.f32 $9.999999740e-06, v2;
	_ =	sdelay $0x1  }
0x61: {  	(xrf2) =	vadd.scan.msk.f32 $0xffff, v2;
	v2 =	vadd.f32 $9.999999740e-06, v3;
	_ =	sdelay $0x1  }
0x62: {  	(xrf2) =	vadd.scan.msk.f32 $0xffff, v2;
	_ =	sdelay $0x7  }
0x63: {  	v9, _, _ =	vpop (xrf2)  }
0x64: {  	[tilespmem:s5+$0x10000] =	vst v9  }
0x65: {  	v3 =	vld [tilespmem:s0+$0x2000];
	v2, _, _ =	vpop (xrf2)  }
0x66: {  	[tilespmem:s17+$0xFFFFFFF0] =	vst v2  }
0x67: {  	v4 =	vld [tilespmem:s21+$0x0];
	_ =	sdelay $0x2  }
0x68: {  	v3 =	vadd.f32 $9.999999740e-06, v3;
	_ =	sdelay $0x1  }
0x69: {  	(xrf2) =	vadd.scan.msk.f32 $0xffff, v3;
	v3 =	vadd.f32 $9.999999740e-06, v4;
	_ =	sdelay $0x1  }
0x6a: {  	(xrf2) =	vadd.scan.msk.f32 $0xffff, v3;
	_ =	sdelay $0x5  }
0x6b: {  	s22 =	simm.s32 $0xA0  }
0x6c: {  	v18 =	vld [tilespmem:s22+$0x20];
	_ =	sdelay $0x1  }
0x6d: {  	v10, _, _ =	vpop (xrf2)  }
0x6e: {  	[tilespmem:s0+$0x10000] =	vst v10;
	v6, _, _ =	vpop (xrf2)  }
0x6f: {  	s12 =	simm.s32 $0xC0;
	v3 =	vld [tilespmem:s20+$0x2000];
	[tilespmem:s17+$0x0] =	vst v6  }
0x70: {  	s8 =	sor.u32 $0x50, s12;
	v4 =	vld [tilespmem:s21+$0x10];
	[tilespmem:$0x1FF40] =	vst v18  }
0x71: {  	v34 =	vld [tilespmem:s8+$0x0];
	_ =	sdelay $0x4  }
0x72: {  	s7 =	sor.u32 $0x60, s12;
	[tilespmem:$0x1FF60] =	vst v34  }
0x73: {  	v32 =	vld [tilespmem:s7+$0x0];
	_ =	sdelay $0x1  }
0x74: {  	v3 =	vadd.f32 $9.999999740e-06, v3;
	_ =	sdelay $0x1  }
0x75: {  	(xrf2) =	vadd.scan.msk.f32 $0xffff, v3;
	v3 =	vadd.f32 $9.999999740e-06, v4;
	v4 =	vor.u32 s12, v63  }
0x76: {  	s9 =	simm.s32 $0x80;
	s26 =	sor.u32 $0x41, s12;
	[tilespmem:$0x1FF50] =	vst v32  }
0x77: {  	v12 =	vor.u32 s9, v17;
	s10 =	sor.u32 $0x51, s12;
	v11 =	vld [tilespmem:s26+$0x0]  }
0x78: {  	s14 =	sor.u32 $0x61, s12;
	v13 =	vld [tilespmem:s10+$0x0]  }
0x79: {  	v14 =	vld [tilespmem:s14+$0x0]  }
0x7a: {  	s6 =	sor.u32 $0x70, s12;
	v16 =	vld.idx.msk [tilespmem:v4+s2+$0x0], $0xffff  }
0x7b: {  	(xrf2) =	vadd.scan.msk.f32 $0xffff, v3;
	v3 =	vmov s1;
	v33 =	vld [tilespmem:s6+$0x0]  }
0x7c: {  	v15 =	vor.u32 $0x4F, v3;
	v12 =	vld.idx.msk [tilespmem:v12+s2+$0x0], $0xffff  }
0x7d: {  	v8 =	vor.u32 $0x5F, v3;
	v39 =	vld [tilespmem:s22+$0xFFFFFFE0]  }
0x7e: {  	v4 =	vor.u32 $0x6F, v3;
	v40 =	vld [tilespmem:s22+$0xFFFFFFF0]  }
0x7f: {  	v23 =	vor.u32 $0x7E, v3;
	v28, _, _ =	vpop (xrf2);
	v36 =	vld [tilespmem:s22+$0xFFFFFFF1]  }
0x80: {  	v37 =	vld [tilespmem:s22+$0x1];
	[tilespmem:s20+$0x10000] =	vst v28;
	v11 =	vadd.f32 v11, v18  }
0x81: {  	v29 =	vld.idx.msk [tilespmem:v15+s13+$0x0], $0xffff;
	v13 =	vadd.f32 v13, v34  }
0x82: {  	v55 =	vld.idx.msk [tilespmem:v8+s13+$0x0], $0xffff;
	v14 =	vadd.f32 v14, v32;
	v11 =	vmul.f32 $5.000000000e-01, v11  }
0x83: {  	s10 =	simm.s32 $0x120A0;
	v16 =	vadd.f32 v16, v33;
	v35 =	vld.idx.msk [tilespmem:v4+s13+$0x0], $0xffff;
	v13 =	vmul.f32 $5.000000000e-01, v13  }
0x84: {  	[tilespmem:s10+$0x20] =	vst v11;
	v11 =	vmul.f32 $5.000000000e-01, v14;
	v14 =	vld.idx.msk [tilespmem:v23+s13+$0x0], $0xffff  }
0x85: {  	v23 =	vld [tilespmem:s22+$0x0];
	[tilespmem:s8+$0x12000] =	vst v13;
	v13 =	vmul.f32 $5.000000000e-01, v16  }
0x86: {  	v16 =	vld [tilespmem:s22+$0x10];
	[tilespmem:s7+$0x12000] =	vst v11  }
0x87: {  	s21 =	simm.s32 $0x20A0;
	[tilespmem:s6+$0x12000] =	vst v13;
	v13 =	vld [tilespmem:s22+$0xFFFFFFE1]  }
0x88: {  	v34 =	vadd.f32 v55, v29;
	v11 =	vld [tilespmem:s21+$0x20];
	_ =	sdelay $0x1  }
0x89: {  	v38 =	vld.idx.msk [tilespmem:v3+s13+$0x0], $0xffff;
	v36 =	vadd.f32 v36, v40;
	v35 =	vadd.f32 v35, v34;
	[tilespmem:$0x1FD90] =	vst v39  }
0x8a: {  	[tilespmem:$0x1FDA0] =	vst v40;
	v12 =	vadd.f32 v12, v16  }
0x8b: {  	v36 =	vmul.f32 $5.000000000e-01, v36;
	v14 =	vadd.f32 v14, v35;
	[tilespmem:$0x1FDB0] =	vst v23;
	v13 =	vadd.f32 v13, v39  }
0x8c: {  	v37 =	vadd.f32 v37, v23;
	[tilespmem:$0x1FD80] =	vst v16;
	v12 =	vmul.f32 $5.000000000e-01, v12;
	v11 =	vadd.f32 $9.999999740e-06, v11  }
0x8d: {  	[tilespmem:s10+$0xFFFFFFF0] =	vst v36;
	v13 =	vmul.f32 $5.000000000e-01, v13  }
0x8e: {  	[tilespmem:s10+$0x10] =	vst v12;
	v12 =	vsub.f32 v14, v38;
	(xrf2) =	vadd.scan.msk.f32 $0xffff, v11;
	v11 =	vmul.f32 $5.000000000e-01, v37  }
0x8f: {  	[tilespmem:s10+$0xFFFFFFE0] =	vst v13  }
0x90: {  	(erf) = vrcp.f32 v12;
	[tilespmem:s10+$0x0] =	vst v11  }
0x91: {  	v11 =	vld [tilespmem:s21+$0xFFFFFFE0];
	_ =	sdelay $0x4  }
0x92: {  	v11 =	vadd.f32 $9.999999740e-06, v11  }
0x93: {  	v13 =	vsub.f32 v29, v38;
	v12, _, _ =	vpop (xrf2)  }
0x94: {  	v14 =	vsub.f32 v34, v38;
	v29 =	vsub.f32 v35, v38;
	s10 =	simm.s32 $0x100A0;
	v44, _, _ =	vpop (xrf2)  }
0x95: {  	v5 =	vsub.f32 v5, v38;
	v9 =	vadd.f32 v13, v9;
	[tilespmem:s10+$0x20] =	vst v44  }
0x96: {  	v10 =	vadd.f32 v14, v10;
	v38 =	vmov s3;
	v13 =	vadd.f32 v29, v28;
	(xrf2) =	vadd.scan.msk.f32 $0xffff, v11;
	v11 =	vpop (erf);
	v14 =	vld [tilespmem:s8+$0x2000]  }
0x97: {  	v41 =	vor.u32 $0xF, v38;
	v5 =	vmul.f32 v11, v5;
	v9 =	vmul.f32 v11, v9  }
0x98: {  	v39 =	vor.u32 $0x1F, v38;
	v10 =	vmul.f32 v11, v10;
	v11 =	vmul.f32 v11, v13  }
0x99: {  	v57 =	vor.u32 $0x3E, v38;
	v13 =	vmul.f32 $6.300000000e+01, v5;
	v28 =	vmul.f32 $6.300000000e+01, v9  }
0x9a: {  	v29 =	vor.u32 $0x2F, v38;
	v56 =	vmul.f32 $6.300000000e+01, v10;
	v59 =	vmul.f32 $6.300000000e+01, v11  }
0x9b: {  	v58 =	vtrunc.f32 v13;
	v14 =	vadd.f32 $9.999999740e-06, v14;
	v60 =	vtrunc.f32 v28  }
0x9c: {  	v42 =	vtrunc.f32 v56;
	v43 =	vcvt.f32.s32 v58;
	vm0 =	vgt.f32 v13, v58  }
0x9d: {  	[tilespmem:s17+$0x10] =	vst v12;
	v13 =	vtrunc.f32 v59;
	v61 =	vcvt.f32.s32 v60;
	vm1 =	vgt.f32 v28, v60  }
0x9e: {  	[tilespmem:s17+$0x20] =	vst v5;
	v28 =	vcvt.f32.s32 v42;
	vm2 =	vgt.f32 v56, v42;
	v62 =	vcvt.f32.s32 v13  }
0x9f: {  	[tilespmem:s5+$0x10000] =	vst v9;
	vm3 =	vgt.f32 v59, v13;
	v48 =	vsel vm0, $0x1, v52;
	v40 =	vsel vm1, $0x1, v52  }
0xa0: {  	v50 =	vld.idx.msk [tilespmem:v39+s13+$0x0], $0xffff;
	[tilespmem:s0+$0x10000] =	vst v10;
	v45 =	vsel vm2, $0x1, v52;
	v47 =	vsel vm3, $0x1, v52;
	v37 =	vadd.s32 v43, v48  }
0xa1: {  	[tilespmem:s20+$0x10000] =	vst v11;
	v13 =	vld.idx.msk [tilespmem:v41+s13+$0x0], $0xffff;
	v36 =	vadd.s32 v61, v40;
	v5 =	vadd.s32 v28, v45;
	vm11 =	vlt.s32 v37, $0x3F  }
0xa2: {  	s22 =	simm.s32 $0x14020;
	(xrf2) =	vadd.scan.msk.f32 $0xffff, v14;
	v14 =	vadd.s32 v62, v47;
	vm12 =	vlt.s32 v36, $0x3F;
	v10 =	vnsel vm11, $0x3F, v37  }
0xa3: {  	v9 =	vld.idx.msk [tilespmem:v29+s13+$0x0], $0xffff;
	[tilespmem:s22+$0x20] =	vst v52;
	vm13 =	vlt.s32 v5, $0x3F;
	v11 =	vnsel vm12, $0x3F, v36;
	v10 =	vadd.s32 s1, v10  }
0xa4: {  	v42, _, _ =	vpop (xrf2);
	[tilespmem:s5+$0x14000] =	vst v52;
	v5 =	vnsel vm13, $0x3F, v5;
	vm14 =	vlt.s32 v14, $0x3F;
	v11 =	vadd.s32 s1, v11  }
0xa5: {  	v28 =	vld.idx.msk [tilespmem:v57+s13+$0x0], $0xffff;
	[tilespmem:s10+$0xFFFFFFE0] =	vst v42;
	v14 =	vnsel vm14, $0x3F, v14;
	v5 =	vadd.s32 s1, v5  }
0xa6: {  	v53 =	vld.idx.msk [tilespmem:v38+s13+$0x0], $0xffff;
	[tilespmem:s0+$0x14000] =	vst v52;
	v51 =	vadd.f32 v50, v13;
	v14 =	vadd.s32 s1, v14  }
0xa7: {  	v54 =	vld [tilespmem:s21+$0xFFFFFFF0];
	[tilespmem:s20+$0x14000] =	vst v52  }
0xa8: {  	v9 =	vadd.f32 v9, v51;
	[tilespmem:v10+s15+$0x0] =	vst.idx.add.s32.msk $0xffff, v7  }
0xa9: {  	[tilespmem:v11+s15+$0x0] =	vst.idx.add.s32.msk $0xffff, v7  }
0xaa: {  	v10 =	vadd.f32 v28, v9;
	[tilespmem:v5+s15+$0x0] =	vst.idx.add.s32.msk $0xffff, v7  }
0xab: {  	[tilespmem:v14+s15+$0x0] =	vst.idx.add.s32.msk $0x7fff, v7  }
0xac: {  	v5 =	vsub.f32 v10, v53;
	v10 =	vld [tilespmem:s22+$0x20];
	_ =	sdelay $0x3  }
0xad: {  	v11 =	vadd.f32 $9.999999740e-06, v54;
	(erf) = vrcp.f32 v5;
	v5, _, _ =	vpop (xrf2)  }
0xae: {  	[tilespmem:s8+$0x10000] =	vst v5;
	(xrf0) =	vadd.scan.msk.s32 $0xffff, v10  }
0xaf: {  	(xrf2) =	vadd.scan.msk.f32 $0xffff, v11;
	v11 =	vld [tilespmem:s7+$0x2000]  }
0xb0: {  	v9 =	vsub.f32 v9, v53  }
0xb1: {  	v10 =	vsub.f32 v13, v53;
	_ =	sdelay $0x1  }
0xb2: {  	v2 =	vadd.f32 v10, v2  }
0xb3: {  	v10 =	vadd.f32 $9.999999740e-06, v11;
	v11 =	vadd.f32 v9, v12;
	v9, _, _ =	vpop (xrf0)  }
0xb4: {  	v13 =	vsub.f32 v51, v53;
	[tilespmem:s22+$0x20] =	vst v9  }
0xb5: {  	v0 =	vsub.f32 v0, v53;
	v14 =	vld [tilespmem:s5+$0x14000]  }
0xb6: {  	v6 =	vadd.f32 v13, v6;
	v12 =	vpop (erf)  }
0xb7: {  	v13 =	vmul.f32 v12, v0;
	(xrf2) =	vadd.scan.msk.f32 $0xffff, v10  }
0xb8: {  	v2 =	vmul.f32 v12, v2;
	v6 =	vmul.f32 v12, v6  }
0xb9: {  	v10 =	vmul.f32 v12, v11;
	v11 =	vmul.f32 $6.300000000e+01, v13  }
0xba: {  	v28 =	vmul.f32 $6.300000000e+01, v6;
	(xrf0) =	vadd.scan.msk.s32 $0xffff, v14  }
0xbb: {  	v0, _, _ =	vpop (xrf2);
	v12 =	vmul.f32 $6.300000000e+01, v2;
	v56 =	vtrunc.f32 v11  }
0xbc: {  	[tilespmem:s10+$0xFFFFFFF0] =	vst v0;
	v55 =	vmul.f32 $6.300000000e+01, v10;
	vm15 =	vgt.f32 v11, v56;
	v11 =	vtrunc.f32 v28  }
0xbd: {  	[tilespmem:s17+$0xFFFFFFE0] =	vst v13;
	v57 =	vtrunc.f32 v12;
	vm5 =	vgt.f32 v28, v11  }
0xbe: {  	[tilespmem:s17+$0x0] =	vst v6;
	v58 =	vtrunc.f32 v55;
	v13 =	vcvt.f32.s32 v56;
	v6 =	vsel vm5, $0x1, v52  }
0xbf: {  	[tilespmem:s17+$0xFFFFFFF0] =	vst v2;
	v59 =	vcvt.f32.s32 v57;
	vm4 =	vgt.f32 v12, v57;
	v12 =	vcvt.f32.s32 v11  }
0xc0: {  	[tilespmem:s17+$0x10] =	vst v10;
	v11 =	vcvt.f32.s32 v58;
	v2 =	vsel vm15, $0x1, v52;
	v14 =	vsel vm4, $0x1, v52;
	v28, _, _ =	vpop (xrf0)  }
0xc1: {  	vm6 =	vgt.f32 v55, v58;
	v12 =	vadd.s32 v12, v6;
	v10 =	vadd.s32 v59, v14;
	v14 =	vld [tilespmem:s21+$0x0];
	v6, _, _ =	vpop (xrf2);
	[tilespmem:s5+$0x14000] =	vst v28  }
0xc2: {  	v2 =	vadd.s32 v13, v2;
	v13 =	vsel vm6, $0x1, v52;
	[tilespmem:s7+$0x10000] =	vst v6;
	v60 =	vld [tilespmem:s0+$0x14000]  }
0xc3: {  	v11 =	vadd.s32 v11, v13;
	v13 =	vld [tilespmem:s6+$0x2000]  }
0xc4: {  	vm7 =	vlt.s32 v2, $0x3F  }
0xc5: {  	v2 =	vnsel vm7, $0x3F, v2;
	vm8 =	vlt.s32 v10, $0x3F  }
0xc6: {  	s30 =	simm.s32 $0x140;
	s4 =	simm.s32 $0x120;
	[tilespmem:s22+$0xFFFFFFE0] =	vst v52;
	vm9 =	vlt.s32 v12, $0x3F;
	v2 =	vadd.s32 s3, v2;
	v10 =	vnsel vm8, $0x3F, v10  }
0xc7: {  	s19 =	sor.u32 $0x50, s30;
	v61 =	vld [tilespmem:s4+$0x20];
	v12 =	vnsel vm9, $0x3F, v12;
	v10 =	vadd.s32 s3, v10;
	v14 =	vadd.f32 $9.999999740e-06, v14;
	(xrf0) =	vadd.scan.msk.s32 $0xffff, v60  }
0xc8: {  	s18 =	sor.u32 $0x51, s30;
	v62 =	vld [tilespmem:s19+$0x0];
	[tilespmem:s22+$0xFFFFFFF0] =	vst v52;
	v12 =	vadd.s32 s3, v12;
	v13 =	vadd.f32 $9.999999740e-06, v13  }
0xc9: {  	s26 =	sor.u32 $0x61, s30;
	[tilespmem:s22+$0x0] =	vst v52;
	v56 =	vld [tilespmem:s18+$0x0];
	vm10 =	vlt.s32 v11, $0x3F;
	(xrf2) =	vadd.scan.msk.f32 $0xffff, v14  }
0xca: {  	[tilespmem:s22+$0x10] =	vst v52;
	v57 =	vld [tilespmem:s26+$0x0];
	v11 =	vnsel vm10, $0x3F, v11;
	(xrf2) =	vadd.scan.msk.f32 $0xffff, v13  }
0xcb: {  	v11 =	vadd.s32 s3, v11;
	[tilespmem:v2+s15+$0x0] =	vst.idx.add.s32.msk $0xffff, v7  }
0xcc: {  	[tilespmem:v10+s15+$0x0] =	vst.idx.add.s32.msk $0xffff, v7  }
0xcd: {  	s5 =	sor.u32 $0x60, s30;
	[tilespmem:v12+s15+$0x0] =	vst.idx.add.s32.msk $0xffff, v7;
	v47, _, _ =	vpop (xrf0)  }
0xce: {  	v53 =	vld [tilespmem:s5+$0x0];
	v10 =	vor.u32 s30, v63;
	[tilespmem:s0+$0x14000] =	vst v47;
	s0 =	sor.u32 $0x70, s30  }
0xcf: {  	v23 =	vld [tilespmem:s0+$0x0]  }
0xd0: {  	s14 =	sor.u32 $0x41, s30;
	v35 =	vmov s12;
	[tilespmem:v11+s15+$0x0] =	vst.idx.add.s32.msk $0x7fff, v7  }
0xd1: {  	v34 =	vor.u32 $0x4F, v35;
	v11 =	vld [tilespmem:s14+$0x0]  }
0xd2: {  	v7 =	vor.u32 $0x5F, v35;
	v2 =	vld [tilespmem:s22+$0xFFFFFFE0]  }
0xd3: {  	v36 =	vor.u32 $0x6F, v35;
	v10 =	vld.idx.msk [tilespmem:v10+s2+$0x0], $0xffff;
	v48, _, _ =	vpop (xrf2)  }
0xd4: {  	v13 =	vmov v49;
	v58 =	vld [tilespmem:s20+$0x14000];
	v49, _, _ =	vpop (xrf2);
	[tilespmem:$0x1FF70] =	vst v23  }
0xd5: {  	[tilespmem:s6+$0x10000] =	vst v49  }
0xd6: {  	v59 =	vor.u32 $0x7E, v35;
	v50 =	vld.idx.msk [tilespmem:v34+s13+$0x0], $0xffff  }
0xd7: {  	v51 =	vld.idx.msk [tilespmem:v7+s13+$0x0], $0xffff;
	[tilespmem:$0x1FDC0] =	vst v61  }
0xd8: {  	s26 =	simm.s32 $0x100;
	v40 =	vadd.f32 v56, v62;
	(xrf0) =	vadd.scan.msk.s32 $0xffff, v2;
	v2 =	vadd.f32 v11, v61;
	v11 =	vld.idx.msk [tilespmem:v36+s13+$0x0], $0xffff;
	[tilespmem:$0x1FDD0] =	vst v62  }
0xd9: {  	v60 =	vor.u32 s26, v17;
	(xrf0) =	vadd.scan.msk.s32 $0xffff, v58;
	v10 =	vadd.f32 v10, v23;
	[tilespmem:s10+$0x0] =	vst v48  }
0xda: {  	v43 =	vadd.f32 v57, v53;
	v2 =	vmul.f32 $5.000000000e-01, v2;
	[tilespmem:$0x1FDE0] =	vst v53  }
0xdb: {  	s17 =	simm.s32 $0x12120;
	v40 =	vmul.f32 $5.000000000e-01, v40;
	v10 =	vmul.f32 $5.000000000e-01, v10;
	v61 =	vld.idx.msk [tilespmem:v59+s13+$0x0], $0xffff  }
0xdc: {  	v43 =	vmul.f32 $5.000000000e-01, v43;
	v53 =	vld [tilespmem:s21+$0x10];
	[tilespmem:s17+$0x20] =	vst v2;
	v51 =	vadd.f32 v51, v50  }
0xdd: {  	v54 =	vld.idx.msk [tilespmem:v35+s13+$0x0], $0xffff;
	[tilespmem:s19+$0x12000] =	vst v40  }
0xde: {  	v52 =	vld.idx.msk [tilespmem:v60+s2+$0x0], $0xffff;
	v2, _, _ =	vpop (xrf0);
	[tilespmem:s5+$0x12000] =	vst v43;
	v11 =	vadd.f32 v11, v51  }
0xdf: {  	v18 =	vmov v30;
	v30 =	vld [tilespmem:s4+$0xFFFFFFE0];
	[tilespmem:s0+$0x12000] =	vst v10;
	v10, _, _ =	vpop (xrf0)  }
0xe0: {  	v37 =	vld [tilespmem:s4+$0xFFFFFFF0];
	[tilespmem:s20+$0x14000] =	vst v10;
	v62 =	vadd.f32 v61, v11  }
0xe1: {  	v15 =	vld.idx.msk [tilespmem:v15+s15+$0x0], $0xffff  }
0xe2: {  	v3 =	vadd.s32 $0xFFFFFFFF, v3;
	vm11 =	vlt.s32 v9, $0x3E;
	v8 =	vld.idx.msk [tilespmem:v8+s15+$0x0], $0xffff;
	v32 =	vsub.f32 v62, v54  }
0xe3: {  	v14 =	vimm.s32 $0x1;
	v58 =	vadd.s32 v9, v3;
	v9 =	vnsel vm11, $0x3E, v9;
	v4 =	vld.idx.msk [tilespmem:v4+s15+$0x0], $0xffff  }
0xe4: {  	v12 =	vimm.s32 $0x0;
	v9 =	vadd.s32 s1, v9;
	v59 =	vld [tilespmem:s4+$0xFFFFFFF1];
	(erf) = vrcp.f32 v32  }
0xe5: {  	v40 =	vmov s9;
	v61 =	vld [tilespmem:s4+$0x0];
	v53 =	vadd.f32 $9.999999740e-06, v53;
	v44 =	vsub.f32 v44, v54  }
0xe6: {  	v16 =	vmovc v46;
	v46 =	vor.u32 $0xF, v40;
	v50 =	vsub.f32 v50, v54;
	v51 =	vsub.f32 v51, v54;
	v32 =	vmovc v1;
	v1 =	vld [tilespmem:s4+$0x10]  }
0xe7: {  	v11 =	vsub.f32 v11, v54;
	v8 =	vadd.s32 v15, v8;
	v15 =	vadd.s32 v28, v15;
	v28 =	vld [tilespmem:s4+$0x1]  }
0xe8: {  	s18 =	simm.s32 $0x2120;
	v57 =	vld [tilespmem:s4+$0xFFFFFFE1];
	(xrf2) =	vadd.scan.msk.f32 $0xffff, v53;
	v4 =	vadd.s32 v10, v4;
	v47 =	vadd.s32 v47, v8;
	vm12 =	vlt.s32 v15, $0x3E  }
0xe9: {  	v55 =	vld [tilespmem:s18+$0x20];
	v53 =	vadd.s32 v15, v3;
	[tilespmem:$0x1FE00] =	vst v30;
	v10 =	vadd.s32 v47, v3;
	v15 =	vnsel vm12, $0x3E, v15  }
0xea: {  	v8 =	vadd.s32 v8, v4;
	[tilespmem:$0x1FE10] =	vst v37;
	v37 =	vadd.f32 v59, v37;
	v15 =	vadd.s32 s1, v15  }
0xeb: {  	vm13 =	vlt.s32 v47, $0x3E;
	v62 =	vadd.s32 v8, v3;
	vm14 =	vlt.s32 v8, $0x3E;
	[tilespmem:$0x1FDF0] =	vst v1  }
0xec: {  	v4 =	vnsel vm13, $0x3E, v47;
	v37 =	vmul.f32 $5.000000000e-01, v37;
	v28 =	vadd.f32 v28, v61;
	v60 =	vld.idx.msk [tilespmem:v58+s13+$0x0], $0xffff;
	[tilespmem:$0x1FE20] =	vst v61  }
0xed: {  	v8 =	vnsel vm14, $0x3E, v8;
	v47 =	vadd.f32 v52, v1;
	v52 =	vadd.s32 s1, v4;
	v59 =	vpop (erf);
	v61 =	vld.idx.msk [tilespmem:v9+s13+$0x0], $0xffff  }
0xee: {  	v4 =	vadd.f32 v57, v30;
	v3 =	vmul.f32 $5.000000000e-01, v28;
	v28 =	vld.idx.msk [tilespmem:v10+s13+$0x0], $0xffff;
	v44 =	vmul.f32 v59, v44  }
0xef: {  	v5 =	vadd.f32 v50, v5;
	v8 =	vadd.s32 s1, v8;
	v47 =	vmul.f32 $5.000000000e-01, v47;
	[tilespmem:s17+$0xFFFFFFF0] =	vst v37;
	v50 =	vld.idx.msk [tilespmem:v15+s13+$0x0], $0xffff  }
0xf0: {  	v55 =	vadd.f32 $9.999999740e-06, v55;
	v4 =	vmul.f32 $5.000000000e-01, v4;
	v9 =	vld.idx.msk [tilespmem:v9+s16+$0x0], $0xffff;
	[tilespmem:s17+$0x0] =	vst v3;
	v57 =	vmul.f32 $6.300000000e+01, v44  }
0xf1: {  	v56 =	vor.u32 $0x3E, v40;
	v6 =	vadd.f32 v51, v6;
	v11 =	vadd.f32 v11, v49;
	[tilespmem:s17+$0x10] =	vst v47;
	v47 =	vld.idx.msk [tilespmem:v53+s13+$0x0], $0xffff  }
0xf2: {  	(xrf2) =	vadd.scan.msk.f32 $0xffff, v55;
	v10 =	vld.idx.msk [tilespmem:v10+s16+$0x0], $0xffff;
	v5 =	vmul.f32 v59, v5;
	[tilespmem:s17+$0xFFFFFFE0] =	vst v4;
	v37 =	vtrunc.f32 v57  }
0xf3: {  	v15 =	vld.idx.msk [tilespmem:v15+s16+$0x0], $0xffff;
	v6 =	vmul.f32 v59, v6;
	[tilespmem:s10+$0x20] =	vst v44;
	vm15 =	vgt.f32 v57, v37;
	v3 =	vcvt.f32.s32 v37  }
0xf4: {  	v11 =	vmul.f32 v59, v11;
	v59 =	vld.idx.msk [tilespmem:v8+s13+$0x0], $0xffff;
	[tilespmem:s8+$0x10000] =	vst v5;
	v5 =	vmul.f32 $6.300000000e+01, v5;
	v30 =	vsel vm15, $0x1, v12  }
0xf5: {  	v54 =	vld.idx.msk [tilespmem:v52+s13+$0x0], $0xffff;
	v4, _, _ =	vpop (xrf2);
	[tilespmem:s7+$0x10000] =	vst v6;
	v6 =	vmul.f32 $6.300000000e+01, v6;
	v37 =	vsub.f32 v61, v60;
	v49 =	vadd.s32 v3, v30  }
0xf6: {  	v8 =	vld.idx.msk [tilespmem:v8+s16+$0x0], $0xffff;
	[tilespmem:s10+$0x10] =	vst v4;
	v61 =	vtrunc.f32 v5;
	v50 =	vsub.f32 v50, v47;
	vm4 =	vlt.s32 v49, $0x3F  }
0xf7: {  	v55 =	vld.idx.msk [tilespmem:v56+s13+$0x0], $0xffff;
	vm8 =	vgt.f32 v5, v61;
	vm5 =	vlt.f32 v37, $9.999999740e-06;
	v49 =	vnsel vm4, $0x3F, v49  }
0xf8: {  	s4 =	simm.s32 $0x140A0;
	[tilespmem:s6+$0x10000] =	vst v11;
	v5 =	vld [tilespmem:s22+$0x0];
	v44 =	vsel vm5, $0x3F800000, v37;
	vm6 =	vlt.f32 v50, $9.999999740e-06;
	v49 =	vadd.s32 s12, v49  }
0xf9: {  	v11 =	vmul.f32 $6.300000000e+01, v11;
	[tilespmem:s4+$0x20] =	vst v12;
	(erf) = vrcp.f32 v44;
	v50 =	vsel vm6, $0x3F800000, v50;
	v44 =	vld [tilespmem:s22+$0xFFFFFFF0]  }
0xfa: {  	v54 =	vsub.f32 v54, v28;
	[tilespmem:s8+$0x14000] =	vst v12;
	v30 =	vtrunc.f32 v6;
	(erf) = vrcp.f32 v50;
	v50 =	vld [tilespmem:s18+$0xFFFFFFE0]  }
0xfb: {  	v45 =	vor.u32 $0x1F, v40;
	[tilespmem:s7+$0x14000] =	vst v12;
	vm9 =	vgt.f32 v6, v30;
	v6 =	vld.idx.msk [tilespmem:v58+s16+$0x0], $0xffff;
	v37 =	vtrunc.f32 v11  }
0xfc: {  	v43 =	vor.u32 $0x2F, v40;
	v58 =	vld [tilespmem:s22+$0x10];
	vm7 =	vlt.f32 v54, $9.999999740e-06;
	[tilespmem:s6+$0x14000] =	vst v12;
	vm10 =	vgt.f32 v11, v37  }
0xfd: {  	v37 =	vcvt.f32.s32 v37;
	v54 =	vsel vm7, $0x3F800000, v54;
	[tilespmem:v49+s15+$0x0] =	vst.idx.add.s32.msk $0xffff, v14;
	v49 =	vcvt.f32.s32 v61  }
0xfe: {  	s14 =	simm.s32 $0x10120;
	v56 =	vld.idx.msk [tilespmem:v62+s13+$0x0], $0xffff;
	v11 =	vsel vm8, $0x1, v12;
	(erf) = vrcp.f32 v54;
	v54 =	vcvt.f32.s32 v30;
	(xrf0) =	vadd.scan.msk.s32 $0xffff, v44;
	v44, _, _ =	vpop (xrf2)  }
0xff: {  	v53 =	vld.idx.msk [tilespmem:v53+s16+$0x0], $0xffff;
	v30 =	vsel vm9, $0x1, v12;
	[tilespmem:s14+$0x20] =	vst v44;
	v50 =	vadd.f32 $9.999999740e-06, v50;
	v11 =	vadd.s32 v49, v11  }
0x100: {  	v51 =	vld.idx.msk [tilespmem:v45+s13+$0x0], $0xffff;
	(xrf0) =	vadd.scan.msk.s32 $0xffff, v5;
	v49 =	vadd.s32 v54, v30;
	v30 =	vsel vm10, $0x1, v12;
	vm11 =	vlt.s32 v11, $0x3F  }
0x101: {  	v3 =	vld.idx.msk [tilespmem:v46+s13+$0x0], $0xffff;
	(xrf2) =	vadd.scan.msk.f32 $0xffff, v50;
	v54 =	vadd.s32 v37, v30;
	vm12 =	vlt.s32 v49, $0x3F;
	v5 =	vnsel vm11, $0x3F, v11  }
0x102: {  	(xrf0) =	vadd.scan.msk.s32 $0xffff, v58;
	v11 =	vld [tilespmem:s19+$0x2000];
	v49 =	vnsel vm12, $0x3F, v49;
	vm13 =	vlt.s32 v54, $0x3F;
	v37 =	vadd.s32 s12, v5  }
0x103: {  	v52 =	vld.idx.msk [tilespmem:v52+s16+$0x0], $0xffff;
	v59 =	vsub.f32 v59, v56;
	v54 =	vnsel vm13, $0x3F, v54;
	v49 =	vadd.s32 s12, v49  }
0x104: {  	v57 =	vld.idx.msk [tilespmem:v43+s13+$0x0], $0xffff;
	v54 =	vadd.s32 s12, v54  }
0x105: {  	vm14 =	vlt.f32 v59, $9.999999740e-06;
	v61 =	vld.idx.msk [tilespmem:v40+s13+$0x0], $0xffff  }
0x106: {  	[tilespmem:s22+$0xFFFFFFE0] =	vst v2;
	v47 =	vsub.f32 v31, v47;
	v30 =	vsel vm14, $0x3F800000, v59;
	v5 =	vld.idx.msk [tilespmem:v62+s16+$0x0], $0xffff;
	v50, _, _ =	vpop (xrf0)  }
0x107: {  	v51 =	vadd.f32 v51, v3;
	(erf) = vrcp.f32 v30;
	v58, _, _ =	vpop (xrf0);
	v11 =	vadd.f32 $9.999999740e-06, v11;
	[tilespmem:v37+s15+$0x0] =	vst.idx.add.s32.msk $0xffff, v14  }
0x108: {  	v59, _, _ =	vpop (xrf0);
	[tilespmem:v49+s15+$0x0] =	vst.idx.add.s32.msk $0xffff, v14  }
0x109: {  	v37 =	vsub.f32 v32, v60;
	v60 =	vpop (erf);
	(xrf2) =	vadd.scan.msk.f32 $0xffff, v11;
	[tilespmem:v54+s15+$0x0] =	vst.idx.add.s32.msk $0x7fff, v14;
	v54 =	vadd.f32 v57, v51  }
0x10a: {  	vm15 =	vlt.s32 v2, $0x3E;
	v28 =	vsub.f32 v18, v28;
	v9 =	vsub.f32 v9, v6;
	[tilespmem:s22+$0xFFFFFFF0] =	vst v50;
	v62 =	vpop (erf)  }
0x10b: {  	[tilespmem:s22+$0x0] =	vst v58;
	v49 =	vmul.f32 v60, v37;
	v57 =	vmul.f32 v62, v47;
	v47, _, _ =	vpop (xrf2);
	v11 =	vld [tilespmem:s4+$0x20];
	v55 =	vadd.f32 v55, v54  }
0x10c: {  	v15 =	vsub.f32 v15, v53;
	v52 =	vsub.f32 v52, v10;
	v30 =	vpop (erf);
	v37 =	vnsel vm15, $0x3E, v2;
	[tilespmem:s14+$0xFFFFFFE0] =	vst v47  }
0x10d: {  	[tilespmem:s22+$0x10] =	vst v59;
	v28 =	vmul.f32 v30, v28;
	v9 =	vmul.f32 v49, v9;
	v60 =	vld [tilespmem:s18+$0xFFFFFFF0];
	v49 =	vsub.f32 v55, v61  }
0x10e: {  	v42 =	vsub.f32 v42, v61;
	v41 =	vld.idx.msk [tilespmem:v41+s15+$0x0], $0xffff;
	v8 =	vsub.f32 v8, v5  }
0x10f: {  	v39 =	vld.idx.msk [tilespmem:v39+s15+$0x0], $0xffff;
	v62 =	vsub.f32 v16, v56;
	v28 =	vmul.f32 v28, v52;
	(erf) = vrcp.f32 v49  }
0x110: {  	v15 =	vmul.f32 v57, v15;
	(xrf0) =	vadd.scan.msk.s32 $0xffff, v11;
	v11 =	vadd.s32 $0xFFFFFFFF, v38;
	v38 =	vadd.s32 s3, v37;
	v37 =	vpop (erf)  }
0x111: {  	v56 =	vadd.f32 v9, v6;
	v6 =	vld.idx.msk [tilespmem:v29+s15+$0x0], $0xffff;
	v10 =	vadd.f32 v28, v10;
	v29 =	vmul.f32 v37, v62  }
0x112: {  	v28 =	vsub.f32 v54, v61;
	v9 =	vadd.s32 v2, v11;
	v2 =	vadd.f32 $9.999999740e-06, v60  }
0x113: {  	v15 =	vadd.f32 v15, v53;
	v8 =	vmul.f32 v29, v8;
	v29 =	vsub.f32 v3, v61;
	v30, _, _ =	vpop (xrf2)  }
0x114: {  	v60 =	vsub.f32 v51, v61;
	v4 =	vadd.f32 v28, v4;
	v28 =	vadd.s32 v41, v39;
	[tilespmem:s19+$0x10000] =	vst v30  }
0x115: {  	v41 =	vadd.s32 v50, v41;
	v57 =	vadd.s32 v58, v28;
	(xrf2) =	vadd.scan.msk.f32 $0xffff, v2;
	v0 =	vadd.f32 v29, v0;
	v29 =	vld [tilespmem:s5+$0x2000]  }
0x116: {  	vm6 =	vlt.s32 v41, $0x3E;
	v6 =	vadd.s32 v59, v6;
	v62 =	vadd.f32 v60, v48;
	v2, _, _ =	vpop (xrf0)  }
0x117: {  	vm4 =	vlt.s32 v57, $0x3E;
	v60 =	vnsel vm6, $0x3E, v41;
	v6 =	vadd.s32 v28, v6;
	[tilespmem:s4+$0x20] =	vst v2  }
0x118: {  	v58 =	vnsel vm4, $0x3E, v57;
	v51 =	vadd.s32 s3, v60;
	vm5 =	vlt.s32 v6, $0x3E;
	v28 =	vld [tilespmem:s8+$0x14000];
	v61 =	vpop (erf)  }
0x119: {  	v49 =	vadd.s32 s3, v58;
	v59 =	vnsel vm5, $0x3E, v6;
	v42 =	vmul.f32 v61, v42  }
0x11a: {  	v0 =	vmul.f32 v61, v0;
	v29 =	vadd.f32 $9.999999740e-06, v29;
	v4 =	vmul.f32 v61, v4  }
0x11b: {  	v50 =	vadd.s32 s3, v59;
	v39 =	vmul.f32 v61, v62;
	v62 =	vmul.f32 $6.300000000e+01, v42  }
0x11c: {  	v37 =	vmul.f32 $6.300000000e+01, v0;
	(xrf2) =	vadd.scan.msk.f32 $0xffff, v29;
	v29 =	vadd.s32 v6, v11;
	v54 =	vmul.f32 $6.300000000e+01, v4  }
0x11d: {  	v6 =	vmul.f32 $6.300000000e+01, v39;
	(xrf0) =	vadd.scan.msk.s32 $0xffff, v28;
	v28 =	vadd.s32 v57, v11;
	v60 =	vtrunc.f32 v62  }
0x11e: {  	[tilespmem:s10+$0xFFFFFFE0] =	vst v42;
	v11 =	vadd.s32 v41, v11;
	v61 =	vtrunc.f32 v37;
	v58 =	vtrunc.f32 v54  }
0x11f: {  	v59 =	vld.idx.msk [tilespmem:v9+s13+$0x0], $0xffff;
	[tilespmem:s10+$0xFFFFFFF0] =	vst v0;
	v48, _, _ =	vpop (xrf2);
	vm7 =	vgt.f32 v62, v60;
	v62 =	vtrunc.f32 v6;
	v41 =	vcvt.f32.s32 v60  }
0x120: {  	v57 =	vld.idx.msk [tilespmem:v38+s13+$0x0], $0xffff;
	[tilespmem:s14+$0xFFFFFFF0] =	vst v48;
	v42 =	vcvt.f32.s32 v61;
	vm8 =	vgt.f32 v37, v61;
	v37 =	vsel vm7, $0x1, v12  }
0x121: {  	[tilespmem:s10+$0x0] =	vst v39;
	v53 =	vld [tilespmem:s18+$0x0];
	v55 =	vcvt.f32.s32 v58;
	vm10 =	vgt.f32 v54, v58;
	v41 =	vadd.s32 v41, v37  }
0x122: {  	[tilespmem:s10+$0x10] =	vst v4;
	v54 =	vld.idx.msk [tilespmem:v49+s13+$0x0], $0xffff;
	v0 =	vcvt.f32.s32 v62;
	vm9 =	vgt.f32 v6, v62;
	vm11 =	vlt.s32 v41, $0x3F  }
0x123: {  	[tilespmem:s4+$0xFFFFFFE0] =	vst v12;
	v58 =	vld.idx.msk [tilespmem:v50+s13+$0x0], $0xffff;
	v60 =	vsel vm8, $0x1, v12;
	v4 =	vsel vm10, $0x1, v12;
	v6, _, _ =	vpop (xrf0);
	v41 =	vnsel vm11, $0x3F, v41  }
0x124: {  	v61 =	vsel vm9, $0x1, v12;
	v42 =	vadd.s32 v42, v60;
	[tilespmem:s8+$0x14000] =	vst v6;
	v39 =	vadd.s32 s9, v41;
	v41 =	vld.idx.msk [tilespmem:v28+s13+$0x0], $0xffff  }
0x125: {  	[tilespmem:s4+$0xFFFFFFF0] =	vst v12;
	v0 =	vadd.s32 v0, v61;
	vm12 =	vlt.s32 v42, $0x3F;
	v52 =	vld [tilespmem:s7+$0x14000]  }
0x126: {  	[tilespmem:s4+$0x0] =	vst v12;
	v55 =	vadd.s32 v55, v4;
	v60 =	vld.idx.msk [tilespmem:v51+s13+$0x0], $0xffff;
	vm13 =	vlt.s32 v0, $0x3F;
	v42 =	vnsel vm12, $0x3F, v42  }
0x127: {  	[tilespmem:s4+$0x10] =	vst v12;
	vm14 =	vlt.s32 v55, $0x3F;
	v61 =	vld.idx.msk [tilespmem:v29+s13+$0x0], $0xffff;
	v0 =	vnsel vm13, $0x3F, v0;
	v42 =	vadd.s32 s9, v42;
	v4, _, _ =	vpop (xrf2)  }
0x128: {  	v55 =	vnsel vm14, $0x3F, v55;
	v28 =	vld.idx.msk [tilespmem:v28+s16+$0x0], $0xffff;
	v0 =	vadd.s32 s9, v0;
	[tilespmem:s5+$0x10000] =	vst v4  }
0x129: {  	v5 =	vadd.f32 v8, v5;
	v62 =	vsub.f32 v57, v59;
	v8 =	vadd.s32 s9, v55;
	[tilespmem:v39+s15+$0x0] =	vst.idx.add.s32.msk $0xffff, v14  }
0x12a: {  	v54 =	vsub.f32 v54, v41;
	(xrf0) =	vadd.scan.msk.s32 $0xffff, v52;
	v52 =	vld [tilespmem:s0+$0x2000]  }
0x12b: {  	v15 =	vperm.xlane v15, v13;
	vm15 =	vlt.f32 v62, $9.999999740e-06;
	v39 =	vld.idx.msk [tilespmem:v11+s13+$0x0], $0xffff  }
0x12c: {  	v5 =	vperm.xlane v5, v13;
	v57 =	vsel vm15, $0x3F800000, v62;
	[tilespmem:v42+s15+$0x0] =	vst.idx.add.s32.msk $0xffff, v14;
	vm4 =	vlt.f32 v54, $9.999999740e-06  }
0x12d: {  	v53 =	vadd.f32 $9.999999740e-06, v53;
	(erf) = vrcp.f32 v57;
	[tilespmem:v0+s15+$0x0] =	vst.idx.add.s32.msk $0xffff, v14;
	v62 =	vsel vm4, $0x3F800000, v54  }
0x12e: {  	v55 =	vperm.xlane v56, v13;
	[tilespmem:v8+s15+$0x0] =	vst.idx.add.s32.msk $0x7fff, v14;
	(erf) = vrcp.f32 v62  }
0x12f: {  	v37 =	vmax.f32 v25, v15;
	(xrf2) =	vadd.scan.msk.f32 $0xffff, v53;
	v0 =	vsub.f32 v58, v61;
	v42 =	vld [tilespmem:s4+$0xFFFFFFE0];
	v52 =	vadd.f32 $9.999999740e-06, v52  }
0x130: {  	v15 =	vmin.f32 v25, v15;
	v53 =	vmax.f32 v27, v55;
	v25 =	vmin.f32 v27, v55;
	v55 =	vld.idx.msk [tilespmem:v29+s16+$0x0], $0xffff;
	v8, _, _ =	vpop (xrf0)  }
0x131: {  	vm5 =	vlt.f32 v0, $9.999999740e-06;
	v56 =	vsub.f32 v60, v39;
	v60 =	vld.idx.msk [tilespmem:v9+s16+$0x0], $0xffff;
	(xrf2) =	vadd.scan.msk.f32 $0xffff, v52;
	[tilespmem:s7+$0x14000] =	vst v8  }
0x132: {  	v10 =	vperm.xlane v10, v13;
	v29 =	vmov s30;
	v0 =	vsel vm5, $0x3F800000, v0;
	v57 =	vld [tilespmem:s6+$0x14000]  }
0x133: {  	v54 =	vmax.f32 v26, v5;
	v5 =	vmin.f32 v26, v5;
	v9 =	vld.idx.msk [tilespmem:v49+s16+$0x0], $0xffff;
	(erf) = vrcp.f32 v0  }
0x134: {  	v41 =	vsub.f32 v18, v41;
	v27 =	vmin.f32 v5, v15;
	vm6 =	vlt.f32 v56, $9.999999740e-06;
	(xrf0) =	vadd.scan.msk.s32 $0xffff, v42  }
0x135: {  	v38 =	vld.idx.msk [tilespmem:v38+s16+$0x0], $0xffff;
	v0 =	vsub.f32 v32, v59;
	v52 =	vmax.f32 v22, v10;
	v59 =	vsel vm6, $0x3F800000, v56  }
0x136: {  	s31 =	simm.s32 $0x1C0;
	v10 =	vmin.f32 v22, v10;
	v22 =	vld.idx.msk [tilespmem:v51+s16+$0x0], $0xffff;
	v51 =	vmax.f32 v5, v15;
	v5 =	vpop (erf);
	(erf) = vrcp.f32 v59  }
0x137: {  	s28 =	simm.s32 $0x180;
	v50 =	vld.idx.msk [tilespmem:v50+s16+$0x0], $0xffff;
	s8 =	sor.u32 $0x50, s31;
	v61 =	vsub.f32 v16, v61;
	v26 =	vmax.f32 v54, v37;
	v42 =	vor.u32 s31, v63;
	v63 =	vpop (erf);
	(xrf0) =	vadd.scan.msk.s32 $0xffff, v57  }
0x138: {  	v23 =	vmovc v18;
	s20 =	simm.s32 $0x1A0;
	v1 =	vld [tilespmem:s8+$0x0];
	v56 =	vor.u32 s28, v17;
	v41 =	vmul.f32 v63, v41;
	v63 =	vsub.f32 v9, v28  }
0x139: {  	v54 =	vmin.f32 v54, v37;
	v37 =	vld [tilespmem:s20+$0x20];
	v39 =	vsub.f32 v31, v39;
	v49, _, _ =	vpop (xrf2);
	v57 =	vor.u32 $0x7E, v29  }
0x13a: {  	v35 =	vadd.s32 $0xFFFFFFFF, v35;
	[tilespmem:s14+$0x0] =	vst v49;
	v15 =	vmin.f32 v10, v25;
	v10 =	vmax.f32 v10, v25;
	v25 =	vld.idx.msk [tilespmem:v11+s16+$0x0], $0xffff;
	v3, _, _ =	vpop (xrf0)  }
0x13b: {  	v62 =	vmax.f32 v52, v53;
	v11 =	vld [tilespmem:s18+$0x10];
	v58 =	vmul.f32 v5, v0;
	v38 =	vsub.f32 v38, v60;
	v5, _, _ =	vpop (xrf2)  }
0x13c: {  	v59 =	vmin.f32 v27, v15;
	v27 =	vmax.f32 v27, v15;
	v15 =	vld.idx.msk [tilespmem:v42+s2+$0x0], $0xffff;
	v41 =	vmul.f32 v41, v63;
	v63 =	vpop (erf)  }
0x13d: {  	v18 =	vor.u32 $0x5F, v29;
	v9 =	vld.idx.msk [tilespmem:v56+s2+$0x0], $0xffff;
	[tilespmem:s0+$0x10000] =	vst v5;
	v42 =	vmul.f32 v63, v61;
	v61 =	vmax.f32 v26, v62;
	v56, _, _ =	vpop (xrf0)  }
0x13e: {  	v52 =	vmin.f32 v52, v53;
	v0 =	vor.u32 $0x4F, v29;
	v53 =	vld.idx.msk [tilespmem:v57+s13+$0x0], $0xffff;
	(xrf1) =	vsort.ascd.msk.f32 $0xffff, v61, v61;
	[tilespmem:s6+$0x14000] =	vst v56  }
0x13f: {  	v50 =	vsub.f32 v50, v55;
	v17 =	vor.u32 $0x6F, v29;
	v38 =	vmul.f32 v58, v38;
	v57 =	vld.idx.msk [tilespmem:v34+s15+$0x0], $0xffff;
	v34 =	vpop (erf)  }
0x140: {  	s7 =	sor.u32 $0x60, s31;
	v22 =	vsub.f32 v22, v25;
	v28 =	vadd.f32 v41, v28;
	v7 =	vld.idx.msk [tilespmem:v7+s15+$0x0], $0xffff;
	v58 =	vmul.f32 v34, v39  }
0x141: {  	s17 =	sor.u32 $0x41, s31;
	v26 =	vmin.f32 v26, v62;
	v42 =	vmul.f32 v42, v50;
	v50 =	vmin.f32 v51, v10;
	v39 =	vld [tilespmem:s7+$0x0]  }
0x142: {  	v51 =	vmax.f32 v51, v10;
	v10 =	vadd.f32 v38, v60;
	v22 =	vmul.f32 v58, v22;
	v58 =	vld [tilespmem:s17+$0x0];
	[tilespmem:$0x1FE30] =	vst v0  }
0x143: {  	v28 =	vperm.xlane v28, v13;
	(xrf1) =	vsort.ascd.msk.f32 $0xffff, v59, v59;
	v63 =	vadd.f32 v42, v55;
	v55 =	vld.idx.msk [tilespmem:v0+s13+$0x0], $0xffff  }
0x144: {  	vm7 =	vlt.s32 v2, $0x3E;
	(xrf1) =	vsort.ascd.msk.f32 $0xffff, v27, v27;
	v10 =	vperm.xlane v10, v13;
	v36 =	vld.idx.msk [tilespmem:v36+s15+$0x0], $0xffff;
	[tilespmem:$0x1FE40] =	vst v18  }
0x145: {  	s18 =	sor.u32 $0x51, s31;
	v22 =	vadd.f32 v22, v25;
	v25 =	vmin.f32 v54, v52;
	v52 =	vmax.f32 v54, v52;
	v54 =	vld.idx.msk [tilespmem:v18+s13+$0x0], $0xffff  }
0x146: {  	v34 =	vmin.f32 v20, v28;
	v20 =	vmax.f32 v20, v28;
	v41 =	vperm.xlane v63, v13;
	v60 =	vld [tilespmem:s18+$0x0];
	[tilespmem:$0x1FE50] =	vst v17  }
0x147: {  	s22 =	sor.u32 $0x61, s31;
	v42 =	vmin.f32 v24, v10;
	v24 =	vmax.f32 v24, v10;
	v28 =	vld.idx.msk [tilespmem:v17+s13+$0x0], $0xffff;
	v22 =	vperm.xlane v22, v13  }
0x148: {  	s10 =	sor.u32 $0x70, s31;
	v63 =	vmin.f32 v34, v42;
	v0 =	vmax.f32 v34, v42;
	v42 =	vmax.f32 v20, v24;
	v62 =	vld [tilespmem:s22+$0x0]  }
0x149: {  	v10 =	vmin.f32 v21, v41;
	v21 =	vmax.f32 v21, v41;
	v18 =	vld [tilespmem:s10+$0x0];
	v38 =	vmin.f32 v19, v22  }
0x14a: {  	v17 =	vld [tilespmem:s20+$0xFFFFFFE0];
	[tilespmem:$0x1FE60] =	vst v29;
	v19 =	vmax.f32 v19, v22;
	v22 =	vmin.f32 v10, v38;
	v61 =	vmax.f32 v10, v38  }
0x14b: {  	v34 =	vld [tilespmem:s20+$0xFFFFFFF0];
	v10 =	vmin.f32 v21, v19;
	v41 =	vmax.f32 v21, v19;
	v21 =	vadd.f32 v54, v55  }
0x14c: {  	s29 =	simm.s32 $0x4080;
	v19 =	vmin.f32 v20, v24;
	v20 =	vadd.s32 v57, v7;
	v24 =	vld.idx.msk [tilespmem:v29+s13+$0x0], $0xffff;
	v7 =	vadd.s32 v2, v35;
	v59, _, _ =	vpop (xrf1)  }
0x14d: {  	(xrf1) =	vsort.ascd.msk.f32 $0xffff, v50, v50;
	v6 =	vadd.s32 v6, v57;
	v2 =	vnsel vm7, $0x3E, v2;
	v29 =	vld [tilespmem:s20+$0x0];
	[tilespmem:s29+$0x70] =	vst v59  }
0x14e: {  	vm8 =	vlt.s32 v6, $0x3E;
	v38 =	vld [tilespmem:s20+$0x10];
	v2 =	vadd.s32 s12, v2;
	v28 =	vadd.f32 v28, v21;
	[tilespmem:$0x1FE70] =	vst v37  }
0x14f: {  	v36 =	vadd.s32 v56, v36;
	v56 =	vadd.s32 v6, v35;
	v8 =	vadd.s32 v8, v20;
	v54 =	vld [tilespmem:s20+$0xFFFFFFE1]  }
0x150: {  	v20 =	vadd.s32 v20, v36;
	v57 =	vadd.s32 v8, v35;
	v53 =	vadd.f32 v53, v28;
	v50 =	vld [tilespmem:s20+$0x1]  }
0x151: {  	(xrf1) =	vsort.ascd.msk.f32 $0xffff, v51, v51;
	v6 =	vnsel vm8, $0x3E, v6;
	v35 =	vadd.s32 v20, v35;
	v51 =	vld.idx.msk [tilespmem:v7+s13+$0x0], $0xffff  }
0x152: {  	v11 =	vadd.f32 $9.999999740e-06, v11;
	(xrf1) =	vsort.ascd.msk.f32 $0xffff, v25, v25;
	v6 =	vadd.s32 s12, v6;
	v27 =	vsub.f32 v53, v24;
	v53 =	vld [tilespmem:s20+$0xFFFFFFF1]  }
0x153: {  	(xrf1) =	vsort.ascd.msk.f32 $0xffff, v52, v52;
	v36 =	vadd.f32 v58, v37;
	vm9 =	vlt.s32 v8, $0x3E;
	vm10 =	vlt.s32 v20, $0x3E;
	v58 =	vld.idx.msk [tilespmem:v2+s13+$0x0], $0xffff  }
0x154: {  	(xrf1) =	vsort.ascd.msk.f32 $0xffff, v26, v26;
	v8 =	vnsel vm9, $0x3E, v8;
	(erf) = vrcp.f32 v27;
	v27 =	vld.idx.msk [tilespmem:v56+s13+$0x0], $0xffff;
	[tilespmem:$0x1FE80] =	vst v1  }
0x155: {  	v26 =	vadd.f32 v60, v1;
	v36 =	vmul.f32 $5.000000000e-01, v36;
	v8 =	vadd.s32 s12, v8;
	v52 =	vld.idx.msk [tilespmem:v57+s13+$0x0], $0xffff;
	[tilespmem:$0x1FE90] =	vst v39  }
0x156: {  	(xrf2) =	vadd.scan.msk.f32 $0xffff, v11;
	s22 =	simm.s32 $0x121A0;
	v20 =	vnsel vm10, $0x3E, v20;
	v60 =	vld.idx.msk [tilespmem:v35+s13+$0x0], $0xffff;
	[tilespmem:$0x1FEA0] =	vst v18  }
0x157: {  	v20 =	vadd.s32 s12, v20;
	v11 =	vmul.f32 $5.000000000e-01, v26;
	v39 =	vadd.f32 v62, v39;
	[tilespmem:s22+$0x20] =	vst v36  }
0x158: {  	v15 =	vadd.f32 v15, v18;
	v26 =	vld.idx.msk [tilespmem:v6+s13+$0x0], $0xffff;
	[tilespmem:$0x1FEB0] =	vst v38  }
0x159: {  	v9 =	vadd.f32 v9, v38;
	v21 =	vsub.f32 v21, v24;
	v59 =	vmul.f32 $5.000000000e-01, v39;
	[tilespmem:s8+$0x12000] =	vst v11  }
0x15a: {  	v62 =	vmin.f32 v61, v0;
	v0 =	vmax.f32 v61, v0;
	v61 =	vld.idx.msk [tilespmem:v8+s13+$0x0], $0xffff;
	[tilespmem:$0x1FEC0] =	vst v17  }
0x15b: {  	v58 =	vsub.f32 v58, v51;
	v11 =	vmul.f32 $5.000000000e-01, v15;
	v15 =	vadd.f32 v54, v17;
	[tilespmem:s7+$0x12000] =	vst v59  }
0x15c: {  	v25 =	vmin.f32 v22, v63;
	v22 =	vmax.f32 v22, v63;
	v9 =	vmul.f32 $5.000000000e-01, v9;
	v63 =	vld.idx.msk [tilespmem:v20+s13+$0x0], $0xffff;
	[tilespmem:$0x1FED0] =	vst v34  }
0x15d: {  	v4 =	vadd.f32 v21, v4;
	vm11 =	vlt.f32 v58, $9.999999740e-06;
	v15 =	vmul.f32 $5.000000000e-01, v15;
	[tilespmem:s10+$0x12000] =	vst v11  }
0x15e: {  	v34 =	vadd.f32 v53, v34;
	v21 =	vsub.f32 v26, v27;
	v26 =	vsel vm11, $0x3F800000, v58;
	[tilespmem:$0x1FEE0] =	vst v29  }
0x15f: {  	s12 =	simm.s32 $0x21A0;
	v11 =	vadd.f32 v50, v29;
	(erf) = vrcp.f32 v26;
	[tilespmem:s22+$0x10] =	vst v9  }
0x160: {  	vm12 =	vlt.f32 v21, $9.999999740e-06;
	v9 =	vmul.f32 $5.000000000e-01, v34;
	[tilespmem:s22+$0xFFFFFFE0] =	vst v15;
	v15 =	vsub.f32 v61, v52;
	v26 =	vld [tilespmem:s12+$0x20]  }
0x161: {  	(xrf1) =	vsort.ascd.msk.f32 $0xffff, v25, v25;
	v55 =	vsub.f32 v55, v24;
	v11 =	vmul.f32 $5.000000000e-01, v11;
	v21 =	vsel vm12, $0x3F800000, v21;
	v25 =	vld [tilespmem:s4+$0xFFFFFFF0]  }
0x162: {  	[tilespmem:s22+$0xFFFFFFF0] =	vst v9;
	v9 =	vsub.f32 v63, v60;
	vm13 =	vlt.f32 v15, $9.999999740e-06  }
0x163: {  	v30 =	vadd.f32 v55, v30;
	[tilespmem:s22+$0x0] =	vst v11;
	v11 =	vsub.f32 v44, v24;
	v15 =	vsel vm13, $0x3F800000, v15  }
0x164: {  	v27 =	vsub.f32 v31, v27;
	(erf) = vrcp.f32 v21;
	v21 =	vpop (erf);
	v44 =	vld [tilespmem:s12+$0xFFFFFFE0];
	vm14 =	vlt.f32 v9, $9.999999740e-06  }
0x165: {  	v59, _, _ =	vpop (xrf1);
	(xrf1) =	vsort.ascd.msk.f32 $0xffff, v22, v22;
	(erf) = vrcp.f32 v15;
	v11 =	vmul.f32 v21, v11;
	v9 =	vsel vm14, $0x3F800000, v9  }
0x166: {  	v2 =	vld.idx.msk [tilespmem:v2+s16+$0x0], $0xffff;
	v26 =	vadd.f32 $9.999999740e-06, v26;
	(xrf0) =	vadd.scan.msk.s32 $0xffff, v25;
	v15, _, _ =	vpop (xrf1);
	(erf) = vrcp.f32 v9;
	v9 =	vmul.f32 v21, v30  }
0x167: {  	v6 =	vld.idx.msk [tilespmem:v6+s16+$0x0], $0xffff;
	[tilespmem:s29+$0x10] =	vst v15;
	v15 =	vsub.f32 v28, v24;
	v22, _, _ =	vpop (xrf1);
	v28 =	vmul.f32 v21, v4;
	v4 =	vmul.f32 $6.300000000e+01, v11  }
0x168: {  	[tilespmem:s29+$0x0] =	vst v59;
	v52 =	vsub.f32 v23, v52;
	v24 =	vld.idx.msk [tilespmem:v7+s16+$0x0], $0xffff;
	(xrf2) =	vadd.scan.msk.f32 $0xffff, v26;
	v7 =	vsub.f32 v32, v51;
	v51, _, _ =	vpop (xrf2)  }
0x169: {  	v8 =	vld.idx.msk [tilespmem:v8+s16+$0x0], $0xffff;
	v36 =	vpop (erf);
	[tilespmem:s29+$0x20] =	vst v22;
	v30 =	vmul.f32 $6.300000000e+01, v9;
	v44 =	vadd.f32 $9.999999740e-06, v44;
	v5 =	vadd.f32 v15, v5  }
0x16a: {  	v20 =	vld.idx.msk [tilespmem:v20+s16+$0x0], $0xffff;
	[tilespmem:s14+$0x10] =	vst v51;
	v15 =	vmin.f32 v10, v19;
	v10 =	vmax.f32 v10, v19;
	v19, _, _ =	vpop (xrf1);
	v63 =	vtrunc.f32 v4  }
0x16b: {  	v26 =	vld.idx.msk [tilespmem:v57+s16+$0x0], $0xffff;
	v61 =	vmul.f32 $6.300000000e+01, v28;
	v54 =	vmul.f32 v36, v7;
	[tilespmem:s29+$0x30] =	vst v19;
	vm15 =	vgt.f32 v4, v63;
	v4, _, _ =	vpop (xrf1)  }
0x16c: {  	v22 =	vld.idx.msk [tilespmem:v56+s16+$0x0], $0xffff;
	v19 =	vmul.f32 v21, v5;
	v21 =	vtrunc.f32 v30;
	[tilespmem:s29+$0x40] =	vst v4;
	v4 =	vmov s26  }
0x16d: {  	v29 =	vmovc v32;
	(xrf2) =	vadd.scan.msk.f32 $0xffff, v44;
	v5 =	vld.idx.msk [tilespmem:v35+s16+$0x0], $0xffff;
	v34 =	vtrunc.f32 v61;
	v32 =	vsel vm15, $0x1, v12;
	v17 =	vor.u32 $0xF, v4  }
0x16e: {  	(xrf1) =	vsort.ascd.msk.f32 $0xffff, v62, v62;
	v35 =	vld [tilespmem:s4+$0x0];
	v12 =	vimm.s32 $0x0;
	vm5 =	vgt.f32 v30, v21;
	v1 =	vor.u32 $0x1F, v4  }
0x16f: {  	vm6 =	vgt.f32 v61, v34;
	v2 =	vsub.f32 v2, v24;
	(xrf1) =	vsort.ascd.msk.f32 $0xffff, v0, v0;
	v25 =	vmul.f32 $6.300000000e+01, v19  }
0x170: {  	v59 =	vld [tilespmem:s4+$0x10];
	v37 =	vpop (erf);
	v0 =	vsub.f32 v16, v60;
	v8 =	vsub.f32 v8, v26;
	v21 =	vcvt.f32.s32 v21;
	(xrf1) =	vsort.ascd.msk.f32 $0xffff, v15, v15  }
0x171: {  	v39 =	vpop (erf);
	v6 =	vsub.f32 v6, v22;
	[tilespmem:$0x1FEF0] =	vst v17;
	(xrf1) =	vsort.ascd.msk.f32 $0xffff, v10, v10;
	v38 =	vtrunc.f32 v25  }
0x172: {  	v15 =	vcvt.f32.s32 v63;
	v60 =	vpop (erf);
	vm7 =	vgt.f32 v25, v38;
	v25 =	vmul.f32 v37, v27;
	v61 =	vld.idx.msk [tilespmem:v17+s13+$0x0], $0xffff;
	[tilespmem:$0x1FF00] =	vst v1  }
0x173: {  	v7 =	vor.u32 $0x2F, v4;
	v2 =	vmul.f32 v54, v2;
	v27 =	vmul.f32 v39, v52;
	(xrf0) =	vadd.scan.msk.s32 $0xffff, v35;
	v63 =	vld.idx.msk [tilespmem:v1+s13+$0x0], $0xffff;
	v1, _, _ =	vpop (xrf2)  }
0x174: {  	s17 =	simm.s32 $0x101A0;
	v0 =	vmul.f32 v60, v0;
	v20 =	vsub.f32 v20, v5;
	v6 =	vmul.f32 v25, v6;
	[tilespmem:$0x1FF10] =	vst v1  }
0x175: {  	v2 =	vadd.f32 v2, v24;
	(xrf0) =	vadd.scan.msk.s32 $0xffff, v59;
	v8 =	vmul.f32 v27, v8;
	[tilespmem:s17+$0x20] =	vst v1  }
0x176: {  	v24, _, _ =	vpop (xrf1);
	v27 =	vsel vm5, $0x1, v12;
	v6 =	vadd.f32 v6, v22;
	v22 =	vsel vm6, $0x1, v12;
	[tilespmem:$0x1FF20] =	vst v7  }
0x177: {  	v0 =	vmul.f32 v0, v20;
	v10 =	vadd.s32 v21, v27;
	v21 =	vcvt.f32.s32 v34;
	v20 =	vld [tilespmem:s8+$0x2000];
	[tilespmem:s29+$0x50] =	vst v24  }
0x178: {  	v62 =	vor.u32 $0x3E, v4;
	[tilespmem:s4+$0xFFFFFFE0] =	vst v3  }
0x179: {  	v21 =	vadd.s32 v21, v22;
	v22, _, _ =	vpop (xrf0);
	[tilespmem:s14+$0x20] =	vst v11  }
0x17a: {  	[tilespmem:s4+$0xFFFFFFF0] =	vst v22  }
0x17b: {  	vm8 =	vlt.s32 v3, $0x3E;
	v8 =	vadd.f32 v8, v26;
	v25 =	vld.idx.msk [tilespmem:v7+s13+$0x0], $0xffff;
	v26, _, _ =	vpop (xrf0);
	[tilespmem:s19+$0x10000] =	vst v9  }
0x17c: {  	v15 =	vadd.s32 v15, v32;
	v35 =	vcvt.f32.s32 v38;
	[tilespmem:s4+$0x0] =	vst v26;
	v11, _, _ =	vpop (xrf0);
	v20 =	vadd.f32 $9.999999740e-06, v20  }
0x17d: {  	vm9 =	vlt.s32 v15, $0x3F;
	v34 =	vadd.s32 $0xFFFFFFFF, v40;
	v0 =	vadd.f32 v0, v5;
	v1, _, _ =	vpop (xrf2);
	v24 =	vld.idx.msk [tilespmem:v62+s13+$0x0], $0xffff;
	[tilespmem:s4+$0x10] =	vst v11  }
0x17e: {  	v5 =	vsel vm7, $0x1, v12;
	v27 =	vadd.f32 v63, v61;
	(xrf2) =	vadd.scan.msk.f32 $0xffff, v20;
	v20 =	vld.idx.msk [tilespmem:v4+s13+$0x0], $0xffff;
	[tilespmem:$0x1FF30] =	vst v1  }
0x17f: {  	vm10 =	vlt.s32 v10, $0x3F;
	v36 =	vadd.s32 v35, v5;
	v37 =	vperm.xlane v6, v13;
	[tilespmem:s17+$0xFFFFFFE0] =	vst v1  }
0x180: {  	v0 =	vperm.xlane v0, v13;
	v38 =	vperm.xlane v8, v13;
	v25 =	vadd.f32 v25, v27;
	[tilespmem:s5+$0x10000] =	vst v28  }
0x181: {  	s21 =	simm.s32 $0x14120;
	v6 =	vnsel vm10, $0x3F, v10;
	v9 =	vperm.xlane v2, v13;
	v2 =	vnsel vm9, $0x3F, v15;
	v10 =	vld.idx.msk [tilespmem:v46+s15+$0x0], $0xffff;
	[tilespmem:s0+$0x10000] =	vst v19  }
0x182: {  	vm11 =	vlt.s32 v21, $0x3F;
	v8 =	vadd.s32 s30, v2;
	v24 =	vadd.f32 v24, v25;
	v43 =	vld.idx.msk [tilespmem:v43+s15+$0x0], $0xffff;
	[tilespmem:s21+$0x20] =	vst v12  }
0x183: {  	vm12 =	vlt.s32 v36, $0x3F;
	v7 =	vnsel vm8, $0x3E, v3;
	v3 =	vadd.s32 v3, v34;
	v15 =	vld [tilespmem:s12+$0xFFFFFFF0];
	[tilespmem:s19+$0x14000] =	vst v12  }
0x184: {  	v2 =	vnsel vm11, $0x3F, v21;
	v19 =	vadd.s32 s30, v6;
	v21 =	vsub.f32 v24, v20;
	v24 =	vld.idx.msk [tilespmem:v45+s15+$0x0], $0xffff;
	[tilespmem:s5+$0x14000] =	vst v12  }
0x185: {  	v5 =	vmax.f32 v33, v9;
	v9 =	vmin.f32 v33, v9;
	v28 =	vadd.s32 s30, v2;
	v1 =	vld [tilespmem:$0x1FF40]  }
0x186: {  	v6 =	vnsel vm12, $0x3F, v36;
	v25 =	vsub.f32 v25, v20;
	v39 =	vsub.f32 v61, v20;
	v17 =	vld [tilespmem:$0x1FF50];
	[tilespmem:s0+$0x14000] =	vst v12  }
0x187: {  	v50 =	vadd.s32 s30, v6;
	v27 =	vsub.f32 v27, v20;
	v20 =	vsub.f32 v47, v20;
	[tilespmem:v8+s15+$0x0] =	vst.idx.add.s32.msk $0xffff, v14  }
0x188: {  	v11 =	vadd.s32 v11, v43;
	v25 =	vadd.f32 v25, v51;
	v15 =	vadd.f32 $9.999999740e-06, v15;
	v13 =	vld [tilespmem:$0x1FF60]  }
0x189: {  	(erf) = vrcp.f32 v21;
	v21 =	vadd.f32 v39, v48;
	v27 =	vadd.f32 v27, v49;
	[tilespmem:v19+s15+$0x0] =	vst.idx.add.s32.msk $0xffff, v14  }
0x18a: {  	v19 =	vadd.s32 s9, v7;
	(xrf2) =	vadd.scan.msk.f32 $0xffff, v15;
	v15 =	vadd.s32 v10, v24;
	v10 =	vadd.s32 v22, v10  }
0x18b: {  	v47 =	vld.idx.msk [tilespmem:v3+s13+$0x0], $0xffff;
	v2 =	vmax.f32 v1, v0;
	v6 =	vmax.f32 v17, v37;
	v26 =	vadd.s32 v26, v15  }
0x18c: {  	[tilespmem:v28+s15+$0x0] =	vst.idx.add.s32.msk $0xffff, v14;
	v11 =	vadd.s32 v15, v11;
	vm15 =	vlt.s32 v10, $0x3E;
	v0 =	vmin.f32 v1, v0  }
0x18d: {  	v28, _, _ =	vpop (xrf1);
	[tilespmem:v50+s15+$0x0] =	vst.idx.add.s32.msk $0x7fff, v14;
	v1 =	vmin.f32 v17, v37;
	v55 =	vmax.f32 v2, v6;
	vm13 =	vlt.s32 v26, $0x3E  }
0x18e: {  	[tilespmem:s29+$0x60] =	vst v28;
	v24, _, _ =	vpop (xrf1);
	v15 =	vld [tilespmem:s21+$0x20];
	vm14 =	vlt.s32 v11, $0x3E;
	v28 =	vnsel vm15, $0x3E, v10;
	v10 =	vadd.s32 v10, v34  }
0x18f: {  	v49, _, _ =	vpop (xrf2);
	[tilespmem:s29+$0xFFFFFF80] =	vst v24;
	v48 =	vmin.f32 v0, v1;
	v0 =	vmax.f32 v0, v1;
	v8 =	vmax.f32 v13, v38  }
0x190: {  	v52, _, _ =	vpop (xrf1);
	[tilespmem:s8+$0x10000] =	vst v49;
	v22 =	vnsel vm13, $0x3E, v26;
	v24 =	vnsel vm14, $0x3E, v11;
	v28 =	vadd.s32 s9, v28;
	v33 =	vld.idx.msk [tilespmem:v19+s13+$0x0], $0xffff  }
0x191: {  	[tilespmem:s29+$0xFFFFFF90] =	vst v52;
	v53, _, _ =	vpop (xrf1);
	v58 =	vld [tilespmem:s7+$0x2000];
	v26 =	vadd.s32 v26, v34;
	v11 =	vadd.s32 v11, v34;
	v59 =	vmin.f32 v13, v38  }
0x192: {  	v60 =	vld.idx.msk [tilespmem:v3+s16+$0x0], $0xffff;
	[tilespmem:s29+$0xFFFFFFA0] =	vst v53;
	v56 =	vmax.f32 v8, v5;
	v22 =	vadd.s32 s9, v22;
	v24 =	vadd.s32 s9, v24;
	v63 =	vpop (erf)  }
0x193: {  	v50 =	vmin.f32 v59, v9;
	v51 =	vmax.f32 v55, v56;
	(xrf0) =	vadd.scan.msk.s32 $0xffff, v15;
	v15 =	vmul.f32 v63, v20;
	v20, _, _ =	vpop (xrf1)  }
0x194: {  	v3 =	vmax.f32 v59, v9;
	(xrf1) =	vsort.ascd.msk.f32 $0xffff, v51, v51;
	v21 =	vmul.f32 v63, v21;
	v1, _, _ =	vpop (xrf1);
	[tilespmem:s29+$0xFFFFFFB0] =	vst v20  }
0x195: {  	v27 =	vmul.f32 v63, v27;
	v20 =	vmul.f32 v63, v25;
	v61 =	vsub.f32 v33, v47;
	[tilespmem:s29+$0xFFFFFFC0] =	vst v1  }
0x196: {  	v19 =	vld.idx.msk [tilespmem:v19+s16+$0x0], $0xffff;
	v33 =	vmov s28;
	v25 =	vmul.f32 $6.300000000e+01, v15;
	v1 =	vadd.f32 $9.999999740e-06, v58;
	[tilespmem:s14+$0xFFFFFFE0] =	vst v15  }
0x197: {  	v45, _, _ =	vpop (xrf2);
	v36 =	vmul.f32 $6.300000000e+01, v21;
	v37 =	vmul.f32 $6.300000000e+01, v27;
	v43 =	vld.idx.msk [tilespmem:v24+s13+$0x0], $0xffff;
	[tilespmem:s14+$0xFFFFFFF0] =	vst v21;
	v46 =	vor.u32 $0xF, v33  }
0x198: {  	v13 =	vld.idx.msk [tilespmem:v24+s16+$0x0], $0xffff;
	[tilespmem:s17+$0xFFFFFFF0] =	vst v45;
	v9 =	vmul.f32 $6.300000000e+01, v20;
	vm8 =	vlt.f32 v61, $9.999999740e-06;
	v39 =	vtrunc.f32 v25  }
0x199: {  	v40 =	vtrunc.f32 v36;
	v54 =	vtrunc.f32 v37;
	(xrf2) =	vadd.scan.msk.f32 $0xffff, v1;
	vm4 =	vgt.f32 v25, v39;
	v25 =	vld [tilespmem:s12+$0x0]  }
0x19a: {  	[tilespmem:s14+$0x0] =	vst v27;
	v1 =	vld.idx.msk [tilespmem:v22+s13+$0x0], $0xffff;
	vm5 =	vgt.f32 v36, v40;
	v30 =	vcvt.f32.s32 v39;
	v62, _, _ =	vpop (xrf0);
	v57 =	vcvt.f32.s32 v40  }
0x19b: {  	v38, _, _ =	vpop (xrf1);
	v22 =	vld.idx.msk [tilespmem:v22+s16+$0x0], $0xffff;
	vm6 =	vgt.f32 v37, v54;
	v58 =	vtrunc.f32 v9;
	v63 =	vcvt.f32.s32 v54;
	[tilespmem:s21+$0x20] =	vst v62  }
0x19c: {  	[tilespmem:s29+$0xFFFFFFD0] =	vst v38;
	v54 =	vmax.f32 v48, v50;
	v7 =	vsel vm4, $0x1, v12;
	vm7 =	vgt.f32 v9, v58;
	v15 =	vld [tilespmem:s19+$0x14000]  }
0x19d: {  	[tilespmem:s14+$0x10] =	vst v20;
	v36 =	vld.idx.msk [tilespmem:v26+s13+$0x0], $0xffff;
	v59 =	vsel vm5, $0x1, v12;
	v27 =	vcvt.f32.s32 v58;
	v9 =	vadd.s32 v30, v7  }
0x19e: {  	[tilespmem:s21+$0xFFFFFFE0] =	vst v12;
	v37 =	vld.idx.msk [tilespmem:v28+s13+$0x0], $0xffff;
	v38 =	vsel vm6, $0x1, v12;
	vm9 =	vlt.s32 v9, $0x3F;
	v25 =	vadd.f32 $9.999999740e-06, v25  }
0x19f: {  	[tilespmem:s21+$0xFFFFFFF0] =	vst v12;
	v21 =	vadd.s32 v57, v59;
	v32 =	vadd.s32 v63, v38;
	v7 =	vld.idx.msk [tilespmem:v11+s13+$0x0], $0xffff;
	v9 =	vnsel vm9, $0x3F, v9  }
0x1a0: {  	v39 =	vld.idx.msk [tilespmem:v10+s13+$0x0], $0xffff;
	v20 =	vsel vm7, $0x1, v12;
	vm10 =	vlt.s32 v21, $0x3F;
	v9 =	vadd.s32 s26, v9;
	(xrf2) =	vadd.scan.msk.f32 $0xffff, v25  }
0x1a1: {  	v28 =	vld.idx.msk [tilespmem:v28+s16+$0x0], $0xffff;
	vm11 =	vlt.s32 v32, $0x3F;
	v25 =	vadd.s32 v27, v20;
	(xrf0) =	vadd.scan.msk.s32 $0xffff, v15;
	v15 =	vnsel vm10, $0x3F, v21  }
0x1a2: {  	[tilespmem:s21+$0x0] =	vst v12;
	v63 =	vld.idx.msk [tilespmem:v26+s16+$0x0], $0xffff;
	v20 =	vsel vm8, $0x3F800000, v61;
	v21 =	vsub.f32 v1, v36;
	v15 =	vadd.s32 s26, v15  }
0x1a3: {  	(erf) = vrcp.f32 v20;
	v20 =	vmin.f32 v2, v6;
	v6 =	vnsel vm11, $0x3F, v32;
	v32 =	vld [tilespmem:$0x1FF70];
	[tilespmem:s21+$0x10] =	vst v12;
	v58, _, _ =	vpop (xrf2)  }
0x1a4: {  	v24 =	vsub.f32 v43, v7;
	vm12 =	vlt.s32 v25, $0x3F;
	v2 =	vld.idx.msk [tilespmem:v11+s16+$0x0], $0xffff;
	vm13 =	vlt.f32 v21, $9.999999740e-06;
	[tilespmem:s7+$0x10000] =	vst v58  }
0x1a5: {  	v11 =	vnsel vm12, $0x3F, v25;
	v25 =	vadd.s32 s26, v6;
	v21 =	vsel vm13, $0x3F800000, v21;
	[tilespmem:v9+s15+$0x0] =	vst.idx.add.s32.msk $0xffff, v14  }
0x1a6: {  	vm14 =	vlt.f32 v24, $9.999999740e-06;
	v11 =	vadd.s32 s26, v11;
	(erf) = vrcp.f32 v21;
	v21 =	vld [tilespmem:s10+$0x2000]  }
0x1a7: {  	v26 =	vsub.f32 v37, v39;
	v43 =	vadd.s32 $0xFFFFFFFF, v4;
	v6 =	vsel vm14, $0x3F800000, v24;
	[tilespmem:v15+s15+$0x0] =	vst.idx.add.s32.msk $0xffff, v14;
	v4, _, _ =	vpop (xrf0)  }
0x1a8: {  	s9 =	simm.s32 $0x4180;
	v59 =	vor.u32 $0x1F, v33;
	v57 =	vmin.f32 v48, v50;
	(erf) = vrcp.f32 v6;
	v6 =	vld.idx.msk [tilespmem:v10+s16+$0x0], $0xffff;
	v10, _, _ =	vpop (xrf1);
	[tilespmem:s19+$0x14000] =	vst v4  }
0x1a9: {  	vm15 =	vlt.f32 v26, $9.999999740e-06;
	v27 =	vmin.f32 v8, v5;
	v61 =	vor.u32 $0x2F, v33;
	[tilespmem:s9+$0x70] =	vst v10;
	v5 =	vld [tilespmem:s5+$0x14000]  }
0x1aa: {  	v1 =	vadd.s32 $0xFFFFFFFF, v33;
	v9 =	vsel vm15, $0x3F800000, v26;
	v24 =	vsub.f32 v16, v7;
	[tilespmem:v25+s15+$0x0] =	vst.idx.add.s32.msk $0xffff, v14  }
0x1ab: {  	(erf) = vrcp.f32 v9;
	v15 =	vsub.f32 v29, v47;
	[tilespmem:v11+s15+$0x0] =	vst.idx.add.s32.msk $0x7fff, v14;
	v8 =	vadd.f32 $9.999999740e-06, v21;
	v48, _, _ =	vpop (xrf2)  }
0x1ac: {  	v47 =	vor.u32 $0x3E, v33;
	v9 =	vsub.f32 v19, v60;
	v26 =	vsub.f32 v13, v2;
	[tilespmem:s17+$0x0] =	vst v48  }
0x1ad: {  	v25 =	vsub.f32 v31, v39;
	v11 =	vsub.f32 v22, v63;
	(xrf2) =	vadd.scan.msk.f32 $0xffff, v8;
	[tilespmem:$0x1FF80] =	vst v1  }
0x1ae: {  	s1 =	simm.s32 $0x6;
	s6 =	simm.s32 $0x200;
	s19 =	simm.s32 $0x101A0;
	v21 =	vsub.f32 v23, v36;
	v10 =	vsub.f32 v28, v6;
	v8 =	vmin.f32 v0, v3;
	(xrf0) =	vadd.scan.msk.s32 $0xffff, v5;
	v19 =	vld [tilespmem:s12+$0x10]  }
.LBB2_3:
0x1af: {  	v1 =	vld [tilespmem:$0x1FFF0];
	_ =	sdelay $0x3  }
0x1b0: {  	v5 =	vmov s6;
	v28 =	vld [tilespmem:s21+$0xFFFFFFE0]  }
0x1b1: {  	v30 =	vld [tilespmem:$0x1FFB0];
	v12 =	vor.u32 s6, v1;
	v1 =	vor.u32 $0x1F, v5  }
0x1b2: {  	s20 =	sadd.s32 $0x80, s20;
	v29 =	vld [tilespmem:$0x1FD90];
	[tilespmem:$0x1FD50] =	vst v1;
	v1 =	vor.u32 $0x2F, v5  }
0x1b3: {  	s4 =	sadd.s32 $0x40, s6;
	(xrf1) =	vsort.ascd.msk.f32 $0xffff, v57, v57;
	v53 =	vld [tilespmem:s20+$0x20];
	[tilespmem:$0x1FD60] =	vst v1;
	v1 =	vadd.s32 $0xFFFFFFFF, v5  }
0x1b4: {  	v22 =	vadd.f32 $9.999999740e-06, v19;
	s3 =	sor.u32 $0x50, s4;
	(xrf1) =	vsort.ascd.msk.f32 $0xffff, v54, v54;
	[tilespmem:$0x1FD70] =	vst v1;
	v1 =	vld [tilespmem:$0x1FFC0]  }
0x1b5: {  	s18 =	sor.u32 $0x41, s4;
	v51 =	vld [tilespmem:s3+$0x0];
	(xrf1) =	vsort.ascd.msk.f32 $0xffff, v8, v8  }
0x1b6: {  	v8 =	vld [tilespmem:s18+$0x0];
	s18 =	sor.u32 $0x51, s4;
	v50 =	vpop (erf)  }
0x1b7: {  	v16 =	vld [tilespmem:s18+$0x0];
	s18 =	sor.u32 $0x61, s4;
	v7 =	vmul.f32 v50, v15  }
0x1b8: {  	v0 =	vmax.f32 v0, v3;
	v3 =	vmin.f32 v20, v27;
	v13 =	vmax.f32 v20, v27;
	s14 =	sor.u32 $0x60, s4;
	(xrf2) =	vadd.scan.msk.f32 $0xffff, v22;
	v18 =	vld [tilespmem:s18+$0x0];
	v22, _, _ =	vpop (xrf0)  }
0x1b9: {  	v27 =	vmov s31;
	v50 =	vld [tilespmem:s14+$0x0];
	v15 =	vpop (erf);
	[tilespmem:s5+$0x14000] =	vst v22;
	v9 =	vmul.f32 v7, v9;
	v38 =	vor.u32 s4, v1  }
0x1ba: {  	v14 =	vmin.f32 v55, v56;
	s18 =	sor.u32 $0x70, s4;
	(xrf0) =	vadd.scan.msk.s32 $0xffff, v28;
	v28 =	vor.u32 $0x4F, v27;
	v34 =	vpop (erf);
	v35 =	vld [tilespmem:s0+$0x14000];
	v1 =	vmul.f32 v15, v21  }
0x1bb: {  	v20 =	vor.u32 $0x5F, v27;
	(xrf1) =	vsort.ascd.msk.f32 $0xffff, v0, v0;
	v54 =	vld [tilespmem:s18+$0x0];
	v24 =	vmul.f32 v34, v24;
	v36 =	vpop (erf);
	v9 =	vadd.f32 v9, v60  }
0x1bc: {  	v55 =	vor.u32 $0x6F, v27;
	(xrf1) =	vsort.ascd.msk.f32 $0xffff, v3, v3;
	v7 =	vld [tilespmem:$0x1FD80];
	v11 =	vmul.f32 v1, v11;
	v1 =	vmul.f32 v36, v25  }
0x1bd: {  	v8 =	vadd.f32 v8, v53;
	v37 =	vperm.xlane v9, v30;
	v9 =	vmul.f32 v24, v26;
	v24 =	vld.idx.msk [tilespmem:v12+s2+$0x0], $0xffff;
	v15, _, _ =	vpop (xrf2)  }
0x1be: {  	v3 =	vadd.f32 v11, v63;
	v11 =	vmul.f32 v1, v10;
	v0 =	vld.idx.msk [tilespmem:v38+s2+$0x0], $0xffff;
	[tilespmem:s10+$0x10000] =	vst v15  }
0x1bf: {  	v2 =	vadd.f32 v9, v2;
	v56 =	vld.idx.msk [tilespmem:v28+s13+$0x0], $0xffff  }
0x1c0: {  	v17 =	vmin.f32 v41, v42;
	v26 =	vmul.f32 $5.000000000e-01, v8;
	v9 =	vadd.f32 v16, v51;
	v16 =	vld.idx.msk [tilespmem:v20+s13+$0x0], $0xffff  }
0x1c1: {  	s22 =	sadd.s32 $0x80, s22;
	(xrf1) =	vsort.ascd.msk.f32 $0xffff, v13, v13;
	v12 =	vmin.f32 v7, v37;
	v2 =	vperm.xlane v2, v30;
	v23 =	vld.idx.msk [tilespmem:v55+s13+$0x0], $0xffff;
	v1, _, _ =	vpop (xrf1)  }
0x1c2: {  	(xrf1) =	vsort.ascd.msk.f32 $0xffff, v14, v14;
	[tilespmem:s22+$0x20] =	vst v26;
	v6 =	vadd.f32 v11, v6;
	v26 =	vmax.f32 v7, v37;
	v11, _, _ =	vpop (xrf1)  }
0x1c3: {  	v7, _, _ =	vpop (xrf1);
	(xrf1) =	vsort.ascd.msk.f32 $0xffff, v17, v17;
	v17 =	vmin.f32 v29, v2;
	v2 =	vmax.f32 v29, v2;
	v29 =	vld [tilespmem:$0x1FDA0];
	_ =	sdelay $0x2  }
0x1c4: {  	v3 =	vperm.xlane v3, v30  }
0x1c5: {  	v31 =	vld [tilespmem:$0x1FDF0];
	v13 =	vor.u32 $0x7E, v27;
	v18 =	vadd.f32 v18, v50  }
0x1c6: {  	v21 =	vmax.f32 v41, v42;
	v25, _, _ =	vpop (xrf0);
	(xrf0) =	vadd.scan.msk.s32 $0xffff, v35;
	v41 =	vmin.f32 v29, v3;
	v42 =	vmax.f32 v29, v3;
	v3 =	vld [tilespmem:$0x1FE30]  }
0x1c7: {  	v38 =	vmul.f32 $5.000000000e-01, v9;
	v0 =	vadd.f32 v0, v54  }
0x1c8: {  	[tilespmem:s21+$0xFFFFFFE0] =	vst v25;
	v14 =	vmul.f32 $5.000000000e-01, v18  }
0x1c9: {  	v40 =	vld [tilespmem:$0x1FDB0];
	s5 =	smov.u32 s7;
	s7 =	smov.u32 s14;
	[tilespmem:s3+$0x12000] =	vst v38;
	v34 =	vmul.f32 $5.000000000e-01, v0  }
0x1ca: {  	v13 =	vld.idx.msk [tilespmem:v13+s13+$0x0], $0xffff;
	[tilespmem:s7+$0x12000] =	vst v14  }
0x1cb: {  	v44 =	vld [tilespmem:$0x1FE40];
	vm0 =	vlt.s32 v25, $0x3E;
	v60 =	vadd.s32 v25, v43;
	v18 =	vmov v31;
	[tilespmem:s18+$0x12000] =	vst v34  }
0x1cc: {  	s12 =	sadd.s32 $0x80, s12;
	v8 =	vnsel vm0, $0x3E, v25;
	[tilespmem:$0x1FD80] =	vst v18;
	v14 =	vperm.xlane v6, v30;
	v6 =	vadd.f32 v16, v56;
	v16, _, _ =	vpop (xrf0);
	v25 =	vld.idx.msk [tilespmem:v27+s13+$0x0], $0xffff  }
0x1cd: {  	v18 =	vld [tilespmem:s12+$0x20];
	[tilespmem:s0+$0x14000] =	vst v16  }
0x1ce: {  	v29 =	vld.idx.msk [tilespmem:v3+s15+$0x0], $0xffff;
	v3 =	vmin.f32 v40, v14  }
0x1cf: {  	v34 =	vmin.f32 v17, v3;
	v17 =	vmax.f32 v17, v3;
	v3 =	vld [tilespmem:$0x1FE50];
	_ =	sdelay $0x1  }
0x1d0: {  	v23 =	vadd.f32 v23, v6  }
0x1d1: {  	v63, _, _ =	vpop (xrf2)  }
0x1d2: {  	v10 =	vld [tilespmem:s20+$0xFFFFFFE0];
	[tilespmem:s17+$0x10] =	vst v63;
	v13 =	vadd.f32 v13, v23  }
0x1d3: {  	v9 =	vld [tilespmem:s20+$0xFFFFFFF0]  }
0x1d4: {  	v52 =	vmin.f32 v41, v12;
	v39 =	vld.idx.msk [tilespmem:v44+s15+$0x0], $0xffff;
	v13 =	vsub.f32 v13, v25  }
0x1d5: {  	v14 =	vmax.f32 v40, v14;
	v40 =	vmin.f32 v34, v52;
	v31 =	vmax.f32 v34, v52;
	v34 =	vld [tilespmem:s20+$0xFFFFFFF1]  }
0x1d6: {  	vm12 =	vlt.s32 v62, $0x3E;
	v19 =	vor.u32 $0x3E, v5;
	v38 =	vld.idx.msk [tilespmem:v3+s15+$0x0], $0xffff  }
0x1d7: {  	v35, _, _ =	vpop (xrf1);
	v12 =	vmax.f32 v41, v12;
	v18 =	vadd.f32 $9.999999740e-06, v18;
	(erf) = vrcp.f32 v13;
	[tilespmem:s9+$0x10] =	vst v11;
	v11 =	vld [tilespmem:$0x1FE60]  }
0x1d8: {  	v41 =	vmovc v28;
	v36 =	vmin.f32 v2, v14;
	v44 =	vmax.f32 v2, v14;
	v14 =	vmin.f32 v42, v26  }
0x1d9: {  	v42 =	vmax.f32 v42, v26;
	v26 =	vmovc v27;
	v27 =	vnsel vm12, $0x3E, v62;
	v39 =	vadd.s32 v29, v39;
	[tilespmem:s9+$0x0] =	vst v1  }
0x1da: {  	v37, _, _ =	vpop (xrf1);
	v28 =	vld.idx.msk [tilespmem:v46+s13+$0x0], $0xffff;
	v27 =	vadd.s32 s30, v27;
	v4 =	vadd.s32 v4, v29;
	v22 =	vadd.s32 v22, v39;
	[tilespmem:s9+$0x20] =	vst v7  }
0x1db: {  	v2 =	vld [tilespmem:s20+$0xFFFFFFE1];
	vm13 =	vlt.s32 v4, $0x3E;
	vm14 =	vlt.s32 v22, $0x3E;
	v1, _, _ =	vpop (xrf1);
	(xrf1) =	vsort.ascd.msk.f32 $0xffff, v40, v40;
	[tilespmem:s9+$0x30] =	vst v35  }
0x1dc: {  	v35 =	vld.idx.msk [tilespmem:v47+s13+$0x0], $0xffff;
	v47 =	vmovc v19;
	v19 =	vadd.f32 v34, v9;
	v11 =	vadd.s32 $0xFFFFFFFF, v11;
	v16 =	vadd.s32 v16, v38  }
0x1dd: {  	v7 =	vld.idx.msk [tilespmem:v59+s13+$0x0], $0xffff;
	v13 =	vadd.s32 v62, v11;
	v29 =	vadd.s32 v4, v11;
	v16 =	vadd.s32 v39, v16  }
0x1de: {  	v0 =	vld [tilespmem:s20+$0x0];
	(xrf1) =	vsort.ascd.msk.f32 $0xffff, v31, v31;
	v31 =	vadd.s32 v22, v11;
	v4 =	vnsel vm13, $0x3E, v4;
	v39 =	vadd.s32 v16, v11  }
0x1df: {  	(xrf2) =	vadd.scan.msk.f32 $0xffff, v18;
	v3 =	vld [tilespmem:s20+$0x10];
	v11 =	vadd.s32 s30, v4;
	v4 =	vnsel vm14, $0x3E, v22;
	vm15 =	vlt.s32 v16, $0x3E  }
0x1e0: {  	[tilespmem:$0x1FE60] =	vst v26;
	v26 =	vld [tilespmem:s20+$0x1];
	v40 =	vadd.s32 s30, v4;
	v4 =	vnsel vm15, $0x3E, v16;
	v16 =	vadd.f32 v2, v10  }
0x1e1: {  	v52, _, _ =	vpop (xrf1);
	(xrf1) =	vsort.ascd.msk.f32 $0xffff, v21, v21  }
0x1e2: {  	v2 =	vadd.f32 v7, v28;
	v7 =	vmul.f32 $5.000000000e-01, v16;
	v16 =	vmul.f32 $5.000000000e-01, v19;
	v19 =	vmovc v20;
	v21 =	vld.idx.msk [tilespmem:v13+s13+$0x0], $0xffff;
	[tilespmem:s9+$0x40] =	vst v37  }
0x1e3: {  	[tilespmem:$0x1FE40] =	vst v19;
	v18 =	vld.idx.msk [tilespmem:v27+s13+$0x0], $0xffff  }
0x1e4: {  	v24 =	vadd.f32 v24, v3;
	v37, _, _ =	vpop (xrf1);
	v22 =	vld.idx.msk [tilespmem:v29+s13+$0x0], $0xffff;
	[tilespmem:s9+$0x50] =	vst v1  }
0x1e5: {  	v62 =	vld.idx.msk [tilespmem:v61+s13+$0x0], $0xffff;
	v1 =	vadd.f32 v26, v0;
	[tilespmem:s29+$0xFFFFFFE0] =	vst v37  }
0x1e6: {  	v34 =	vadd.s32 s30, v4;
	v4 =	vmul.f32 $5.000000000e-01, v24;
	v24 =	vld.idx.msk [tilespmem:v31+s13+$0x0], $0xffff;
	[tilespmem:s9+$0x60] =	vst v52  }
0x1e7: {  	[tilespmem:s22+$0xFFFFFFF0] =	vst v16;
	v16 =	vsub.f32 v6, v25;
	v6 =	vmov v55;
	v55 =	vld [tilespmem:$0x1FE00];
	v1 =	vmul.f32 $5.000000000e-01, v1  }
0x1e8: {  	[tilespmem:s22+$0xFFFFFFE0] =	vst v7;
	v26 =	vld.idx.msk [tilespmem:v39+s13+$0x0], $0xffff  }
0x1e9: {  	v7 =	vsub.f32 v56, v25;
	[tilespmem:s22+$0x0] =	vst v1;
	v1 =	vld [tilespmem:$0x1FF10]  }
0x1ea: {  	[tilespmem:s22+$0x10] =	vst v4;
	v4 =	vadd.f32 v62, v2;
	v62 =	vld.idx.msk [tilespmem:v11+s13+$0x0], $0xffff  }
0x1eb: {  	v52 =	vmin.f32 v17, v12;
	v12 =	vmax.f32 v17, v12;
	v17 =	vld.idx.msk [tilespmem:v40+s13+$0x0], $0xffff;
	v7 =	vadd.f32 v7, v49;
	v49, _, _ =	vpop (xrf2)  }
0x1ec: {  	s17 =	sadd.s32 $0x80, s17;
	v37 =	vsub.f32 v23, v25;
	v23 =	vld.idx.msk [tilespmem:v34+s13+$0x0], $0xffff;
	[tilespmem:$0x1FF10] =	vst v49  }
0x1ed: {  	v38 =	vpop (erf);
	[tilespmem:s17+$0x20] =	vst v49;
	v49 =	vld [tilespmem:$0x1FEC0]  }
0x1ee: {  	[tilespmem:$0x1FE50] =	vst v6;
	v20, _, _ =	vpop (xrf1);
	v6 =	vld.idx.msk [tilespmem:v33+s13+$0x0], $0xffff;
	v1 =	vsub.f32 v1, v25  }
0x1ef: {  	v16 =	vadd.f32 v16, v58;
	v19, _, _ =	vpop (xrf1);
	v25 =	vld [tilespmem:s12+$0xFFFFFFE0];
	[tilespmem:s9+$0xFFFFFF80] =	vst v20  }
0x1f0: {  	v20 =	vmul.f32 v38, v1;
	v1 =	vld [tilespmem:s21+$0xFFFFFFF0];
	[tilespmem:s9+$0xFFFFFF90] =	vst v19  }
0x1f1: {  	v19 =	vmul.f32 v38, v16;
	v16 =	vld [tilespmem:s21+$0x0];
	_ =	sdelay $0x2  }
0x1f2: {  	v57 =	vor.u32 $0xF, v5;
	[tilespmem:$0x1FE30] =	vst v41;
	v41 =	vmovc v5;
	v5 =	vmul.f32 v38, v7;
	v7 =	vsub.f32 v18, v21  }
0x1f3: {  	v15 =	vadd.f32 v37, v15;
	(xrf0) =	vadd.scan.msk.s32 $0xffff, v1  }
0x1f4: {  	v18 =	vsub.f32 v62, v22;
	vm4 =	vlt.f32 v7, $9.999999740e-06;
	v62 =	vmovc v55;
	v55 =	vmov v49;
	(xrf0) =	vadd.scan.msk.s32 $0xffff, v16;
	v16 =	vld [tilespmem:$0x1FED0]  }
0x1f5: {  	v15 =	vmul.f32 v38, v15;
	v37 =	vsel vm4, $0x3F800000, v7;
	v1 =	vld [tilespmem:$0x1FE10]  }
0x1f6: {  	v58 =	vsub.f32 v17, v24;
	[tilespmem:$0x1FD90] =	vst v62;
	v62 =	vld [tilespmem:s3+$0x2000];
	vm5 =	vlt.f32 v18, $9.999999740e-06;
	(erf) = vrcp.f32 v37  }
0x1f7: {  	v7 =	vmov v10;
	[tilespmem:$0x1FE00] =	vst v55;
	v18 =	vsel vm5, $0x3F800000, v18;
	v55, _, _ =	vpop (xrf1);
	(xrf1) =	vsort.ascd.msk.f32 $0xffff, v52, v52  }
0x1f8: {  	v13 =	vld.idx.msk [tilespmem:v13+s16+$0x0], $0xffff;
	vm6 =	vlt.f32 v58, $9.999999740e-06;
	[tilespmem:$0x1FEC0] =	vst v7;
	(erf) = vrcp.f32 v18;
	(xrf1) =	vsort.ascd.msk.f32 $0xffff, v12, v12;
	v12 =	vmovc v9  }
0x1f9: {  	v7 =	vld.idx.msk [tilespmem:v27+s16+$0x0], $0xffff;
	v27 =	vsel vm6, $0x3F800000, v58;
	[tilespmem:$0x1FED0] =	vst v12;
	v12 =	vmul.f32 $6.300000000e+01, v15;
	v10 =	vmovc v16;
	v16 =	vmul.f32 $6.300000000e+01, v19  }
0x1fa: {  	v56 =	vmin.f32 v36, v14;
	v23 =	vsub.f32 v23, v26;
	v37 =	vld [tilespmem:$0x1FFD0];
	(erf) = vrcp.f32 v27;
	v17 =	vmovc v1  }
0x1fb: {  	v27 =	vadd.f32 $9.999999740e-06, v62;
	v62 =	vtrunc.f32 v12;
	[tilespmem:$0x1FDA0] =	vst v17;
	v17 =	vld.idx.msk [tilespmem:v29+s16+$0x0], $0xffff;
	v29 =	vtrunc.f32 v16  }
0x1fc: {  	vm8 =	vgt.f32 v12, v62;
	vm3 =	vgt.f32 v16, v29;
	v16 =	vcvt.f32.s32 v62;
	v62 =	vld [tilespmem:$0x1FFE0]  }
0x1fd: {  	(xrf1) =	vsort.ascd.msk.f32 $0xffff, v56, v56;
	v56 =	vld [tilespmem:$0x1FE20]  }
0x1fe: {  	v14 =	vmax.f32 v36, v14;
	vm7 =	vlt.f32 v23, $9.999999740e-06;
	v38 =	vld [tilespmem:s21+$0x10];
	v36 =	vmul.f32 $6.300000000e+01, v20  }
0x1ff: {  	v18 =	vsel vm7, $0x3F800000, v23;
	v23 =	vld.idx.msk [tilespmem:v31+s16+$0x0], $0xffff  }
0x200: {  	(erf) = vrcp.f32 v18;
	v18 =	vld.idx.msk [tilespmem:v39+s16+$0x0], $0xffff;
	v9 =	vtrunc.f32 v36  }
0x201: {  	v39 =	vld [tilespmem:$0x1FF90];
	vm1 =	vgt.f32 v36, v9;
	v21 =	vsub.f32 v62, v21  }
0x202: {  	v36 =	vld.idx.msk [tilespmem:v40+s16+$0x0], $0xffff;
	v40 =	vpop (erf);
	v58 =	vmov v56;
	v1 =	vmul.f32 $6.300000000e+01, v5;
	[tilespmem:$0x1FE10] =	vst v10;
	v10 =	vadd.f32 $9.999999740e-06, v25  }
0x203: {  	v31 =	vcvt.f32.s32 v9;
	v9, _, _ =	vpop (xrf0);
	(xrf0) =	vadd.scan.msk.s32 $0xffff, v38;
	v33 =	vmul.f32 v40, v21;
	v40 =	vld [tilespmem:$0x1FFA0]  }
0x204: {  	v11 =	vld.idx.msk [tilespmem:v11+s16+$0x0], $0xffff;
	v22 =	vsub.f32 v37, v22;
	[tilespmem:$0x1FDB0] =	vst v58;
	(xrf2) =	vadd.scan.msk.f32 $0xffff, v10;
	v10 =	vtrunc.f32 v1  }
0x205: {  	(xrf1) =	vsort.ascd.msk.f32 $0xffff, v14, v14;
	[tilespmem:s21+$0xFFFFFFF0] =	vst v9;
	v58, _, _ =	vpop (xrf0);
	v14 =	vcvt.f32.s32 v10;
	vm2 =	vgt.f32 v1, v10;
	v10 =	vld.idx.msk [tilespmem:v34+s16+$0x0], $0xffff  }
0x206: {  	v52 =	vimm.s32 $0x0;
	v7 =	vsub.f32 v7, v13;
	v49 =	vpop (erf);
	[tilespmem:s21+$0x0] =	vst v58  }
0x207: {  	v24 =	vsub.f32 v39, v24;
	v12 =	vsel vm1, $0x1, v52;
	v49 =	vmul.f32 v49, v22;
	[tilespmem:s29+$0xFFFFFFF0] =	vst v55  }
0x208: {  	v36 =	vsub.f32 v36, v23;
	v12 =	vadd.s32 v31, v12;
	v55 =	vpop (erf);
	[tilespmem:s19+$0x20] =	vst v20;
	v26 =	vsub.f32 v40, v26  }
0x209: {  	vm9 =	vlt.s32 v12, $0x3F;
	v56 =	vpop (erf);
	v24 =	vmul.f32 v55, v24;
	v11 =	vsub.f32 v11, v17;
	[tilespmem:s8+$0x10000] =	vst v5  }
0x20a: {  	v1 =	vcvt.f32.s32 v29;
	v34, _, _ =	vpop (xrf0);
	[tilespmem:s5+$0x10000] =	vst v19;
	v10 =	vsub.f32 v10, v18;
	v26 =	vmul.f32 v56, v26  }
0x20b: {  	s0 =	smov.u32 s10;
	s30 =	smov.u32 s31;
	v12 =	vnsel vm9, $0x3F, v12;
	v24 =	vmul.f32 v24, v36;
	[tilespmem:s21+$0x10] =	vst v34;
	v11 =	vmul.f32 v49, v11;
	v56 =	vld [tilespmem:$0x1FEF0]  }
0x20c: {  	v12 =	vadd.s32 s30, v12;
	[tilespmem:s0+$0x10000] =	vst v15;
	s21 =	sadd.s32 $0x80, s21;
	v7 =	vmul.f32 v33, v7;
	v10 =	vmul.f32 v26, v10  }
0x20d: {  	v29 =	vsel vm2, $0x1, v52;
	[tilespmem:s21+$0x20] =	vst v52;
	v11 =	vadd.f32 v11, v17;
	v17 =	vadd.f32 v24, v23  }
0x20e: {  	v38 =	vld [tilespmem:$0x1FDD0];
	v14 =	vadd.s32 v14, v29;
	[tilespmem:s8+$0x14000] =	vst v52;
	v7 =	vadd.f32 v7, v13;
	v10 =	vadd.f32 v10, v18  }
0x20f: {  	v20 =	vld [tilespmem:$0x1FF00];
	vm10 =	vlt.s32 v14, $0x3F;
	[tilespmem:s5+$0x14000] =	vst v52;
	v11 =	vperm.xlane v11, v30;
	v17 =	vperm.xlane v17, v30  }
0x210: {  	v5 =	vld [tilespmem:$0x1FF20];
	v14 =	vnsel vm10, $0x3F, v14;
	[tilespmem:s0+$0x14000] =	vst v52;
	v7 =	vperm.xlane v7, v30;
	v24 =	vperm.xlane v10, v30;
	v30 =	vmovc v46  }
0x211: {  	v36 =	vld [tilespmem:$0x1FDC0];
	v14 =	vadd.s32 s30, v14;
	v46 =	vmov v57;
	v57 =	vmov v59;
	[tilespmem:$0x1FEF0] =	vst v30  }
0x212: {  	v22, _, _ =	vpop (xrf2);
	[tilespmem:$0x1FF00] =	vst v57;
	v57 =	vsub.f32 v28, v6;
	v28 =	vld [tilespmem:$0x1FD60]  }
0x213: {  	v30 =	vimm.s32 $0x1;
	v31 =	vld.idx.msk [tilespmem:v56+s15+$0x0], $0xffff;
	[tilespmem:s17+$0xFFFFFFE0] =	vst v22  }
0x214: {  	v21, _, _ =	vpop (xrf1);
	[tilespmem:v12+s15+$0x0] =	vst.idx.add.s32.msk $0xffff, v30  }
0x215: {  	v8 =	vadd.s32 s26, v8;
	v13 =	vld [tilespmem:s12+$0xFFFFFFF0];
	[tilespmem:s9+$0xFFFFFFA0] =	vst v21  }
0x216: {  	v25 =	vadd.f32 v35, v4;
	v35 =	vsel vm3, $0x1, v52;
	[tilespmem:v14+s15+$0x0] =	vst.idx.add.s32.msk $0xffff, v30  }
0x217: {  	v55 =	vsel vm8, $0x1, v52;
	v1 =	vadd.s32 v1, v35;
	v23 =	vld.idx.msk [tilespmem:v20+s15+$0x0], $0xffff  }
0x218: {  	v16 =	vadd.s32 v16, v55;
	vm11 =	vlt.s32 v1, $0x3F;
	v26 =	vld.idx.msk [tilespmem:v5+s15+$0x0], $0xffff  }
0x219: {  	vm12 =	vlt.s32 v16, $0x3F;
	v1 =	vnsel vm11, $0x3F, v1;
	v33 =	vmovc v32;
	v5 =	vmax.f32 v32, v7;
	v32 =	vld [tilespmem:$0x1FDE0]  }
0x21a: {  	v16 =	vnsel vm12, $0x3F, v16;
	v1 =	vadd.s32 s30, v1;
	v15 =	vld.idx.msk [tilespmem:v8+s13+$0x0], $0xffff  }
0x21b: {  	v16 =	vadd.s32 s30, v16;
	v29 =	vld.idx.msk [tilespmem:v60+s13+$0x0], $0xffff  }
0x21c: {  	v49 =	vmov v61;
	v61 =	vmov v28;
	v28 =	vld [tilespmem:$0x1FF30]  }
0x21d: {  	v2 =	vsub.f32 v2, v6;
	(xrf2) =	vadd.scan.msk.f32 $0xffff, v27;
	v8 =	vld.idx.msk [tilespmem:v8+s16+$0x0], $0xffff  }
0x21e: {  	v25 =	vsub.f32 v25, v6;
	v60 =	vld.idx.msk [tilespmem:v60+s16+$0x0], $0xffff;
	v13 =	vadd.f32 $9.999999740e-06, v13  }
0x21f: {  	v4 =	vsub.f32 v4, v6;
	v10 =	vmax.f32 v38, v17;
	[tilespmem:v1+s15+$0x0] =	vst.idx.add.s32.msk $0xffff, v30  }
0x220: {  	(erf) = vrcp.f32 v25;
	v18, _, _ =	vpop (xrf1);
	v19 =	vmax.f32 v36, v24;
	v56 =	vmax.f32 v10, v5;
	[tilespmem:v16+s15+$0x0] =	vst.idx.add.s32.msk $0x7fff, v30  }
0x221: {  	[tilespmem:$0x1FF20] =	vst v49;
	v21, _, _ =	vpop (xrf1);
	v20 =	vmax.f32 v32, v11;
	v1 =	vadd.s32 v34, v26;
	v6 =	vsub.f32 v28, v6;
	v28 =	vld [tilespmem:$0x1FEE0]  }
0x222: {  	[tilespmem:s9+$0xFFFFFFC0] =	vst v21;
	v55 =	vmax.f32 v19, v20;
	(xrf2) =	vadd.scan.msk.f32 $0xffff, v13;
	v13 =	vmovc v0;
	v0 =	vadd.s32 v31, v23  }
0x223: {  	v27, _, _ =	vpop (xrf1);
	v35 =	vmax.f32 v55, v56;
	[tilespmem:$0x1FEE0] =	vst v13;
	v13 =	vadd.s32 v58, v0;
	v0 =	vadd.s32 v0, v1;
	v1 =	vld [tilespmem:$0x1FEB0]  }
0x224: {  	v14 =	vmov v3;
	v3 =	vmov v22;
	[tilespmem:s9+$0xFFFFFFD0] =	vst v27;
	(xrf1) =	vsort.ascd.msk.f32 $0xffff, v35, v35  }
0x225: {  	[tilespmem:$0x1FF30] =	vst v3;
	v9 =	vadd.s32 v9, v31  }
0x226: {  	v2 =	vadd.f32 v2, v48;
	v27 =	vld [tilespmem:$0x1FE70];
	vm15 =	vlt.s32 v9, $0x3E;
	[tilespmem:$0x1FEB0] =	vst v14;
	v12 =	vmov v28  }
0x227: {  	v49, _, _ =	vpop (xrf2);
	v23 =	vadd.s32 v9, v43;
	vm13 =	vlt.s32 v13, $0x3E;
	[tilespmem:$0x1FE20] =	vst v12;
	v12 =	vadd.f32 v57, v45;
	v57 =	vld [tilespmem:$0x1FE90]  }
0x228: {  	vm14 =	vlt.s32 v0, $0x3E;
	v21 =	vadd.s32 v0, v43;
	v3 =	vnsel vm13, $0x3E, v13;
	v16 =	vmovc v1;
	v1 =	vld [tilespmem:s21+$0x20];
	[tilespmem:s3+$0x10000] =	vst v49  }
0x229: {  	v14 =	vnsel vm14, $0x3E, v0;
	v0 =	vsub.f32 v15, v29;
	[tilespmem:$0x1FDF0] =	vst v16;
	v16 =	vnsel vm15, $0x3E, v9;
	v9 =	vld [tilespmem:$0x1FF80]  }
0x22a: {  	v4 =	vadd.f32 v4, v63;
	v25 =	vpop (erf);
	[tilespmem:s9+$0xFFFFFFB0] =	vst v18;
	v18 =	vadd.s32 s26, v3;
	v3 =	vld [tilespmem:s7+$0x2000]  }
0x22b: {  	v2 =	vmul.f32 v25, v2;
	v11 =	vmin.f32 v32, v11;
	vm4 =	vlt.f32 v0, $9.999999740e-06  }
0x22c: {  	v13 =	vadd.s32 v13, v43;
	v14 =	vadd.s32 s26, v14;
	v26 =	vsel vm4, $0x3F800000, v0;
	v45, _, _ =	vpop (xrf2)  }
0x22d: {  	v16 =	vadd.s32 s26, v16;
	[tilespmem:s17+$0xFFFFFFF0] =	vst v45;
	v58 =	vmovc v57;
	(xrf0) =	vadd.scan.msk.s32 $0xffff, v1;
	v1 =	vmin.f32 v36, v24  }
0x22e: {  	v24 =	vld [tilespmem:s12+$0x0];
	v43 =	vmovc v9;
	v9 =	vsub.f32 v8, v60;
	v8 =	vmin.f32 v1, v11;
	v0 =	vmax.f32 v1, v11  }
0x22f: {  	v63 =	vld [tilespmem:$0x1FD70];
	[tilespmem:$0x1FDE0] =	vst v58;
	v1 =	vmul.f32 v25, v6;
	v6 =	vmul.f32 v25, v12;
	v12 =	vadd.f32 $9.999999740e-06, v3;
	v3 =	vmovc v27  }
0x230: {  	v17 =	vmin.f32 v38, v17;
	v7 =	vmin.f32 v33, v7;
	v11 =	vld.idx.msk [tilespmem:v18+s13+$0x0], $0xffff;
	[tilespmem:$0x1FDC0] =	vst v3  }
0x231: {  	v4 =	vmul.f32 v25, v4;
	v25 =	vld.idx.msk [tilespmem:v14+s13+$0x0], $0xffff;
	v3 =	vmax.f32 v17, v7;
	[tilespmem:s19+$0xFFFFFFE0] =	vst v1;
	v1 =	vmul.f32 $6.300000000e+01, v1  }
0x232: {  	s29 =	smov.u32 s9;
	s9 =	sadd.s32 $0x100, s9;
	v22, _, _ =	vpop (xrf1);
	v27 =	vmul.f32 $6.300000000e+01, v6;
	(xrf2) =	vadd.scan.msk.f32 $0xffff, v12;
	v28 =	vld.idx.msk [tilespmem:v16+s13+$0x0], $0xffff;
	[tilespmem:s19+$0xFFFFFFF0] =	vst v6;
	v6 =	vmul.f32 $6.300000000e+01, v2  }
0x233: {  	[tilespmem:s9+$0x70] =	vst v22;
	v22 =	vmin.f32 v17, v7;
	v7 =	vmovc v53;
	v12 =	vld.idx.msk [tilespmem:v13+s13+$0x0], $0xffff;
	v17 =	vadd.f32 $9.999999740e-06, v24;
	v24 =	vtrunc.f32 v1  }
0x234: {  	v15 =	vsub.f32 v62, v29;
	[tilespmem:$0x1FE70] =	vst v7;
	v31 =	vld.idx.msk [tilespmem:v21+s13+$0x0], $0xffff;
	v62, _, _ =	vpop (xrf0);
	vm5 =	vgt.f32 v1, v24;
	v1 =	vtrunc.f32 v6  }
0x235: {  	v7 =	vmul.f32 $6.300000000e+01, v4;
	[tilespmem:s21+$0x20] =	vst v62;
	vm7 =	vgt.f32 v6, v1;
	v6 =	vld [tilespmem:$0x1FEA0]  }
0x236: {  	v20 =	vmin.f32 v19, v20;
	(erf) = vrcp.f32 v26;
	v29 =	vtrunc.f32 v27;
	[tilespmem:s19+$0x0] =	vst v2;
	v48 =	vld [tilespmem:s8+$0x14000]  }
0x237: {  	v38 =	vld [tilespmem:$0x1FE80];
	[tilespmem:s19+$0x10] =	vst v4;
	v4 =	vmovc v50;
	v57 =	vmin.f32 v8, v22;
	v24 =	vcvt.f32.s32 v24;
	v2 =	vtrunc.f32 v7  }
0x238: {  	v36 =	vmovc v63;
	v63 =	vcvt.f32.s32 v29;
	vm6 =	vgt.f32 v27, v29;
	v27 =	vld.idx.msk [tilespmem:v23+s13+$0x0], $0xffff;
	[tilespmem:$0x1FE90] =	vst v4;
	(xrf2) =	vadd.scan.msk.f32 $0xffff, v17  }
0x239: {  	v4 =	vcvt.f32.s32 v1;
	v17 =	vld.idx.msk [tilespmem:v18+s16+$0x0], $0xffff;
	v18 =	vsel vm6, $0x1, v52;
	[tilespmem:s21+$0xFFFFFFE0] =	vst v52;
	v1 =	vcvt.f32.s32 v2  }
0x23a: {  	vm8 =	vgt.f32 v7, v2;
	v18 =	vadd.s32 v63, v18;
	v2 =	vmovc v54;
	v32 =	vmovc v6;
	v6 =	vsel vm5, $0x1, v52  }
0x23b: {  	v33 =	vmovc v41;
	[tilespmem:$0x1FEA0] =	vst v2;
	v2 =	vadd.s32 v24, v6;
	v6 =	vsel vm7, $0x1, v52;
	(xrf0) =	vadd.scan.msk.s32 $0xffff, v48  }
0x23c: {  	v41 =	vmovc v44;
	v7 =	vld.idx.msk [tilespmem:v14+s16+$0x0], $0xffff;
	[tilespmem:s21+$0xFFFFFFF0] =	vst v52;
	v14 =	vsel vm8, $0x1, v52;
	vm10 =	vlt.s32 v18, $0x3F;
	v4 =	vadd.s32 v4, v6  }
0x23d: {  	v44 =	vmovc v38;
	v16 =	vld.idx.msk [tilespmem:v16+s16+$0x0], $0xffff;
	[tilespmem:s21+$0x0] =	vst v52;
	v1 =	vadd.s32 v1, v14;
	vm9 =	vlt.s32 v2, $0x3F;
	vm11 =	vlt.s32 v4, $0x3F  }
0x23e: {  	s26 =	smov.u32 s28;
	v63 =	vld.idx.msk [tilespmem:v13+s16+$0x0], $0xffff;
	v13 =	vnsel vm10, $0x3F, v18;
	[tilespmem:s21+$0x10] =	vst v52;
	v58, _, _ =	vpop (xrf2);
	v6 =	vnsel vm9, $0x3F, v2;
	v4 =	vnsel vm11, $0x3F, v4  }
0x23f: {  	s10 =	smov.u32 s18;
	v11 =	vsub.f32 v11, v12;
	v25 =	vsub.f32 v25, v31;
	[tilespmem:s7+$0x10000] =	vst v58;
	v14 =	vadd.s32 s26, v6;
	v6 =	vld.idx.msk [tilespmem:v23+s16+$0x0], $0xffff  }
0x240: {  	[tilespmem:$0x1FDD0] =	vst v44;
	v54 =	vmax.f32 v8, v22;
	v8 =	vmin.f32 v0, v3;
	vm12 =	vlt.s32 v1, $0x3F;
	v23 =	vld [tilespmem:s10+$0x2000]  }
0x241: {  	v35 =	vld [tilespmem:$0x1FD50];
	[tilespmem:$0x1FF80] =	vst v36;
	v13 =	vadd.s32 s26, v13;
	v26 =	vsub.f32 v28, v27;
	v18 =	vadd.s32 s26, v4;
	v4, _, _ =	vpop (xrf0)  }
0x242: {  	s1 =	sadd.s32 $0x2, s1;
	v1 =	vnsel vm12, $0x3F, v1;
	vm13 =	vlt.f32 v11, $9.999999740e-06;
	vm14 =	vlt.f32 v25, $9.999999740e-06;
	v2 =	vld.idx.msk [tilespmem:v21+s16+$0x0], $0xffff;
	v48, _, _ =	vpop (xrf2);
	[tilespmem:s8+$0x14000] =	vst v4  }
0x243: {  	p1 =	slt.u32 s1, $0x7E;
	v53 =	vmovc v51;
	v1 =	vadd.s32 s26, v1;
	v24 =	vsub.f32 v40, v31;
	v21 =	vsub.f32 v39, v12;
	[tilespmem:s17+$0x0] =	vst v48;
	v12 =	vld [tilespmem:s5+$0x14000]  }
.Ltmp0:
0x244: {  	[tilespmem:$0x1FE80] =	vst v53;
	vm15 =	vlt.f32 v26, $9.999999740e-06;
	v11 =	vsel vm13, $0x3F800000, v11;
	v28 =	vsel vm14, $0x3F800000, v25;
	v19 =	vld [tilespmem:s12+$0x10];
	(pc) =	sbr.rel @p1 .LBB2_3-.Ltmp0, $4  }
0x245: {  	v25 =	vsub.f32 v37, v27;
	(erf) = vrcp.f32 v11;
	v23 =	vadd.f32 $9.999999740e-06, v23;
	[tilespmem:v14+s15+$0x0] =	vst.idx.add.s32.msk $0xffff, v30  }
0x246: {  	v27 =	vmin.f32 v10, v5;
	v29 =	vsel vm15, $0x3F800000, v26;
	(erf) = vrcp.f32 v28;
	[tilespmem:v13+s15+$0x0] =	vst.idx.add.s32.msk $0xffff, v30  }
0x247: {  	s31 =	smov.u32 s4;
	v59 =	vmovc v35;
	s28 =	smov.u32 s6;
	v11 =	vsub.f32 v17, v63;
	(erf) = vrcp.f32 v29;
	(xrf2) =	vadd.scan.msk.f32 $0xffff, v23;
	[tilespmem:v18+s15+$0x0] =	vst.idx.add.s32.msk $0xffff, v30  }
0x248: {  	s6 =	sadd.s32 $0x80, s6;
	s19 =	smov.u32 s17;
	s8 =	smov.u32 s3;
	v26 =	vsub.f32 v7, v2;
	v10 =	vsub.f32 v16, v6;
	[tilespmem:v1+s15+$0x0] =	vst.idx.add.s32.msk $0x7fff, v30;
	(xrf0) =	vadd.scan.msk.s32 $0xffff, v12  }
0x249: {  	_ =	sdelay $0x5  }
0x24a: {  	v50 =	vmov s31  }
0x24b: {  	v18 =	vor.u32 $0x6F, v50  }
0x24c: {  	[tilespmem:$0x1FB20] =	vst v18;
	v7, _, _ =	vpop (xrf2)  }
0x24d: {  	[tilespmem:s10+$0x10000] =	vst v7  }
0x24e: {  	v53 =	vor.u32 $0x4F, v50;
	v5 =	vld [tilespmem:s21+$0xFFFFFFE0];
	v12, _, _ =	vpop (xrf0)  }
0x24f: {  	v1 =	vor.u32 $0x5F, v50;
	[tilespmem:s5+$0x14000] =	vst v12  }
0x250: {  	v17 =	vld [tilespmem:s0+$0x14000];
	_ =	sdelay $0x2  }
0x251: {  	v14 =	vor.u32 $0x7E, v50;
	v13 =	vld.idx.msk [tilespmem:v53+s13+$0x0], $0xffff  }
0x252: {  	v16 =	vld.idx.msk [tilespmem:v1+s13+$0x0], $0xffff;
	(xrf0) =	vadd.scan.msk.s32 $0xffff, v5  }
0x253: {  	(xrf0) =	vadd.scan.msk.s32 $0xffff, v17  }
0x254: {  	v18 =	vld.idx.msk [tilespmem:v18+s13+$0x0], $0xffff  }
0x255: {  	vm0 =	vlt.s32 v62, $0x3E  }
0x256: {  	v31 =	vnsel vm0, $0x3E, v62;
	v14 =	vld.idx.msk [tilespmem:v14+s13+$0x0], $0xffff  }
0x257: {  	v16 =	vadd.f32 v16, v13;
	v5 =	vpop (erf)  }
0x258: {  	v17 =	vld.idx.msk [tilespmem:v50+s13+$0x0], $0xffff;
	v22, _, _ =	vpop (xrf0)  }
0x259: {  	v30 =	vadd.s32 s30, v31;
	v5 =	vmul.f32 v5, v15;
	v18 =	vadd.f32 v18, v16;
	v31, _, _ =	vpop (xrf0)  }
0x25a: {  	v15 =	vadd.f32 $9.999999740e-06, v19;
	v19 =	vld [tilespmem:$0x1FE60];
	[tilespmem:s0+$0x14000] =	vst v31  }
0x25b: {  	v23 =	vpop (erf);
	v5 =	vmul.f32 v5, v9;
	v14 =	vadd.f32 v14, v18;
	v9 =	vld [tilespmem:$0x1FE30]  }
0x25c: {  	v29 =	vpop (erf)  }
0x25d: {  	v44 =	vmul.f32 v29, v24;
	v14 =	vsub.f32 v14, v17  }
0x25e: {  	(xrf2) =	vadd.scan.msk.f32 $0xffff, v15;
	v15 =	vmax.f32 v0, v3;
	v0 =	vmul.f32 v23, v21  }
0x25f: {  	(erf) = vrcp.f32 v14;
	v14 =	vmul.f32 v44, v26  }
0x260: {  	v3 =	vpop (erf);
	v0 =	vmul.f32 v0, v11  }
0x261: {  	v3 =	vmul.f32 v3, v25;
	v14 =	vadd.f32 v14, v2;
	v2 =	vld [tilespmem:$0x1FE50]  }
0x262: {  	v23 =	vadd.f32 v0, v63;
	v63 =	vld [tilespmem:$0x1FFB0]  }
0x263: {  	v10 =	vmul.f32 v3, v10;
	v21 =	vld.idx.msk [tilespmem:v9+s15+$0x0], $0xffff  }
0x264: {  	v29 =	vmin.f32 v20, v27;
	v9 =	vmax.f32 v20, v27;
	v20 =	vadd.f32 v5, v60;
	v5 =	vld [tilespmem:$0x1FE40]  }
0x265: {  	v25 =	vadd.f32 v10, v6;
	v6 =	vld [tilespmem:$0x1FD80];
	_ =	sdelay $0x1  }
0x266: {  	v28 =	vadd.s32 $0xFFFFFFFF, v19  }
0x267: {  	v19 =	vadd.s32 v62, v28;
	v20 =	vperm.xlane v20, v63  }
0x268: {  	v10 =	vld.idx.msk [tilespmem:v2+s15+$0x0], $0xffff  }
0x269: {  	v2 =	vmin.f32 v6, v20;
	v6 =	vmax.f32 v6, v20;
	v20 =	vld [tilespmem:$0x1FF10]  }
0x26a: {  	v24 =	vld.idx.msk [tilespmem:v30+s13+$0x0], $0xffff  }
0x26b: {  	v13 =	vsub.f32 v13, v17;
	v16 =	vsub.f32 v16, v17;
	v11 =	vld.idx.msk [tilespmem:v5+s15+$0x0], $0xffff  }
0x26c: {  	v3 =	vmin.f32 v41, v42;
	v18 =	vsub.f32 v18, v17;
	v5 =	vmin.f32 v55, v56;
	v55 =	vld.idx.msk [tilespmem:v19+s13+$0x0], $0xffff  }
0x26d: {  	v0 =	vmax.f32 v41, v42;
	v13 =	vadd.f32 v13, v49;
	v16 =	vadd.f32 v16, v58  }
0x26e: {  	v7 =	vadd.f32 v18, v7;
	v4 =	vadd.s32 v4, v21;
	v17 =	vsub.f32 v20, v17  }
0x26f: {  	v10 =	vadd.s32 v31, v10;
	vm12 =	vlt.s32 v4, $0x3E;
	v38 =	vadd.s32 v4, v28;
	v20 =	vpop (erf)  }
0x270: {  	v4 =	vnsel vm12, $0x3E, v4;
	v16 =	vmul.f32 v20, v16;
	v17 =	vmul.f32 v20, v17  }
0x271: {  	v13 =	vmul.f32 v20, v13;
	v7 =	vmul.f32 v20, v7;
	v18 =	vsub.f32 v24, v55  }
0x272: {  	v11 =	vadd.s32 v21, v11;
	v20 =	vmul.f32 $6.300000000e+01, v17;
	v21 =	vmul.f32 $6.300000000e+01, v16  }
0x273: {  	v12 =	vadd.s32 v12, v11;
	v11 =	vadd.s32 v11, v10;
	vm11 =	vlt.f32 v18, $9.999999740e-06  }
0x274: {  	v24 =	vtrunc.f32 v20;
	vm2 =	vlt.s32 v12, $0x3E;
	v27 =	vtrunc.f32 v21  }
0x275: {  	v10, _, _ =	vpop (xrf2);
	v41 =	vadd.s32 v12, v28;
	vm4 =	vlt.s32 v11, $0x3E;
	v18 =	vsel vm11, $0x3F800000, v18  }
0x276: {  	[tilespmem:s17+$0x10] =	vst v10;
	vm13 =	vgt.f32 v20, v24;
	(erf) = vrcp.f32 v18;
	v18 =	vmul.f32 $6.300000000e+01, v13  }
0x277: {  	v20 =	vadd.s32 s30, v4;
	vm3 =	vgt.f32 v21, v27;
	v12 =	vnsel vm2, $0x3E, v12;
	v31 =	vld.idx.msk [tilespmem:v46+s13+$0x0], $0xffff  }
0x278: {  	v49 =	vcvt.f32.s32 v24;
	v24 =	vld.idx.msk [tilespmem:v59+s13+$0x0], $0xffff;
	v21 =	vadd.s32 v11, v28;
	v26 =	vtrunc.f32 v18  }
0x279: {  	v11 =	vnsel vm4, $0x3E, v11;
	vm1 =	vgt.f32 v18, v26;
	v18 =	vmul.f32 $6.300000000e+01, v7  }
0x27a: {  	v34 =	vadd.s32 s30, v12;
	v42 =	vadd.s32 s30, v11  }
0x27b: {  	v37 =	vsel vm3, $0x1, v52;
	v11 =	vcvt.f32.s32 v26;
	v35 =	vtrunc.f32 v18  }
0x27c: {  	v36 =	vld.idx.msk [tilespmem:v38+s13+$0x0], $0xffff;
	[tilespmem:s19+$0x20] =	vst v17;
	v26 =	vcvt.f32.s32 v27;
	vm14 =	vgt.f32 v18, v35;
	v18 =	vsel vm13, $0x1, v52  }
0x27d: {  	[tilespmem:s8+$0x10000] =	vst v13;
	v56 =	vsel vm1, $0x1, v52;
	v13 =	vadd.f32 v24, v31;
	v12 =	vadd.s32 v49, v18;
	v18 =	vld.idx.msk [tilespmem:v20+s13+$0x0], $0xffff  }
0x27e: {  	v11 =	vadd.s32 v11, v56;
	v26 =	vadd.s32 v26, v37;
	v17 =	vcvt.f32.s32 v35  }
0x27f: {  	v39 =	vld [tilespmem:s21+$0x10];
	[tilespmem:s7+$0x10000] =	vst v16;
	vm4 =	vlt.s32 v11, $0x3F;
	vm5 =	vlt.s32 v26, $0x3F;
	vm15 =	vlt.s32 v12, $0x3F  }
0x280: {  	v62 =	vmovc v59;
	[tilespmem:s10+$0x10000] =	vst v7;
	v27 =	vld.idx.msk [tilespmem:v61+s13+$0x0], $0xffff;
	v59 =	vsel vm14, $0x1, v52;
	v7 =	vnsel vm4, $0x3F, v11;
	v12 =	vnsel vm15, $0x3F, v12  }
0x281: {  	s6 =	sadd.s32 $0x80, s21;
	[tilespmem:s21+$0xFFFFFFE0] =	vst v22;
	v28 =	vld.idx.msk [tilespmem:v41+s13+$0x0], $0xffff;
	v17 =	vadd.s32 v17, v59;
	v7 =	vadd.s32 s31, v7;
	v11 =	vadd.s32 s31, v12  }
0x282: {  	[tilespmem:s6+$0x20] =	vst v52;
	v24 =	vld [tilespmem:s21+$0xFFFFFFF0];
	vm6 =	vlt.s32 v17, $0x3F;
	v16 =	vsub.f32 v18, v36;
	v18 =	vnsel vm5, $0x3F, v26  }
0x283: {  	[tilespmem:s8+$0x14000] =	vst v52;
	v58 =	vld.idx.msk [tilespmem:v34+s13+$0x0], $0xffff;
	v17 =	vnsel vm6, $0x3F, v17;
	v18 =	vadd.s32 s31, v18  }
0x284: {  	[tilespmem:s7+$0x14000] =	vst v52;
	v37 =	vld.idx.msk [tilespmem:v21+s13+$0x0], $0xffff;
	v17 =	vadd.s32 s31, v17  }
0x285: {  	[tilespmem:s10+$0x14000] =	vst v52;
	v60 =	vld.idx.msk [tilespmem:v42+s13+$0x0], $0xffff;
	v56 =	vimm.s32 $0x1  }
0x286: {  	[tilespmem:v11+s15+$0x0] =	vst.idx.add.s32.msk $0xffff, v56  }
0x287: {  	[tilespmem:v7+s15+$0x0] =	vst.idx.add.s32.msk $0xffff, v56  }
0x288: {  	[tilespmem:v18+s15+$0x0] =	vst.idx.add.s32.msk $0xffff, v56  }
0x289: {  	[tilespmem:v17+s15+$0x0] =	vst.idx.add.s32.msk $0x7fff, v56  }
0x28a: {  	v17 =	vld [tilespmem:$0x1FD90]  }
0x28b: {  	v4 =	vld.idx.msk [tilespmem:v47+s13+$0x0], $0xffff  }
0x28c: {  	v26 =	vld [tilespmem:s21+$0x0]  }
0x28d: {  	v44 =	vperm.xlane v23, v63;
	(xrf0) =	vadd.scan.msk.s32 $0xffff, v24;
	v24 =	vld.idx.msk [tilespmem:v33+s13+$0x0], $0xffff;
	v7 =	vperm.xlane v14, v63  }
0x28e: {  	v27 =	vadd.f32 v27, v13;
	v35 =	vsub.f32 v58, v28;
	vm7 =	vlt.f32 v16, $9.999999740e-06  }
0x28f: {  	v11 =	vsub.f32 v60, v37;
	v14 =	vmin.f32 v17, v7;
	v7 =	vmax.f32 v17, v7;
	v17 =	vld [tilespmem:$0x1FDA0]  }
0x290: {  	v4 =	vadd.f32 v4, v27;
	vm8 =	vlt.f32 v35, $9.999999740e-06;
	v16 =	vsel vm7, $0x3F800000, v16;
	v18 =	vld [tilespmem:$0x1FDB0]  }
0x291: {  	v40 =	vsel vm8, $0x3F800000, v35;
	(erf) = vrcp.f32 v16;
	(xrf0) =	vadd.scan.msk.s32 $0xffff, v26;
	vm9 =	vlt.f32 v11, $9.999999740e-06  }
0x292: {  	v4 =	vsub.f32 v4, v24;
	(erf) = vrcp.f32 v40;
	(xrf0) =	vadd.scan.msk.s32 $0xffff, v39;
	v11 =	vsel vm9, $0x3F800000, v11  }
0x293: {  	(erf) = vrcp.f32 v11;
	v11 =	vperm.xlane v25, v63  }
0x294: {  	(erf) = vrcp.f32 v4;
	v4 =	vmin.f32 v17, v44  }
0x295: {  	v26, _, _ =	vpop (xrf0);
	v12 =	vmax.f32 v17, v44;
	v17 =	vmin.f32 v18, v11;
	v11 =	vmax.f32 v18, v11  }
0x296: {  	v51 =	vmov v46;
	[tilespmem:s21+$0xFFFFFFF0] =	vst v26;
	v25 =	vmin.f32 v4, v2  }
0x297: {  	v44 =	vld.idx.msk [tilespmem:v19+s16+$0x0], $0xffff;
	v46 =	vmax.f32 v4, v2;
	v23 =	vmin.f32 v7, v11;
	v2 =	vmax.f32 v7, v11;
	v7, _, _ =	vpop (xrf0)  }
0x298: {  	v18 =	vmin.f32 v14, v17;
	v14 =	vmax.f32 v14, v17;
	v17 =	vld.idx.msk [tilespmem:v30+s16+$0x0], $0xffff;
	[tilespmem:s21+$0x0] =	vst v7;
	v11, _, _ =	vpop (xrf0)  }
0x299: {  	v58 =	vld [tilespmem:$0x1FFE0];
	[tilespmem:s21+$0x10] =	vst v11  }
0x29a: {  	v30 =	vld [tilespmem:$0x1FEF0]  }
0x29b: {  	v60 =	vld [tilespmem:$0x1FF90];
	_ =	sdelay $0x2  }
0x29c: {  	v16 =	vld [tilespmem:s6+$0x20];
	v39 =	vmin.f32 v12, v6;
	v47 =	vsub.f32 v58, v55  }
0x29d: {  	v4 =	vmax.f32 v12, v6;
	v19 =	vmin.f32 v18, v25;
	v18 =	vmax.f32 v18, v25;
	v25 =	vpop (erf)  }
0x29e: {  	v59 =	vpop (erf);
	v55 =	vld [tilespmem:$0x1FFD0];
	v12 =	vmul.f32 v25, v47;
	v25 =	vsub.f32 v17, v44;
	v17 =	vsub.f32 v60, v28  }
0x29f: {  	v40 =	vpop (erf);
	v28 =	vld [tilespmem:$0x1FF20]  }
0x2a0: {  	(xrf1) =	vsort.ascd.msk.f32 $0xffff, v57, v57;
	v40 =	vmul.f32 v40, v17;
	v17 =	vld [tilespmem:$0x1FF30]  }
0x2a1: {  	(xrf0) =	vadd.scan.msk.s32 $0xffff, v16;
	v35 =	vld.idx.msk [tilespmem:v30+s15+$0x0], $0xffff  }
0x2a2: {  	(xrf1) =	vsort.ascd.msk.f32 $0xffff, v54, v54;
	v30 =	vld [tilespmem:$0x1FF00]  }
0x2a3: {  	(xrf1) =	vsort.ascd.msk.f32 $0xffff, v8, v8;
	v49 =	vsub.f32 v55, v36  }
0x2a4: {  	(xrf1) =	vsort.ascd.msk.f32 $0xffff, v15, v15;
	v31 =	vsub.f32 v31, v24  }
0x2a5: {  	v16 =	vmin.f32 v14, v46;
	v6 =	vmax.f32 v14, v46;
	v14 =	vmul.f32 v59, v49;
	v59 =	vld [tilespmem:$0x1FFA0]  }
0x2a6: {  	(xrf1) =	vsort.ascd.msk.f32 $0xffff, v29, v29;
	v15 =	vld.idx.msk [tilespmem:v21+s16+$0x0], $0xffff;
	v13 =	vsub.f32 v13, v24;
	v46 =	vpop (erf);
	v33 =	vsub.f32 v17, v24  }
0x2a7: {  	(xrf1) =	vsort.ascd.msk.f32 $0xffff, v9, v9;
	v9 =	vld.idx.msk [tilespmem:v42+s16+$0x0], $0xffff;
	v24 =	vsub.f32 v27, v24;
	v27 =	vadd.f32 v31, v45;
	v17, _, _ =	vpop (xrf0)  }
0x2a8: {  	v13 =	vadd.f32 v13, v48;
	v49 =	vpop (erf);
	v28 =	vld.idx.msk [tilespmem:v28+s15+$0x0], $0xffff;
	[tilespmem:s6+$0x20] =	vst v17  }
0x2a9: {  	v10 =	vadd.f32 v24, v10;
	v24 =	vmul.f32 v49, v27;
	v27 =	vld [tilespmem:s8+$0x14000]  }
0x2aa: {  	vm12 =	vlt.s32 v22, $0x3E;
	v13 =	vmul.f32 v49, v13;
	v36 =	vsub.f32 v59, v37;
	v37 =	vld.idx.msk [tilespmem:v30+s15+$0x0], $0xffff  }
0x2ab: {  	v12 =	vmul.f32 v12, v25;
	v26 =	vadd.s32 v26, v35;
	v25 =	vmul.f32 v49, v33  }
0x2ac: {  	v9 =	vsub.f32 v9, v15;
	vm6 =	vlt.s32 v26, $0x3E;
	v48 =	vmul.f32 $6.300000000e+01, v13  }
0x2ad: {  	(xrf1) =	vsort.ascd.msk.f32 $0xffff, v5, v5;
	v5 =	vadd.s32 v26, v43;
	v31 =	vmul.f32 $6.300000000e+01, v25;
	v10 =	vmul.f32 v49, v10  }
0x2ae: {  	v26 =	vnsel vm6, $0x3E, v26;
	v36 =	vmul.f32 v46, v36;
	v11 =	vadd.s32 v11, v28  }
0x2af: {  	v33 =	vmul.f32 $6.300000000e+01, v10;
	(xrf0) =	vadd.scan.msk.s32 $0xffff, v27;
	v28 =	vadd.s32 v35, v37;
	v37 =	vtrunc.f32 v31  }
0x2b0: {  	v7 =	vadd.s32 v7, v28;
	v11 =	vadd.s32 v28, v11;
	v28 =	vmul.f32 $6.300000000e+01, v24  }
0x2b1: {  	[tilespmem:s19+$0xFFFFFFE0] =	vst v25;
	v25 =	vadd.s32 s26, v26;
	v27 =	vtrunc.f32 v48;
	v8 =	vcvt.f32.s32 v37  }
0x2b2: {  	v9 =	vmul.f32 v36, v9;
	vm10 =	vgt.f32 v31, v37;
	v31 =	vtrunc.f32 v28  }
0x2b3: {  	v41 =	vld.idx.msk [tilespmem:v41+s16+$0x0], $0xffff;
	vm11 =	vgt.f32 v28, v31;
	v28 =	vnsel vm12, $0x3E, v22;
	v22 =	vadd.s32 v22, v43  }
0x2b4: {  	v20 =	vld.idx.msk [tilespmem:v20+s16+$0x0], $0xffff;
	v29 =	vcvt.f32.s32 v31;
	v31 =	vsel vm10, $0x1, v52;
	v28 =	vadd.s32 s26, v28  }
0x2b5: {  	vm13 =	vgt.f32 v48, v27;
	v48 =	vtrunc.f32 v33;
	v35 =	vld.idx.msk [tilespmem:v38+s16+$0x0], $0xffff;
	v31 =	vadd.s32 v8, v31;
	v8, _, _ =	vpop (xrf0)  }
0x2b6: {  	v34 =	vld.idx.msk [tilespmem:v34+s16+$0x0], $0xffff;
	v26 =	vcvt.f32.s32 v27;
	vm5 =	vgt.f32 v33, v48;
	vm14 =	vlt.s32 v7, $0x3E;
	[tilespmem:s8+$0x14000] =	vst v8  }
0x2b7: {  	v46 =	vsel vm13, $0x1, v52;
	vm15 =	vlt.s32 v11, $0x3E;
	v21 =	vnsel vm14, $0x3E, v7;
	v33 =	vld [tilespmem:s7+$0x14000]  }
0x2b8: {  	v54 =	vnsel vm15, $0x3E, v11;
	v7 =	vadd.s32 v7, v43;
	v11 =	vadd.s32 v11, v43;
	v27 =	vld.idx.msk [tilespmem:v22+s13+$0x0], $0xffff  }
0x2b9: {  	v21 =	vadd.s32 s26, v21;
	v38 =	vadd.s32 s26, v54;
	v49 =	vsel vm11, $0x1, v52;
	v57 =	vld.idx.msk [tilespmem:v28+s13+$0x0], $0xffff  }
0x2ba: {  	[tilespmem:s19+$0xFFFFFFF0] =	vst v24;
	v20 =	vsub.f32 v20, v35;
	v29 =	vadd.s32 v29, v49;
	v24 =	vld.idx.msk [tilespmem:v28+s16+$0x0], $0xffff;
	v28 =	vcvt.f32.s32 v48  }
0x2bb: {  	[tilespmem:s19+$0x0] =	vst v13;
	vm7 =	vlt.s32 v31, $0x3F;
	v13 =	vld.idx.msk [tilespmem:v22+s16+$0x0], $0xffff;
	v22 =	vadd.s32 v26, v46;
	v26 =	vsel vm5, $0x1, v52  }
0x2bc: {  	v36 =	vld.idx.msk [tilespmem:v5+s13+$0x0], $0xffff;
	vm8 =	vlt.s32 v29, $0x3F;
	v26 =	vadd.s32 v28, v26;
	v28 =	vnsel vm7, $0x3F, v31  }
0x2bd: {  	[tilespmem:s19+$0x10] =	vst v10;
	v42 =	vld.idx.msk [tilespmem:v25+s13+$0x0], $0xffff;
	v29 =	vnsel vm8, $0x3F, v29;
	vm9 =	vlt.s32 v22, $0x3F;
	v28 =	vadd.s32 s28, v28  }
0x2be: {  	[tilespmem:s6+$0xFFFFFFE0] =	vst v52;
	v43 =	vld.idx.msk [tilespmem:v7+s13+$0x0], $0xffff;
	v29 =	vadd.s32 s28, v29;
	v22 =	vnsel vm9, $0x3F, v22;
	vm10 =	vlt.s32 v26, $0x3F  }
0x2bf: {  	[tilespmem:s6+$0xFFFFFFF0] =	vst v52;
	v14 =	vmul.f32 v14, v20;
	v20 =	vld.idx.msk [tilespmem:v11+s13+$0x0], $0xffff;
	v22 =	vadd.s32 s28, v22;
	v26 =	vnsel vm10, $0x3F, v26  }
0x2c0: {  	[tilespmem:s6+$0x0] =	vst v52;
	v10 =	vld.idx.msk [tilespmem:v21+s13+$0x0], $0xffff;
	(xrf0) =	vadd.scan.msk.s32 $0xffff, v33;
	v26 =	vadd.s32 s28, v26  }
0x2c1: {  	[tilespmem:s6+$0x10] =	vst v52;
	v31 =	vld.idx.msk [tilespmem:v38+s13+$0x0], $0xffff  }
0x2c2: {  	(xrf1) =	vsort.ascd.msk.f32 $0xffff, v3, v3;
	[tilespmem:v28+s15+$0x0] =	vst.idx.add.s32.msk $0xffff, v56  }
0x2c3: {  	v34 =	vsub.f32 v34, v41;
	(xrf1) =	vsort.ascd.msk.f32 $0xffff, v19, v19;
	[tilespmem:v29+s15+$0x0] =	vst.idx.add.s32.msk $0xffff, v56  }
0x2c4: {  	v12 =	vadd.f32 v12, v44;
	v28 =	vsub.f32 v57, v27;
	[tilespmem:v22+s15+$0x0] =	vst.idx.add.s32.msk $0xffff, v56  }
0x2c5: {  	(xrf1) =	vsort.ascd.msk.f32 $0xffff, v18, v18;
	v34 =	vmul.f32 v40, v34;
	[tilespmem:v26+s15+$0x0] =	vst.idx.add.s32.msk $0x7fff, v56  }
0x2c6: {  	(xrf1) =	vsort.ascd.msk.f32 $0xffff, v0, v0;
	v12 =	vperm.xlane v12, v63;
	vm11 =	vlt.f32 v28, $9.999999740e-06;
	v22, _, _ =	vpop (xrf0);
	v30 =	vld [tilespmem:$0x1FDC0]  }
0x2c7: {  	v9 =	vadd.f32 v9, v15;
	v15 =	vadd.f32 v34, v41;
	v28 =	vsel vm11, $0x3F800000, v28;
	v34 =	vld [tilespmem:s6+$0xFFFFFFE0];
	[tilespmem:s7+$0x14000] =	vst v22  }
0x2c8: {  	(xrf1) =	vsort.ascd.msk.f32 $0xffff, v16, v16;
	v16 =	vadd.s32 $0xFFFFFFFF, v50;
	v47 =	vmovc v32;
	v42 =	vsub.f32 v42, v36;
	(erf) = vrcp.f32 v28;
	v28 =	vld [tilespmem:s10+$0x14000]  }
0x2c9: {  	v0 =	vmin.f32 v47, v12;
	v9 =	vperm.xlane v9, v63;
	v10 =	vsub.f32 v10, v43;
	v44 =	vld [tilespmem:$0x1FDD0]  }
0x2ca: {  	vm14 =	vlt.f32 v42, $9.999999740e-06;
	v14 =	vadd.f32 v14, v35;
	v31 =	vsub.f32 v31, v20;
	v48 =	vld [tilespmem:$0x1FDE0]  }
0x2cb: {  	v18 =	vld.idx.msk [tilespmem:v5+s16+$0x0], $0xffff;
	v15 =	vperm.xlane v15, v63;
	v5 =	vsel vm14, $0x3F800000, v42;
	vm12 =	vlt.f32 v10, $9.999999740e-06  }
0x2cc: {  	v14 =	vperm.xlane v14, v63;
	v10 =	vsel vm12, $0x3F800000, v10;
	vm13 =	vlt.f32 v31, $9.999999740e-06;
	(xrf0) =	vadd.scan.msk.s32 $0xffff, v34  }
0x2cd: {  	(erf) = vrcp.f32 v10;
	v29 =	vmax.f32 v30, v9;
	v9 =	vmin.f32 v30, v9;
	(xrf0) =	vadd.scan.msk.s32 $0xffff, v28  }
0x2ce: {  	v3 =	vmax.f32 v44, v15;
	v10 =	vmin.f32 v44, v15;
	v15 =	vsel vm13, $0x3F800000, v31  }
0x2cf: {  	v49 =	vmax.f32 v48, v14;
	v14 =	vmin.f32 v48, v14;
	(erf) = vrcp.f32 v15  }
0x2d0: {  	(xrf1) =	vsort.ascd.msk.f32 $0xffff, v6, v6;
	v26 =	vmax.f32 v32, v12;
	v47 =	vmin.f32 v9, v14;
	(erf) = vrcp.f32 v5  }
0x2d1: {  	v5 =	vmax.f32 v9, v14;
	v9 =	vmin.f32 v10, v0;
	v0 =	vmax.f32 v10, v0;
	v10 =	vpop (erf)  }
0x2d2: {  	v6 =	vadd.s32 v17, v16;
	v19 =	vsub.f32 v59, v20;
	v27 =	vsub.f32 v58, v27;
	v20, _, _ =	vpop (xrf0)  }
0x2d3: {  	vm15 =	vlt.s32 v17, $0x3E;
	v11 =	vld.idx.msk [tilespmem:v11+s16+$0x0], $0xffff;
	v57 =	vmax.f32 v3, v26;
	v3 =	vmin.f32 v3, v26;
	v26, _, _ =	vpop (xrf0)  }
0x2d4: {  	v17 =	vnsel vm15, $0x3E, v17;
	v38 =	vld.idx.msk [tilespmem:v38+s16+$0x0], $0xffff;
	v24 =	vsub.f32 v24, v13;
	v10 =	vmul.f32 v10, v27;
	[tilespmem:s10+$0x14000] =	vst v26  }
0x2d5: {  	v17 =	vadd.s32 s31, v17;
	v54 =	vmax.f32 v29, v49;
	v15 =	vmin.f32 v29, v49;
	v49 =	vld.idx.msk [tilespmem:v53+s15+$0x0], $0xffff  }
0x2d6: {  	v35 =	vmin.f32 v15, v3;
	v24 =	vmul.f32 v10, v24;
	v10 =	vmax.f32 v15, v3;
	v3 =	vld [tilespmem:$0x1FB20]  }
0x2d7: {  	v1 =	vld.idx.msk [tilespmem:v1+s15+$0x0], $0xffff  }
0x2d8: {  	v25 =	vld.idx.msk [tilespmem:v25+s16+$0x0], $0xffff  }
0x2d9: {  	v45 =	vmin.f32 v23, v39;
	v7 =	vld.idx.msk [tilespmem:v7+s16+$0x0], $0xffff  }
0x2da: {  	v23 =	vmax.f32 v23, v39;
	(xrf1) =	vsort.ascd.msk.f32 $0xffff, v45, v45;
	v21 =	vld.idx.msk [tilespmem:v21+s16+$0x0], $0xffff  }
0x2db: {  	(xrf1) =	vsort.ascd.msk.f32 $0xffff, v23, v23;
	v48 =	vsub.f32 v60, v43;
	v53 =	vld.idx.msk [tilespmem:v17+s13+$0x0], $0xffff  }
0x2dc: {  	v28 =	vsub.f32 v55, v36;
	v29 =	vsub.f32 v38, v11;
	v43 =	vld [tilespmem:$0x1FF80];
	v1 =	vadd.s32 v49, v1  }
0x2dd: {  	v31 =	vmin.f32 v5, v0;
	v0 =	vmax.f32 v5, v0;
	v5 =	vpop (erf);
	v30 =	vld [tilespmem:$0x1FE00];
	v22 =	vadd.s32 v22, v1  }
0x2de: {  	v14 =	vmul.f32 v5, v48;
	v13 =	vadd.f32 v24, v13;
	v24 =	vpop (erf);
	v23 =	vadd.s32 v22, v16;
	v15 =	vld.idx.msk [tilespmem:v3+s15+$0x0], $0xffff  }
0x2df: {  	v5 =	vmin.f32 v2, v4;
	v17 =	vld.idx.msk [tilespmem:v17+s16+$0x0], $0xffff;
	v3 =	vmax.f32 v2, v4;
	v2 =	vmul.f32 v24, v19  }
0x2e0: {  	v25 =	vsub.f32 v25, v18;
	v21 =	vsub.f32 v21, v7;
	v46 =	vmax.f32 v54, v57;
	v4 =	vpop (erf);
	v24 =	vld [tilespmem:s6+$0xFFFFFFF0]  }
0x2e1: {  	v8 =	vadd.s32 v8, v49;
	v4 =	vmul.f32 v4, v28;
	v28 =	vld [tilespmem:s6+$0x10];
	v2 =	vmul.f32 v2, v29  }
0x2e2: {  	v27 =	vmin.f32 v47, v9;
	v14 =	vmul.f32 v14, v21;
	v19 =	vadd.s32 v8, v16;
	v29 =	vld [tilespmem:$0x1FDF0]  }
0x2e3: {  	vm4 =	vlt.s32 v8, $0x3E;
	v2 =	vadd.f32 v2, v11;
	v11 =	vld.idx.msk [tilespmem:v23+s13+$0x0], $0xffff;
	v15 =	vadd.s32 v26, v15  }
0x2e4: {  	v13 =	vperm.xlane v13, v63;
	v8 =	vnsel vm4, $0x3E, v8;
	v1 =	vadd.s32 v1, v15;
	v15 =	vld [tilespmem:s6+$0x0]  }
0x2e5: {  	(xrf1) =	vsort.ascd.msk.f32 $0xffff, v46, v46;
	v7 =	vadd.f32 v14, v7;
	vm5 =	vlt.s32 v22, $0x3E;
	v8 =	vadd.s32 s31, v8;
	v23 =	vld.idx.msk [tilespmem:v23+s16+$0x0], $0xffff  }
0x2e6: {  	v22 =	vnsel vm5, $0x3E, v22;
	v26, _, _ =	vpop (xrf1);
	(xrf1) =	vsort.ascd.msk.f32 $0xffff, v27, v27;
	v27 =	vld.idx.msk [tilespmem:v6+s13+$0x0], $0xffff;
	v16 =	vadd.s32 v1, v16;
	vm6 =	vlt.s32 v1, $0x3E  }
0x2e7: {  	v22 =	vadd.s32 s31, v22;
	[tilespmem:s6+$0xFFFFFFE0] =	vst v20;
	v21 =	vld.idx.msk [tilespmem:v19+s13+$0x0], $0xffff;
	v2 =	vperm.xlane v2, v63;
	v1 =	vnsel vm6, $0x3E, v1  }
0x2e8: {  	(xrf0) =	vadd.scan.msk.s32 $0xffff, v24;
	v24 =	vmul.f32 v4, v25;
	v6 =	vld.idx.msk [tilespmem:v6+s16+$0x0], $0xffff;
	v14 =	vmin.f32 v29, v13;
	v1 =	vadd.s32 s31, v1  }
0x2e9: {  	v13 =	vmax.f32 v29, v13;
	v29 =	vmin.f32 v30, v2;
	v2 =	vmax.f32 v30, v2;
	v30 =	vld [tilespmem:$0x1FE10];
	(xrf0) =	vadd.scan.msk.s32 $0xffff, v15  }
0x2ea: {  	v18 =	vadd.f32 v24, v18;
	v24 =	vld.idx.msk [tilespmem:v8+s13+$0x0], $0xffff;
	(xrf0) =	vadd.scan.msk.s32 $0xffff, v28  }
0x2eb: {  	v12 =	vmax.f32 v47, v9;
	vm7 =	vlt.s32 v20, $0x3E;
	v25 =	vld.idx.msk [tilespmem:v16+s13+$0x0], $0xffff  }
0x2ec: {  	v7 =	vperm.xlane v7, v63;
	v34, _, _ =	vpop (xrf1);
	(xrf1) =	vsort.ascd.msk.f32 $0xffff, v12, v12;
	v12 =	vsub.f32 v53, v27;
	v28 =	vld.idx.msk [tilespmem:v22+s13+$0x0], $0xffff  }
0x2ed: {  	v9 =	vmin.f32 v54, v57;
	v4 =	vadd.s32 v20, v43;
	v15 =	vnsel vm7, $0x3E, v20;
	v54 =	vld.idx.msk [tilespmem:v1+s13+$0x0], $0xffff  }
0x2ee: {  	v57, _, _ =	vpop (xrf0);
	vm8 =	vlt.f32 v12, $9.999999740e-06;
	v20 =	vmin.f32 v30, v7;
	v7 =	vmax.f32 v30, v7;
	v30 =	vld [tilespmem:$0x1FE20]  }
0x2ef: {  	v19 =	vld.idx.msk [tilespmem:v19+s16+$0x0], $0xffff;
	v18 =	vperm.xlane v18, v63;
	v24 =	vsub.f32 v24, v21;
	v12 =	vsel vm8, $0x3F800000, v12;
	[tilespmem:s6+$0xFFFFFFF0] =	vst v57;
	v46, _, _ =	vpop (xrf0)  }
0x2f0: {  	v8 =	vld.idx.msk [tilespmem:v8+s16+$0x0], $0xffff;
	v27 =	vsub.f32 v58, v27;
	v17 =	vsub.f32 v17, v6;
	(erf) = vrcp.f32 v12;
	[tilespmem:s6+$0x0] =	vst v46;
	v48, _, _ =	vpop (xrf0)  }
0x2f1: {  	v22 =	vld.idx.msk [tilespmem:v22+s16+$0x0], $0xffff;
	v50 =	vmin.f32 v20, v14;
	vm9 =	vlt.f32 v24, $9.999999740e-06;
	v28 =	vsub.f32 v28, v11;
	[tilespmem:s6+$0x10] =	vst v48  }
0x2f2: {  	v49, _, _ =	vpop (xrf1);
	v14 =	vmax.f32 v20, v14;
	v20 =	vsel vm9, $0x3F800000, v24;
	v36 =	vsub.f32 v54, v25;
	v51 =	vld.idx.msk [tilespmem:v51+s15+$0x0], $0xffff  }
0x2f3: {  	(xrf1) =	vsort.ascd.msk.f32 $0xffff, v31, v31;
	v53, _, _ =	vpop (xrf1);
	(erf) = vrcp.f32 v20;
	v45 =	vmin.f32 v30, v18;
	vm10 =	vlt.f32 v28, $9.999999740e-06;
	v24 =	vld.idx.msk [tilespmem:v62+s15+$0x0], $0xffff  }
0x2f4: {  	v18 =	vmax.f32 v30, v18;
	v30, _, _ =	vpop (xrf1);
	(xrf1) =	vsort.ascd.msk.f32 $0xffff, v0, v0;
	v0 =	vsel vm10, $0x3F800000, v28;
	vm11 =	vlt.f32 v36, $9.999999740e-06  }
0x2f5: {  	v15 =	vadd.s32 s28, v15;
	v20 =	vld.idx.msk [tilespmem:v61+s15+$0x0], $0xffff;
	(erf) = vrcp.f32 v0;
	v31 =	vsel vm11, $0x3F800000, v36  }
0x2f6: {  	v21 =	vsub.f32 v55, v21;
	v8 =	vsub.f32 v8, v19;
	(erf) = vrcp.f32 v31  }
0x2f7: {  	v16 =	vld.idx.msk [tilespmem:v16+s16+$0x0], $0xffff;
	v11 =	vsub.f32 v60, v11;
	v22 =	vsub.f32 v22, v23;
	v47 =	vmin.f32 v29, v45  }
0x2f8: {  	[tilespmem:s9+$0x0] =	vst v26;
	v29 =	vmax.f32 v29, v45;
	(xrf1) =	vsort.ascd.msk.f32 $0xffff, v35, v35;
	v26, _, _ =	vpop (xrf1);
	v24 =	vadd.s32 v51, v24  }
0x2f9: {  	[tilespmem:s9+$0x10] =	vst v34;
	v28 =	vmin.f32 v2, v18;
	v32, _, _ =	vpop (xrf1);
	v0 =	vmax.f32 v2, v18;
	v18 =	vmin.f32 v7, v13  }
0x2fa: {  	v1 =	vld.idx.msk [tilespmem:v1+s16+$0x0], $0xffff;
	v2 =	vmax.f32 v7, v13;
	v31 =	vpop (erf);
	v12 =	vadd.s32 v48, v20;
	v20 =	vadd.s32 v46, v24  }
0x2fb: {  	(xrf1) =	vsort.ascd.msk.f32 $0xffff, v10, v10;
	v27 =	vmul.f32 v31, v27;
	v12 =	vadd.s32 v24, v12;
	vm12 =	vlt.s32 v20, $0x3E;
	v24, _, _ =	vpop (xrf1)  }
0x2fc: {  	vm13 =	vlt.s32 v12, $0x3E;
	v31 =	vnsel vm12, $0x3E, v20;
	(xrf1) =	vsort.ascd.msk.f32 $0xffff, v9, v9;
	v20 =	vadd.s32 v20, v43;
	v33, _, _ =	vpop (xrf1)  }
0x2fd: {  	v7 =	vmin.f32 v47, v50;
	v9 =	vnsel vm13, $0x3E, v12;
	v31 =	vadd.s32 s28, v31;
	(xrf1) =	vsort.ascd.msk.f32 $0xffff, v5, v5;
	v5 =	vpop (erf)  }
0x2fe: {  	[tilespmem:s9+$0x20] =	vst v49;
	v62 =	vld.idx.msk [tilespmem:v15+s13+$0x0], $0xffff;
	v9 =	vadd.s32 s28, v9;
	(xrf1) =	vsort.ascd.msk.f32 $0xffff, v7, v7;
	v7 =	vsub.f32 v59, v25;
	v25 =	vpop (erf)  }
0x2ff: {  	v1 =	vsub.f32 v1, v16;
	v45 =	vld.idx.msk [tilespmem:v4+s13+$0x0], $0xffff;
	v10 =	vadd.s32 v57, v51;
	v12 =	vadd.s32 v12, v43;
	v61 =	vpop (erf)  }
0x300: {  	v54 =	vmax.f32 v47, v50;
	v48 =	vld [tilespmem:$0x1FEA0];
	vm14 =	vlt.s32 v10, $0x3E;
	v7 =	vmul.f32 v61, v7  }
0x301: {  	v57 =	vnsel vm14, $0x3E, v10;
	v17 =	vmul.f32 v27, v17;
	v5 =	vmul.f32 v5, v21;
	v47 =	vld.idx.msk [tilespmem:v20+s13+$0x0], $0xffff  }
0x302: {  	v10 =	vadd.s32 v10, v43;
	v11 =	vmul.f32 v25, v11;
	v25 =	vld.idx.msk [tilespmem:v31+s13+$0x0], $0xffff;
	v1 =	vmul.f32 v7, v1  }
0x303: {  	[tilespmem:s9+$0x30] =	vst v53;
	v21 =	vadd.s32 s28, v57;
	v46, _, _ =	vpop (xrf1);
	v6 =	vadd.f32 v17, v6;
	v17 =	vmin.f32 v28, v18;
	v7 =	vld.idx.msk [tilespmem:v9+s13+$0x0], $0xffff  }
0x304: {  	v18 =	vmax.f32 v28, v18;
	v27, _, _ =	vpop (xrf1);
	(xrf1) =	vsort.ascd.msk.f32 $0xffff, v54, v54;
	v1 =	vadd.f32 v1, v16;
	v16 =	vld.idx.msk [tilespmem:v12+s13+$0x0], $0xffff  }
0x305: {  	v49 =	vld [tilespmem:$0x1FE70];
	v5 =	vmul.f32 v5, v8;
	(xrf1) =	vsort.ascd.msk.f32 $0xffff, v3, v3;
	v6 =	vperm.xlane v6, v63  }
0x306: {  	v42 =	vld [tilespmem:$0x1FE90];
	v3 =	vmul.f32 v11, v22;
	v11 =	vmin.f32 v29, v14;
	v14 =	vmax.f32 v29, v14  }
0x307: {  	v50 =	vld [tilespmem:$0x1FE80];
	v29 =	vsub.f32 v62, v45;
	v5 =	vadd.f32 v5, v19;
	v22 =	vmax.f32 v48, v6  }
0x308: {  	v19 =	vld.idx.msk [tilespmem:v10+s13+$0x0], $0xffff;
	v6 =	vmin.f32 v48, v6;
	v3 =	vadd.f32 v3, v23;
	v25 =	vsub.f32 v25, v47  }
0x309: {  	[tilespmem:s9+$0x40] =	vst v30;
	v8 =	vld.idx.msk [tilespmem:v21+s13+$0x0], $0xffff;
	vm15 =	vlt.f32 v29, $9.999999740e-06;
	v5 =	vperm.xlane v5, v63;
	v7 =	vsub.f32 v7, v16  }
0x30a: {  	v30, _, _ =	vpop (xrf1);
	(xrf1) =	vsort.ascd.msk.f32 $0xffff, v11, v11;
	v11 =	vsel vm15, $0x3F800000, v29;
	v3 =	vperm.xlane v3, v63;
	vm4 =	vlt.f32 v25, $9.999999740e-06  }
0x30b: {  	v15 =	vld.idx.msk [tilespmem:v15+s16+$0x0], $0xffff;
	(erf) = vrcp.f32 v11;
	v11 =	vsel vm4, $0x3F800000, v25;
	vm5 =	vlt.f32 v7, $9.999999740e-06  }
0x30c: {  	v4 =	vld.idx.msk [tilespmem:v4+s16+$0x0], $0xffff;
	[tilespmem:s9+$0x50] =	vst v26;
	v57, _, _ =	vpop (xrf1);
	v1 =	vperm.xlane v1, v63;
	(erf) = vrcp.f32 v11;
	v7 =	vsel vm5, $0x3F800000, v7  }
0x30d: {  	[tilespmem:s9+$0x60] =	vst v32;
	v29 =	vld.idx.msk [tilespmem:v31+s16+$0x0], $0xffff;
	v31, _, _ =	vpop (xrf1);
	(xrf1) =	vsort.ascd.msk.f32 $0xffff, v14, v14;
	v28 =	vmax.f32 v42, v5;
	(erf) = vrcp.f32 v7  }
0x30e: {  	[tilespmem:s29+$0xFFFFFFE0] =	vst v24;
	v51 =	vmax.f32 v50, v3;
	v8 =	vsub.f32 v8, v19;
	v23 =	vmax.f32 v49, v1  }
0x30f: {  	v9 =	vld.idx.msk [tilespmem:v9+s16+$0x0], $0xffff;
	(xrf1) =	vsort.ascd.msk.f32 $0xffff, v17, v17;
	v54 =	vmax.f32 v51, v22;
	v53 =	vmax.f32 v23, v28  }
0x310: {  	v44, _, _ =	vpop (xrf1);
	(xrf1) =	vsort.ascd.msk.f32 $0xffff, v18, v18;
	v5 =	vmin.f32 v42, v5;
	vm6 =	vlt.f32 v8, $9.999999740e-06;
	v18 =	vmax.f32 v53, v54  }
0x311: {  	[tilespmem:s9+$0xFFFFFF80] =	vst v33;
	v12 =	vld.idx.msk [tilespmem:v12+s16+$0x0], $0xffff;
	v3 =	vmin.f32 v50, v3;
	v1 =	vmin.f32 v49, v1;
	v8 =	vsel vm6, $0x3F800000, v8  }
0x312: {  	v11, _, _ =	vpop (xrf1);
	(xrf1) =	vsort.ascd.msk.f32 $0xffff, v18, v18;
	(erf) = vrcp.f32 v8;
	v8 =	vsub.f32 v15, v4;
	v15 =	vmin.f32 v1, v5  }
0x313: {  	[tilespmem:s9+$0xFFFFFF90] =	vst v46;
	v18, _, _ =	vpop (xrf1);
	v1 =	vmax.f32 v1, v5;
	v5 =	vmin.f32 v3, v6;
	v3 =	vmax.f32 v3, v6  }
0x314: {  	[tilespmem:s29+$0xFFFFFFF0] =	vst v27;
	v16 =	vsub.f32 v59, v16;
	v26 =	vpop (erf)  }
0x315: {  	[tilespmem:s9+$0xFFFFFFA0] =	vst v30;
	v7 =	vsub.f32 v58, v45;
	v25 =	vmin.f32 v15, v5;
	v5 =	vmax.f32 v15, v5;
	v15 =	vpop (erf)  }
0x316: {  	[tilespmem:s9+$0xFFFFFFB0] =	vst v57;
	(xrf1) =	vsort.ascd.msk.f32 $0xffff, v25, v25;
	v25 =	vmin.f32 v1, v3;
	v1 =	vmax.f32 v1, v3;
	v3 =	vpop (erf)  }
0x317: {  	[tilespmem:s9+$0xFFFFFFC0] =	vst v31;
	v9 =	vsub.f32 v9, v12;
	v3 =	vmul.f32 v3, v16  }
0x318: {  	s12 =	sadd.s32 $0x100, s9;
	v20 =	vld.idx.msk [tilespmem:v20+s16+$0x0], $0xffff;
	[tilespmem:s9+$0xFFFFFFD0] =	vst v44;
	v7 =	vmul.f32 v26, v7  }
0x319: {  	v10 =	vld.idx.msk [tilespmem:v10+s16+$0x0], $0xffff;
	v13 =	vsub.f32 v60, v47;
	[tilespmem:s12+$0x70] =	vst v11;
	v6, _, _ =	vpop (xrf1);
	v3 =	vmul.f32 v3, v9  }
0x31a: {  	v17 =	vld.idx.msk [tilespmem:v21+s16+$0x0], $0xffff;
	v21 =	vmin.f32 v23, v28;
	[tilespmem:s12+$0x0] =	vst v18;
	v23, _, _ =	vpop (xrf1);
	v7 =	vmul.f32 v7, v8  }
0x31b: {  	v22 =	vmin.f32 v51, v22;
	[tilespmem:s12+$0x10] =	vst v6;
	(xrf1) =	vsort.ascd.msk.f32 $0xffff, v5, v5;
	v13 =	vmul.f32 v15, v13;
	v15, _, _ =	vpop (xrf1)  }
0x31c: {  	[tilespmem:s12+$0x20] =	vst v23;
	v5 =	vmin.f32 v21, v22;
	(xrf1) =	vsort.ascd.msk.f32 $0xffff, v25, v25;
	v8 =	vpop (erf)  }
0x31d: {  	[tilespmem:s12+$0x30] =	vst v15;
	v9 =	vmin.f32 v0, v2;
	v0 =	vmax.f32 v0, v2;
	v2 =	vadd.f32 v3, v12;
	v3, _, _ =	vpop (xrf1)  }
0x31e: {  	v19 =	vsub.f32 v55, v19;
	v4 =	vadd.f32 v7, v4;
	(xrf1) =	vsort.ascd.msk.f32 $0xffff, v1, v1;
	v7, _, _ =	vpop (xrf1);
	[tilespmem:s12+$0x40] =	vst v3  }
0x31f: {  	v24 =	vsub.f32 v29, v20;
	(xrf1) =	vsort.ascd.msk.f32 $0xffff, v5, v5;
	v5, _, _ =	vpop (xrf1);
	[tilespmem:s12+$0x50] =	vst v7  }
0x320: {  	v17 =	vsub.f32 v17, v10;
	v8 =	vmul.f32 v8, v19;
	v7 =	vld [tilespmem:$0x1FEB0];
	[tilespmem:s12+$0x60] =	vst v5  }
0x321: {  	v13 =	vmul.f32 v13, v24;
	v46 =	vld [tilespmem:$0x1FEC0]  }
0x322: {  	v8 =	vmul.f32 v8, v17;
	v47 =	vld [tilespmem:$0x1FED0]  }
0x323: {  	v1 =	vadd.f32 v13, v20;
	v15 =	vld [tilespmem:$0x1FEE0]  }
0x324: {  	v11 =	vmax.f32 v21, v22;
	v6 =	vadd.f32 v8, v10  }
0x325: {  	v45 =	vmin.f32 v53, v54;
	v4 =	vperm.xlane v4, v63;
	v1 =	vperm.xlane v1, v63  }
0x326: {  	v2 =	vperm.xlane v2, v63;
	(xrf1) =	vsort.ascd.msk.f32 $0xffff, v11, v11;
	v3 =	vperm.xlane v6, v63  }
0x327: {  	(xrf1) =	vsort.ascd.msk.f32 $0xffff, v45, v45;
	v6 =	vmin.f32 v7, v4;
	v4 =	vmax.f32 v7, v4  }
0x328: {  	v7, _, _ =	vpop (xrf1);
	v5 =	vmin.f32 v46, v2;
	v8 =	vmin.f32 v47, v1;
	v10 =	vmin.f32 v15, v3  }
0x329: {  	[tilespmem:s9+$0xFFFFFFE0] =	vst v7;
	v7, _, _ =	vpop (xrf1);
	(xrf1) =	vsort.ascd.msk.f32 $0xffff, v9, v9;
	v9 =	vmin.f32 v5, v10;
	v11 =	vmin.f32 v8, v6  }
0x32a: {  	[tilespmem:s12+$0xFFFFFF80] =	vst v7;
	v7 =	vmin.f32 v9, v11  }
0x32b: {  	v48, _, _ =	vpop (xrf1);
	v9 =	vmax.f32 v9, v11;
	(xrf1) =	vsort.ascd.msk.f32 $0xffff, v7, v7  }
0x32c: {  	v5 =	vmax.f32 v5, v10;
	v6 =	vmax.f32 v8, v6;
	v49, _, _ =	vpop (xrf1);
	(xrf1) =	vsort.ascd.msk.f32 $0xffff, v9, v9  }
0x32d: {  	[tilespmem:s12+$0xFFFFFF90] =	vst v48;
	v7, _, _ =	vpop (xrf1);
	(xrf1) =	vsort.ascd.msk.f32 $0xffff, v0, v0;
	v0 =	vmin.f32 v5, v6  }
0x32e: {  	v2 =	vmax.f32 v46, v2;
	v1 =	vmax.f32 v47, v1;
	v3 =	vmax.f32 v15, v3;
	[tilespmem:s12+$0xFFFFFFA0] =	vst v7;
	v7, _, _ =	vpop (xrf1)  }
0x32f: {  	v8 =	vmin.f32 v2, v3;
	[tilespmem:s9+$0xFFFFFFF0] =	vst v49;
	v5 =	vmax.f32 v5, v6;
	(xrf1) =	vsort.ascd.msk.f32 $0xffff, v0, v0;
	v9, _, _ =	vpop (xrf1)  }
0x330: {  	v2 =	vmax.f32 v2, v3;
	[tilespmem:s12+$0xFFFFFFB0] =	vst v7;
	v7 =	vmin.f32 v1, v4;
	(xrf1) =	vsort.ascd.msk.f32 $0xffff, v5, v5;
	v0, _, _ =	vpop (xrf1)  }
0x331: {  	s1 =	sadd.s32 $0x100, s12;
	v1 =	vmax.f32 v1, v4;
	v3 =	vmin.f32 v8, v7;
	v4 =	vmax.f32 v8, v7;
	[tilespmem:s12+$0xFFFFFFD0] =	vst v0;
	v0, _, _ =	vpop (xrf1)  }
0x332: {  	(xrf1) =	vsort.ascd.msk.f32 $0xffff, v3, v3;
	[tilespmem:s1+$0x70] =	vst v0;
	v0, _, _ =	vpop (xrf1)  }
0x333: {  	v3 =	vmin.f32 v2, v1;
	(xrf1) =	vsort.ascd.msk.f32 $0xffff, v4, v4;
	[tilespmem:s1+$0x0] =	vst v0;
	v0 =	vmax.f32 v2, v1  }
0x334: {  	[tilespmem:s12+$0xFFFFFFC0] =	vst v9;
	v4, _, _ =	vpop (xrf1);
	(xrf1) =	vsort.ascd.msk.f32 $0xffff, v3, v3  }
0x335: {  	v1, _, _ =	vpop (xrf1);
	[tilespmem:s1+$0x10] =	vst v4;
	(xrf1) =	vsort.ascd.msk.f32 $0xffff, v0, v0  }
0x336: {  	[tilespmem:s1+$0x20] =	vst v1;
	v0, _, _ =	vpop (xrf1)  }
0x337: {  	v1, _, _ =	vpop (xrf1);
	[tilespmem:s1+$0x30] =	vst v0  }
0x338: {  	v0, _, _ =	vpop (xrf1);
	[tilespmem:s1+$0x40] =	vst v1  }
0x339: {  	v1, _, _ =	vpop (xrf1);
	[tilespmem:s1+$0x50] =	vst v0  }
0x33a: {  	v0, _, _ =	vpop (xrf1);
	[tilespmem:s1+$0x60] =	vst v1  }
0x33b: {  	v1, _, _ =	vpop (xrf1);
	[tilespmem:s12+$0xFFFFFFE0] =	vst v0  }
0x33c: {  	[tilespmem:s1+$0xFFFFFF80] =	vst v1;
	v0, _, _ =	vpop (xrf1)  }
0x33d: {  	[tilespmem:s1+$0xFFFFFF90] =	vst v0;
	v0, _, _ =	vpop (xrf1)  }
0x33e: {  	[tilespmem:s12+$0xFFFFFFF0] =	vst v0;
	v0, _, _ =	vpop (xrf1)  }
0x33f: {  	[tilespmem:s1+$0xFFFFFFA0] =	vst v0;
	v0, _, _ =	vpop (xrf1)  }
0x340: {  	v1, _, _ =	vpop (xrf1);
	[tilespmem:s1+$0xFFFFFFB0] =	vst v0  }
0x341: {  	v0, _, _ =	vpop (xrf1);
	[tilespmem:s1+$0xFFFFFFC0] =	vst v1  }
0x342: {  	[tilespmem:s1+$0xFFFFFFD0] =	vst v0;
	v0, _, _ =	vpop (xrf1)  }
0x343: {  	s14 =	sshll.u32 s25, $0x4;
	s17 =	rddreg [dreg:$0x1];
	[tilespmem:s1+$0xFFFFFFE0] =	vst v0;
	v0, _, _ =	vpop (xrf1)  }
0x344: {  	s18 =	simm.s32 $0x4000;
	p1 =	seq.s32 s23, $0x7;
	s0 =	sadd.s32 s17, s14;
	[tilespmem:s1+$0xFFFFFFF0] =	vst v0  }
0x345: {  	[hbm4b:s0+s2] =	stream.linear.scatter [tilespmem:s18], [sflag:$0x3], $0x4000, $0x38;
	[tilespmem:$0x16000] =	vst v63  }
0x346: {  	s0 =	sshll.u32 @!p1 s25, $0x3  }
0x347: {  	s1 =	rddreg [dreg:$0x3];
	s0 =	sadd.s32 @!p1 $0x800, s0  }
0x348: {  	s3 =	simm.s32 @!p1 $0x0;
	s1 =	sadd.s32 @!p1 s1, s0  }
0x349: {  	[tilespmem:s3], [sflag:$0x1] =	stream.linear.gather @!p1 [hbm4b:s1+s3], $0x2000, $0x38;
	[tilespmem:$0x16000] =	vst v63  }
0x34a: {  	s1 =	rddreg [dreg:$0x4]  }
0x34b: {  	s19 =	simm.s32 $0x2;
	s0 =	sadd.s32 @!p1 s1, s0;
	s1 =	simm.s32 @!p1 $0x2000  }
0x34c: {  	[tilespmem:s1], [sflag:$0x1] =	stream.linear.gather @!p1 [hbm4b:s0+s3], $0x2000, $0x38;
	[tilespmem:$0x16000] =	vst v63  }
0x34d: {  	_ =	swait.ge [sflag:s19], $0x2000  }
0x34e: {  	[sflag:s19] =	ssyncset.done $0x0  }
0x34f: {  	[sflag:s19] =	ssyncadd.s32 $0xFFFFE000  }
0x350: {  	_ =	swait.ge [sflag:s19], $0x2000  }
0x351: {  	[sflag:s19] =	ssyncset.done $0x0  }
0x352: {  	s0 =	simm.s32 @!p0 $0x4;
	[sflag:s19] =	ssyncadd.s32 $0xFFFFE000  }
0x353: {  	_ =	swait.ge @!p0 [sflag:s0], $0x4000  }
0x354: {  	[sflag:s0] =	ssyncset.done @!p0 $0x0;
	v17 =	vld [tilespmem:$0x1FFC0]  }
0x355: {  	s4 =	simm.s32 $0x8020;
	s1 =	simm.s32 $0x40;
	v18 =	vld [tilespmem:$0x1FFF0];
	[sflag:s0] =	ssyncadd.s32 @!p0 $0xFFFFC000  }
0x356: {  	s5 =	sor.u32 $0x50, s1;
	v26 =	vld [tilespmem:s4+$0x20]  }
0x357: {  	s0 =	sor.u32 $0x60, s1;
	v22 =	vld [tilespmem:s5+$0x8000]  }
0x358: {  	s6 =	sor.u32 $0x41, s1;
	v25 =	vld [tilespmem:s0+$0x8000]  }
0x359: {  	s20 =	sor.u32 $0x51, s1;
	v2 =	vld [tilespmem:s6+$0x8000]  }
0x35a: {  	s21 =	sor.u32 $0x61, s1;
	v3 =	vld [tilespmem:s20+$0x8000]  }
0x35b: {  	v4 =	vld [tilespmem:s21+$0x8000]  }
0x35c: {  	s3 =	simm.s32 $0x0;
	v21 =	vld [tilespmem:s4+$0xFFFFFFE0];
	v0 =	vor.u32 s1, v17  }
0x35d: {  	v20 =	vld [tilespmem:s4+$0xFFFFFFF0];
	v1 =	vor.u32 s3, v18  }
0x35e: {  	v19 =	vld [tilespmem:s4+$0x0]  }
0x35f: {  	s20 =	sor.u32 $0x70, s1;
	v24 =	vld [tilespmem:s4+$0x10]  }
0x360: {  	v27 =	vld [tilespmem:s20+$0x8000]  }
0x361: {  	v0 =	vld.idx.msk [tilespmem:v0+s11+$0x0], $0xffff  }
0x362: {  	v2 =	vadd.f32 v2, v26;
	v1 =	vld.idx.msk [tilespmem:v1+s11+$0x0], $0xffff  }
0x363: {  	v5 =	vld [tilespmem:s4+$0xFFFFFFE1];
	v3 =	vadd.f32 v3, v22  }
0x364: {  	v7 =	vld [tilespmem:s4+$0x1];
	v4 =	vadd.f32 v4, v25;
	v2 =	vmul.f32 $5.000000000e-01, v2  }
0x365: {  	s22 =	simm.s32 $0x12020;
	v6 =	vld [tilespmem:s4+$0xFFFFFFF1];
	v3 =	vmul.f32 $5.000000000e-01, v3  }
0x366: {  	[tilespmem:s22+$0x20] =	vst v2;
	v2 =	vmul.f32 $5.000000000e-01, v4;
	v0 =	vadd.f32 v0, v27  }
0x367: {  	[tilespmem:s5+$0x12000] =	vst v3;
	v1 =	vadd.f32 v1, v24  }
0x368: {  	[tilespmem:s0+$0x12000] =	vst v2;
	v2 =	vadd.f32 v5, v21;
	v0 =	vmul.f32 $5.000000000e-01, v0  }
0x369: {  	v4 =	vadd.f32 v7, v19;
	v1 =	vmul.f32 $5.000000000e-01, v1  }
0x36a: {  	v2 =	vmul.f32 $5.000000000e-01, v2;
	[tilespmem:s20+$0x12000] =	vst v0;
	v0 =	vadd.f32 v6, v20  }
0x36b: {  	[tilespmem:s22+$0x10] =	vst v1;
	v1 =	vmul.f32 $5.000000000e-01, v4  }
0x36c: {  	s25 =	simm.s32 $0xA020;
	[tilespmem:s22+$0xFFFFFFE0] =	vst v2;
	v0 =	vmul.f32 $5.000000000e-01, v0  }
0x36d: {  	v3 =	vld [tilespmem:s25+$0x20];
	[tilespmem:s22+$0x0] =	vst v1  }
0x36e: {  	[tilespmem:s22+$0xFFFFFFF0] =	vst v0  }
0x36f: {  	v1 =	vld [tilespmem:s25+$0xFFFFFFE0];
	_ =	sdelay $0x2  }
0x370: {  	v0 =	vadd.f32 $9.999999740e-06, v3;
	_ =	sdelay $0x1  }
0x371: {  	(xrf2) =	vadd.scan.msk.f32 $0xffff, v0;
	v0 =	vadd.f32 $9.999999740e-06, v1;
	_ =	sdelay $0x1  }
0x372: {  	(xrf2) =	vadd.scan.msk.f32 $0xffff, v0;
	_ =	sdelay $0x7  }
0x373: {  	s26 =	simm.s32 $0x10020;
	v1, _, _ =	vpop (xrf2)  }
0x374: {  	[tilespmem:s26+$0x20] =	vst v1  }
0x375: {  	v2 =	vld [tilespmem:s5+$0xA000];
	v0, _, _ =	vpop (xrf2)  }
0x376: {  	[tilespmem:s26+$0xFFFFFFE0] =	vst v0  }
0x377: {  	v3 =	vld [tilespmem:s25+$0xFFFFFFF0];
	_ =	sdelay $0x2  }
0x378: {  	v2 =	vadd.f32 $9.999999740e-06, v2;
	_ =	sdelay $0x1  }
0x379: {  	(xrf2) =	vadd.scan.msk.f32 $0xffff, v2;
	v2 =	vadd.f32 $9.999999740e-06, v3;
	_ =	sdelay $0x1  }
0x37a: {  	(xrf2) =	vadd.scan.msk.f32 $0xffff, v2;
	_ =	sdelay $0x7  }
0x37b: {  	v5, _, _ =	vpop (xrf2)  }
0x37c: {  	[tilespmem:s5+$0x10000] =	vst v5  }
0x37d: {  	v3 =	vld [tilespmem:s0+$0xA000];
	v2, _, _ =	vpop (xrf2)  }
0x37e: {  	[tilespmem:s26+$0xFFFFFFF0] =	vst v2  }
0x37f: {  	v4 =	vld [tilespmem:s25+$0x0];
	_ =	sdelay $0x2  }
0x380: {  	v3 =	vadd.f32 $9.999999740e-06, v3;
	_ =	sdelay $0x1  }
0x381: {  	(xrf2) =	vadd.scan.msk.f32 $0xffff, v3;
	v3 =	vadd.f32 $9.999999740e-06, v4;
	_ =	sdelay $0x1  }
0x382: {  	(xrf2) =	vadd.scan.msk.f32 $0xffff, v3;
	_ =	sdelay $0x5  }
0x383: {  	s10 =	simm.s32 $0x80A0  }
0x384: {  	v15 =	vld [tilespmem:s10+$0x20];
	_ =	sdelay $0x1  }
0x385: {  	v7, _, _ =	vpop (xrf2)  }
0x386: {  	[tilespmem:s0+$0x10000] =	vst v7;
	v6, _, _ =	vpop (xrf2)  }
0x387: {  	s12 =	simm.s32 $0xC0;
	v3 =	vld [tilespmem:s20+$0xA000];
	[tilespmem:s26+$0x0] =	vst v6  }
0x388: {  	s9 =	sor.u32 $0x50, s12;
	v4 =	vld [tilespmem:s25+$0x10];
	[tilespmem:$0x1FCE0] =	vst v15  }
0x389: {  	v28 =	vld [tilespmem:s9+$0x8000];
	_ =	sdelay $0x4  }
0x38a: {  	s7 =	sor.u32 $0x60, s12;
	[tilespmem:$0x1FD00] =	vst v28  }
0x38b: {  	v29 =	vld [tilespmem:s7+$0x8000];
	_ =	sdelay $0x3  }
0x38c: {  	v3 =	vadd.f32 $9.999999740e-06, v3  }
0x38d: {  	s6 =	sor.u32 $0x70, s12;
	[tilespmem:$0x1FCF0] =	vst v29  }
0x38e: {  	s8 =	simm.s32 $0x80;
	(xrf2) =	vadd.scan.msk.f32 $0xffff, v3;
	v3 =	vadd.f32 $9.999999740e-06, v4;
	v4 =	vor.u32 s12, v17;
	v30 =	vld [tilespmem:s6+$0x8000]  }
0x38f: {  	s14 =	sor.u32 $0x41, s12;
	v10 =	vor.u32 s8, v18  }
0x390: {  	s18 =	sor.u32 $0x51, s12;
	v9 =	vld [tilespmem:s14+$0x8000]  }
0x391: {  	s19 =	sor.u32 $0x61, s12;
	v11 =	vld [tilespmem:s18+$0x8000]  }
0x392: {  	v50 =	vld [tilespmem:s19+$0x8000]  }
0x393: {  	v51 =	vld.idx.msk [tilespmem:v4+s11+$0x0], $0xffff;
	[tilespmem:$0x1FCD0] =	vst v30  }
0x394: {  	(xrf2) =	vadd.scan.msk.f32 $0xffff, v3;
	v3 =	vmov s1;
	v10 =	vld.idx.msk [tilespmem:v10+s11+$0x0], $0xffff  }
0x395: {  	v16 =	vor.u32 $0x4F, v3;
	v54 =	vld [tilespmem:s10+$0xFFFFFFE0]  }
0x396: {  	v8 =	vor.u32 $0x5F, v3;
	v55 =	vld [tilespmem:s10+$0xFFFFFFF0]  }
0x397: {  	v62 =	vmov v58;
	v4 =	vor.u32 $0x6F, v3;
	v58 =	vld [tilespmem:s10+$0xFFFFFFE1]  }
0x398: {  	v23 =	vor.u32 $0x7E, v3;
	v53, _, _ =	vpop (xrf2);
	v9 =	vadd.f32 v9, v15;
	v59 =	vld [tilespmem:s10+$0xFFFFFFF1]  }
0x399: {  	v11 =	vadd.f32 v11, v28;
	[tilespmem:s20+$0x10000] =	vst v53;
	v60 =	vld [tilespmem:s10+$0x1]  }
0x39a: {  	v12 =	vadd.f32 v50, v29;
	v15 =	vld.idx.msk [tilespmem:v16+s13+$0x0], $0xffff;
	v9 =	vmul.f32 $5.000000000e-01, v9  }
0x39b: {  	s21 =	simm.s32 $0x120A0;
	v13 =	vadd.f32 v51, v30;
	v28 =	vld.idx.msk [tilespmem:v8+s13+$0x0], $0xffff;
	v11 =	vmul.f32 $5.000000000e-01, v11  }
0x39c: {  	v29 =	vld.idx.msk [tilespmem:v4+s13+$0x0], $0xffff;
	[tilespmem:s21+$0x20] =	vst v9;
	v9 =	vmul.f32 $5.000000000e-01, v12  }
0x39d: {  	v57 =	vld.idx.msk [tilespmem:v23+s13+$0x0], $0xffff;
	[tilespmem:s9+$0x12000] =	vst v11;
	v11 =	vmul.f32 $5.000000000e-01, v13  }
0x39e: {  	v23 =	vld [tilespmem:s10+$0x0];
	[tilespmem:s7+$0x12000] =	vst v9  }
0x39f: {  	s22 =	simm.s32 $0xA0A0;
	[tilespmem:s6+$0x12000] =	vst v11;
	v11 =	vld [tilespmem:s10+$0x10]  }
0x3a0: {  	v9 =	vld [tilespmem:s22+$0x20];
	_ =	sdelay $0x1  }
0x3a1: {  	v61 =	vld.idx.msk [tilespmem:v3+s13+$0x0], $0xffff;
	v13 =	vadd.f32 v58, v54;
	v28 =	vadd.f32 v28, v15;
	[tilespmem:$0x1FB40] =	vst v54  }
0x3a2: {  	v34 =	vadd.f32 v59, v55;
	[tilespmem:$0x1FB50] =	vst v55  }
0x3a3: {  	[tilespmem:$0x1FB60] =	vst v23;
	v13 =	vmul.f32 $5.000000000e-01, v13;
	v29 =	vadd.f32 v29, v28;
	v10 =	vadd.f32 v10, v11  }
0x3a4: {  	v35 =	vadd.f32 v60, v23;
	v34 =	vmul.f32 $5.000000000e-01, v34;
	[tilespmem:$0x1FB30] =	vst v11;
	v9 =	vadd.f32 $9.999999740e-06, v9  }
0x3a5: {  	v12 =	vadd.f32 v57, v29;
	[tilespmem:s21+$0xFFFFFFE0] =	vst v13;
	v10 =	vmul.f32 $5.000000000e-01, v10  }
0x3a6: {  	[tilespmem:s21+$0xFFFFFFF0] =	vst v34;
	(xrf2) =	vadd.scan.msk.f32 $0xffff, v9;
	v9 =	vmul.f32 $5.000000000e-01, v35  }
0x3a7: {  	[tilespmem:s21+$0x10] =	vst v10;
	v10 =	vsub.f32 v12, v61  }
0x3a8: {  	[tilespmem:s21+$0x0] =	vst v9  }
0x3a9: {  	(erf) = vrcp.f32 v10;
	v9 =	vld [tilespmem:s22+$0xFFFFFFE0];
	_ =	sdelay $0x4  }
0x3aa: {  	v9 =	vadd.f32 $9.999999740e-06, v9  }
0x3ab: {  	v10, _, _ =	vpop (xrf2)  }
0x3ac: {  	v33 =	vsub.f32 v15, v61;
	v34 =	vsub.f32 v28, v61;
	v44, _, _ =	vpop (xrf2)  }
0x3ad: {  	v1 =	vsub.f32 v1, v61;
	v15 =	vsub.f32 v29, v61;
	(xrf2) =	vadd.scan.msk.f32 $0xffff, v9  }
0x3ae: {  	s10 =	simm.s32 $0x100A0;
	v5 =	vadd.f32 v33, v5;
	v7 =	vadd.f32 v34, v7;
	v9 =	vpop (erf)  }
0x3af: {  	v35 =	vadd.f32 v15, v53;
	[tilespmem:s10+$0x20] =	vst v44;
	v1 =	vmul.f32 v9, v1  }
0x3b0: {  	v38 =	vmov s3;
	v45 =	vld [tilespmem:s9+$0xA000];
	v5 =	vmul.f32 v9, v5;
	v7 =	vmul.f32 v9, v7  }
0x3b1: {  	v41 =	vor.u32 $0xF, v38;
	v9 =	vmul.f32 v9, v35;
	v46 =	vmul.f32 $6.300000000e+01, v1  }
0x3b2: {  	v39 =	vor.u32 $0x1F, v38;
	v47 =	vmul.f32 $6.300000000e+01, v5;
	v15 =	vmul.f32 $6.300000000e+01, v7  }
0x3b3: {  	v29 =	vor.u32 $0x2F, v38;
	v49 =	vmul.f32 $6.300000000e+01, v9;
	v48 =	vtrunc.f32 v46  }
0x3b4: {  	v28 =	vor.u32 $0x3E, v38;
	v50 =	vtrunc.f32 v47;
	v51 =	vtrunc.f32 v15  }
0x3b5: {  	v13 =	vadd.f32 $9.999999740e-06, v45;
	v54 =	vtrunc.f32 v49;
	v53 =	vcvt.f32.s32 v48  }
0x3b6: {  	[tilespmem:s26+$0x10] =	vst v10;
	vm7 =	vgt.f32 v46, v48;
	v55 =	vcvt.f32.s32 v50;
	vm8 =	vgt.f32 v47, v50  }
0x3b7: {  	[tilespmem:s26+$0x20] =	vst v1;
	v57 =	vcvt.f32.s32 v51;
	vm9 =	vgt.f32 v15, v51;
	v15 =	vcvt.f32.s32 v54  }
0x3b8: {  	v58 =	vld.idx.msk [tilespmem:v41+s13+$0x0], $0xffff;
	[tilespmem:s5+$0x10000] =	vst v5;
	vm10 =	vgt.f32 v49, v54;
	v59 =	vsel vm7, $0x1, v52;
	v36 =	vsel vm8, $0x1, v52  }
0x3b9: {  	v60 =	vld.idx.msk [tilespmem:v39+s13+$0x0], $0xffff;
	[tilespmem:s0+$0x10000] =	vst v7;
	v37 =	vsel vm9, $0x1, v52;
	v61 =	vsel vm10, $0x1, v52;
	v35 =	vadd.s32 v53, v59  }
0x3ba: {  	[tilespmem:s20+$0x10000] =	vst v9;
	v34 =	vadd.s32 v55, v36;
	v1 =	vadd.s32 v57, v37;
	vm11 =	vlt.s32 v35, $0x3F  }
0x3bb: {  	s21 =	simm.s32 $0x14020;
	v5 =	vld.idx.msk [tilespmem:v29+s13+$0x0], $0xffff;
	(xrf2) =	vadd.scan.msk.f32 $0xffff, v13;
	v40 =	vadd.s32 v15, v61;
	vm12 =	vlt.s32 v34, $0x3F;
	v7 =	vnsel vm11, $0x3F, v35  }
0x3bc: {  	[tilespmem:s21+$0x20] =	vst v52;
	vm13 =	vlt.s32 v1, $0x3F;
	v9 =	vnsel vm12, $0x3F, v34;
	v7 =	vadd.s32 s1, v7  }
0x3bd: {  	v45 =	vld.idx.msk [tilespmem:v28+s13+$0x0], $0xffff;
	[tilespmem:s5+$0x14000] =	vst v52;
	vm14 =	vlt.s32 v40, $0x3F;
	v1 =	vnsel vm13, $0x3F, v1;
	v9 =	vadd.s32 s1, v9  }
0x3be: {  	v15 =	vadd.f32 v60, v58;
	v42, _, _ =	vpop (xrf2);
	[tilespmem:s0+$0x14000] =	vst v52;
	v13 =	vnsel vm14, $0x3F, v40;
	v1 =	vadd.s32 s1, v1  }
0x3bf: {  	v28 =	vld.idx.msk [tilespmem:v38+s13+$0x0], $0xffff;
	[tilespmem:s10+$0xFFFFFFE0] =	vst v42;
	v13 =	vadd.s32 s1, v13  }
0x3c0: {  	v46 =	vadd.f32 v5, v15;
	[tilespmem:s20+$0x14000] =	vst v52;
	v5 =	vld [tilespmem:s22+$0xFFFFFFF0]  }
0x3c1: {  	[tilespmem:v7+s15+$0x0] =	vst.idx.add.s32.msk $0xffff, v56  }
0x3c2: {  	v7 =	vadd.f32 v45, v46;
	[tilespmem:v9+s15+$0x0] =	vst.idx.add.s32.msk $0xffff, v56  }
0x3c3: {  	[tilespmem:v1+s15+$0x0] =	vst.idx.add.s32.msk $0xffff, v56  }
0x3c4: {  	v1 =	vsub.f32 v7, v28;
	[tilespmem:v13+s15+$0x0] =	vst.idx.add.s32.msk $0x7fff, v56  }
0x3c5: {  	v7 =	vld [tilespmem:s21+$0x20]  }
0x3c6: {  	(erf) = vrcp.f32 v1;
	v1 =	vadd.f32 $9.999999740e-06, v5;
	v5, _, _ =	vpop (xrf2)  }
0x3c7: {  	[tilespmem:s9+$0x10000] =	vst v5  }
0x3c8: {  	(xrf2) =	vadd.scan.msk.f32 $0xffff, v1;
	v1 =	vld [tilespmem:s7+$0xA000];
	_ =	sdelay $0x1  }
0x3c9: {  	(xrf0) =	vadd.scan.msk.s32 $0xffff, v7;
	_ =	sdelay $0x1  }
0x3ca: {  	v9 =	vsub.f32 v58, v28  }
0x3cb: {  	v7 =	vsub.f32 v46, v28;
	v1 =	vadd.f32 $9.999999740e-06, v1  }
0x3cc: {  	v47 =	vsub.f32 v15, v28  }
0x3cd: {  	v0 =	vsub.f32 v0, v28;
	v7 =	vadd.f32 v7, v10;
	v10 =	vpop (erf);
	(xrf2) =	vadd.scan.msk.f32 $0xffff, v1  }
0x3ce: {  	v6 =	vadd.f32 v47, v6;
	v2 =	vadd.f32 v9, v2;
	v9, _, _ =	vpop (xrf0)  }
0x3cf: {  	v48 =	vmul.f32 v10, v0;
	[tilespmem:s21+$0x20] =	vst v9  }
0x3d0: {  	v2 =	vmul.f32 v10, v2;
	v1 =	vmul.f32 v10, v6;
	v13 =	vld [tilespmem:s5+$0x14000]  }
0x3d1: {  	v6 =	vmul.f32 v10, v7;
	v7 =	vmul.f32 $6.300000000e+01, v48  }
0x3d2: {  	v10 =	vmul.f32 $6.300000000e+01, v2  }
0x3d3: {  	v49 =	vmul.f32 $6.300000000e+01, v1;
	[tilespmem:s26+$0xFFFFFFF0] =	vst v2;
	v28 =	vtrunc.f32 v7  }
0x3d4: {  	v15 =	vmul.f32 $6.300000000e+01, v6;
	[tilespmem:s26+$0x0] =	vst v1;
	v50 =	vtrunc.f32 v10;
	vm15 =	vgt.f32 v7, v28  }
0x3d5: {  	v7 =	vtrunc.f32 v49;
	v53 =	vcvt.f32.s32 v28;
	vm4 =	vgt.f32 v10, v50;
	(xrf0) =	vadd.scan.msk.s32 $0xffff, v13  }
0x3d6: {  	v0, _, _ =	vpop (xrf2);
	[tilespmem:s26+$0x10] =	vst v6;
	v10 =	vcvt.f32.s32 v7;
	vm5 =	vgt.f32 v49, v7;
	v2 =	vsel vm15, $0x1, v52  }
0x3d7: {  	[tilespmem:s10+$0xFFFFFFF0] =	vst v0;
	v28 =	vcvt.f32.s32 v50;
	v1 =	vadd.s32 v53, v2;
	v2 =	vsel vm5, $0x1, v52;
	v6, _, _ =	vpop (xrf2)  }
0x3d8: {  	v51 =	vtrunc.f32 v15;
	v2 =	vadd.s32 v10, v2;
	v10 =	vld [tilespmem:s22+$0x0];
	[tilespmem:s7+$0x10000] =	vst v6  }
0x3d9: {  	vm6 =	vgt.f32 v15, v51;
	v54 =	vsel vm4, $0x1, v52;
	vm7 =	vlt.s32 v1, $0x3F;
	v57 =	vld [tilespmem:s6+$0xA000]  }
0x3da: {  	[tilespmem:s26+$0xFFFFFFE0] =	vst v48;
	v7 =	vcvt.f32.s32 v51;
	v13 =	vadd.s32 v28, v54;
	v1 =	vnsel vm7, $0x3F, v1  }
0x3db: {  	[tilespmem:s21+$0xFFFFFFE0] =	vst v52;
	v55 =	vsel vm6, $0x1, v52;
	vm8 =	vlt.s32 v13, $0x3F;
	v1 =	vadd.s32 s3, v1;
	v28, _, _ =	vpop (xrf0)  }
0x3dc: {  	s29 =	simm.s32 $0x140;
	v11 =	vimm.s32 $0x1;
	v7 =	vadd.s32 v7, v55;
	v56 =	vnsel vm8, $0x3F, v13;
	[tilespmem:s5+$0x14000] =	vst v28  }
0x3dd: {  	s19 =	sor.u32 $0x50, s29;
	[tilespmem:s21+$0xFFFFFFF0] =	vst v52;
	vm9 =	vlt.s32 v2, $0x3F;
	v12 =	vadd.s32 s3, v56;
	v10 =	vadd.f32 $9.999999740e-06, v10;
	v58 =	vld [tilespmem:s0+$0x14000]  }
0x3de: {  	v59 =	vld [tilespmem:s19+$0x8000];
	s26 =	sor.u32 $0x61, s29;
	[tilespmem:s21+$0x0] =	vst v52;
	vm10 =	vlt.s32 v7, $0x3F;
	v2 =	vnsel vm9, $0x3F, v2;
	v13 =	vadd.f32 $9.999999740e-06, v57  }
0x3df: {  	[tilespmem:s21+$0x10] =	vst v52;
	v61 =	vld [tilespmem:s26+$0x8000];
	v7 =	vnsel vm10, $0x3F, v7;
	v2 =	vadd.s32 s3, v2;
	(xrf2) =	vadd.scan.msk.f32 $0xffff, v10  }
0x3e0: {  	s25 =	sor.u32 $0x51, s29;
	v7 =	vadd.s32 s3, v7;
	[tilespmem:v1+s15+$0x0] =	vst.idx.add.s32.msk $0xffff, v11;
	(xrf2) =	vadd.scan.msk.f32 $0xffff, v13  }
0x3e1: {  	v10 =	vld [tilespmem:s25+$0x8000]  }
0x3e2: {  	s5 =	sor.u32 $0x60, s29;
	[tilespmem:v12+s15+$0x0] =	vst.idx.add.s32.msk $0xffff, v11;
	(xrf0) =	vadd.scan.msk.s32 $0xffff, v58  }
0x3e3: {  	v60 =	vld [tilespmem:s5+$0x8000]  }
0x3e4: {  	[tilespmem:v2+s15+$0x0] =	vst.idx.add.s32.msk $0xffff, v11;
	v2 =	vor.u32 s29, v17  }
0x3e5: {  	s4 =	simm.s32 $0x8120;
	[tilespmem:v7+s15+$0x0] =	vst.idx.add.s32.msk $0x7fff, v11  }
0x3e6: {  	s14 =	sor.u32 $0x41, s29;
	v34 =	vmov s12;
	v11 =	vld [tilespmem:s4+$0x20]  }
0x3e7: {  	v35 =	vor.u32 $0x4F, v34;
	v7 =	vld [tilespmem:s14+$0x8000]  }
0x3e8: {  	v37 =	vor.u32 $0x5F, v34;
	v1 =	vld [tilespmem:s21+$0xFFFFFFE0];
	v47, _, _ =	vpop (xrf0)  }
0x3e9: {  	v36 =	vor.u32 $0x6F, v34;
	v2 =	vld.idx.msk [tilespmem:v2+s11+$0x0], $0xffff;
	v48, _, _ =	vpop (xrf2);
	[tilespmem:s0+$0x14000] =	vst v47  }
0x3ea: {  	s0 =	sor.u32 $0x70, s29;
	v49, _, _ =	vpop (xrf2);
	v32 =	vld [tilespmem:s20+$0x14000]  }
0x3eb: {  	v33 =	vld [tilespmem:s0+$0x8000];
	[tilespmem:s6+$0x10000] =	vst v49  }
0x3ec: {  	v55 =	vor.u32 $0x7E, v34;
	v50 =	vld.idx.msk [tilespmem:v35+s13+$0x0], $0xffff  }
0x3ed: {  	v56 =	vld.idx.msk [tilespmem:v37+s13+$0x0], $0xffff;
	[tilespmem:$0x1FB70] =	vst v11  }
0x3ee: {  	(xrf0) =	vadd.scan.msk.s32 $0xffff, v1;
	v1 =	vadd.f32 v7, v11;
	v7 =	vld.idx.msk [tilespmem:v36+s13+$0x0], $0xffff;
	[tilespmem:$0x1FB80] =	vst v59  }
0x3ef: {  	s25 =	simm.s32 $0x100;
	[tilespmem:s10+$0x0] =	vst v48  }
0x3f0: {  	v57 =	vor.u32 s25, v18;
	[tilespmem:$0x1FB90] =	vst v60  }
0x3f1: {  	v10 =	vadd.f32 v10, v59;
	v40 =	vadd.f32 v61, v60;
	v1 =	vmul.f32 $5.000000000e-01, v1;
	(xrf0) =	vadd.scan.msk.s32 $0xffff, v32;
	v58 =	vld.idx.msk [tilespmem:v55+s13+$0x0], $0xffff  }
0x3f2: {  	s17 =	simm.s32 $0x12120;
	v59 =	vld [tilespmem:s22+$0x10];
	[tilespmem:$0x1FBA0] =	vst v33;
	v2 =	vadd.f32 v2, v33  }
0x3f3: {  	v10 =	vmul.f32 $5.000000000e-01, v10;
	v53 =	vadd.f32 v56, v50;
	[tilespmem:s17+$0x20] =	vst v1;
	v1 =	vmul.f32 $5.000000000e-01, v40  }
0x3f4: {  	v54 =	vld.idx.msk [tilespmem:v34+s13+$0x0], $0xffff  }
0x3f5: {  	[tilespmem:s19+$0x12000] =	vst v10;
	v10 =	vmul.f32 $5.000000000e-01, v2;
	v7 =	vadd.f32 v7, v53  }
0x3f6: {  	v51 =	vld.idx.msk [tilespmem:v57+s11+$0x0], $0xffff;
	[tilespmem:s5+$0x12000] =	vst v1;
	v2, _, _ =	vpop (xrf0)  }
0x3f7: {  	v14 =	vld [tilespmem:s4+$0xFFFFFFF0];
	[tilespmem:s0+$0x12000] =	vst v10;
	v10 =	vadd.f32 v58, v7;
	v1, _, _ =	vpop (xrf0)  }
0x3f8: {  	v32 =	vld [tilespmem:s4+$0xFFFFFFF1];
	[tilespmem:s20+$0x14000] =	vst v1  }
0x3f9: {  	v3 =	vadd.s32 $0xFFFFFFFF, v3;
	v12 =	vmov s8;
	v10 =	vsub.f32 v10, v54;
	v16 =	vld.idx.msk [tilespmem:v16+s15+$0x0], $0xffff  }
0x3fa: {  	vm11 =	vlt.s32 v9, $0x3E;
	v15 =	vimm.s32 $0x1;
	v46 =	vor.u32 $0xF, v12;
	v8 =	vld.idx.msk [tilespmem:v8+s15+$0x0], $0xffff  }
0x3fb: {  	v45 =	vor.u32 $0x1F, v12;
	v43 =	vor.u32 $0x2F, v12;
	v4 =	vld.idx.msk [tilespmem:v4+s15+$0x0], $0xffff;
	(erf) = vrcp.f32 v10  }
0x3fc: {  	v11 =	vimm.s32 $0x0;
	v13 =	vld [tilespmem:s4+$0xFFFFFFE0];
	v57 =	vadd.s32 v9, v3;
	v52 =	vadd.f32 $9.999999740e-06, v59  }
0x3fd: {  	v23 =	vld [tilespmem:s4+$0x0];
	v9 =	vnsel vm11, $0x3E, v9;
	v44 =	vsub.f32 v44, v54;
	v40 =	vadd.f32 v32, v14  }
0x3fe: {  	v33 =	vld [tilespmem:s4+$0x10];
	v9 =	vadd.s32 s1, v9;
	v50 =	vsub.f32 v50, v54;
	v53 =	vsub.f32 v53, v54  }
0x3ff: {  	s18 =	simm.s32 $0xA120;
	v61 =	vld [tilespmem:s4+$0xFFFFFFE1];
	v7 =	vsub.f32 v7, v54;
	v8 =	vadd.s32 v16, v8;
	v16 =	vadd.s32 v28, v16  }
0x400: {  	v60 =	vld [tilespmem:s18+$0x20];
	(xrf2) =	vadd.scan.msk.f32 $0xffff, v52;
	v5 =	vadd.f32 v50, v5;
	v1 =	vadd.s32 v1, v4;
	v52 =	vadd.s32 v16, v3  }
0x401: {  	v28 =	vld [tilespmem:s4+$0x1];
	v47 =	vadd.s32 v47, v8;
	vm12 =	vlt.s32 v16, $0x3E;
	v1 =	vadd.s32 v8, v1  }
0x402: {  	v59 =	vadd.s32 v47, v3;
	v4 =	vnsel vm12, $0x3E, v16;
	vm13 =	vlt.s32 v47, $0x3E  }
0x403: {  	[tilespmem:$0x1FBB0] =	vst v13;
	v16 =	vadd.f32 v51, v33;
	v8 =	vadd.s32 s1, v4;
	v4 =	vnsel vm13, $0x3E, v47  }
0x404: {  	v6 =	vadd.f32 v53, v6;
	[tilespmem:$0x1FBC0] =	vst v14;
	v47 =	vadd.s32 s1, v4;
	v4 =	vadd.f32 v61, v13;
	v56 =	vpop (erf)  }
0x405: {  	v7 =	vadd.f32 v7, v49;
	v58 =	vld.idx.msk [tilespmem:v57+s13+$0x0], $0xffff;
	[tilespmem:$0x1FBD0] =	vst v23;
	v16 =	vmul.f32 $5.000000000e-01, v16;
	v44 =	vmul.f32 v56, v44  }
0x406: {  	v55 =	vadd.f32 $9.999999740e-06, v60;
	v60 =	vld.idx.msk [tilespmem:v9+s13+$0x0], $0xffff;
	v28 =	vadd.f32 v28, v23;
	v4 =	vmul.f32 $5.000000000e-01, v4  }
0x407: {  	v51 =	vmul.f32 $5.000000000e-01, v40;
	vm14 =	vlt.s32 v1, $0x3E;
	[tilespmem:s17+$0x10] =	vst v16;
	v16 =	vld.idx.msk [tilespmem:v52+s13+$0x0], $0xffff;
	v13 =	vmul.f32 $6.300000000e+01, v44  }
0x408: {  	v61 =	vadd.s32 v1, v3;
	v1 =	vnsel vm14, $0x3E, v1;
	v3 =	vmul.f32 $5.000000000e-01, v28;
	v28 =	vld.idx.msk [tilespmem:v59+s13+$0x0], $0xffff;
	[tilespmem:s17+$0xFFFFFFE0] =	vst v4  }
0x409: {  	v1 =	vadd.s32 s1, v1;
	v5 =	vmul.f32 v56, v5;
	v14 =	vld.idx.msk [tilespmem:v8+s13+$0x0], $0xffff;
	[tilespmem:s10+$0x20] =	vst v44;
	v32 =	vtrunc.f32 v13  }
0x40a: {  	v6 =	vmul.f32 v56, v6;
	[tilespmem:s17+$0x0] =	vst v3;
	v40 =	vld.idx.msk [tilespmem:v47+s13+$0x0], $0xffff;
	vm15 =	vgt.f32 v13, v32;
	v3 =	vcvt.f32.s32 v32  }
0x40b: {  	v10 =	vor.u32 $0x3E, v12;
	(xrf2) =	vadd.scan.msk.f32 $0xffff, v55;
	v52 =	vld.idx.msk [tilespmem:v52+s16+$0x0], $0xffff;
	[tilespmem:s9+$0x10000] =	vst v5;
	v54 =	vsel vm15, $0x1, v11  }
0x40c: {  	v7 =	vmul.f32 v56, v7;
	v8 =	vld.idx.msk [tilespmem:v8+s16+$0x0], $0xffff;
	v5 =	vmul.f32 $6.300000000e+01, v5;
	v4, _, _ =	vpop (xrf2);
	[tilespmem:s7+$0x10000] =	vst v6;
	v49 =	vadd.s32 v3, v54  }
0x40d: {  	v55 =	vld.idx.msk [tilespmem:v61+s13+$0x0], $0xffff;
	v6 =	vmul.f32 $6.300000000e+01, v6;
	[tilespmem:s10+$0x10] =	vst v4;
	v13 =	vsub.f32 v60, v58;
	vm4 =	vlt.s32 v49, $0x3F  }
0x40e: {  	v56 =	vld.idx.msk [tilespmem:v1+s13+$0x0], $0xffff;
	[tilespmem:s6+$0x10000] =	vst v7;
	v7 =	vmul.f32 $6.300000000e+01, v7;
	v50 =	vsub.f32 v14, v16;
	v49 =	vnsel vm4, $0x3F, v49  }
0x40f: {  	s4 =	simm.s32 $0x140A0;
	[tilespmem:s17+$0xFFFFFFF0] =	vst v51;
	v51 =	vld.idx.msk [tilespmem:v45+s13+$0x0], $0xffff;
	v60 =	vtrunc.f32 v6;
	v53 =	vsub.f32 v40, v28;
	v49 =	vadd.s32 s12, v49  }
0x410: {  	[tilespmem:s4+$0x20] =	vst v11;
	vm5 =	vlt.f32 v13, $9.999999740e-06;
	vm9 =	vgt.f32 v6, v60;
	v40 =	vld [tilespmem:s21+$0xFFFFFFF0];
	vm6 =	vlt.f32 v50, $9.999999740e-06  }
0x411: {  	[tilespmem:s9+$0x14000] =	vst v11;
	v44 =	vsel vm5, $0x3F800000, v13;
	v14 =	vsel vm6, $0x3F800000, v50;
	vm7 =	vlt.f32 v53, $9.999999740e-06;
	v50 =	vld [tilespmem:s18+$0xFFFFFFE0]  }
0x412: {  	v10 =	vld.idx.msk [tilespmem:v10+s13+$0x0], $0xffff;
	[tilespmem:s7+$0x14000] =	vst v11;
	v13 =	vtrunc.f32 v7;
	v32 =	vsel vm7, $0x3F800000, v53;
	v53 =	vtrunc.f32 v5  }
0x413: {  	(erf) = vrcp.f32 v44;
	[tilespmem:s6+$0x14000] =	vst v11;
	vm10 =	vgt.f32 v7, v13;
	vm8 =	vgt.f32 v5, v53;
	v5 =	vld [tilespmem:s21+$0x0]  }
0x414: {  	(erf) = vrcp.f32 v14;
	v14 =	vsel vm9, $0x1, v11;
	[tilespmem:v49+s15+$0x0] =	vst.idx.add.s32.msk $0xffff, v15;
	v49 =	vcvt.f32.s32 v53  }
0x415: {  	v7 =	vld.idx.msk [tilespmem:v9+s16+$0x0], $0xffff;
	(erf) = vrcp.f32 v32;
	v9 =	vsel vm8, $0x1, v11;
	v53 =	vcvt.f32.s32 v60  }
0x416: {  	v3 =	vld.idx.msk [tilespmem:v46+s13+$0x0], $0xffff;
	(xrf0) =	vadd.scan.msk.s32 $0xffff, v40;
	v40 =	vcvt.f32.s32 v13;
	v50 =	vadd.f32 $9.999999740e-06, v50;
	v9 =	vadd.s32 v49, v9  }
0x417: {  	v54 =	vld.idx.msk [tilespmem:v43+s13+$0x0], $0xffff;
	v32 =	vadd.s32 v53, v14;
	v14 =	vsel vm10, $0x1, v11;
	vm11 =	vlt.s32 v9, $0x3F  }
0x418: {  	v6 =	vld.idx.msk [tilespmem:v57+s16+$0x0], $0xffff;
	(xrf0) =	vadd.scan.msk.s32 $0xffff, v5;
	v53 =	vadd.s32 v40, v14;
	vm12 =	vlt.s32 v32, $0x3F;
	v5 =	vnsel vm11, $0x3F, v9  }
0x419: {  	s14 =	simm.s32 $0x10120;
	v44, _, _ =	vpop (xrf2);
	v13 =	vld [tilespmem:s21+$0x10];
	(xrf2) =	vadd.scan.msk.f32 $0xffff, v50;
	v49 =	vnsel vm12, $0x3F, v32;
	vm13 =	vlt.s32 v53, $0x3F;
	v32 =	vadd.s32 s12, v5  }
0x41a: {  	[tilespmem:s14+$0x20] =	vst v44;
	v60 =	vld.idx.msk [tilespmem:v47+s16+$0x0], $0xffff;
	v53 =	vnsel vm13, $0x3F, v53;
	v49 =	vadd.s32 s12, v49  }
0x41b: {  	v9 =	vld [tilespmem:s19+$0xA000];
	v53 =	vadd.s32 s12, v53  }
0x41c: {  	v5 =	vld.idx.msk [tilespmem:v61+s16+$0x0], $0xffff  }
0x41d: {  	[tilespmem:s21+$0xFFFFFFE0] =	vst v2;
	v56 =	vsub.f32 v56, v55;
	v61 =	vld.idx.msk [tilespmem:v12+s13+$0x0], $0xffff  }
0x41e: {  	(xrf0) =	vadd.scan.msk.s32 $0xffff, v13;
	[tilespmem:v32+s15+$0x0] =	vst.idx.add.s32.msk $0xffff, v15  }
0x41f: {  	vm14 =	vlt.f32 v56, $9.999999740e-06;
	[tilespmem:v49+s15+$0x0] =	vst.idx.add.s32.msk $0xffff, v15  }
0x420: {  	v40 =	vsel vm14, $0x3F800000, v56;
	v9 =	vadd.f32 $9.999999740e-06, v9;
	[tilespmem:v53+s15+$0x0] =	vst.idx.add.s32.msk $0x7fff, v15  }
0x421: {  	v51 =	vadd.f32 v51, v3;
	v56, _, _ =	vpop (xrf0);
	(erf) = vrcp.f32 v40;
	v40 =	vld [tilespmem:$0x1FFD0]  }
0x422: {  	v57, _, _ =	vpop (xrf0);
	(xrf2) =	vadd.scan.msk.f32 $0xffff, v9;
	v9 =	vld [tilespmem:s4+$0x20];
	[tilespmem:s21+$0xFFFFFFF0] =	vst v56  }
0x423: {  	v53 =	vadd.f32 v54, v51;
	v47, _, _ =	vpop (xrf2);
	v31 =	vld [tilespmem:$0x1FF90];
	[tilespmem:s21+$0x0] =	vst v57  }
0x424: {  	v1 =	vld.idx.msk [tilespmem:v1+s16+$0x0], $0xffff;
	v54, _, _ =	vpop (xrf0);
	[tilespmem:s14+$0xFFFFFFE0] =	vst v47  }
0x425: {  	v58 =	vsub.f32 v62, v58;
	v50 =	vld.idx.msk [tilespmem:v59+s16+$0x0], $0xffff;
	v10 =	vadd.f32 v10, v53;
	[tilespmem:s21+$0x10] =	vst v54  }
0x426: {  	v8 =	vsub.f32 v8, v52;
	v59 =	vpop (erf);
	v30 =	vld [tilespmem:$0x1FFA0]  }
0x427: {  	v7 =	vsub.f32 v7, v6;
	v49 =	vmul.f32 v59, v58;
	(xrf0) =	vadd.scan.msk.s32 $0xffff, v9;
	v9 =	vsub.f32 v10, v61  }
0x428: {  	v38 =	vadd.s32 $0xFFFFFFFF, v38;
	v13 =	vpop (erf);
	v16 =	vsub.f32 v40, v16;
	v28 =	vsub.f32 v31, v28  }
0x429: {  	v14 =	vpop (erf);
	v1 =	vsub.f32 v1, v5;
	v7 =	vmul.f32 v49, v7;
	v41 =	vld.idx.msk [tilespmem:v41+s15+$0x0], $0xffff;
	(erf) = vrcp.f32 v9  }
0x42a: {  	v16 =	vmul.f32 v13, v16;
	v13 =	vsub.f32 v60, v50;
	v28 =	vmul.f32 v14, v28;
	v14 =	vld [tilespmem:s18+$0xFFFFFFF0]  }
0x42b: {  	vm15 =	vlt.s32 v2, $0x3E;
	v7 =	vadd.f32 v7, v6;
	v6 =	vld.idx.msk [tilespmem:v29+s15+$0x0], $0xffff;
	v10 =	vsub.f32 v30, v55  }
0x42c: {  	v29 =	vsub.f32 v53, v61;
	v60 =	vpop (erf);
	v8 =	vmul.f32 v16, v8;
	v16 =	vmul.f32 v28, v13;
	v28 =	vld.idx.msk [tilespmem:v39+s15+$0x0], $0xffff  }
0x42d: {  	v42 =	vsub.f32 v42, v61;
	v49 =	vnsel vm15, $0x3E, v2;
	v10 =	vmul.f32 v60, v10  }
0x42e: {  	v49 =	vadd.s32 s3, v49;
	v4 =	vadd.f32 v29, v4;
	v9 =	vadd.s32 v2, v38  }
0x42f: {  	v1 =	vmul.f32 v10, v1;
	v10 =	vsub.f32 v3, v61;
	v2 =	vadd.f32 $9.999999740e-06, v14  }
0x430: {  	v6 =	vadd.s32 v54, v6;
	v13 =	vsub.f32 v51, v61;
	v8 =	vadd.f32 v8, v52;
	v3, _, _ =	vpop (xrf2)  }
0x431: {  	v16 =	vadd.f32 v16, v50;
	[tilespmem:s19+$0x10000] =	vst v3;
	v0 =	vadd.f32 v10, v0;
	v10 =	vadd.s32 v41, v28  }
0x432: {  	v29 =	vadd.f32 v13, v48;
	v28 =	vld [tilespmem:s5+$0xA000];
	v41 =	vadd.s32 v56, v41;
	v14 =	vadd.s32 v57, v10;
	v60 =	vpop (erf)  }
0x433: {  	(xrf2) =	vadd.scan.msk.f32 $0xffff, v2;
	v6 =	vadd.s32 v10, v6;
	vm6 =	vlt.s32 v41, $0x3E;
	v2, _, _ =	vpop (xrf0);
	vm4 =	vlt.s32 v14, $0x3E  }
0x434: {  	vm5 =	vlt.s32 v6, $0x3E;
	v42 =	vmul.f32 v60, v42;
	v0 =	vmul.f32 v60, v0;
	[tilespmem:s4+$0x20] =	vst v2  }
0x435: {  	v59 =	vnsel vm6, $0x3E, v41;
	v29 =	vmul.f32 v60, v29;
	v4 =	vmul.f32 v60, v4;
	v10 =	vld [tilespmem:s9+$0x14000]  }
0x436: {  	v57 =	vnsel vm4, $0x3E, v14;
	v58 =	vnsel vm5, $0x3E, v6;
	v61 =	vmul.f32 $6.300000000e+01, v42  }
0x437: {  	v51 =	vadd.s32 s3, v59;
	v54 =	vmul.f32 $6.300000000e+01, v4;
	v28 =	vadd.f32 $9.999999740e-06, v28  }
0x438: {  	v52 =	vadd.s32 s3, v57;
	v50 =	vadd.s32 s3, v58;
	v13 =	vtrunc.f32 v61  }
0x439: {  	v53 =	vmul.f32 $6.300000000e+01, v0;
	(xrf2) =	vadd.scan.msk.f32 $0xffff, v28;
	vm7 =	vgt.f32 v61, v13;
	v61 =	vtrunc.f32 v54  }
0x43a: {  	v56 =	vld.idx.msk [tilespmem:v49+s13+$0x0], $0xffff;
	v28 =	vadd.s32 v6, v38;
	v6 =	vmul.f32 $6.300000000e+01, v29;
	vm10 =	vgt.f32 v54, v61;
	(xrf0) =	vadd.scan.msk.s32 $0xffff, v10  }
0x43b: {  	v58 =	vld.idx.msk [tilespmem:v9+s13+$0x0], $0xffff;
	v10 =	vadd.s32 v14, v38;
	v38 =	vadd.s32 v41, v38;
	v14 =	vtrunc.f32 v53  }
0x43c: {  	[tilespmem:s10+$0xFFFFFFE0] =	vst v42;
	v59 =	vld.idx.msk [tilespmem:v51+s13+$0x0], $0xffff;
	v60 =	vtrunc.f32 v6;
	v41 =	vcvt.f32.s32 v13;
	v13 =	vsel vm7, $0x1, v11  }
0x43d: {  	[tilespmem:s10+$0x10] =	vst v4;
	v54 =	vld.idx.msk [tilespmem:v52+s13+$0x0], $0xffff;
	v4 =	vsel vm10, $0x1, v11;
	v42 =	vcvt.f32.s32 v14;
	vm8 =	vgt.f32 v53, v14  }
0x43e: {  	[tilespmem:s10+$0xFFFFFFF0] =	vst v0;
	v57 =	vld.idx.msk [tilespmem:v50+s13+$0x0], $0xffff;
	v0 =	vcvt.f32.s32 v60;
	vm9 =	vgt.f32 v6, v60;
	v39 =	vadd.s32 v41, v13  }
0x43f: {  	[tilespmem:s10+$0x0] =	vst v29;
	v50 =	vld.idx.msk [tilespmem:v50+s16+$0x0], $0xffff;
	v14 =	vcvt.f32.s32 v61;
	v60 =	vsel vm8, $0x1, v11;
	vm11 =	vlt.s32 v39, $0x3F  }
0x440: {  	[tilespmem:s4+$0xFFFFFFE0] =	vst v11;
	v53 =	vld.idx.msk [tilespmem:v49+s16+$0x0], $0xffff;
	v29 =	vsel vm9, $0x1, v11;
	v42 =	vadd.s32 v42, v60;
	v39 =	vnsel vm11, $0x3F, v39;
	v6, _, _ =	vpop (xrf0)  }
0x441: {  	v48, _, _ =	vpop (xrf2);
	v0 =	vadd.s32 v0, v29;
	vm12 =	vlt.s32 v42, $0x3F;
	v29 =	vadd.s32 s8, v39;
	v39 =	vld.idx.msk [tilespmem:v10+s13+$0x0], $0xffff;
	[tilespmem:s9+$0x14000] =	vst v6  }
0x442: {  	[tilespmem:s14+$0xFFFFFFF0] =	vst v48;
	vm13 =	vlt.s32 v0, $0x3F;
	v42 =	vnsel vm12, $0x3F, v42;
	v61 =	vld [tilespmem:s7+$0x14000]  }
0x443: {  	[tilespmem:s4+$0xFFFFFFF0] =	vst v11;
	v49 =	vld [tilespmem:s18+$0x0];
	v55 =	vadd.s32 v14, v4;
	v0 =	vnsel vm13, $0x3F, v0;
	v42 =	vadd.s32 s8, v42;
	v4, _, _ =	vpop (xrf2)  }
0x444: {  	v7 =	vperm.xlane v7, v63;
	v60 =	vld.idx.msk [tilespmem:v28+s13+$0x0], $0xffff;
	v0 =	vadd.s32 s8, v0;
	[tilespmem:s5+$0x10000] =	vst v4  }
0x445: {  	v1 =	vadd.f32 v1, v5;
	v5 =	vperm.xlane v8, v63;
	[tilespmem:s4+$0x0] =	vst v11;
	vm14 =	vlt.s32 v55, $0x3F;
	v13 =	vld [tilespmem:s0+$0xA000]  }
0x446: {  	v16 =	vperm.xlane v16, v63;
	[tilespmem:s4+$0x10] =	vst v11;
	v14 =	vsub.f32 v56, v58;
	v55 =	vnsel vm14, $0x3F, v55;
	v56 =	vld.idx.msk [tilespmem:v38+s13+$0x0], $0xffff  }
0x447: {  	v8 =	vadd.s32 s8, v55;
	[tilespmem:v29+s15+$0x0] =	vst.idx.add.s32.msk $0xffff, v15;
	v29 =	vsub.f32 v54, v39;
	(xrf0) =	vadd.scan.msk.s32 $0xffff, v61  }
0x448: {  	v1 =	vperm.xlane v1, v63;
	vm15 =	vlt.f32 v14, $9.999999740e-06;
	v49 =	vadd.f32 $9.999999740e-06, v49;
	[tilespmem:v42+s15+$0x0] =	vst.idx.add.s32.msk $0xffff, v15  }
0x449: {  	vm4 =	vlt.f32 v29, $9.999999740e-06;
	[tilespmem:v0+s15+$0x0] =	vst.idx.add.s32.msk $0xffff, v15;
	v0 =	vsub.f32 v57, v60;
	v61 =	vsel vm15, $0x3F800000, v14  }
0x44a: {  	v28 =	vld.idx.msk [tilespmem:v28+s16+$0x0], $0xffff;
	v29 =	vsel vm4, $0x3F800000, v29;
	(erf) = vrcp.f32 v61;
	v41 =	vadd.f32 $9.999999740e-06, v13  }
0x44b: {  	s30 =	simm.s32 $0x1C0;
	v10 =	vld.idx.msk [tilespmem:v10+s16+$0x0], $0xffff;
	(xrf2) =	vadd.scan.msk.f32 $0xffff, v49;
	v54 =	vmax.f32 v27, v7;
	v7 =	vmin.f32 v27, v7;
	(erf) = vrcp.f32 v29  }
0x44c: {  	v27 =	vor.u32 s30, v17;
	[tilespmem:v8+s15+$0x0] =	vst.idx.add.s32.msk $0x7fff, v15;
	vm5 =	vlt.f32 v0, $9.999999740e-06;
	(xrf2) =	vadd.scan.msk.f32 $0xffff, v41  }
0x44d: {  	v39 =	vsub.f32 v31, v39;
	v29 =	vld [tilespmem:s4+$0xFFFFFFE0];
	v13 =	vsub.f32 v59, v56;
	v0 =	vsel vm5, $0x3F800000, v0;
	v8, _, _ =	vpop (xrf0)  }
0x44e: {  	v42 =	vmax.f32 v26, v1;
	v1 =	vmin.f32 v26, v1;
	v59 =	vld.idx.msk [tilespmem:v9+s16+$0x0], $0xffff;
	(erf) = vrcp.f32 v0;
	[tilespmem:s7+$0x14000] =	vst v8  }
0x44f: {  	s26 =	simm.s32 $0x180;
	v61 =	vmax.f32 v25, v5;
	v5 =	vmin.f32 v25, v5;
	vm6 =	vlt.f32 v13, $9.999999740e-06;
	v14 =	vld [tilespmem:s6+$0x14000]  }
0x450: {  	v25 =	vld.idx.msk [tilespmem:v51+s16+$0x0], $0xffff;
	v51 =	vor.u32 s26, v18;
	v18 =	vmov s29;
	v49 =	vsel vm6, $0x3F800000, v13  }
0x451: {  	v26 =	vmax.f32 v42, v61;
	v9 =	vld.idx.msk [tilespmem:v52+s16+$0x0], $0xffff;
	v42 =	vmin.f32 v42, v61;
	(erf) = vrcp.f32 v49  }
0x452: {  	v32 =	vmovc v62;
	v0 =	vsub.f32 v62, v58;
	v58 =	vld.idx.msk [tilespmem:v38+s16+$0x0], $0xffff;
	v38 =	vor.u32 $0x7E, v18;
	v41 =	vmax.f32 v22, v16  }
0x453: {  	v16 =	vmin.f32 v22, v16;
	v22 =	vmin.f32 v1, v5;
	v1 =	vmax.f32 v1, v5;
	(xrf0) =	vadd.scan.msk.s32 $0xffff, v29;
	v5 =	vpop (erf)  }
0x454: {  	s10 =	sor.u32 $0x50, s30;
	v55 =	vmin.f32 v16, v7;
	v53 =	vsub.f32 v53, v59;
	v13 =	vpop (erf);
	(xrf0) =	vadd.scan.msk.s32 $0xffff, v14;
	v14 =	vmul.f32 v5, v0  }
0x455: {  	v23 =	vld [tilespmem:s10+$0x8000];
	v61 =	vmin.f32 v22, v55;
	v55 =	vmax.f32 v22, v55;
	v49, _, _ =	vpop (xrf2);
	v39 =	vmul.f32 v13, v39  }
0x456: {  	s9 =	simm.s32 $0x81A0;
	v22 =	vld.idx.msk [tilespmem:v27+s11+$0x0], $0xffff;
	v13 =	vsub.f32 v9, v10;
	v5, _, _ =	vpop (xrf2);
	v27 =	vmul.f32 v14, v53;
	v14 =	vsub.f32 v30, v60  }
0x457: {  	v50 =	vsub.f32 v50, v28;
	v17 =	vld [tilespmem:s9+$0x20];
	v52 =	vmax.f32 v41, v54;
	v7 =	vmax.f32 v16, v7;
	v62 =	vpop (erf);
	[tilespmem:s0+$0x10000] =	vst v5  }
0x458: {  	v41 =	vmin.f32 v41, v54;
	s7 =	sor.u32 $0x60, s30;
	v60 =	vsub.f32 v40, v56;
	v56 =	vld.idx.msk [tilespmem:v38+s13+$0x0], $0xffff;
	v38 =	vmul.f32 v62, v14  }
0x459: {  	v57 =	vmin.f32 v1, v7;
	v29 =	vld [tilespmem:s7+$0x8000];
	[tilespmem:s14+$0x0] =	vst v49;
	v0, _, _ =	vpop (xrf0);
	v39 =	vmul.f32 v39, v13;
	v14 =	vmax.f32 v26, v52  }
0x45a: {  	v11 =	vor.u32 $0x4F, v18;
	v1 =	vmax.f32 v1, v7;
	v16 =	vld [tilespmem:s18+$0x10];
	v13 =	vpop (erf);
	(xrf1) =	vsort.ascd.msk.f32 $0xffff, v14, v14;
	v50 =	vmul.f32 v38, v50  }
0x45b: {  	v25 =	vsub.f32 v25, v58;
	s18 =	sor.u32 $0x41, s30;
	v9 =	vld.idx.msk [tilespmem:v51+s11+$0x0], $0xffff;
	v54 =	vmul.f32 v13, v60;
	v7 =	vadd.f32 v27, v59;
	v51, _, _ =	vpop (xrf0)  }
0x45c: {  	v10 =	vadd.f32 v39, v10;
	v27 =	vld [tilespmem:s18+$0x8000];
	[tilespmem:s6+$0x14000] =	vst v51;
	v38 =	vmovc v11;
	v11 =	vor.u32 $0x5F, v18;
	v28 =	vadd.f32 v50, v28  }
0x45d: {  	v25 =	vmul.f32 v54, v25;
	v7 =	vperm.xlane v7, v63;
	v53 =	vld.idx.msk [tilespmem:v35+s15+$0x0], $0xffff;
	v39 =	vmov v11  }
0x45e: {  	v37 =	vld.idx.msk [tilespmem:v37+s15+$0x0], $0xffff;
	v11 =	vor.u32 $0x6F, v18;
	v28 =	vperm.xlane v28, v63  }
0x45f: {  	v34 =	vadd.s32 $0xFFFFFFFF, v34;
	s21 =	sor.u32 $0x51, s30;
	v25 =	vadd.f32 v25, v58;
	v36 =	vld.idx.msk [tilespmem:v36+s15+$0x0], $0xffff;
	v35 =	vmin.f32 v24, v7  }
0x460: {  	v7 =	vmax.f32 v24, v7;
	v24 =	vmin.f32 v21, v28;
	v21 =	vmax.f32 v21, v28;
	v28 =	vld [tilespmem:s21+$0x8000]  }
0x461: {  	v26 =	vmin.f32 v26, v52;
	v10 =	vperm.xlane v10, v63;
	v50 =	vmin.f32 v42, v41;
	v54 =	vld.idx.msk [tilespmem:v38+s13+$0x0], $0xffff  }
0x462: {  	vm7 =	vlt.s32 v2, $0x3E;
	v58 =	vmax.f32 v42, v41;
	v25 =	vperm.xlane v25, v63;
	v42 =	vld.idx.msk [tilespmem:v39+s13+$0x0], $0xffff;
	[tilespmem:$0x1FBE0] =	vst v11  }
0x463: {  	s22 =	sor.u32 $0x61, s30;
	(xrf1) =	vsort.ascd.msk.f32 $0xffff, v61, v61;
	v13 =	vmin.f32 v20, v10;
	v20 =	vmax.f32 v20, v10;
	v14 =	vld.idx.msk [tilespmem:v11+s13+$0x0], $0xffff  }
0x464: {  	s31 =	sor.u32 $0x70, s30;
	v16 =	vadd.f32 $9.999999740e-06, v16;
	(xrf1) =	vsort.ascd.msk.f32 $0xffff, v55, v55;
	v62 =	vmin.f32 v13, v35;
	v10 =	vmin.f32 v19, v25;
	v60 =	vld [tilespmem:s22+$0x8000]  }
0x465: {  	v52 =	vmax.f32 v13, v35;
	v19 =	vmax.f32 v19, v25;
	v25 =	vmin.f32 v24, v10;
	v35 =	vld [tilespmem:s31+$0x8000]  }
0x466: {  	v24 =	vmax.f32 v24, v10;
	v10 =	vmin.f32 v21, v19;
	v41 =	vmax.f32 v21, v19;
	v11 =	vld [tilespmem:s9+$0xFFFFFFE0];
	[tilespmem:$0x1FBF0] =	vst v18  }
0x467: {  	v19 =	vmin.f32 v20, v7;
	v36 =	vadd.s32 v51, v36;
	v13 =	vld [tilespmem:s9+$0x0];
	v21 =	vadd.f32 v42, v54  }
0x468: {  	s28 =	simm.s32 $0xC080;
	v51 =	vadd.s32 v2, v34;
	v2 =	vnsel vm7, $0x3E, v2;
	v42 =	vmax.f32 v20, v7;
	v20 =	vld.idx.msk [tilespmem:v18+s13+$0x0], $0xffff;
	v61, _, _ =	vpop (xrf1)  }
0x469: {  	v2 =	vadd.s32 s12, v2;
	v7 =	vadd.s32 v53, v37;
	v18 =	vld [tilespmem:s9+$0x10];
	[tilespmem:s28+$0x70] =	vst v61;
	v37 =	vadd.f32 v14, v21  }
0x46a: {  	(xrf1) =	vsort.ascd.msk.f32 $0xffff, v57, v57;
	v6 =	vadd.s32 v6, v53;
	v8 =	vadd.s32 v8, v7;
	v14 =	vld [tilespmem:s9+$0xFFFFFFF0];
	[tilespmem:$0x1FC00] =	vst v17  }
0x46b: {  	(xrf2) =	vadd.scan.msk.f32 $0xffff, v16;
	v7 =	vadd.s32 v7, v36;
	v36 =	vld [tilespmem:s9+$0xFFFFFFE1];
	v53 =	vadd.f32 v56, v37;
	v56 =	vadd.s32 v6, v34  }
0x46c: {  	(xrf1) =	vsort.ascd.msk.f32 $0xffff, v1, v1;
	v59 =	vadd.s32 v8, v34;
	v55 =	vld [tilespmem:s9+$0xFFFFFFF1]  }
0x46d: {  	v27 =	vadd.f32 v27, v17;
	(xrf1) =	vsort.ascd.msk.f32 $0xffff, v50, v50;
	vm8 =	vlt.s32 v6, $0x3E;
	v57 =	vld [tilespmem:s9+$0x1];
	v34 =	vadd.s32 v7, v34  }
0x46e: {  	(xrf1) =	vsort.ascd.msk.f32 $0xffff, v58, v58;
	vm9 =	vlt.s32 v8, $0x3E;
	v61 =	vld.idx.msk [tilespmem:v2+s13+$0x0], $0xffff;
	v6 =	vnsel vm8, $0x3E, v6;
	v53 =	vsub.f32 v53, v20  }
0x46f: {  	v27 =	vmul.f32 $5.000000000e-01, v27;
	(xrf1) =	vsort.ascd.msk.f32 $0xffff, v26, v26;
	v1 =	vadd.s32 s12, v6;
	v6 =	vnsel vm9, $0x3E, v8;
	v8 =	vld.idx.msk [tilespmem:v51+s13+$0x0], $0xffff  }
0x470: {  	v50 =	vmin.f32 v25, v62;
	v25 =	vmax.f32 v25, v62;
	(erf) = vrcp.f32 v53;
	v53 =	vld.idx.msk [tilespmem:v56+s13+$0x0], $0xffff;
	[tilespmem:$0x1FC10] =	vst v23  }
0x471: {  	v26 =	vadd.f32 v28, v23;
	vm10 =	vlt.s32 v7, $0x3E;
	v6 =	vadd.s32 s12, v6;
	v28 =	vld.idx.msk [tilespmem:v59+s13+$0x0], $0xffff;
	[tilespmem:$0x1FC20] =	vst v29  }
0x472: {  	s21 =	simm.s32 $0x121A0;
	v62 =	vmin.f32 v24, v52;
	v58 =	vadd.f32 v60, v29;
	v7 =	vnsel vm10, $0x3E, v7;
	v60 =	vld.idx.msk [tilespmem:v34+s13+$0x0], $0xffff;
	[tilespmem:$0x1FC30] =	vst v35  }
0x473: {  	v16 =	vmax.f32 v24, v52;
	v24 =	vmul.f32 $5.000000000e-01, v26;
	v7 =	vadd.s32 s12, v7;
	[tilespmem:s21+$0x20] =	vst v27  }
0x474: {  	v26 =	vld.idx.msk [tilespmem:v1+s13+$0x0], $0xffff;
	[tilespmem:$0x1FC40] =	vst v18  }
0x475: {  	v22 =	vadd.f32 v22, v35;
	v27 =	vmul.f32 $5.000000000e-01, v58;
	[tilespmem:s10+$0x12000] =	vst v24  }
0x476: {  	v9 =	vadd.f32 v9, v18;
	v52 =	vld.idx.msk [tilespmem:v6+s13+$0x0], $0xffff;
	[tilespmem:$0x1FC50] =	vst v11  }
0x477: {  	v22 =	vmul.f32 $5.000000000e-01, v22;
	v21 =	vsub.f32 v21, v20;
	v24 =	vadd.f32 v36, v11;
	[tilespmem:s7+$0x12000] =	vst v27  }
0x478: {  	v54 =	vsub.f32 v54, v20;
	v35 =	vmov v33;
	v33 =	vsub.f32 v61, v8;
	v58 =	vld.idx.msk [tilespmem:v7+s13+$0x0], $0xffff;
	[tilespmem:$0x1FC60] =	vst v14  }
0x479: {  	v9 =	vmul.f32 $5.000000000e-01, v9;
	v4 =	vadd.f32 v21, v4;
	[tilespmem:s31+$0x12000] =	vst v22;
	v22 =	vmul.f32 $5.000000000e-01, v24  }
0x47a: {  	vm11 =	vlt.f32 v33, $9.999999740e-06;
	v27 =	vadd.f32 v55, v14;
	v24 =	vsub.f32 v26, v53;
	[tilespmem:$0x1FC70] =	vst v13  }
0x47b: {  	s12 =	simm.s32 $0xA1A0;
	v21 =	vadd.f32 v57, v13;
	v26 =	vsel vm11, $0x3F800000, v33;
	[tilespmem:s21+$0xFFFFFFE0] =	vst v22;
	v22 =	vsub.f32 v52, v28  }
0x47c: {  	(erf) = vrcp.f32 v26;
	[tilespmem:s21+$0x10] =	vst v9;
	v9 =	vmul.f32 $5.000000000e-01, v27;
	vm12 =	vlt.f32 v24, $9.999999740e-06;
	v26 =	vld [tilespmem:s12+$0x20]  }
0x47d: {  	v21 =	vmul.f32 $5.000000000e-01, v21;
	v57 =	vld [tilespmem:s4+$0xFFFFFFF0];
	v24 =	vsel vm12, $0x3F800000, v24;
	vm13 =	vlt.f32 v22, $9.999999740e-06  }
0x47e: {  	v3 =	vadd.f32 v54, v3;
	v2 =	vld.idx.msk [tilespmem:v2+s16+$0x0], $0xffff;
	[tilespmem:s21+$0xFFFFFFF0] =	vst v9;
	v9 =	vsub.f32 v58, v60;
	v22 =	vsel vm13, $0x3F800000, v22  }
0x47f: {  	v8 =	vsub.f32 v32, v8;
	[tilespmem:s21+$0x0] =	vst v21;
	v21 =	vsub.f32 v44, v20;
	v27, _, _ =	vpop (xrf1);
	v1 =	vld.idx.msk [tilespmem:v1+s16+$0x0], $0xffff;
	(erf) = vrcp.f32 v24  }
0x480: {  	(xrf1) =	vsort.ascd.msk.f32 $0xffff, v50, v50;
	v20 =	vsub.f32 v37, v20;
	v6 =	vld.idx.msk [tilespmem:v6+s16+$0x0], $0xffff;
	vm14 =	vlt.f32 v9, $9.999999740e-06;
	v24 =	vpop (erf);
	(erf) = vrcp.f32 v22  }
0x481: {  	v54 =	vld [tilespmem:s4+$0x0];
	(xrf1) =	vsort.ascd.msk.f32 $0xffff, v25, v25;
	v21 =	vmul.f32 v24, v21;
	v9 =	vsel vm14, $0x3F800000, v9;
	v4 =	vmul.f32 v24, v4;
	v22, _, _ =	vpop (xrf1)  }
0x482: {  	v7 =	vld.idx.msk [tilespmem:v7+s16+$0x0], $0xffff;
	v25 =	vadd.f32 $9.999999740e-06, v26;
	(erf) = vrcp.f32 v9;
	v9 =	vmul.f32 v24, v3;
	[tilespmem:s28+$0x10] =	vst v22;
	v3, _, _ =	vpop (xrf1)  }
0x483: {  	v53 =	vsub.f32 v40, v53;
	v13 =	vimm.s32 $0x0;
	v22 =	vld.idx.msk [tilespmem:v51+s16+$0x0], $0xffff;
	[tilespmem:s28+$0x20] =	vst v3;
	v3 =	vadd.f32 v20, v5  }
0x484: {  	v11, _, _ =	vpop (xrf2);
	v28 =	vsub.f32 v31, v28;
	v26 =	vmul.f32 $6.300000000e+01, v21;
	(xrf2) =	vadd.scan.msk.f32 $0xffff, v25;
	v25 =	vld.idx.msk [tilespmem:v59+s16+$0x0], $0xffff;
	v59 =	vmul.f32 $6.300000000e+01, v4  }
0x485: {  	[tilespmem:s28+$0x0] =	vst v27;
	v27 =	vld [tilespmem:s12+$0xFFFFFFE0];
	v5 =	vmin.f32 v10, v19;
	v58 =	vmul.f32 $6.300000000e+01, v9;
	v10 =	vmax.f32 v10, v19;
	v19, _, _ =	vpop (xrf1)  }
0x486: {  	[tilespmem:s14+$0x10] =	vst v11;
	(xrf0) =	vadd.scan.msk.s32 $0xffff, v57;
	v20 =	vld.idx.msk [tilespmem:v56+s16+$0x0], $0xffff;
	v61 =	vpop (erf);
	v50 =	vtrunc.f32 v26;
	v51 =	vtrunc.f32 v59  }
0x487: {  	v57 =	vld [tilespmem:s4+$0x10];
	[tilespmem:s28+$0x30] =	vst v19;
	v8 =	vmul.f32 v61, v8;
	v19 =	vmul.f32 v24, v3;
	vm15 =	vgt.f32 v26, v50;
	v3, _, _ =	vpop (xrf1)  }
0x488: {  	v24 =	vld.idx.msk [tilespmem:v34+s16+$0x0], $0xffff;
	v26 =	vtrunc.f32 v58;
	vm6 =	vgt.f32 v59, v51;
	[tilespmem:s28+$0x40] =	vst v3;
	v3 =	vmov s25  }
0x489: {  	vm5 =	vgt.f32 v58, v26;
	(xrf1) =	vsort.ascd.msk.f32 $0xffff, v62, v62;
	v2 =	vsub.f32 v2, v22;
	v17 =	vor.u32 $0xF, v3  }
0x48a: {  	v44 =	vmul.f32 $6.300000000e+01, v19;
	v62 =	vpop (erf);
	v6 =	vsub.f32 v6, v25;
	(xrf1) =	vsort.ascd.msk.f32 $0xffff, v16, v16;
	v14 =	vor.u32 $0x1F, v3  }
0x48b: {  	(xrf0) =	vadd.scan.msk.s32 $0xffff, v54;
	v16 =	vsub.f32 v30, v60;
	v53 =	vmul.f32 v62, v53;
	v1 =	vsub.f32 v1, v20  }
0x48c: {  	(xrf0) =	vadd.scan.msk.s32 $0xffff, v57;
	v37 =	vpop (erf);
	v18 =	vor.u32 $0x2F, v3;
	v2 =	vmul.f32 v8, v2;
	v8 =	vadd.f32 $9.999999740e-06, v27  }
0x48d: {  	v36 =	vtrunc.f32 v44;
	v28 =	vmul.f32 v37, v28;
	(xrf1) =	vsort.ascd.msk.f32 $0xffff, v5, v5;
	[tilespmem:$0x1FC80] =	vst v17  }
0x48e: {  	v5 =	vcvt.f32.s32 v50;
	v7 =	vsub.f32 v7, v24;
	(xrf2) =	vadd.scan.msk.f32 $0xffff, v8;
	v61, _, _ =	vpop (xrf2);
	v27 =	vld.idx.msk [tilespmem:v17+s13+$0x0], $0xffff;
	[tilespmem:$0x1FC90] =	vst v14  }
0x48f: {  	s17 =	simm.s32 $0x101A0;
	v58 =	vpop (erf);
	v1 =	vmul.f32 v53, v1;
	(xrf1) =	vsort.ascd.msk.f32 $0xffff, v10, v10;
	v8 =	vsel vm15, $0x1, v13;
	v60 =	vld.idx.msk [tilespmem:v14+s13+$0x0], $0xffff;
	[tilespmem:$0x1FCA0] =	vst v61  }
0x490: {  	v16 =	vmul.f32 v58, v16;
	v8 =	vadd.s32 v5, v8;
	v5 =	vcvt.f32.s32 v26;
	[tilespmem:s17+$0x20] =	vst v61  }
0x491: {  	v6 =	vmul.f32 v28, v6;
	v28 =	vsel vm5, $0x1, v13;
	v2 =	vadd.f32 v2, v22;
	v22, _, _ =	vpop (xrf1);
	[tilespmem:$0x1FCB0] =	vst v18  }
0x492: {  	v7 =	vmul.f32 v16, v7;
	v10 =	vadd.s32 v5, v28;
	v5 =	vcvt.f32.s32 v51;
	v16 =	vld [tilespmem:s10+$0xA000];
	[tilespmem:s28+$0x50] =	vst v22  }
0x493: {  	v62, _, _ =	vpop (xrf0);
	v59 =	vor.u32 $0x3E, v3;
	v1 =	vadd.f32 v1, v20;
	v20 =	vsel vm6, $0x1, v13;
	[tilespmem:s4+$0xFFFFFFE0] =	vst v0  }
0x494: {  	v6 =	vadd.f32 v6, v25;
	v25, _, _ =	vpop (xrf0);
	v20 =	vadd.s32 v5, v20;
	v5 =	vcvt.f32.s32 v36;
	[tilespmem:s4+$0xFFFFFFF0] =	vst v62  }
0x495: {  	vm8 =	vlt.s32 v0, $0x3E;
	v23 =	vmov v32;
	v32 =	vadd.s32 $0xFFFFFFFF, v12;
	[tilespmem:s4+$0x0] =	vst v25  }
0x496: {  	v33 =	vnsel vm8, $0x3E, v0;
	v54 =	vadd.s32 v0, v32;
	vm7 =	vgt.f32 v44, v36;
	v26 =	vld.idx.msk [tilespmem:v18+s13+$0x0], $0xffff;
	[tilespmem:s14+$0x20] =	vst v21;
	v0, _, _ =	vpop (xrf0)  }
0x497: {  	v7 =	vadd.f32 v7, v24;
	v24 =	vsel vm7, $0x1, v13;
	[tilespmem:s4+$0x10] =	vst v0;
	v16 =	vadd.f32 $9.999999740e-06, v16  }
0x498: {  	v22 =	vld.idx.msk [tilespmem:v59+s13+$0x0], $0xffff;
	v24 =	vadd.s32 v5, v24;
	[tilespmem:s19+$0x10000] =	vst v9;
	v5, _, _ =	vpop (xrf2)  }
0x499: {  	v28 =	vadd.f32 v60, v27;
	(xrf2) =	vadd.scan.msk.f32 $0xffff, v16;
	v16 =	vld.idx.msk [tilespmem:v3+s13+$0x0], $0xffff;
	[tilespmem:$0x1FCC0] =	vst v5  }
0x49a: {  	vm9 =	vlt.s32 v8, $0x3F;
	[tilespmem:s17+$0xFFFFFFE0] =	vst v5  }
0x49b: {  	v26 =	vadd.f32 v26, v28;
	[tilespmem:s5+$0x10000] =	vst v4;
	v4 =	vnsel vm9, $0x3F, v8;
	v8 =	vld.idx.msk [tilespmem:v46+s15+$0x0], $0xffff  }
0x49c: {  	s20 =	simm.s32 $0x14120;
	v2 =	vperm.xlane v2, v63;
	v1 =	vperm.xlane v1, v63;
	vm10 =	vlt.s32 v10, $0x3F;
	v17 =	vld [tilespmem:$0x1FCD0];
	[tilespmem:s0+$0x10000] =	vst v19  }
0x49d: {  	vm11 =	vlt.s32 v20, $0x3F;
	v21 =	vadd.f32 v22, v26;
	v43 =	vld.idx.msk [tilespmem:v43+s15+$0x0], $0xffff;
	v9 =	vadd.s32 s29, v4;
	[tilespmem:s20+$0x20] =	vst v13  }
0x49e: {  	vm12 =	vlt.s32 v24, $0x3F;
	v22 =	vperm.xlane v6, v63;
	v6 =	vnsel vm10, $0x3F, v10;
	v10 =	vld [tilespmem:s12+$0xFFFFFFF0];
	[tilespmem:s19+$0x14000] =	vst v13  }
0x49f: {  	v4 =	vnsel vm11, $0x3F, v20;
	v19 =	vadd.s32 s29, v6;
	v20 =	vsub.f32 v21, v16;
	v21 =	vld.idx.msk [tilespmem:v45+s15+$0x0], $0xffff;
	[tilespmem:s5+$0x14000] =	vst v13  }
0x4a0: {  	v7 =	vperm.xlane v7, v63;
	v6 =	vnsel vm12, $0x3F, v24;
	v24 =	vadd.s32 s29, v4;
	v37 =	vld [tilespmem:$0x1FCE0]  }
0x4a1: {  	v36 =	vadd.s32 s29, v6;
	v26 =	vsub.f32 v26, v16;
	v27 =	vsub.f32 v27, v16;
	v14 =	vld [tilespmem:$0x1FCF0];
	[tilespmem:s0+$0x14000] =	vst v13  }
0x4a2: {  	v28 =	vsub.f32 v28, v16;
	v16 =	vsub.f32 v47, v16;
	[tilespmem:v9+s15+$0x0] =	vst.idx.add.s32.msk $0xffff, v15  }
0x4a3: {  	v0 =	vadd.s32 v0, v43;
	v5 =	vmax.f32 v17, v2;
	v26 =	vadd.f32 v26, v11;
	v11 =	vld [tilespmem:$0x1FD00]  }
0x4a4: {  	(erf) = vrcp.f32 v20;
	v20 =	vadd.f32 v27, v48;
	v10 =	vadd.f32 $9.999999740e-06, v10;
	[tilespmem:v19+s15+$0x0] =	vst.idx.add.s32.msk $0xffff, v15  }
0x4a5: {  	v43 =	vadd.s32 $0xFFFFFFFF, v3;
	v28 =	vadd.f32 v28, v49;
	v2 =	vmin.f32 v17, v2;
	[tilespmem:v24+s15+$0x0] =	vst.idx.add.s32.msk $0xffff, v15  }
0x4a6: {  	v19 =	vadd.s32 s8, v33;
	(xrf2) =	vadd.scan.msk.f32 $0xffff, v10;
	v10 =	vadd.s32 v8, v21;
	[tilespmem:v36+s15+$0x0] =	vst.idx.add.s32.msk $0x7fff, v15  }
0x4a7: {  	v24, _, _ =	vpop (xrf1);
	v8 =	vadd.s32 v62, v8;
	v4 =	vmax.f32 v37, v7;
	v6 =	vmax.f32 v14, v1  }
0x4a8: {  	[tilespmem:s28+$0x60] =	vst v24;
	v21, _, _ =	vpop (xrf1);
	v24 =	vadd.s32 v25, v10;
	v0 =	vadd.s32 v10, v0;
	vm15 =	vlt.s32 v8, $0x3E  }
0x4a9: {  	v49, _, _ =	vpop (xrf2);
	[tilespmem:s28+$0xFFFFFF80] =	vst v21;
	v10 =	vld [tilespmem:s20+$0x20];
	v48 =	vadd.s32 v8, v32;
	v1 =	vmin.f32 v14, v1;
	v55 =	vmax.f32 v4, v6  }
0x4aa: {  	v59, _, _ =	vpop (xrf1);
	[tilespmem:s10+$0x10000] =	vst v49;
	vm13 =	vlt.s32 v24, $0x3E;
	vm14 =	vlt.s32 v0, $0x3E;
	v9 =	vmax.f32 v11, v22  }
0x4ab: {  	v50 =	vld.idx.msk [tilespmem:v54+s13+$0x0], $0xffff;
	[tilespmem:s28+$0xFFFFFF90] =	vst v59;
	v60, _, _ =	vpop (xrf1);
	v46 =	vadd.s32 v0, v32;
	v21 =	vnsel vm13, $0x3E, v24;
	v56 =	vmax.f32 v9, v5  }
0x4ac: {  	v34 =	vmovc v30;
	v61 =	vld [tilespmem:s7+$0xA000];
	v25 =	vnsel vm14, $0x3E, v0;
	v24 =	vadd.s32 v24, v32;
	[tilespmem:s28+$0xFFFFFFA0] =	vst v60;
	v27 =	vmax.f32 v55, v56  }
0x4ad: {  	v0 =	vmin.f32 v37, v7;
	v7 =	vmin.f32 v11, v22;
	(xrf1) =	vsort.ascd.msk.f32 $0xffff, v27, v27;
	v27 =	vnsel vm15, $0x3E, v8;
	v8 =	vpop (erf)  }
0x4ae: {  	v59 =	vld.idx.msk [tilespmem:v54+s16+$0x0], $0xffff;
	v22, _, _ =	vpop (xrf1);
	v21 =	vadd.s32 s8, v21;
	(xrf0) =	vadd.scan.msk.s32 $0xffff, v10;
	v10 =	vmin.f32 v0, v1;
	v16 =	vmul.f32 v8, v16  }
0x4af: {  	[tilespmem:s28+$0xFFFFFFB0] =	vst v22;
	v0 =	vmax.f32 v0, v1;
	v1 =	vmul.f32 v8, v20;
	v20 =	vmul.f32 v8, v28;
	v28, _, _ =	vpop (xrf1)  }
0x4b0: {  	v30 =	vld.idx.msk [tilespmem:v19+s13+$0x0], $0xffff;
	v25 =	vadd.s32 s8, v25;
	v22 =	vmin.f32 v7, v2;
	v26 =	vmul.f32 v8, v26;
	[tilespmem:s28+$0xFFFFFFC0] =	vst v28;
	v8, _, _ =	vpop (xrf2)  }
0x4b1: {  	v29 =	vmovc v31;
	v19 =	vld.idx.msk [tilespmem:v19+s16+$0x0], $0xffff;
	v28 =	vadd.f32 $9.999999740e-06, v61;
	v31 =	vmul.f32 $6.300000000e+01, v16;
	v62 =	vmul.f32 $6.300000000e+01, v1;
	[tilespmem:$0x1FD10] =	vst v8  }
0x4b2: {  	v63 =	vmul.f32 $6.300000000e+01, v20;
	[tilespmem:s17+$0xFFFFFFF0] =	vst v8;
	v8 =	vmax.f32 v7, v2;
	v2 =	vmul.f32 $6.300000000e+01, v26  }
0x4b3: {  	v27 =	vadd.s32 s8, v27;
	v12, _, _ =	vpop (xrf1);
	(xrf2) =	vadd.scan.msk.f32 $0xffff, v28;
	v7 =	vtrunc.f32 v31;
	v14 =	vtrunc.f32 v62  }
0x4b4: {  	[tilespmem:s28+$0xFFFFFFD0] =	vst v12;
	v36 =	vtrunc.f32 v63;
	v28 =	vld.idx.msk [tilespmem:v21+s13+$0x0], $0xffff;
	vm4 =	vgt.f32 v31, v7;
	vm5 =	vgt.f32 v62, v14  }
0x4b5: {  	v45 =	vld.idx.msk [tilespmem:v25+s13+$0x0], $0xffff;
	[tilespmem:s14+$0xFFFFFFE0] =	vst v16;
	vm6 =	vgt.f32 v63, v36;
	v7 =	vcvt.f32.s32 v7;
	v37 =	vcvt.f32.s32 v14  }
0x4b6: {  	[tilespmem:s14+$0xFFFFFFF0] =	vst v1;
	v31 =	vld [tilespmem:s12+$0x0];
	v60 =	vtrunc.f32 v2;
	v61 =	vsel vm4, $0x1, v13;
	v16 =	vsel vm5, $0x1, v13  }
0x4b7: {  	[tilespmem:s14+$0x0] =	vst v20;
	v11 =	vld.idx.msk [tilespmem:v48+s13+$0x0], $0xffff;
	v62, _, _ =	vpop (xrf0);
	v14 =	vsel vm6, $0x1, v13;
	vm7 =	vgt.f32 v2, v60;
	v2 =	vadd.s32 v7, v61  }
0x4b8: {  	v63 =	vld.idx.msk [tilespmem:v24+s13+$0x0], $0xffff;
	[tilespmem:s20+$0x20] =	vst v62;
	v1 =	vadd.s32 v37, v16;
	v16 =	vsub.f32 v30, v50;
	v30 =	vcvt.f32.s32 v36  }
0x4b9: {  	[tilespmem:s14+$0x10] =	vst v26;
	v7 =	vld [tilespmem:s19+$0x14000];
	v36 =	vsel vm7, $0x1, v13;
	vm9 =	vlt.s32 v2, $0x3F;
	vm10 =	vlt.s32 v1, $0x3F  }
0x4ba: {  	v25 =	vld.idx.msk [tilespmem:v25+s16+$0x0], $0xffff;
	[tilespmem:s20+$0xFFFFFFE0] =	vst v13;
	v26 =	vadd.s32 v30, v14;
	vm8 =	vlt.f32 v16, $9.999999740e-06;
	v2 =	vnsel vm9, $0x3F, v2  }
0x4bb: {  	v3 =	vld.idx.msk [tilespmem:v48+s16+$0x0], $0xffff;
	[tilespmem:s20+$0xFFFFFFF0] =	vst v13;
	v20 =	vadd.f32 $9.999999740e-06, v31;
	v31 =	vcvt.f32.s32 v60;
	v16 =	vsel vm8, $0x3F800000, v16  }
0x4bc: {  	v12 =	vld.idx.msk [tilespmem:v27+s13+$0x0], $0xffff;
	[tilespmem:s20+$0x0] =	vst v13;
	v1 =	vnsel vm10, $0x3F, v1;
	(erf) = vrcp.f32 v16;
	v16 =	vadd.s32 s25, v2  }
0x4bd: {  	v30 =	vld.idx.msk [tilespmem:v46+s13+$0x0], $0xffff;
	vm11 =	vlt.s32 v26, $0x3F;
	v1 =	vadd.s32 s25, v1;
	(xrf2) =	vadd.scan.msk.f32 $0xffff, v20;
	v31 =	vadd.s32 v31, v36  }
0x4be: {  	v20 =	vmin.f32 v4, v6;
	v4 =	vnsel vm11, $0x3F, v26;
	(xrf0) =	vadd.scan.msk.s32 $0xffff, v7;
	v7 =	vld.idx.msk [tilespmem:v21+s16+$0x0], $0xffff;
	v21 =	vsub.f32 v28, v63  }
0x4bf: {  	[tilespmem:s20+$0x10] =	vst v13;
	v37 =	vld.idx.msk [tilespmem:v27+s16+$0x0], $0xffff;
	vm12 =	vlt.s32 v31, $0x3F;
	v58, _, _ =	vpop (xrf2);
	v27 =	vadd.s32 s25, v4  }
0x4c0: {  	v2 =	vld.idx.msk [tilespmem:v24+s16+$0x0], $0xffff;
	v24 =	vnsel vm12, $0x3F, v31;
	[tilespmem:s7+$0x10000] =	vst v58;
	vm13 =	vlt.f32 v21, $9.999999740e-06  }
0x4c1: {  	v24 =	vadd.s32 s25, v24;
	v21 =	vsel vm13, $0x3F800000, v21;
	[tilespmem:v16+s15+$0x0] =	vst.idx.add.s32.msk $0xffff, v15  }
0x4c2: {  	v26 =	vsub.f32 v45, v30;
	(erf) = vrcp.f32 v21;
	v21 =	vld [tilespmem:s31+$0xA000]  }
0x4c3: {  	v28 =	vsub.f32 v12, v11;
	[tilespmem:v1+s15+$0x0] =	vst.idx.add.s32.msk $0xffff, v15  }
0x4c4: {  	v54 =	vmov s26;
	vm14 =	vlt.f32 v26, $9.999999740e-06;
	[tilespmem:v27+s15+$0x0] =	vst.idx.add.s32.msk $0xffff, v15;
	v4, _, _ =	vpop (xrf0)  }
0x4c5: {  	v47 =	vor.u32 $0xF, v54;
	v6 =	vld.idx.msk [tilespmem:v46+s16+$0x0], $0xffff;
	vm15 =	vlt.f32 v28, $9.999999740e-06;
	v1 =	vsel vm14, $0x3F800000, v26;
	[tilespmem:s19+$0x14000] =	vst v4  }
0x4c6: {  	v44 =	vor.u32 $0x2F, v54;
	s8 =	simm.s32 $0xC180;
	v16, _, _ =	vpop (xrf1);
	(erf) = vrcp.f32 v1;
	v1 =	vsel vm15, $0x3F800000, v28;
	[tilespmem:v24+s15+$0x0] =	vst.idx.add.s32.msk $0x7fff, v15  }
0x4c7: {  	[tilespmem:s8+$0x70] =	vst v16;
	v28 =	vmin.f32 v9, v5;
	v9 =	vor.u32 $0x3E, v54;
	(erf) = vrcp.f32 v1;
	v1 =	vld [tilespmem:s5+$0x14000]  }
0x4c8: {  	v57 =	vmin.f32 v10, v22;
	v16 =	vsub.f32 v23, v50;
	[tilespmem:$0x1FD20] =	vst v9;
	v5 =	vadd.f32 $9.999999740e-06, v21;
	v48, _, _ =	vpop (xrf2)  }
0x4c9: {  	v26 =	vsub.f32 v29, v63;
	v63 =	vmax.f32 v10, v22;
	v22 =	vsub.f32 v34, v30;
	[tilespmem:s17+$0x0] =	vst v48  }
0x4ca: {  	v10 =	vsub.f32 v37, v3;
	(xrf2) =	vadd.scan.msk.f32 $0xffff, v5;
	[tilespmem:$0x1FD30] =	vst v54;
	v5 =	vadd.s32 $0xFFFFFFFF, v54  }
0x4cb: {  	v46 =	vor.u32 $0x1F, v54;
	v25 =	vsub.f32 v25, v6;
	v27 =	vsub.f32 v7, v2;
	[tilespmem:$0x1FD40] =	vst v5  }
0x4cc: {  	s1 =	simm.s32 $0x6;
	s6 =	simm.s32 $0x200;
	s19 =	simm.s32 $0x101A0;
	v9 =	vsub.f32 v19, v59;
	v21 =	vsub.f32 v40, v11;
	v54 =	vmin.f32 v0, v8;
	(xrf0) =	vadd.scan.msk.s32 $0xffff, v1;
	v61 =	vld [tilespmem:s12+$0x10]  }
.LBB2_5:
0x4cd: {  	v5 =	vmov s6  }
0x4ce: {  	v1 =	vld [tilespmem:$0x1FFF0];
	v11 =	vor.u32 $0x2F, v5  }
0x4cf: {  	v24 =	vld [tilespmem:s20+$0xFFFFFFE0];
	[tilespmem:$0x1FB00] =	vst v11;
	v11 =	vadd.s32 $0xFFFFFFFF, v5  }
0x4d0: {  	[tilespmem:$0x1FB10] =	vst v11;
	v11 =	vld [tilespmem:$0x1FFC0]  }
0x4d1: {  	s4 =	sadd.s32 $0x40, s6;
	s9 =	sadd.s32 $0x80, s9;
	v31 =	vld [tilespmem:$0x1FFB0]  }
0x4d2: {  	v7 =	vadd.f32 $9.999999740e-06, v61;
	v53 =	vld [tilespmem:s9+$0x20];
	s22 =	sor.u32 $0x51, s4  }
0x4d3: {  	(xrf1) =	vsort.ascd.msk.f32 $0xffff, v57, v57;
	v13 =	vld [tilespmem:s22+$0x8000];
	s22 =	sor.u32 $0x61, s4;
	v50 =	vpop (erf)  }
0x4d4: {  	v0 =	vmax.f32 v0, v8;
	s14 =	sor.u32 $0x60, s4;
	(xrf2) =	vadd.scan.msk.f32 $0xffff, v7;
	v15 =	vld [tilespmem:s22+$0x8000];
	v7 =	vmul.f32 v50, v16  }
0x4d5: {  	v8 =	vmin.f32 v20, v28;
	s18 =	sor.u32 $0x41, s4;
	v1 =	vor.u32 s6, v1;
	v50 =	vld [tilespmem:s14+$0x8000];
	(xrf0) =	vadd.scan.msk.s32 $0xffff, v24;
	v24, _, _ =	vpop (xrf0);
	v16 =	vor.u32 s4, v11  }
0x4d6: {  	s3 =	sor.u32 $0x50, s4;
	(xrf1) =	vsort.ascd.msk.f32 $0xffff, v63, v63;
	v37 =	vld [tilespmem:s18+$0x8000];
	v7 =	vmul.f32 v7, v9;
	v9 =	vpop (erf);
	v11 =	vmax.f32 v20, v28;
	v28 =	vmov s30  }
0x4d7: {  	v51 =	vld [tilespmem:s3+$0x8000];
	(xrf1) =	vsort.ascd.msk.f32 $0xffff, v54, v54;
	s22 =	sor.u32 $0x70, s4;
	[tilespmem:s5+$0x14000] =	vst v24;
	v17 =	vmul.f32 v9, v26;
	v45 =	vpop (erf);
	v26 =	vor.u32 $0x4F, v28  }
0x4d8: {  	(xrf1) =	vsort.ascd.msk.f32 $0xffff, v0, v0;
	v54 =	vld [tilespmem:s22+$0x8000];
	v7 =	vadd.f32 v7, v59;
	v9 =	vor.u32 $0x5F, v28;
	v22 =	vmul.f32 v45, v22;
	v20 =	vpop (erf)  }
0x4d9: {  	(xrf1) =	vsort.ascd.msk.f32 $0xffff, v8, v8;
	v59 =	vld [tilespmem:s0+$0x14000];
	v27 =	vmul.f32 v17, v27;
	v21 =	vmul.f32 v20, v21;
	v20 =	vor.u32 $0x6F, v28  }
0x4da: {  	v29 =	vadd.f32 v15, v50;
	v8 =	vmul.f32 v22, v25;
	v22 =	vor.u32 $0x7E, v28;
	v0 =	vld.idx.msk [tilespmem:v16+s11+$0x0], $0xffff  }
0x4db: {  	v27 =	vadd.f32 v27, v2;
	v2 =	vld.idx.msk [tilespmem:v1+s11+$0x0], $0xffff;
	v1 =	vmul.f32 v21, v10;
	v21 =	vadd.f32 v37, v53;
	v16, _, _ =	vpop (xrf2)  }
0x4dc: {  	v36 =	vmul.f32 $5.000000000e-01, v29;
	v29 =	vld [tilespmem:$0x1FB40];
	v32 =	vadd.f32 v8, v6;
	v6 =	vadd.f32 v13, v51;
	[tilespmem:s31+$0x10000] =	vst v16  }
0x4dd: {  	v12 =	vmin.f32 v55, v56;
	v21 =	vmul.f32 $5.000000000e-01, v21;
	v55 =	vld.idx.msk [tilespmem:v26+s13+$0x0], $0xffff  }
0x4de: {  	s21 =	sadd.s32 $0x80, s21;
	v33 =	vld.idx.msk [tilespmem:v9+s13+$0x0], $0xffff;
	v34 =	vmul.f32 $5.000000000e-01, v6  }
0x4df: {  	v17 =	vld.idx.msk [tilespmem:v20+s13+$0x0], $0xffff;
	[tilespmem:s21+$0x20] =	vst v21;
	v0 =	vadd.f32 v0, v54  }
0x4e0: {  	v30 =	vld [tilespmem:$0x1FB60];
	[tilespmem:s3+$0x12000] =	vst v34  }
0x4e1: {  	s5 =	smov.u32 s7;
	s7 =	smov.u32 s14;
	v1 =	vadd.f32 v1, v3;
	v21 =	vld.idx.msk [tilespmem:v22+s13+$0x0], $0xffff;
	v22 =	vperm.xlane v32, v31;
	v3 =	vmul.f32 $5.000000000e-01, v0  }
0x4e2: {  	v14 =	vmin.f32 v41, v42;
	v23 =	vld [tilespmem:$0x1FB30];
	(xrf1) =	vsort.ascd.msk.f32 $0xffff, v11, v11;
	[tilespmem:s7+$0x12000] =	vst v36  }
0x4e3: {  	v25, _, _ =	vpop (xrf0);
	v1 =	vperm.xlane v1, v31;
	[tilespmem:s22+$0x12000] =	vst v3;
	v3 =	vmin.f32 v29, v22;
	v22 =	vmax.f32 v29, v22;
	v29 =	vld [tilespmem:$0x1FB50]  }
0x4e4: {  	v56 =	vmax.f32 v41, v42;
	v7 =	vperm.xlane v7, v31;
	vm0 =	vlt.s32 v25, $0x3E;
	(xrf0) =	vadd.scan.msk.s32 $0xffff, v59  }
0x4e5: {  	v37 =	vperm.xlane v27, v31;
	v45 =	vmin.f32 v30, v1;
	v1 =	vmax.f32 v30, v1  }
0x4e6: {  	[tilespmem:s20+$0xFFFFFFE0] =	vst v25;
	v63, _, _ =	vpop (xrf2);
	v27 =	vadd.f32 v33, v55;
	v30 =	vmin.f32 v3, v45;
	v34 =	vmax.f32 v3, v45;
	v3 =	vld [tilespmem:$0x1FBE0]  }
0x4e7: {  	v11 =	vmin.f32 v23, v7;
	v10 =	vld [tilespmem:s9+$0xFFFFFFE0];
	v8 =	vnsel vm0, $0x3E, v25;
	v18, _, _ =	vpop (xrf1);
	(xrf1) =	vsort.ascd.msk.f32 $0xffff, v12, v12;
	[tilespmem:s17+$0x10] =	vst v63  }
0x4e8: {  	v59 =	vadd.s32 v25, v43;
	v6 =	vld [tilespmem:s9+$0xFFFFFFF0];
	v17 =	vadd.f32 v17, v27;
	v41 =	vmin.f32 v29, v37  }
0x4e9: {  	v15, _, _ =	vpop (xrf1);
	v25 =	vld.idx.msk [tilespmem:v28+s13+$0x0], $0xffff;
	v45 =	vmax.f32 v22, v1;
	v12 =	vmax.f32 v29, v37;
	v52 =	vmin.f32 v41, v11  }
0x4ea: {  	s12 =	sadd.s32 $0x80, s12;
	v13, _, _ =	vpop (xrf0);
	v37 =	vmin.f32 v22, v1;
	v32 =	vmin.f32 v30, v52;
	v22 =	vmax.f32 v30, v52;
	v30 =	vld [tilespmem:$0x1FBF0]  }
0x4eb: {  	v7 =	vmax.f32 v23, v7;
	v23, _, _ =	vpop (xrf1);
	(xrf1) =	vsort.ascd.msk.f32 $0xffff, v14, v14;
	v14 =	vld [tilespmem:s12+$0x20];
	[tilespmem:s0+$0x14000] =	vst v13  }
0x4ec: {  	v33 =	vadd.f32 v21, v17;
	v29 =	vld.idx.msk [tilespmem:v38+s15+$0x0], $0xffff  }
0x4ed: {  	v38 =	vld.idx.msk [tilespmem:v39+s15+$0x0], $0xffff  }
0x4ee: {  	vm12 =	vlt.s32 v62, $0x3E;
	v21 =	vmov v28;
	v57 =	vld.idx.msk [tilespmem:v3+s15+$0x0], $0xffff;
	[tilespmem:s8+$0x0] =	vst v18;
	v18 =	vsub.f32 v33, v25  }
0x4ef: {  	v42 =	vmov v35;
	v35 =	vld [tilespmem:s9+$0x1];
	[tilespmem:$0x1FBF0] =	vst v21;
	v21 =	vnsel vm12, $0x3E, v62;
	v30 =	vadd.s32 $0xFFFFFFFF, v30  }
0x4f0: {  	(erf) = vrcp.f32 v18;
	v18 =	vadd.s32 v62, v30;
	v62 =	vadd.s32 s29, v21;
	v21 =	vld [tilespmem:$0x1FD20]  }
0x4f1: {  	v36, _, _ =	vpop (xrf1);
	v28 =	vld.idx.msk [tilespmem:v47+s13+$0x0], $0xffff  }
0x4f2: {  	[tilespmem:$0x1FB30] =	vst v42;
	v40, _, _ =	vpop (xrf1);
	v39 =	vld.idx.msk [tilespmem:v44+s13+$0x0], $0xffff;
	v11 =	vmax.f32 v41, v11  }
0x4f3: {  	v0 =	vld [tilespmem:s9+$0x0];
	v1 =	vmin.f32 v12, v7;
	v42 =	vmax.f32 v12, v7;
	v7, _, _ =	vpop (xrf1);
	v14 =	vadd.f32 $9.999999740e-06, v14;
	(xrf1) =	vsort.ascd.msk.f32 $0xffff, v32, v32  }
0x4f4: {  	v12 =	vld [tilespmem:s9+$0xFFFFFFE1];
	(xrf1) =	vsort.ascd.msk.f32 $0xffff, v22, v22;
	v22 =	vadd.s32 v29, v38;
	v4 =	vadd.s32 v4, v29  }
0x4f5: {  	v41 =	vmovc v26;
	(xrf2) =	vadd.scan.msk.f32 $0xffff, v14;
	[tilespmem:s8+$0x10] =	vst v15;
	v15 =	vld [tilespmem:s9+$0xFFFFFFF1];
	v24 =	vadd.s32 v24, v22;
	vm13 =	vlt.s32 v4, $0x3E  }
0x4f6: {  	v26 =	vld.idx.msk [tilespmem:v46+s13+$0x0], $0xffff;
	[tilespmem:s8+$0x20] =	vst v23;
	vm14 =	vlt.s32 v24, $0x3E;
	v29 =	vadd.s32 v4, v30;
	v13 =	vadd.s32 v13, v57  }
0x4f7: {  	v3 =	vld [tilespmem:s9+$0x10];
	[tilespmem:s8+$0x30] =	vst v36;
	v52 =	vadd.s32 v24, v30;
	v4 =	vnsel vm13, $0x3E, v4;
	v13 =	vadd.s32 v22, v13  }
0x4f8: {  	v38, _, _ =	vpop (xrf1);
	(xrf1) =	vsort.ascd.msk.f32 $0xffff, v56, v56;
	v23 =	vadd.s32 s29, v4;
	v4 =	vnsel vm14, $0x3E, v24;
	vm15 =	vlt.s32 v13, $0x3E;
	v36 =	vld.idx.msk [tilespmem:v21+s13+$0x0], $0xffff  }
0x4f9: {  	v57 =	vmovc v9;
	v9 =	vmov v20;
	v56 =	vadd.s32 s29, v4;
	v4 =	vnsel vm15, $0x3E, v13;
	v21 =	vld.idx.msk [tilespmem:v18+s13+$0x0], $0xffff;
	[tilespmem:s8+$0x40] =	vst v40  }
0x4fa: {  	v33 =	vadd.f32 v15, v6;
	[tilespmem:$0x1FBE0] =	vst v9;
	v15 =	vadd.s32 s29, v4;
	v4 =	vadd.f32 v35, v0;
	v14 =	vld.idx.msk [tilespmem:v62+s13+$0x0], $0xffff  }
0x4fb: {  	v19 =	vor.u32 $0x3E, v5;
	v12 =	vadd.f32 v12, v10;
	v30 =	vadd.s32 v13, v30;
	v40, _, _ =	vpop (xrf1);
	v22 =	vld.idx.msk [tilespmem:v29+s13+$0x0], $0xffff;
	[tilespmem:s8+$0x50] =	vst v7  }
0x4fc: {  	v32 =	vmov v19;
	v2 =	vadd.f32 v2, v3;
	v9 =	vld [tilespmem:$0x1FD30];
	v19 =	vmul.f32 $5.000000000e-01, v4;
	[tilespmem:s28+$0xFFFFFFE0] =	vst v40  }
0x4fd: {  	v12 =	vmul.f32 $5.000000000e-01, v12;
	v24 =	vld.idx.msk [tilespmem:v52+s13+$0x0], $0xffff;
	[tilespmem:s8+$0x60] =	vst v38  }
0x4fe: {  	v7 =	vmul.f32 $5.000000000e-01, v2;
	[tilespmem:s21+$0x0] =	vst v19;
	v19 =	vld [tilespmem:$0x1FCA0]  }
0x4ff: {  	[tilespmem:s21+$0xFFFFFFE0] =	vst v12;
	v12 =	vsub.f32 v55, v25;
	v55 =	vmin.f32 v37, v1;
	v1 =	vmax.f32 v37, v1;
	v37 =	vld [tilespmem:$0x1FC50]  }
0x500: {  	v2 =	vadd.f32 v26, v28;
	v26 =	vld.idx.msk [tilespmem:v30+s13+$0x0], $0xffff  }
0x501: {  	v13 =	vmul.f32 $5.000000000e-01, v33;
	[tilespmem:s21+$0x10] =	vst v7;
	v7 =	vld.idx.msk [tilespmem:v23+s13+$0x0], $0xffff  }
0x502: {  	v38 =	vmin.f32 v34, v11;
	v11 =	vmax.f32 v34, v11;
	v34 =	vld.idx.msk [tilespmem:v56+s13+$0x0], $0xffff  }
0x503: {  	[tilespmem:s21+$0xFFFFFFF0] =	vst v13;
	v4 =	vadd.f32 v39, v2;
	v39 =	vsub.f32 v27, v25;
	v27 =	vld.idx.msk [tilespmem:v15+s13+$0x0], $0xffff  }
0x504: {  	v35 =	vpop (erf);
	v40 =	vsub.f32 v17, v25;
	v9 =	vld.idx.msk [tilespmem:v9+s13+$0x0], $0xffff;
	v19 =	vsub.f32 v19, v25;
	v25 =	vmov v5  }
0x505: {  	v20, _, _ =	vpop (xrf1);
	v12 =	vadd.f32 v12, v49;
	v49 =	vld [tilespmem:$0x1FBB0];
	[tilespmem:$0x1FD30] =	vst v25  }
0x506: {  	v61 =	vor.u32 $0xF, v5;
	v17, _, _ =	vpop (xrf1);
	v13 =	vadd.f32 v39, v58;
	v25 =	vld [tilespmem:s12+$0xFFFFFFE0];
	[tilespmem:s8+$0xFFFFFF80] =	vst v20  }
0x507: {  	v60 =	vor.u32 $0x1F, v5;
	v16 =	vadd.f32 v40, v16;
	v5 =	vmul.f32 v35, v12;
	v12 =	vld [tilespmem:s20+$0xFFFFFFF0];
	[tilespmem:s8+$0xFFFFFF90] =	vst v17  }
0x508: {  	s17 =	sadd.s32 $0x80, s17;
	v20 =	vmul.f32 v35, v19;
	v17, _, _ =	vpop (xrf2);
	v19 =	vmul.f32 v35, v13;
	v13 =	vld [tilespmem:s20+$0x0]  }
0x509: {  	v16 =	vmul.f32 v35, v16;
	v34 =	vsub.f32 v34, v24;
	[tilespmem:s17+$0x20] =	vst v17;
	v35 =	vld [tilespmem:s20+$0x10]  }
0x50a: {  	v39 =	vmov v37;
	v37 =	vld [tilespmem:s3+$0xA000]  }
0x50b: {  	vm6 =	vlt.f32 v34, $9.999999740e-06;
	v18 =	vld.idx.msk [tilespmem:v18+s16+$0x0], $0xffff  }
0x50c: {  	[tilespmem:$0x1FD20] =	vst v32;
	v14 =	vsub.f32 v14, v21;
	v32 =	vsel vm6, $0x3F800000, v34;
	v34 =	vld [tilespmem:$0x1FC60]  }
0x50d: {  	v7 =	vsub.f32 v7, v22;
	v58 =	vmov v49;
	v49, _, _ =	vpop (xrf1);
	(xrf1) =	vsort.ascd.msk.f32 $0xffff, v38, v38;
	v30 =	vld.idx.msk [tilespmem:v30+s16+$0x0], $0xffff  }
0x50e: {  	vm4 =	vlt.f32 v14, $9.999999740e-06;
	(xrf1) =	vsort.ascd.msk.f32 $0xffff, v11, v11;
	v23 =	vld.idx.msk [tilespmem:v23+s16+$0x0], $0xffff  }
0x50f: {  	v40 =	vsel vm4, $0x3F800000, v14;
	vm5 =	vlt.f32 v7, $9.999999740e-06;
	(xrf1) =	vsort.ascd.msk.f32 $0xffff, v55, v55;
	v55 =	vld [tilespmem:$0x1FBD0]  }
0x510: {  	v27 =	vsub.f32 v27, v26;
	[tilespmem:$0x1FB40] =	vst v58;
	(erf) = vrcp.f32 v40;
	v7 =	vsel vm5, $0x3F800000, v7;
	v58 =	vmovc v10;
	v10 =	vld.idx.msk [tilespmem:v62+s16+$0x0], $0xffff  }
0x511: {  	[tilespmem:$0x1FBB0] =	vst v39;
	(erf) = vrcp.f32 v7;
	v7 =	vld [tilespmem:$0x1FBC0]  }
0x512: {  	[tilespmem:$0x1FCA0] =	vst v17;
	vm7 =	vlt.f32 v27, $9.999999740e-06;
	v11 =	vmovc v6;
	v17 =	vmul.f32 $6.300000000e+01, v20;
	v14 =	vmul.f32 $6.300000000e+01, v19;
	v62 =	vld.idx.msk [tilespmem:v15+s16+$0x0], $0xffff  }
0x513: {  	v27 =	vsel vm7, $0x3F800000, v27;
	[tilespmem:$0x1FC60] =	vst v11;
	v11 =	vmul.f32 $6.300000000e+01, v16;
	(erf) = vrcp.f32 v32;
	v32 =	vld [tilespmem:$0x1FFD0]  }
0x514: {  	[tilespmem:$0x1FC50] =	vst v58;
	v39 =	vadd.f32 $9.999999740e-06, v25;
	v25 =	vadd.f32 v36, v4;
	(xrf0) =	vadd.scan.msk.s32 $0xffff, v12;
	v12 =	vld.idx.msk [tilespmem:v29+s16+$0x0], $0xffff  }
0x515: {  	v6 =	vtrunc.f32 v17;
	v29 =	vld.idx.msk [tilespmem:v52+s16+$0x0], $0xffff;
	v52 =	vimm.s32 $0x0;
	(erf) = vrcp.f32 v27;
	(xrf0) =	vadd.scan.msk.s32 $0xffff, v13  }
0x516: {  	v27 =	vtrunc.f32 v14;
	(xrf2) =	vadd.scan.msk.f32 $0xffff, v39;
	v39 =	vld [tilespmem:$0x1FFA0];
	v58 =	vmovc v55;
	v33 =	vmov v7;
	v7 =	vmul.f32 $6.300000000e+01, v5  }
0x517: {  	v36 =	vcvt.f32.s32 v6;
	vm1 =	vgt.f32 v17, v6;
	v17 =	vtrunc.f32 v11;
	[tilespmem:$0x1FB60] =	vst v58;
	v58 =	vld [tilespmem:$0x1FFE0]  }
0x518: {  	vm8 =	vgt.f32 v11, v17;
	v38 =	vmovc v34;
	v34 =	vadd.f32 $9.999999740e-06, v37;
	v37 =	vld.idx.msk [tilespmem:v56+s16+$0x0], $0xffff;
	v40 =	vtrunc.f32 v7  }
0x519: {  	(xrf1) =	vsort.ascd.msk.f32 $0xffff, v1, v1;
	v11 =	vsel vm1, $0x1, v52;
	v1 =	vcvt.f32.s32 v40;
	vm2 =	vgt.f32 v7, v40;
	v40 =	vld [tilespmem:$0x1FF90]  }
0x51a: {  	v11 =	vadd.s32 v36, v11;
	v36 =	vld [tilespmem:$0x1FC80];
	[tilespmem:s19+$0x20] =	vst v20;
	v6, _, _ =	vpop (xrf0);
	(xrf0) =	vadd.scan.msk.s32 $0xffff, v35  }
0x51b: {  	vm3 =	vgt.f32 v14, v27;
	[tilespmem:$0x1FBC0] =	vst v38;
	v7 =	vcvt.f32.s32 v27;
	v27, _, _ =	vpop (xrf0)  }
0x51c: {  	v14 =	vcvt.f32.s32 v17;
	[tilespmem:s10+$0x10000] =	vst v5;
	v17 =	vsub.f32 v58, v21;
	v21 =	vpop (erf)  }
0x51d: {  	[tilespmem:$0x1FB50] =	vst v33;
	v22 =	vsub.f32 v32, v22;
	v33 =	vpop (erf)  }
0x51e: {  	[tilespmem:s20+$0xFFFFFFF0] =	vst v6;
	v17 =	vmul.f32 v21, v17;
	v21 =	vsub.f32 v40, v24;
	v24 =	vsub.f32 v39, v26;
	v26 =	vpop (erf)  }
0x51f: {  	v10 =	vsub.f32 v10, v18;
	v13 =	vsub.f32 v62, v30;
	[tilespmem:s20+$0x0] =	vst v27;
	v56 =	vpop (erf)  }
0x520: {  	v55 =	vsub.f32 v23, v12;
	[tilespmem:s28+$0xFFFFFFF0] =	vst v49;
	v33 =	vmul.f32 v33, v22;
	v21 =	vmul.f32 v26, v21;
	v26, _, _ =	vpop (xrf0)  }
0x521: {  	v62 =	vsel vm8, $0x1, v52;
	v5 =	vld [tilespmem:$0x1FCB0];
	v37 =	vsub.f32 v37, v29;
	v23, _, _ =	vpop (xrf2);
	v24 =	vmul.f32 v56, v24;
	[tilespmem:s20+$0x10] =	vst v26  }
0x522: {  	v15 =	vsel vm2, $0x1, v52;
	v10 =	vmul.f32 v17, v10;
	v17 =	vmul.f32 v33, v55;
	v36 =	vld.idx.msk [tilespmem:v36+s15+$0x0], $0xffff;
	[tilespmem:s17+$0xFFFFFFE0] =	vst v23  }
0x523: {  	s0 =	smov.u32 s31;
	[tilespmem:s5+$0x10000] =	vst v19;
	v1 =	vadd.s32 v1, v15;
	v21 =	vmul.f32 v21, v37;
	v13 =	vmul.f32 v24, v13;
	v15 =	vld [tilespmem:s12+$0xFFFFFFF0]  }
0x524: {  	vm9 =	vlt.s32 v11, $0x3F;
	[tilespmem:s0+$0x10000] =	vst v16;
	v10 =	vadd.f32 v10, v18;
	v12 =	vadd.f32 v17, v12;
	s20 =	sadd.s32 $0x80, s20  }
0x525: {  	v38 =	vld [tilespmem:$0x1FB90];
	v14 =	vadd.s32 v14, v62;
	v22, _, _ =	vpop (xrf1);
	[tilespmem:s20+$0x20] =	vst v52;
	v17 =	vadd.f32 v21, v29;
	v13 =	vadd.f32 v13, v30  }
0x526: {  	s29 =	smov.u32 s30;
	v11 =	vnsel vm9, $0x3F, v11;
	[tilespmem:s8+$0xFFFFFFA0] =	vst v22;
	v12 =	vperm.xlane v12, v31;
	v21 =	vperm.xlane v10, v31;
	v10 =	vld [tilespmem:$0x1FC90]  }
0x527: {  	v62 =	vld [tilespmem:$0x1FB80];
	v11 =	vadd.s32 s29, v11;
	[tilespmem:s10+$0x14000] =	vst v52;
	v13 =	vperm.xlane v13, v31;
	v17 =	vperm.xlane v17, v31;
	v31 =	vmovc v47  }
0x528: {  	v33 =	vld [tilespmem:$0x1FBA0];
	[tilespmem:s5+$0x14000] =	vst v52;
	v15 =	vadd.f32 $9.999999740e-06, v15  }
0x529: {  	v8 =	vadd.s32 s25, v8;
	v35 =	vsel vm3, $0x1, v52;
	(xrf2) =	vadd.scan.msk.f32 $0xffff, v34;
	v37 =	vld [tilespmem:$0x1FB70];
	[tilespmem:s0+$0x14000] =	vst v52  }
0x52a: {  	vm10 =	vlt.s32 v1, $0x3F;
	[tilespmem:$0x1FC80] =	vst v31;
	v31 =	vmovc v44;
	(xrf2) =	vadd.scan.msk.f32 $0xffff, v15;
	v15 =	vsub.f32 v28, v9;
	v28 =	vld [tilespmem:$0x1FB00]  }
0x52b: {  	v7 =	vadd.s32 v7, v35;
	v1 =	vnsel vm10, $0x3F, v1;
	v29 =	vld.idx.msk [tilespmem:v5+s15+$0x0], $0xffff;
	[tilespmem:$0x1FCB0] =	vst v31;
	v31 =	vimm.s32 $0x1  }
0x52c: {  	vm11 =	vlt.s32 v7, $0x3F;
	v1 =	vadd.s32 s29, v1;
	[tilespmem:v11+s15+$0x0] =	vst.idx.add.s32.msk $0xffff, v31  }
0x52d: {  	v7 =	vnsel vm11, $0x3F, v7;
	v11 =	vld [tilespmem:$0x1FC70]  }
0x52e: {  	v2 =	vsub.f32 v2, v9;
	v7 =	vadd.s32 s29, v7;
	v20 =	vmax.f32 v38, v12;
	v24 =	vld.idx.msk [tilespmem:v10+s15+$0x0], $0xffff  }
0x52f: {  	v5 =	vmax.f32 v33, v21;
	v19 =	vmax.f32 v37, v13;
	v10 =	vmax.f32 v62, v17;
	v44 =	vmovc v28;
	v28 =	vld [tilespmem:$0x1FCC0]  }
0x530: {  	v4 =	vsub.f32 v4, v9;
	v18, _, _ =	vpop (xrf1);
	v16 =	vld.idx.msk [tilespmem:v8+s13+$0x0], $0xffff;
	v55 =	vmax.f32 v19, v20;
	v56 =	vmax.f32 v10, v5  }
0x531: {  	vm12 =	vlt.s32 v14, $0x3F;
	v22, _, _ =	vpop (xrf1);
	[tilespmem:v1+s15+$0x0] =	vst.idx.add.s32.msk $0xffff, v31;
	v1 =	vmov v0;
	v49 =	vmax.f32 v55, v56  }
0x532: {  	v25 =	vsub.f32 v25, v9;
	v14 =	vnsel vm12, $0x3F, v14;
	v30, _, _ =	vpop (xrf1);
	v34 =	vld.idx.msk [tilespmem:v59+s13+$0x0], $0xffff;
	[tilespmem:$0x1FC70] =	vst v1;
	(xrf1) =	vsort.ascd.msk.f32 $0xffff, v49, v49  }
0x533: {  	v14 =	vadd.s32 s29, v14;
	[tilespmem:v7+s15+$0x0] =	vst.idx.add.s32.msk $0xffff, v31;
	v1 =	vadd.s32 v26, v29;
	v0 =	vadd.s32 v36, v24  }
0x534: {  	v7 =	vadd.s32 v27, v0;
	v0 =	vadd.s32 v0, v1;
	v1 =	vld [tilespmem:$0x1FC40];
	v28 =	vsub.f32 v28, v9;
	v9 =	vmovc v11  }
0x535: {  	v47 =	vmov v61;
	v61 =	vmov v46;
	[tilespmem:$0x1FBD0] =	vst v9;
	v9 =	vld [tilespmem:$0x1FD10]  }
0x536: {  	(erf) = vrcp.f32 v25;
	v8 =	vld.idx.msk [tilespmem:v8+s16+$0x0], $0xffff;
	[tilespmem:$0x1FC90] =	vst v61  }
0x537: {  	v59 =	vld.idx.msk [tilespmem:v59+s16+$0x0], $0xffff;
	v6 =	vadd.s32 v6, v36;
	[tilespmem:s8+$0xFFFFFFB0] =	vst v18  }
0x538: {  	vm15 =	vlt.s32 v6, $0x3E;
	[tilespmem:s8+$0xFFFFFFC0] =	vst v22  }
0x539: {  	v2 =	vadd.f32 v2, v48;
	v4 =	vadd.f32 v4, v63;
	v48 =	vnsel vm15, $0x3E, v6;
	[tilespmem:v14+s15+$0x0] =	vst.idx.add.s32.msk $0x7fff, v31  }
0x53a: {  	[tilespmem:s8+$0xFFFFFFD0] =	vst v30;
	v14 =	vadd.s32 s25, v48;
	vm13 =	vlt.s32 v7, $0x3E;
	v35 =	vmovc v1;
	v1 =	vld [tilespmem:s20+$0x20];
	v11 =	vadd.f32 v15, v9;
	v9 =	vmovc v3  }
0x53b: {  	v26 =	vld [tilespmem:$0x1FC00];
	vm14 =	vlt.s32 v0, $0x3E;
	v18 =	vadd.s32 v0, v43;
	v3 =	vmovc v23;
	v23 =	vadd.s32 v6, v43;
	[tilespmem:$0x1FC40] =	vst v9  }
0x53c: {  	v49, _, _ =	vpop (xrf2);
	v6 =	vld [tilespmem:$0x1FD40];
	[tilespmem:$0x1FCC0] =	vst v3;
	v3 =	vnsel vm13, $0x3E, v7;
	v9 =	vnsel vm14, $0x3E, v0;
	v7 =	vadd.s32 v7, v43  }
0x53d: {  	v24, _, _ =	vpop (xrf2);
	[tilespmem:s3+$0x10000] =	vst v49;
	v0 =	vsub.f32 v16, v34;
	v16 =	vsub.f32 v58, v34;
	v3 =	vadd.s32 s25, v3  }
0x53e: {  	v46 =	vmovc v60;
	[tilespmem:$0x1FD10] =	vst v24;
	v22 =	vld [tilespmem:s7+$0xA000];
	v15 =	vadd.s32 s25, v9;
	v9 =	vsub.f32 v8, v59;
	v8 =	vmin.f32 v38, v12  }
0x53f: {  	v58 =	vmin.f32 v33, v21;
	v21 =	vpop (erf);
	(xrf0) =	vadd.scan.msk.s32 $0xffff, v1;
	v1 =	vmin.f32 v37, v13;
	v37 =	vld [tilespmem:$0x1FC10];
	vm4 =	vlt.f32 v0, $9.999999740e-06  }
0x540: {  	v63 =	vld [tilespmem:$0x1FB10];
	s28 =	smov.u32 s8;
	s8 =	sadd.s32 $0x100, s8;
	[tilespmem:s17+$0xFFFFFFF0] =	vst v24;
	v60, _, _ =	vpop (xrf1);
	v24 =	vmin.f32 v1, v8;
	v25 =	vsel vm4, $0x3F800000, v0;
	v0 =	vmax.f32 v1, v8  }
0x541: {  	[tilespmem:s8+$0x70] =	vst v60;
	v1 =	vmul.f32 v21, v28;
	v43 =	vmovc v6;
	v6 =	vmin.f32 v62, v17;
	v17 =	vld [tilespmem:s12+$0x0];
	v8 =	vmov v26  }
0x542: {  	v11 =	vmul.f32 v21, v11;
	[tilespmem:$0x1FB70] =	vst v8;
	v13 =	vld.idx.msk [tilespmem:v3+s13+$0x0], $0xffff  }
0x543: {  	v2 =	vmul.f32 v21, v2;
	v4 =	vmul.f32 v21, v4;
	v21 =	vld.idx.msk [tilespmem:v15+s13+$0x0], $0xffff;
	[tilespmem:s19+$0xFFFFFFE0] =	vst v1  }
0x544: {  	v22 =	vadd.f32 $9.999999740e-06, v22;
	v30 =	vmov v37;
	v27 =	vld.idx.msk [tilespmem:v14+s13+$0x0], $0xffff;
	[tilespmem:s19+$0xFFFFFFF0] =	vst v11  }
0x545: {  	v48 =	vld [tilespmem:$0x1FC20];
	v60 =	vmin.f32 v6, v58;
	v8 =	vmax.f32 v6, v58;
	v1 =	vmul.f32 $6.300000000e+01, v1;
	v6 =	vmovc v53;
	[tilespmem:$0x1FB80] =	vst v30  }
0x546: {  	v20 =	vmin.f32 v19, v20;
	v26 =	vmul.f32 $6.300000000e+01, v11;
	v62, _, _ =	vpop (xrf0);
	[tilespmem:$0x1FC00] =	vst v6;
	v6 =	vmul.f32 $6.300000000e+01, v2;
	v61 =	vld.idx.msk [tilespmem:v7+s13+$0x0], $0xffff  }
0x547: {  	(xrf2) =	vadd.scan.msk.f32 $0xffff, v22;
	v11 =	vmul.f32 $6.300000000e+01, v4;
	v22 =	vtrunc.f32 v1;
	[tilespmem:s20+$0x20] =	vst v62;
	v29 =	vld.idx.msk [tilespmem:v18+s13+$0x0], $0xffff  }
0x548: {  	v28 =	vtrunc.f32 v26;
	[tilespmem:s19+$0x0] =	vst v2;
	vm5 =	vgt.f32 v1, v22;
	v30 =	vld [tilespmem:s10+$0x14000];
	v1 =	vtrunc.f32 v6  }
0x549: {  	[tilespmem:s19+$0x10] =	vst v4;
	v4 =	vmovc v50;
	v17 =	vadd.f32 $9.999999740e-06, v17;
	v2 =	vtrunc.f32 v11;
	vm7 =	vgt.f32 v6, v1;
	v6 =	vld [tilespmem:$0x1FC30]  }
0x54a: {  	v53 =	vcvt.f32.s32 v28;
	vm6 =	vgt.f32 v26, v28;
	v28 =	vld.idx.msk [tilespmem:v23+s13+$0x0], $0xffff;
	[tilespmem:$0x1FC20] =	vst v4;
	vm8 =	vgt.f32 v11, v2  }
0x54b: {  	(xrf2) =	vadd.scan.msk.f32 $0xffff, v17;
	v4 =	vcvt.f32.s32 v1;
	v1 =	vcvt.f32.s32 v2;
	v17 =	vld.idx.msk [tilespmem:v3+s16+$0x0], $0xffff;
	[tilespmem:s20+$0xFFFFFFE0] =	vst v52  }
0x54c: {  	(erf) = vrcp.f32 v25;
	v22 =	vcvt.f32.s32 v22;
	v11 =	vld.idx.msk [tilespmem:v15+s16+$0x0], $0xffff;
	v2 =	vmovc v54;
	v15 =	vsel vm8, $0x1, v52;
	[tilespmem:s20+$0xFFFFFFF0] =	vst v52  }
0x54d: {  	[tilespmem:$0x1FC30] =	vst v2;
	v2 =	vsel vm7, $0x1, v52;
	v1 =	vadd.s32 v1, v15;
	(xrf0) =	vadd.scan.msk.s32 $0xffff, v30  }
0x54e: {  	v13 =	vsub.f32 v13, v61;
	v21 =	vsub.f32 v21, v29;
	v4 =	vadd.s32 v4, v2;
	v3 =	vmovc v6  }
0x54f: {  	v34 =	vmovc v63;
	v38 =	vmovc v41;
	vm11 =	vlt.s32 v4, $0x3F;
	v6 =	vsel vm6, $0x1, v52;
	[tilespmem:$0x1FBA0] =	vst v3;
	v3 =	vsel vm5, $0x1, v52  }
0x550: {  	v14 =	vld.idx.msk [tilespmem:v14+s16+$0x0], $0xffff;
	[tilespmem:s20+$0x0] =	vst v52;
	v4 =	vnsel vm11, $0x3F, v4;
	v6 =	vadd.s32 v53, v6;
	v3 =	vadd.s32 v22, v3  }
0x551: {  	v41 =	vmovc v45;
	v26 =	vsub.f32 v40, v61;
	v2 =	vld.idx.msk [tilespmem:v7+s16+$0x0], $0xffff;
	[tilespmem:s20+$0x10] =	vst v52;
	vm10 =	vlt.s32 v6, $0x3F;
	vm9 =	vlt.s32 v3, $0x3F  }
0x552: {  	s25 =	smov.u32 s26;
	[tilespmem:$0x1FD40] =	vst v34;
	vm12 =	vlt.s32 v1, $0x3F;
	v58, _, _ =	vpop (xrf2);
	v7 =	vnsel vm10, $0x3F, v6;
	v6 =	vld.idx.msk [tilespmem:v18+s16+$0x0], $0xffff;
	v3 =	vnsel vm9, $0x3F, v3  }
0x553: {  	s31 =	smov.u32 s22;
	v25 =	vsub.f32 v27, v28;
	[tilespmem:s7+$0x10000] =	vst v58;
	v18 =	vadd.s32 s25, v4;
	v4, _, _ =	vpop (xrf0);
	v15 =	vadd.s32 s25, v3;
	v3 =	vld.idx.msk [tilespmem:v23+s16+$0x0], $0xffff  }
0x554: {  	v45 =	vmovc v51;
	v51 =	vmovc v48;
	v1 =	vnsel vm12, $0x3F, v1;
	vm13 =	vlt.f32 v13, $9.999999740e-06;
	v7 =	vadd.s32 s25, v7;
	v23 =	vld [tilespmem:s31+$0xA000];
	[tilespmem:s10+$0x14000] =	vst v4  }
0x555: {  	s1 =	sadd.s32 $0x2, s1;
	[tilespmem:$0x1FC10] =	vst v45;
	vm14 =	vlt.f32 v21, $9.999999740e-06;
	v1 =	vadd.s32 s25, v1;
	vm15 =	vlt.f32 v25, $9.999999740e-06;
	v48, _, _ =	vpop (xrf2);
	v54 =	vld [tilespmem:s5+$0x14000]  }
0x556: {  	p0 =	slt.u32 s1, $0x7E;
	v13 =	vsel vm13, $0x3F800000, v13;
	v19 =	vsel vm14, $0x3F800000, v21;
	v21 =	vsub.f32 v32, v28;
	[tilespmem:s17+$0x0] =	vst v48  }
.Ltmp1:
0x557: {  	[tilespmem:$0x1FB90] =	vst v51;
	v28 =	vmin.f32 v10, v5;
	(erf) = vrcp.f32 v13;
	v22 =	vsub.f32 v39, v29;
	v61 =	vld [tilespmem:s12+$0x10];
	(pc) =	sbr.rel @p0 .LBB2_5-.Ltmp1, $4  }
0x558: {  	v39 =	vmovc v57;
	v29 =	vsel vm15, $0x3F800000, v25;
	(erf) = vrcp.f32 v19;
	v57 =	vmin.f32 v24, v60;
	[tilespmem:v15+s15+$0x0] =	vst.idx.add.s32.msk $0xffff, v31  }
0x559: {  	v27 =	vsub.f32 v17, v2;
	(erf) = vrcp.f32 v29;
	v63 =	vadd.f32 $9.999999740e-06, v23;
	[tilespmem:v7+s15+$0x0] =	vst.idx.add.s32.msk $0xffff, v31  }
0x55a: {  	s30 =	smov.u32 s4;
	s26 =	smov.u32 s6;
	v25 =	vsub.f32 v11, v6;
	v10 =	vsub.f32 v14, v3;
	(xrf0) =	vadd.scan.msk.s32 $0xffff, v54;
	[tilespmem:v18+s15+$0x0] =	vst.idx.add.s32.msk $0xffff, v31  }
0x55b: {  	s6 =	sadd.s32 $0x80, s6;
	s19 =	smov.u32 s17;
	s10 =	smov.u32 s3;
	v54 =	vmin.f32 v0, v8;
	(xrf2) =	vadd.scan.msk.f32 $0xffff, v63;
	v63 =	vmax.f32 v24, v60;
	[tilespmem:v1+s15+$0x0] =	vst.idx.add.s32.msk $0x7fff, v31  }
0x55c: {  	_ =	sdelay $0x4  }
0x55d: {  	v50 =	vmov s30;
	v7, _, _ =	vpop (xrf0)  }
0x55e: {  	v5 =	vld [tilespmem:s20+$0xFFFFFFE0];
	v53 =	vor.u32 $0x4F, v50;
	[tilespmem:s5+$0x14000] =	vst v7  }
0x55f: {  	v1 =	vor.u32 $0x5F, v50;
	v11 =	vld [tilespmem:s0+$0x14000];
	_ =	sdelay $0x1  }
0x560: {  	v12, _, _ =	vpop (xrf2)  }
0x561: {  	v51 =	vor.u32 $0x6F, v50;
	[tilespmem:s31+$0x10000] =	vst v12  }
0x562: {  	(xrf0) =	vadd.scan.msk.s32 $0xffff, v5;
	v13 =	vld.idx.msk [tilespmem:v53+s13+$0x0], $0xffff  }
0x563: {  	v14 =	vor.u32 $0x7E, v50;
	v5 =	vld.idx.msk [tilespmem:v1+s13+$0x0], $0xffff;
	(xrf0) =	vadd.scan.msk.s32 $0xffff, v11;
	_ =	sdelay $0x2  }
0x564: {  	v60 =	vld.idx.msk [tilespmem:v51+s13+$0x0], $0xffff;
	_ =	sdelay $0x1  }
0x565: {  	v14 =	vld.idx.msk [tilespmem:v14+s13+$0x0], $0xffff;
	v15 =	vadd.f32 v5, v13;
	v5, _, _ =	vpop (xrf0)  }
0x566: {  	v18, _, _ =	vpop (xrf0)  }
0x567: {  	v19 =	vpop (erf);
	v17 =	vld.idx.msk [tilespmem:v50+s13+$0x0], $0xffff;
	[tilespmem:s0+$0x14000] =	vst v18  }
0x568: {  	v16 =	vmul.f32 v19, v16;
	v11 =	vadd.f32 v60, v15;
	v19 =	vld [tilespmem:$0x1FBF0];
	_ =	sdelay $0x1  }
0x569: {  	v14 =	vadd.f32 v14, v11  }
0x56a: {  	vm0 =	vlt.s32 v62, $0x3E  }
0x56b: {  	v13 =	vsub.f32 v13, v17;
	v60 =	vmax.f32 v0, v8;
	v14 =	vsub.f32 v14, v17  }
0x56c: {  	v0 =	vnsel vm0, $0x3E, v62;
	v8 =	vmul.f32 v16, v9;
	v23 =	vld.idx.msk [tilespmem:v38+s15+$0x0], $0xffff;
	v24 =	vadd.s32 $0xFFFFFFFF, v19  }
0x56d: {  	v33 =	vld.idx.msk [tilespmem:v39+s15+$0x0], $0xffff;
	(erf) = vrcp.f32 v14;
	v19 =	vadd.s32 s29, v0;
	v0 =	vadd.f32 $9.999999740e-06, v61  }
0x56e: {  	v32 =	vmov v35;
	v15 =	vsub.f32 v15, v17;
	v11 =	vsub.f32 v11, v17  }
0x56f: {  	v35 =	vmax.f32 v20, v28;
	v13 =	vadd.f32 v13, v49;
	v8 =	vadd.f32 v8, v59;
	v14 =	vpop (erf);
	(xrf2) =	vadd.scan.msk.f32 $0xffff, v0  }
0x570: {  	v38 =	vmax.f32 v41, v42;
	v15 =	vadd.f32 v15, v58;
	v11 =	vadd.f32 v11, v12;
	v16 =	vpop (erf)  }
0x571: {  	v4 =	vadd.s32 v4, v23;
	v61 =	vmin.f32 v20, v28;
	v0 =	vmul.f32 v16, v22;
	v16 =	vld [tilespmem:$0x1FBE0]  }
0x572: {  	vm8 =	vlt.s32 v4, $0x3E;
	v9 =	vmul.f32 v14, v26;
	v14 =	vadd.s32 v23, v33;
	v33 =	vld [tilespmem:$0x1FCA0]  }
0x573: {  	v29 =	vadd.s32 v62, v24;
	v40 =	vnsel vm8, $0x3E, v4;
	v45 =	vpop (erf);
	v7 =	vadd.s32 v7, v14  }
0x574: {  	v26 =	vmul.f32 v9, v27;
	v9 =	vadd.s32 s29, v40;
	v21 =	vmul.f32 v45, v21  }
0x575: {  	v39 =	vadd.s32 v7, v24;
	vm10 =	vlt.s32 v7, $0x3E;
	v59 =	vmul.f32 v0, v25  }
0x576: {  	v0 =	vmin.f32 v41, v42;
	v7 =	vnsel vm10, $0x3E, v7;
	v26 =	vadd.f32 v26, v2;
	v45 =	vpop (erf)  }
0x577: {  	v10 =	vmul.f32 v21, v10;
	v17 =	vsub.f32 v33, v17;
	v13 =	vmul.f32 v45, v13  }
0x578: {  	v62 =	vld.idx.msk [tilespmem:v19+s13+$0x0], $0xffff;
	v20 =	vadd.s32 s29, v7;
	v6 =	vadd.f32 v59, v6;
	v15 =	vmul.f32 v45, v15  }
0x579: {  	v12 =	vmul.f32 v45, v17;
	v34 =	vld.idx.msk [tilespmem:v16+s15+$0x0], $0xffff;
	v16 =	vadd.s32 v4, v24;
	v21, _, _ =	vpop (xrf2);
	v49 =	vmul.f32 $6.300000000e+01, v13  }
0x57a: {  	v11 =	vmul.f32 v45, v11;
	v4 =	vmin.f32 v55, v56;
	v55 =	vld.idx.msk [tilespmem:v29+s13+$0x0], $0xffff;
	v28 =	vmul.f32 $6.300000000e+01, v15;
	[tilespmem:s17+$0x10] =	vst v21  }
0x57b: {  	v58 =	vmovc v47;
	v3 =	vadd.f32 v10, v3;
	v25 =	vld.idx.msk [tilespmem:v47+s13+$0x0], $0xffff;
	v47 =	vmul.f32 $6.300000000e+01, v12;
	v30 =	vtrunc.f32 v49  }
0x57c: {  	v33 =	vmovc v46;
	v7 =	vld.idx.msk [tilespmem:v46+s13+$0x0], $0xffff;
	v46 =	vmul.f32 $6.300000000e+01, v11;
	v36 =	vtrunc.f32 v28;
	vm13 =	vgt.f32 v49, v30  }
0x57d: {  	v23 =	vld.idx.msk [tilespmem:v44+s13+$0x0], $0xffff;
	v45 =	vcvt.f32.s32 v30;
	vm2 =	vgt.f32 v28, v36;
	v56 =	vtrunc.f32 v47  }
0x57e: {  	v40 =	vsel vm13, $0x1, v52;
	v49 =	vtrunc.f32 v46;
	v2 =	vld.idx.msk [tilespmem:v16+s13+$0x0], $0xffff;
	v18 =	vadd.s32 v18, v34  }
0x57f: {  	v59 =	vmovc v44;
	v42 =	vsub.f32 v62, v55;
	vm12 =	vgt.f32 v47, v56;
	v62 =	vld [tilespmem:s20+$0xFFFFFFF0];
	v44 =	vcvt.f32.s32 v56  }
0x580: {  	v34 =	vld.idx.msk [tilespmem:v9+s13+$0x0], $0xffff;
	v27 =	vadd.s32 v45, v40;
	vm14 =	vgt.f32 v46, v49;
	v14 =	vadd.s32 v14, v18  }
0x581: {  	v37 =	vsel vm12, $0x1, v52;
	vm4 =	vlt.s32 v27, $0x3F;
	vm9 =	vlt.f32 v42, $9.999999740e-06  }
0x582: {  	[tilespmem:s20+$0xFFFFFFE0] =	vst v5;
	v30 =	vld [tilespmem:s20+$0x0];
	v18 =	vadd.s32 v14, v24;
	vm11 =	vlt.s32 v14, $0x3E;
	v24 =	vadd.s32 v44, v37  }
0x583: {  	[tilespmem:s19+$0x20] =	vst v12;
	v17 =	vsel vm9, $0x3F800000, v42;
	v14 =	vnsel vm11, $0x3E, v14;
	vm15 =	vlt.s32 v24, $0x3F  }
0x584: {  	(erf) = vrcp.f32 v17;
	(xrf0) =	vadd.scan.msk.s32 $0xffff, v62;
	v62 =	vcvt.f32.s32 v49;
	v49 =	vld [tilespmem:$0x1FFB0];
	[tilespmem:s10+$0x10000] =	vst v13  }
0x585: {  	v14 =	vadd.s32 s29, v14;
	v24 =	vnsel vm15, $0x3F, v24;
	v17 =	vsub.f32 v34, v2;
	v12 =	vld [tilespmem:$0x1FD20];
	[tilespmem:s7+$0x10000] =	vst v15  }
0x586: {  	s22 =	sadd.s32 $0x80, s20;
	v28 =	vld.idx.msk [tilespmem:v20+s13+$0x0], $0xffff;
	v56 =	vcvt.f32.s32 v36;
	v27 =	vnsel vm4, $0x3F, v27;
	v24 =	vadd.s32 s30, v24;
	[tilespmem:s31+$0x10000] =	vst v11  }
0x587: {  	(xrf0) =	vadd.scan.msk.s32 $0xffff, v30;
	v30 =	vsel vm2, $0x1, v52;
	vm1 =	vlt.f32 v17, $9.999999740e-06;
	v11 =	vld [tilespmem:$0x1FD30];
	[tilespmem:s22+$0x20] =	vst v52  }
0x588: {  	v27 =	vadd.s32 s30, v27;
	v34 =	vld.idx.msk [tilespmem:v18+s13+$0x0], $0xffff;
	v10 =	vadd.s32 v56, v30;
	v17 =	vsel vm1, $0x3F800000, v17;
	[tilespmem:s10+$0x14000] =	vst v52  }
0x589: {  	vm5 =	vlt.s32 v10, $0x3F;
	(erf) = vrcp.f32 v17;
	v17 =	vld.idx.msk [tilespmem:v39+s13+$0x0], $0xffff;
	[tilespmem:s7+$0x14000] =	vst v52  }
0x58a: {  	v31 =	vimm.s32 $0x1;
	v40 =	vsel vm14, $0x1, v52;
	v47 =	vld.idx.msk [tilespmem:v14+s13+$0x0], $0xffff;
	v10 =	vnsel vm5, $0x3F, v10;
	[tilespmem:s31+$0x14000] =	vst v52  }
0x58b: {  	v22 =	vadd.s32 v62, v40;
	v10 =	vadd.s32 s30, v10;
	[tilespmem:v24+s15+$0x0] =	vst.idx.add.s32.msk $0xffff, v31  }
0x58c: {  	vm6 =	vlt.s32 v22, $0x3F;
	v24 =	vld [tilespmem:$0x1FB30]  }
0x58d: {  	v22 =	vnsel vm6, $0x3F, v22;
	[tilespmem:v27+s15+$0x0] =	vst.idx.add.s32.msk $0xffff, v31  }
0x58e: {  	v22 =	vadd.s32 s30, v22;
	v12 =	vld.idx.msk [tilespmem:v12+s13+$0x0], $0xffff  }
0x58f: {  	v41 =	vsub.f32 v28, v17;
	v28 =	vld [tilespmem:s20+$0x10]  }
0x590: {  	[tilespmem:v10+s15+$0x0] =	vst.idx.add.s32.msk $0xffff, v31  }
0x591: {  	v11 =	vld.idx.msk [tilespmem:v11+s13+$0x0], $0xffff  }
0x592: {  	v7 =	vadd.f32 v7, v25;
	v44 =	vld [tilespmem:$0x1FB40]  }
0x593: {  	[tilespmem:v22+s15+$0x0] =	vst.idx.add.s32.msk $0x7fff, v31  }
0x594: {  	v13 =	vadd.f32 v23, v7;
	v15 =	vsub.f32 v47, v34;
	v47 =	vld [tilespmem:$0x1FB60]  }
0x595: {  	v8 =	vperm.xlane v8, v49;
	v6 =	vperm.xlane v6, v49;
	vm7 =	vlt.f32 v41, $9.999999740e-06;
	v22 =	vld [tilespmem:$0x1FB50]  }
0x596: {  	v3 =	vperm.xlane v3, v49;
	vm8 =	vlt.f32 v15, $9.999999740e-06;
	v23 =	vsel vm7, $0x3F800000, v41  }
0x597: {  	v37, _, _ =	vpop (xrf0);
	v15 =	vsel vm8, $0x3F800000, v15;
	(erf) = vrcp.f32 v23;
	v12 =	vadd.f32 v12, v13  }
0x598: {  	[tilespmem:s20+$0xFFFFFFF0] =	vst v37;
	v42 =	vmin.f32 v24, v8;
	(erf) = vrcp.f32 v15;
	v15 =	vperm.xlane v26, v49  }
0x599: {  	v40, _, _ =	vpop (xrf0);
	(xrf0) =	vadd.scan.msk.s32 $0xffff, v28;
	v12 =	vsub.f32 v12, v11;
	v45 =	vmin.f32 v44, v6;
	v56 =	vmin.f32 v47, v3  }
0x59a: {  	v46 =	vmin.f32 v22, v15;
	v28 =	vmin.f32 v45, v56;
	v30 =	vmax.f32 v45, v56;
	v56 =	vld [tilespmem:$0x1FFE0];
	[tilespmem:s20+$0x0] =	vst v40  }
0x59b: {  	(erf) = vrcp.f32 v12;
	v62 =	vmin.f32 v46, v42;
	v12 =	vmax.f32 v46, v42;
	v46 =	vld [tilespmem:$0x1FF90]  }
0x59c: {  	v3 =	vmax.f32 v47, v3;
	v47 =	vld [tilespmem:$0x1FFA0]  }
0x59d: {  	v15 =	vmax.f32 v22, v15;
	_ =	sdelay $0x1  }
0x59e: {  	v8 =	vmax.f32 v24, v8;
	v26 =	vpop (erf)  }
0x59f: {  	v27 =	vld [tilespmem:s22+$0x20];
	v6 =	vmax.f32 v44, v6;
	v23 =	vmin.f32 v15, v8;
	v8 =	vmax.f32 v15, v8;
	v15 =	vpop (erf)  }
0x5a0: {  	v22 =	vmin.f32 v6, v3;
	v17 =	vsub.f32 v46, v17;
	v42 =	vsub.f32 v47, v34;
	v34, _, _ =	vpop (xrf0)  }
0x5a1: {  	v3 =	vmax.f32 v6, v3;
	v10 =	vmin.f32 v28, v62;
	v6 =	vmax.f32 v28, v62;
	v28 =	vpop (erf);
	[tilespmem:s20+$0x10] =	vst v34  }
0x5a2: {  	v28 =	vmul.f32 v28, v17;
	v17 =	vld [tilespmem:$0x1FCB0]  }
0x5a3: {  	v24 =	vld.idx.msk [tilespmem:v18+s16+$0x0], $0xffff;
	v45 =	vpop (erf)  }
0x5a4: {  	(xrf0) =	vadd.scan.msk.s32 $0xffff, v27;
	v27 =	vmul.f32 v45, v42;
	v42 =	vld [tilespmem:$0x1FD10]  }
0x5a5: {  	v18 =	vsub.f32 v56, v55;
	v44 =	vld [tilespmem:$0x1FCC0];
	_ =	sdelay $0x1  }
0x5a6: {  	v26 =	vmul.f32 v26, v18;
	v18 =	vsub.f32 v25, v11;
	_ =	sdelay $0x1  }
0x5a7: {  	v14 =	vld.idx.msk [tilespmem:v14+s16+$0x0], $0xffff;
	v7 =	vsub.f32 v7, v11;
	v18 =	vadd.f32 v18, v42  }
0x5a8: {  	v13 =	vsub.f32 v13, v11;
	v62 =	vpop (erf);
	v25 =	vsub.f32 v44, v11;
	v55 =	vld.idx.msk [tilespmem:v17+s15+$0x0], $0xffff  }
0x5a9: {  	v11 =	vmax.f32 v30, v12;
	v17 =	vmin.f32 v30, v12;
	v30 =	vmul.f32 v62, v18;
	v18 =	vld [tilespmem:$0x1FC90]  }
0x5aa: {  	v44 =	vld [tilespmem:$0x1FC80];
	_ =	sdelay $0x2  }
0x5ab: {  	(xrf1) =	vsort.ascd.msk.f32 $0xffff, v57, v57;
	v14 =	vsub.f32 v14, v24;
	v25 =	vmul.f32 v62, v25  }
0x5ac: {  	(xrf1) =	vsort.ascd.msk.f32 $0xffff, v63, v63;
	v7 =	vadd.f32 v7, v48  }
0x5ad: {  	(xrf1) =	vsort.ascd.msk.f32 $0xffff, v54, v54;
	v13 =	vadd.f32 v13, v21;
	v14 =	vmul.f32 v27, v14;
	v45 =	vmul.f32 $6.300000000e+01, v25  }
0x5ae: {  	(xrf1) =	vsort.ascd.msk.f32 $0xffff, v60, v60;
	v19 =	vld.idx.msk [tilespmem:v19+s16+$0x0], $0xffff;
	vm10 =	vlt.s32 v5, $0x3E;
	v7 =	vmul.f32 v62, v7;
	v48 =	vmul.f32 $6.300000000e+01, v30  }
0x5af: {  	v13 =	vmul.f32 v62, v13;
	v27 =	vadd.s32 v34, v55;
	v55 =	vtrunc.f32 v45;
	v21 =	vld.idx.msk [tilespmem:v18+s15+$0x0], $0xffff;
	v18, _, _ =	vpop (xrf0)  }
0x5b0: {  	v62 =	vtrunc.f32 v48;
	v12 =	vld.idx.msk [tilespmem:v44+s15+$0x0], $0xffff;
	vm9 =	vgt.f32 v45, v55;
	v36 =	vcvt.f32.s32 v55;
	[tilespmem:s22+$0x20] =	vst v18  }
0x5b1: {  	[tilespmem:s19+$0x0] =	vst v7;
	vm11 =	vgt.f32 v48, v62;
	v48 =	vnsel vm10, $0x3E, v5;
	v63 =	vsel vm9, $0x1, v52;
	v57 =	vld [tilespmem:s10+$0x14000]  }
0x5b2: {  	(xrf1) =	vsort.ascd.msk.f32 $0xffff, v61, v61;
	v29 =	vld.idx.msk [tilespmem:v29+s16+$0x0], $0xffff;
	[tilespmem:s19+$0xFFFFFFE0] =	vst v25;
	v25 =	vadd.s32 s25, v48;
	v45 =	vadd.s32 v36, v63  }
0x5b3: {  	v20 =	vld.idx.msk [tilespmem:v20+s16+$0x0], $0xffff;
	[tilespmem:s19+$0x10] =	vst v13;
	v7 =	vmul.f32 $6.300000000e+01, v7;
	v13 =	vmul.f32 $6.300000000e+01, v13;
	vm12 =	vlt.s32 v45, $0x3F  }
0x5b4: {  	(xrf1) =	vsort.ascd.msk.f32 $0xffff, v35, v35;
	v9 =	vld.idx.msk [tilespmem:v9+s16+$0x0], $0xffff;
	v5 =	vadd.s32 v5, v43;
	v54 =	vcvt.f32.s32 v62;
	v34 =	vnsel vm12, $0x3F, v45  }
0x5b5: {  	[tilespmem:s19+$0xFFFFFFF0] =	vst v30;
	v55 =	vsel vm11, $0x1, v52;
	v36 =	vld.idx.msk [tilespmem:v16+s16+$0x0], $0xffff;
	v34 =	vadd.s32 s26, v34;
	v21 =	vadd.s32 v12, v21  }
0x5b6: {  	v12 =	vadd.s32 v37, v12;
	v30 =	vadd.s32 v40, v21;
	v21 =	vadd.s32 v21, v27;
	(xrf0) =	vadd.scan.msk.s32 $0xffff, v57  }
0x5b7: {  	[tilespmem:s22+$0xFFFFFFE0] =	vst v52;
	v60 =	vld.idx.msk [tilespmem:v25+s13+$0x0], $0xffff;
	v27 =	vadd.s32 v54, v55;
	v35 =	vadd.s32 v12, v43;
	vm13 =	vlt.s32 v30, $0x3E  }
0x5b8: {  	[tilespmem:s22+$0xFFFFFFF0] =	vst v52;
	v25 =	vld.idx.msk [tilespmem:v25+s16+$0x0], $0xffff;
	vm15 =	vlt.s32 v27, $0x3F;
	v57 =	vnsel vm13, $0x3E, v30;
	v30 =	vadd.s32 v30, v43  }
0x5b9: {  	v19 =	vsub.f32 v19, v29;
	[tilespmem:s22+$0x0] =	vst v52;
	v62 =	vtrunc.f32 v7;
	v37 =	vld.idx.msk [tilespmem:v39+s16+$0x0], $0xffff;
	v16 =	vnsel vm15, $0x3F, v27  }
0x5ba: {  	[tilespmem:s22+$0x10] =	vst v52;
	vm4 =	vgt.f32 v7, v62;
	v54 =	vtrunc.f32 v13;
	v40 =	vld.idx.msk [tilespmem:v5+s13+$0x0], $0xffff;
	v27 =	vcvt.f32.s32 v62  }
0x5bb: {  	v19 =	vmul.f32 v26, v19;
	v55 =	vsel vm4, $0x1, v52;
	vm5 =	vgt.f32 v13, v54;
	[tilespmem:v34+s15+$0x0] =	vst.idx.add.s32.msk $0xffff, v31  }
0x5bc: {  	v63 =	vadd.s32 s26, v16;
	v34 =	vadd.s32 s25, v57;
	v13 =	vadd.s32 v27, v55;
	v26 =	vld.idx.msk [tilespmem:v35+s13+$0x0], $0xffff;
	v16, _, _ =	vpop (xrf0)  }
0x5bd: {  	v14 =	vadd.f32 v14, v24;
	v39 =	vcvt.f32.s32 v54;
	vm6 =	vlt.s32 v13, $0x3F;
	v24 =	vld.idx.msk [tilespmem:v30+s13+$0x0], $0xffff;
	[tilespmem:s10+$0x14000] =	vst v16  }
0x5be: {  	v61 =	vsel vm5, $0x1, v52;
	v20 =	vsub.f32 v20, v37;
	v13 =	vnsel vm6, $0x3F, v13;
	v57 =	vld [tilespmem:s7+$0x14000]  }
0x5bf: {  	vm14 =	vlt.s32 v21, $0x3E;
	v39 =	vadd.s32 v39, v61;
	v13 =	vadd.s32 s26, v13;
	v30 =	vld.idx.msk [tilespmem:v30+s16+$0x0], $0xffff  }
0x5c0: {  	v48 =	vnsel vm14, $0x3E, v21;
	vm7 =	vlt.s32 v39, $0x3F;
	v20 =	vmul.f32 v28, v20;
	v44 =	vld [tilespmem:$0x1FFD0]  }
0x5c1: {  	vm3 =	vlt.s32 v12, $0x3E;
	v41 =	vadd.s32 s25, v48;
	v39 =	vnsel vm7, $0x3F, v39;
	v62 =	vld.idx.msk [tilespmem:v34+s13+$0x0], $0xffff  }
0x5c2: {  	v7 =	vnsel vm3, $0x3E, v12;
	v39 =	vadd.s32 s26, v39;
	v20 =	vadd.f32 v20, v37;
	v37 =	vld.idx.msk [tilespmem:v5+s16+$0x0], $0xffff  }
0x5c3: {  	v7 =	vadd.s32 s25, v7;
	[tilespmem:v63+s15+$0x0] =	vst.idx.add.s32.msk $0xffff, v31;
	(xrf0) =	vadd.scan.msk.s32 $0xffff, v57  }
0x5c4: {  	v21 =	vadd.s32 v21, v43;
	[tilespmem:v13+s15+$0x0] =	vst.idx.add.s32.msk $0xffff, v31  }
0x5c5: {  	v19 =	vadd.f32 v19, v29;
	v29 =	vld [tilespmem:$0x1FB70];
	v2 =	vsub.f32 v44, v2  }
0x5c6: {  	v63 =	vld.idx.msk [tilespmem:v41+s13+$0x0], $0xffff  }
0x5c7: {  	v9 =	vsub.f32 v9, v36;
	[tilespmem:v39+s15+$0x0] =	vst.idx.add.s32.msk $0x7fff, v31;
	v2 =	vmul.f32 v15, v2  }
0x5c8: {  	v14 =	vperm.xlane v14, v49;
	v45 =	vsub.f32 v60, v40;
	v15 =	vld.idx.msk [tilespmem:v7+s13+$0x0], $0xffff  }
0x5c9: {  	v28 =	vmin.f32 v22, v23;
	v2 =	vmul.f32 v2, v9;
	v9 =	vld.idx.msk [tilespmem:v21+s13+$0x0], $0xffff;
	v27, _, _ =	vpop (xrf0)  }
0x5ca: {  	vm8 =	vlt.f32 v45, $9.999999740e-06;
	v54 =	vmax.f32 v29, v14;
	v14 =	vmin.f32 v29, v14;
	v29 =	vld [tilespmem:s22+$0xFFFFFFE0];
	[tilespmem:s7+$0x14000] =	vst v27  }
0x5cb: {  	v22 =	vmax.f32 v22, v23;
	v23 =	vsel vm8, $0x3F800000, v45;
	v12 =	vsub.f32 v62, v24;
	v31 =	vld [tilespmem:$0x1FB80]  }
0x5cc: {  	v19 =	vperm.xlane v19, v49;
	(erf) = vrcp.f32 v23;
	v55 =	vld [tilespmem:s31+$0x14000]  }
0x5cd: {  	vm12 =	vlt.s32 v18, $0x3E;
	v34 =	vld.idx.msk [tilespmem:v34+s16+$0x0], $0xffff;
	v48 =	vperm.xlane v20, v49;
	vm9 =	vlt.f32 v12, $9.999999740e-06  }
0x5ce: {  	(xrf1) =	vsort.ascd.msk.f32 $0xffff, v4, v4;
	v12 =	vsel vm9, $0x3F800000, v12;
	v2 =	vadd.f32 v2, v36;
	v60 =	vld [tilespmem:$0x1FB90];
	v57 =	vsub.f32 v63, v9  }
0x5cf: {  	(xrf1) =	vsort.ascd.msk.f32 $0xffff, v0, v0;
	v25 =	vsub.f32 v25, v37;
	v24 =	vsub.f32 v46, v24;
	(erf) = vrcp.f32 v12  }
0x5d0: {  	v5 =	vsub.f32 v15, v26;
	v2 =	vperm.xlane v2, v49;
	(xrf0) =	vadd.scan.msk.s32 $0xffff, v29;
	vm10 =	vlt.f32 v57, $9.999999740e-06  }
0x5d1: {  	v61 =	vsel vm10, $0x3F800000, v57;
	v4 =	vmax.f32 v31, v48;
	v13 =	vmin.f32 v31, v48;
	(xrf0) =	vadd.scan.msk.s32 $0xffff, v55;
	v31 =	vld [tilespmem:$0x1FBA0]  }
0x5d2: {  	(xrf1) =	vsort.ascd.msk.f32 $0xffff, v10, v10;
	v34 =	vsub.f32 v34, v30;
	vm11 =	vlt.f32 v5, $9.999999740e-06;
	(erf) = vrcp.f32 v61  }
0x5d3: {  	(xrf1) =	vsort.ascd.msk.f32 $0xffff, v6, v6;
	v26 =	vsub.f32 v44, v26;
	v5 =	vsel vm11, $0x3F800000, v5;
	v0 =	vmax.f32 v60, v2  }
0x5d4: {  	(xrf1) =	vsort.ascd.msk.f32 $0xffff, v38, v38;
	v62, _, _ =	vpop (xrf1);
	v38 =	vld [tilespmem:s22+$0xFFFFFFF0];
	v2 =	vmin.f32 v60, v2;
	v63 =	vmax.f32 v54, v0;
	(erf) = vrcp.f32 v5  }
0x5d5: {  	v48 =	vpop (erf);
	v5 =	vsub.f32 v56, v40;
	v43 =	vmin.f32 v14, v2;
	v0 =	vmin.f32 v54, v0;
	v54 =	vld.idx.msk [tilespmem:v21+s16+$0x0], $0xffff  }
0x5d6: {  	v2 =	vmax.f32 v14, v2;
	v12, _, _ =	vpop (xrf0);
	v15 =	vmax.f32 v31, v19;
	v42 =	vmin.f32 v31, v19;
	v19 =	vld.idx.msk [tilespmem:v41+s16+$0x0], $0xffff  }
0x5d7: {  	[tilespmem:s8+$0x0] =	vst v62;
	v55 =	vmul.f32 v48, v5;
	v41 =	vld [tilespmem:s22+$0x0];
	v29 =	vmax.f32 v4, v15;
	v45 =	vmin.f32 v13, v42;
	v57, _, _ =	vpop (xrf0)  }
0x5d8: {  	v4 =	vmin.f32 v4, v15;
	v15 =	vmin.f32 v43, v45;
	v14 =	vmax.f32 v43, v45;
	[tilespmem:s31+$0x14000] =	vst v57;
	v43 =	vld [tilespmem:s22+$0x10]  }
0x5d9: {  	v60, _, _ =	vpop (xrf1);
	v61 =	vsub.f32 v47, v9;
	(xrf1) =	vsort.ascd.msk.f32 $0xffff, v17, v17;
	v21 =	vmul.f32 v55, v25;
	v62 =	vld.idx.msk [tilespmem:v53+s15+$0x0], $0xffff  }
0x5da: {  	v13 =	vmax.f32 v13, v42;
	v5 =	vmin.f32 v0, v4;
	v4 =	vmax.f32 v0, v4;
	v0 =	vpop (erf);
	v1 =	vld.idx.msk [tilespmem:v1+s15+$0x0], $0xffff  }
0x5db: {  	v40 =	vmax.f32 v63, v29;
	v9 =	vmin.f32 v63, v29;
	v21 =	vadd.f32 v21, v37;
	v37 =	vld.idx.msk [tilespmem:v51+s15+$0x0], $0xffff;
	v63 =	vpop (erf)  }
0x5dc: {  	[tilespmem:s8+$0x10] =	vst v60;
	v0 =	vmul.f32 v0, v24;
	v23 =	vmul.f32 v63, v61;
	v19 =	vsub.f32 v19, v54  }
0x5dd: {  	v35 =	vld.idx.msk [tilespmem:v35+s16+$0x0], $0xffff;
	(xrf0) =	vadd.scan.msk.s32 $0xffff, v38;
	v48, _, _ =	vpop (xrf1);
	[tilespmem:s22+$0xFFFFFFE0] =	vst v12;
	v36 =	vmin.f32 v2, v13;
	v2 =	vmax.f32 v2, v13  }
0x5de: {  	v7 =	vld.idx.msk [tilespmem:v7+s16+$0x0], $0xffff;
	[tilespmem:s8+$0x20] =	vst v48;
	v29 =	vadd.s32 $0xFFFFFFFF, v50;
	v0 =	vmul.f32 v0, v34;
	v6 =	vmul.f32 v23, v19  }
0x5df: {  	(xrf0) =	vadd.scan.msk.s32 $0xffff, v41;
	v19 =	vadd.s32 v18, v29;
	v18 =	vnsel vm12, $0x3E, v18;
	v1 =	vadd.s32 v62, v1  }
0x5e0: {  	(xrf0) =	vadd.scan.msk.s32 $0xffff, v43;
	v18 =	vadd.s32 s30, v18;
	v16 =	vadd.s32 v16, v62;
	v42 =	vadd.s32 v57, v37  }
0x5e1: {  	(xrf1) =	vsort.ascd.msk.f32 $0xffff, v11, v11;
	v31 =	vld [tilespmem:$0x1FBC0];
	v17 =	vadd.s32 v16, v29;
	v39 =	vadd.s32 v27, v1;
	vm13 =	vlt.s32 v16, $0x3E  }
0x5e2: {  	(xrf1) =	vsort.ascd.msk.f32 $0xffff, v28, v28;
	v53 =	vld [tilespmem:$0x1FBD0];
	v1 =	vadd.s32 v1, v42;
	v13 =	vadd.s32 v39, v29;
	v16 =	vnsel vm13, $0x3E, v16  }
0x5e3: {  	v7 =	vsub.f32 v7, v35;
	(xrf1) =	vsort.ascd.msk.f32 $0xffff, v22, v22;
	v34 =	vpop (erf);
	v11 =	vadd.s32 s30, v16;
	v16 =	vadd.s32 v1, v29;
	v29 =	vld [tilespmem:$0x1FBB0]  }
0x5e4: {  	v25 =	vmul.f32 v34, v26;
	v0 =	vadd.f32 v0, v30;
	v30, _, _ =	vpop (xrf0);
	vm14 =	vlt.s32 v39, $0x3E;
	v22 =	vld.idx.msk [tilespmem:v19+s13+$0x0], $0xffff  }
0x5e5: {  	v10 =	vmin.f32 v3, v8;
	v24 =	vnsel vm14, $0x3E, v39;
	[tilespmem:s22+$0xFFFFFFF0] =	vst v30;
	v60, _, _ =	vpop (xrf0);
	v45 =	vld.idx.msk [tilespmem:v18+s13+$0x0], $0xffff  }
0x5e6: {  	v7 =	vmul.f32 v25, v7;
	vm15 =	vlt.s32 v1, $0x3E;
	v24 =	vadd.s32 s30, v24;
	[tilespmem:s22+$0x0] =	vst v60;
	v61, _, _ =	vpop (xrf0);
	v20 =	vld.idx.msk [tilespmem:v17+s13+$0x0], $0xffff  }
0x5e7: {  	v6 =	vadd.f32 v6, v54;
	v0 =	vperm.xlane v0, v49;
	v1 =	vnsel vm15, $0x3E, v1;
	[tilespmem:s22+$0x10] =	vst v61;
	v23 =	vld.idx.msk [tilespmem:v13+s13+$0x0], $0xffff  }
0x5e8: {  	(xrf1) =	vsort.ascd.msk.f32 $0xffff, v40, v40;
	v7 =	vadd.f32 v7, v35;
	v1 =	vadd.s32 s30, v1;
	v40 =	vld.idx.msk [tilespmem:v58+s15+$0x0], $0xffff  }
0x5e9: {  	v6 =	vperm.xlane v6, v49;
	v51 =	vmin.f32 v31, v0;
	v57 =	vmax.f32 v31, v0;
	v31 =	vld.idx.msk [tilespmem:v33+s15+$0x0], $0xffff  }
0x5ea: {  	v3 =	vmax.f32 v3, v8;
	vm7 =	vlt.s32 v12, $0x3E;
	v21 =	vperm.xlane v21, v49;
	v50 =	vld.idx.msk [tilespmem:v11+s13+$0x0], $0xffff  }
0x5eb: {  	v7 =	vperm.xlane v7, v49;
	v28 =	vmin.f32 v29, v6;
	v6 =	vmax.f32 v29, v6;
	v29 =	vld.idx.msk [tilespmem:v24+s13+$0x0], $0xffff  }
0x5ec: {  	v8 =	vmin.f32 v32, v21;
	v21 =	vmax.f32 v32, v21;
	v27 =	vld.idx.msk [tilespmem:v16+s13+$0x0], $0xffff;
	v25 =	vsub.f32 v45, v22  }
0x5ed: {  	v63, _, _ =	vpop (xrf1);
	v62 =	vmin.f32 v51, v8;
	v8 =	vmax.f32 v51, v8;
	v54 =	vmin.f32 v53, v7;
	v55 =	vld.idx.msk [tilespmem:v1+s13+$0x0], $0xffff  }
0x5ee: {  	[tilespmem:s8+$0x30] =	vst v63;
	v0 =	vmax.f32 v53, v7;
	v7 =	vmin.f32 v28, v54;
	v45, _, _ =	vpop (xrf1);
	vm4 =	vlt.f32 v25, $9.999999740e-06  }
0x5ef: {  	v28 =	vmax.f32 v28, v54;
	[tilespmem:s8+$0x40] =	vst v45;
	v26 =	vsub.f32 v50, v20;
	v25 =	vsel vm4, $0x3F800000, v25  }
0x5f0: {  	v51 =	vadd.s32 v40, v31;
	v50 =	vld [tilespmem:$0x1FD40];
	(erf) = vrcp.f32 v25;
	v29 =	vsub.f32 v29, v23  }
0x5f1: {  	v25 =	vmin.f32 v6, v0;
	v0 =	vmax.f32 v6, v0;
	v6 =	vld.idx.msk [tilespmem:v59+s15+$0x0], $0xffff;
	vm5 =	vlt.f32 v26, $9.999999740e-06  }
0x5f2: {  	v19 =	vld.idx.msk [tilespmem:v19+s16+$0x0], $0xffff;
	v31 =	vadd.s32 v60, v51;
	v42 =	vsub.f32 v55, v27;
	v26 =	vsel vm5, $0x3F800000, v26  }
0x5f3: {  	v43 =	vld.idx.msk [tilespmem:v18+s16+$0x0], $0xffff;
	vm9 =	vlt.s32 v31, $0x3E;
	vm6 =	vlt.f32 v29, $9.999999740e-06;
	(erf) = vrcp.f32 v26  }
0x5f4: {  	(xrf1) =	vsort.ascd.msk.f32 $0xffff, v15, v15;
	v17 =	vld.idx.msk [tilespmem:v17+s16+$0x0], $0xffff;
	v54 =	vnsel vm9, $0x3E, v31;
	vm8 =	vlt.f32 v42, $9.999999740e-06;
	v15 =	vsel vm6, $0x3F800000, v29  }
0x5f5: {  	(xrf1) =	vsort.ascd.msk.f32 $0xffff, v14, v14;
	v13 =	vld.idx.msk [tilespmem:v13+s16+$0x0], $0xffff;
	v18 =	vsel vm8, $0x3F800000, v42;
	(erf) = vrcp.f32 v15;
	v31 =	vadd.s32 v31, v50  }
0x5f6: {  	(xrf1) =	vsort.ascd.msk.f32 $0xffff, v36, v36;
	v16 =	vld.idx.msk [tilespmem:v16+s16+$0x0], $0xffff;
	(erf) = vrcp.f32 v18;
	v18 =	vnsel vm7, $0x3E, v12;
	v6 =	vadd.s32 v61, v6  }
0x5f7: {  	(xrf1) =	vsort.ascd.msk.f32 $0xffff, v2, v2;
	v11 =	vld.idx.msk [tilespmem:v11+s16+$0x0], $0xffff;
	v18 =	vadd.s32 s26, v18;
	v6 =	vadd.s32 v51, v6  }
0x5f8: {  	v22 =	vsub.f32 v56, v22;
	(xrf1) =	vsort.ascd.msk.f32 $0xffff, v5, v5;
	v29, _, _ =	vpop (xrf1);
	v12 =	vadd.s32 v12, v50;
	vm10 =	vlt.s32 v6, $0x3E  }
0x5f9: {  	v1 =	vld.idx.msk [tilespmem:v1+s16+$0x0], $0xffff;
	v55 =	vadd.s32 v30, v40;
	[tilespmem:s8+$0x50] =	vst v29;
	v30 =	vnsel vm10, $0x3E, v6;
	v6 =	vadd.s32 v6, v50;
	v29 =	vpop (erf)  }
0x5fa: {  	(xrf1) =	vsort.ascd.msk.f32 $0xffff, v4, v4;
	v4 =	vld.idx.msk [tilespmem:v24+s16+$0x0], $0xffff;
	v5 =	vmul.f32 v29, v22;
	v22 =	vadd.s32 s26, v54  }
0x5fb: {  	v2 =	vmax.f32 v57, v21;
	v20 =	vsub.f32 v44, v20;
	v30 =	vadd.s32 s26, v30;
	v42 =	vld.idx.msk [tilespmem:v31+s13+$0x0], $0xffff  }
0x5fc: {  	v48 =	vmin.f32 v7, v62;
	v7 =	vmax.f32 v7, v62;
	v15 =	vmin.f32 v57, v21;
	v61 =	vld.idx.msk [tilespmem:v18+s13+$0x0], $0xffff;
	v57 =	vpop (erf)  }
0x5fd: {  	v14 =	vsub.f32 v43, v19;
	v53, _, _ =	vpop (xrf1);
	(xrf1) =	vsort.ascd.msk.f32 $0xffff, v9, v9;
	v9 =	vmul.f32 v57, v20;
	v20 =	vld.idx.msk [tilespmem:v12+s13+$0x0], $0xffff  }
0x5fe: {  	v41 =	vmin.f32 v28, v8;
	v8 =	vmax.f32 v28, v8;
	vm11 =	vlt.s32 v55, $0x3E;
	v43 =	vld.idx.msk [tilespmem:v6+s13+$0x0], $0xffff  }
0x5ff: {  	v58 =	vsub.f32 v47, v27;
	v32 =	vnsel vm11, $0x3E, v55;
	v24 =	vadd.s32 v55, v50;
	v59 =	vpop (erf);
	v63 =	vld.idx.msk [tilespmem:v22+s13+$0x0], $0xffff  }
0x600: {  	v11 =	vsub.f32 v11, v17;
	v1 =	vsub.f32 v1, v16;
	v27 =	vadd.s32 s26, v32;
	v60 =	vpop (erf);
	v40 =	vld.idx.msk [tilespmem:v30+s13+$0x0], $0xffff  }
0x601: {  	v29, _, _ =	vpop (xrf1);
	(xrf1) =	vsort.ascd.msk.f32 $0xffff, v10, v10;
	v5 =	vmul.f32 v5, v14;
	v10 =	vmul.f32 v60, v58  }
0x602: {  	v23 =	vsub.f32 v46, v23;
	[tilespmem:s8+$0x60] =	vst v53;
	v4 =	vsub.f32 v4, v13;
	v9 =	vmul.f32 v9, v11  }
0x603: {  	[tilespmem:s28+$0xFFFFFFE0] =	vst v29;
	v5 =	vadd.f32 v5, v19;
	v1 =	vmul.f32 v10, v1;
	v45 =	vsub.f32 v61, v20  }
0x604: {  	v62, _, _ =	vpop (xrf1);
	v23 =	vmul.f32 v59, v23;
	v9 =	vadd.f32 v9, v17;
	v17 =	vld.idx.msk [tilespmem:v24+s13+$0x0], $0xffff;
	v28 =	vsub.f32 v63, v42  }
0x605: {  	[tilespmem:s8+$0xFFFFFF80] =	vst v62;
	v1 =	vadd.f32 v1, v16;
	v16 =	vld.idx.msk [tilespmem:v27+s13+$0x0], $0xffff;
	v10 =	vsub.f32 v40, v43;
	vm12 =	vlt.f32 v45, $9.999999740e-06  }
0x606: {  	v50 =	vld [tilespmem:$0x1FC30];
	v4 =	vmul.f32 v23, v4;
	v21 =	vsel vm12, $0x3F800000, v45;
	vm13 =	vlt.f32 v28, $9.999999740e-06  }
0x607: {  	v57 =	vld [tilespmem:$0x1FC20];
	vm14 =	vlt.f32 v10, $9.999999740e-06;
	(erf) = vrcp.f32 v21;
	v60 =	vsel vm13, $0x3F800000, v28  }
0x608: {  	(xrf1) =	vsort.ascd.msk.f32 $0xffff, v48, v48;
	v48, _, _ =	vpop (xrf1);
	v55 =	vld [tilespmem:$0x1FC10];
	v19 =	vmin.f32 v25, v15;
	v10 =	vsel vm14, $0x3F800000, v10;
	(erf) = vrcp.f32 v60  }
0x609: {  	v29, _, _ =	vpop (xrf1);
	(xrf1) =	vsort.ascd.msk.f32 $0xffff, v7, v7;
	v5 =	vperm.xlane v5, v49;
	v4 =	vadd.f32 v4, v13;
	(erf) = vrcp.f32 v10  }
0x60a: {  	v53 =	vld [tilespmem:$0x1FC00];
	v15 =	vmax.f32 v25, v15;
	v9 =	vperm.xlane v9, v49;
	v16 =	vsub.f32 v16, v17  }
0x60b: {  	v51 =	vmax.f32 v50, v5;
	v5 =	vmin.f32 v50, v5;
	v4 =	vperm.xlane v4, v49  }
0x60c: {  	v6 =	vld.idx.msk [tilespmem:v6+s16+$0x0], $0xffff;
	v1 =	vperm.xlane v1, v49;
	v58 =	vmax.f32 v57, v9;
	vm15 =	vlt.f32 v16, $9.999999740e-06  }
0x60d: {  	(xrf1) =	vsort.ascd.msk.f32 $0xffff, v3, v3;
	v3, _, _ =	vpop (xrf1);
	v7 =	vmax.f32 v55, v4;
	v4 =	vmin.f32 v55, v4;
	v16 =	vsel vm15, $0x3F800000, v16  }
0x60e: {  	v59, _, _ =	vpop (xrf1);
	v35 =	vmin.f32 v4, v5;
	v4 =	vmax.f32 v4, v5;
	(erf) = vrcp.f32 v16;
	v16 =	vld.idx.msk [tilespmem:v30+s16+$0x0], $0xffff  }
0x60f: {  	v18 =	vld.idx.msk [tilespmem:v18+s16+$0x0], $0xffff;
	v9 =	vmin.f32 v57, v9;
	v54 =	vmax.f32 v53, v1;
	v1 =	vmin.f32 v53, v1;
	v28, _, _ =	vpop (xrf1)  }
0x610: {  	[tilespmem:s8+$0xFFFFFF90] =	vst v48;
	(xrf1) =	vsort.ascd.msk.f32 $0xffff, v41, v41;
	v34 =	vmin.f32 v1, v9;
	v1 =	vmax.f32 v1, v9;
	v39 =	vpop (erf)  }
0x611: {  	[tilespmem:s8+$0xFFFFFFA0] =	vst v3;
	v3 =	vsub.f32 v47, v43;
	v41 =	vmin.f32 v1, v4;
	v1 =	vmax.f32 v1, v4;
	v4 =	vpop (erf)  }
0x612: {  	v12 =	vld.idx.msk [tilespmem:v12+s16+$0x0], $0xffff;
	[tilespmem:s28+$0xFFFFFFF0] =	vst v29;
	(xrf1) =	vsort.ascd.msk.f32 $0xffff, v8, v8;
	v43 =	vpop (erf)  }
0x613: {  	[tilespmem:s8+$0xFFFFFFB0] =	vst v59;
	v61, _, _ =	vpop (xrf1);
	(xrf1) =	vsort.ascd.msk.f32 $0xffff, v19, v19;
	v45 =	vsub.f32 v16, v6;
	v3 =	vmul.f32 v43, v3  }
0x614: {  	v36 =	vld.idx.msk [tilespmem:v27+s16+$0x0], $0xffff;
	[tilespmem:s8+$0xFFFFFFC0] =	vst v28;
	(xrf1) =	vsort.ascd.msk.f32 $0xffff, v15, v15;
	v15, _, _ =	vpop (xrf1)  }
0x615: {  	v37 =	vld.idx.msk [tilespmem:v31+s16+$0x0], $0xffff;
	s28 =	sadd.s32 $0x100, s8;
	[tilespmem:s8+$0xFFFFFFD0] =	vst v61;
	v5, _, _ =	vpop (xrf1);
	v3 =	vmul.f32 v3, v45  }
0x616: {  	v11 =	vsub.f32 v46, v42;
	v24 =	vld.idx.msk [tilespmem:v24+s16+$0x0], $0xffff;
	v20 =	vsub.f32 v56, v20;
	[tilespmem:s28+$0x70] =	vst v15;
	v38, _, _ =	vpop (xrf1)  }
0x617: {  	v18 =	vsub.f32 v18, v12;
	v63 =	vld.idx.msk [tilespmem:v22+s16+$0x0], $0xffff;
	v42 =	vsub.f32 v44, v17;
	[tilespmem:s28+$0x0] =	vst v5;
	v40, _, _ =	vpop (xrf1)  }
0x618: {  	v53 =	vmin.f32 v0, v2;
	v8 =	vmax.f32 v54, v58;
	v19 =	vmax.f32 v7, v51;
	[tilespmem:s28+$0x10] =	vst v38;
	v48 =	vpop (erf)  }
0x619: {  	v0 =	vmax.f32 v0, v2;
	v62 =	vmax.f32 v8, v19;
	[tilespmem:s28+$0x20] =	vst v40;
	v2 =	vadd.f32 v3, v6;
	v3, _, _ =	vpop (xrf1)  }
0x61a: {  	v26 =	vmin.f32 v54, v58;
	(xrf1) =	vsort.ascd.msk.f32 $0xffff, v62, v62;
	v30 =	vmin.f32 v34, v35;
	v6, _, _ =	vpop (xrf1);
	[tilespmem:s28+$0x30] =	vst v3  }
0x61b: {  	v9 =	vmax.f32 v34, v35;
	v7 =	vmin.f32 v7, v51;
	(xrf1) =	vsort.ascd.msk.f32 $0xffff, v30, v30;
	v3, _, _ =	vpop (xrf1);
	[tilespmem:s28+$0x40] =	vst v6  }
0x61c: {  	v10 =	vsub.f32 v63, v37;
	(xrf1) =	vsort.ascd.msk.f32 $0xffff, v9, v9;
	v9 =	vmul.f32 v39, v20;
	v54, _, _ =	vpop (xrf1);
	[tilespmem:s28+$0x50] =	vst v3  }
0x61d: {  	v16 =	vsub.f32 v36, v24;
	v4 =	vmul.f32 v4, v11;
	v11 =	vmul.f32 v48, v42;
	v6 =	vld [tilespmem:$0x1FC40];
	[tilespmem:s28+$0x60] =	vst v54  }
0x61e: {  	v50 =	vmin.f32 v26, v7;
	v9 =	vmul.f32 v9, v18;
	v55 =	vld [tilespmem:$0x1FC50]  }
0x61f: {  	v7 =	vmax.f32 v26, v7;
	v4 =	vmul.f32 v4, v10;
	v51 =	vmul.f32 v11, v16;
	v57 =	vld [tilespmem:$0x1FC60]  }
0x620: {  	v8 =	vmin.f32 v8, v19;
	(xrf1) =	vsort.ascd.msk.f32 $0xffff, v41, v41;
	v5 =	vadd.f32 v9, v12;
	v58 =	vld [tilespmem:$0x1FC70]  }
0x621: {  	(xrf1) =	vsort.ascd.msk.f32 $0xffff, v1, v1;
	v1 =	vadd.f32 v4, v37;
	v4 =	vadd.f32 v51, v24  }
0x622: {  	v5 =	vperm.xlane v5, v49;
	v2 =	vperm.xlane v2, v49;
	(xrf1) =	vsort.ascd.msk.f32 $0xffff, v50, v50  }
0x623: {  	(xrf1) =	vsort.ascd.msk.f32 $0xffff, v7, v7;
	v1 =	vperm.xlane v1, v49;
	v4 =	vperm.xlane v4, v49  }
0x624: {  	(xrf1) =	vsort.ascd.msk.f32 $0xffff, v8, v8;
	v3 =	vmin.f32 v6, v5;
	v5 =	vmax.f32 v6, v5;
	v6, _, _ =	vpop (xrf1)  }
0x625: {  	v7 =	vmin.f32 v55, v2;
	v8 =	vmin.f32 v57, v1;
	v59 =	vmin.f32 v58, v4;
	[tilespmem:s8+$0xFFFFFFE0] =	vst v6;
	v6, _, _ =	vpop (xrf1)  }
0x626: {  	v60 =	vmin.f32 v7, v59;
	v61 =	vmin.f32 v8, v3;
	[tilespmem:s28+$0xFFFFFF80] =	vst v6;
	v6, _, _ =	vpop (xrf1)  }
0x627: {  	[tilespmem:s28+$0xFFFFFF90] =	vst v6;
	v6 =	vmax.f32 v60, v61  }
0x628: {  	(xrf1) =	vsort.ascd.msk.f32 $0xffff, v53, v53;
	v2 =	vmax.f32 v55, v2;
	v62 =	vmin.f32 v60, v61  }
0x629: {  	v1 =	vmax.f32 v57, v1;
	v7 =	vmax.f32 v7, v59;
	v63, _, _ =	vpop (xrf1);
	(xrf1) =	vsort.ascd.msk.f32 $0xffff, v62, v62  }
0x62a: {  	v4 =	vmax.f32 v58, v4;
	v3 =	vmax.f32 v8, v3;
	(xrf1) =	vsort.ascd.msk.f32 $0xffff, v6, v6;
	v6, _, _ =	vpop (xrf1)  }
0x62b: {  	(xrf1) =	vsort.ascd.msk.f32 $0xffff, v0, v0;
	v0 =	vmin.f32 v7, v3;
	v3 =	vmax.f32 v7, v3;
	[tilespmem:s28+$0xFFFFFFA0] =	vst v6;
	v6, _, _ =	vpop (xrf1)  }
0x62c: {  	(xrf1) =	vsort.ascd.msk.f32 $0xffff, v0, v0;
	v0 =	vmin.f32 v1, v5;
	v7, _, _ =	vpop (xrf1);
	[tilespmem:s28+$0xFFFFFFB0] =	vst v6;
	v6 =	vmin.f32 v2, v4  }
0x62d: {  	v2 =	vmax.f32 v2, v4;
	v4, _, _ =	vpop (xrf1);
	(xrf1) =	vsort.ascd.msk.f32 $0xffff, v3, v3;
	v3 =	vmin.f32 v6, v0;
	_ =	sdelay $0x1  }
0x62e: {  	[tilespmem:s8+$0xFFFFFFF0] =	vst v63;
	v1 =	vmax.f32 v1, v5;
	v0 =	vmax.f32 v6, v0;
	(xrf1) =	vsort.ascd.msk.f32 $0xffff, v3, v3  }
0x62f: {  	[tilespmem:s28+$0xFFFFFFC0] =	vst v7;
	v3, _, _ =	vpop (xrf1);
	(xrf1) =	vsort.ascd.msk.f32 $0xffff, v0, v0;
	v0 =	vmin.f32 v2, v1  }
0x630: {  	s1 =	sadd.s32 $0x100, s28;
	[tilespmem:s28+$0xFFFFFFD0] =	vst v4  }
0x631: {  	[tilespmem:s1+$0x70] =	vst v3;
	v3, _, _ =	vpop (xrf1)  }
0x632: {  	v1 =	vmax.f32 v2, v1;
	(xrf1) =	vsort.ascd.msk.f32 $0xffff, v0, v0;
	[tilespmem:s1+$0x0] =	vst v3;
	v0, _, _ =	vpop (xrf1)  }
0x633: {  	(xrf1) =	vsort.ascd.msk.f32 $0xffff, v1, v1;
	[tilespmem:s1+$0x10] =	vst v0;
	v0, _, _ =	vpop (xrf1)  }
0x634: {  	[tilespmem:s1+$0x20] =	vst v0;
	v0, _, _ =	vpop (xrf1)  }
0x635: {  	[tilespmem:s1+$0x30] =	vst v0;
	v0, _, _ =	vpop (xrf1)  }
0x636: {  	[tilespmem:s1+$0x40] =	vst v0;
	v0, _, _ =	vpop (xrf1)  }
0x637: {  	[tilespmem:s1+$0x50] =	vst v0;
	v0, _, _ =	vpop (xrf1)  }
0x638: {  	[tilespmem:s1+$0x60] =	vst v0;
	v0, _, _ =	vpop (xrf1)  }
0x639: {  	[tilespmem:s28+$0xFFFFFFE0] =	vst v0;
	v0, _, _ =	vpop (xrf1)  }
0x63a: {  	[tilespmem:s1+$0xFFFFFF80] =	vst v0;
	v0, _, _ =	vpop (xrf1)  }
0x63b: {  	[tilespmem:s1+$0xFFFFFF90] =	vst v0;
	v0, _, _ =	vpop (xrf1)  }
0x63c: {  	[tilespmem:s28+$0xFFFFFFF0] =	vst v0;
	v0, _, _ =	vpop (xrf1)  }
0x63d: {  	[tilespmem:s1+$0xFFFFFFA0] =	vst v0;
	v0, _, _ =	vpop (xrf1)  }
0x63e: {  	s23 =	sadd.s32 $0x1, s23;
	[tilespmem:s1+$0xFFFFFFB0] =	vst v0;
	v0, _, _ =	vpop (xrf1)  }
0x63f: {  	p0 =	sne.s32 s23, $0x8;
	[tilespmem:s1+$0xFFFFFFC0] =	vst v0;
	v0, _, _ =	vpop (xrf1)  }
.Ltmp2:
0x640: {  	[tilespmem:s1+$0xFFFFFFD0] =	vst v0;
	v0, _, _ =	vpop (xrf1);
	(pc) =	sbr.rel @p0 .LBB2_2-.Ltmp2, $4  }
0x641: {  	[tilespmem:s1+$0xFFFFFFE0] =	vst v0;
	v0, _, _ =	vpop (xrf1)  }
0x642: {  	s29 =	sshll.u32 s24, $0x4;
	s30 =	rddreg [dreg:$0x1];
	[tilespmem:s1+$0xFFFFFFF0] =	vst v0  }
0x643: {  	s31 =	simm.s32 $0xC000;
	s0 =	sadd.s32 s30, s29;
	v17 =	vld [tilespmem:$0x1FFF0]  }
0x644: {  	v31 =	vmovc v44;
	v30 =	vmovc v46;
	v46 =	vmov v47;
	v7 =	vimm.s32 $0x1;
	v1 =	vmov v56;
	[hbm4b:s0+s2] =	stream.linear.scatter [tilespmem:s31], [sflag:$0x4], $0x4000, $0x38;
	v63 =	vld [tilespmem:$0x1FFC0]  }
0x645: {  	s0 =	simm.s32 $0x3  }
0x646: {  	_ =	swait.ge [sflag:s0], $0x4000  }
0x647: {  	[sflag:s0] =	ssyncset.done $0x0  }
0x648: {  	s1 =	simm.s32 $0x4;
	[sflag:s0] =	ssyncadd.s32 $0xFFFFC000  }
0x649: {  	_ =	swait.ge [sflag:s1], $0x4000  }
0x64a: {  	s3 =	rddreg [dreg:$0x9]  }
0x64b: {  	s31 =	rddreg [dreg:$0x8];
	s3 =	sadd.s32 $0x1, s3  }
0x64c: {  	p0 =	sne.s32 s3, s31  }
.Ltmp3:
0x64d: {  	_ = 	snop;
	(pc) =	sbr.rel @p0 .LBB2_1-.Ltmp3, $3  }
0x64e: {  	_ =	sdelay $0x1  }
0x64f: {  	[sflag:s1] =	ssyncset.done $0x0  }
0x650: {  	[sflag:s1] =	ssyncadd.s32 $0xFFFFC000  }
0x651: {  	_ =	sfence.sel $0x180000  }
0x652: {  	[bflag:$0x0] =	sbarrier.arrive $0xFFFF  }
0x653: {  	_ =	strace $0x90000047  }
0x654: {  	s0 =	stileid.u32;
	[bflag:$0x2] =	sbarrier.arrive $0xFFFF  }
0x655: {  	p0 =	sne.s32 s0, $0x0;
	s0 =	rddreg [dreg:$0x2]  }
0x656: {  	s0 =	sadd.s32 @!p0 $0x100000, s0  }
0x657: {  	[sflag:s0] =	ssyncadd.tile.s32 @!p0 $0x1;
	_ =	shalt  }
.Lfunc_end2:
_tile_overlayer_lowered:
.L_overlay_start_2:
0x658: {  	(tag) =	ssettag $0x2  }
0x659: {  	s0 =	rddreg [dreg:$0x0];
	s2 =	stileid.u32  }
0x65a: {  	s1 =	rddreg [dreg:$0x1];
	p0 =	sne.s32 s2, $0x0  }
0x65b: {  	s3 =	rddreg [dreg:$0x2];
	[bflag:$0x3] =	sbarrier.arrive $0xFFFF;
	s2 =	simm.s32 @!p0 $0x1C05  }
0x65c: {  	[timem:s3], [sflag:s2] =	dma.local @!p0 [hbm:s0], s1  }
0x65d: {  	s0 =	simm.s32 @!p0 $0x5  }
0x65e: {  	_ =	swait.ge @!p0 [sflag:s0], s1  }
0x65f: {  	s1 =	ssub.s32 @!p0 $0x0, s1;
	[sflag:s0] =	ssyncset.done @!p0 $0x0  }
0x660: {  	[sflag:s0] =	ssyncadd.s32 @!p0 s1  }
0x661: {  	[bflag:$0x3] =	sbarrier.arrive $0xFFFF  }
0x662: {  	_ =	shalt  }

</sc_bundles>
